<compile_context>
chip_gen: v7x
topology: tpu7x:2x2x1
jax: 0.10.2.dev20260603
libtpu: 0.0.44.dev20260713+nightly
codegen_flags: <defaults>
</compile_context>

<pallas_src>
import functools

import jax
import jax.numpy as jnp
from jax import lax
from jax.experimental import pallas as pl
from jax.experimental.pallas import tpu as pltpu
from jax.experimental.pallas import tpu_sc as plsc

TEMP = 0.05
NUM_MEMORY = 100000
NUM_FEATURES = 64
NUM_CLASSES = 1000
BATCH = 1024

CHUNK = 128
NBUF = 4
LOOK = 2
SPAN = 3200
NCH = SPAN // CHUNK
PAD_ROWS = 800
DUMP = NUM_CLASSES
ACC_ROWS = NUM_CLASSES + 8
CNT_W = 8
T31_FULL = 6
T31_TAIL = NUM_MEMORY - 31 * SPAN - T31_FULL * CHUNK


def _sc_segment_stage(features, labels, labels_pad, indexes, z_sums, z_cnt,
                      ones):
    mesh = plsc.VectorSubcoreMesh(core_axis_name="c", subcore_axis_name="s")

    @functools.partial(
        pl.kernel,
        out_type=(
            jax.ShapeDtypeStruct((2, ACC_ROWS, NUM_FEATURES), jnp.float32),
            jax.ShapeDtypeStruct((2, ACC_ROWS, CNT_W), jnp.float32),
            jax.ShapeDtypeStruct((BATCH,), jnp.int32),
        ),
        mesh=mesh,
        scratch_types=[
            pltpu.VMEM((NBUF, CHUNK, NUM_FEATURES), jnp.float32),
            pltpu.VMEM((NCH, CHUNK), jnp.int32),
            pltpu.VMEM((CHUNK, CNT_W), jnp.float32),
            pltpu.VMEM((BATCH,), jnp.int32),
            pltpu.VMEM((BATCH,), jnp.int32),
            pltpu.VMEM_SHARED((ACC_ROWS, NUM_FEATURES), jnp.float32),
            pltpu.VMEM_SHARED((ACC_ROWS, CNT_W), jnp.float32),
        ] + [pltpu.SemaphoreType.DMA] * (2 * NBUF),
    )
    def k(feat_hbm, lab_hbm, labp_hbm, idx_hbm, z64_hbm, z8_hbm, ones_hbm,
          sums_out, cnt_out, tgt_out,
          ring, lab_v, ones_v, bidx_v, tgt_v,
          acc_sums, acc_cnt, *sems):
        lsems, ssems = sems[:NBUF], sems[NBUF:]
        cid = lax.axis_index("c")
        sid = lax.axis_index("s")
        w = sid * 2 + cid
        base = w * SPAN

        pltpu.sync_copy(labp_hbm.at[w], lab_v)
        pltpu.sync_copy(ones_hbm, ones_v)

        @pl.when(sid == 0)
        def _():
            pltpu.sync_copy(z64_hbm, acc_sums)
            pltpu.sync_copy(z8_hbm, acc_cnt)

        plsc.subcore_barrier()

        def load_chunk(c, rows):
            return pltpu.async_copy(
                feat_hbm.at[pl.ds(base + c * CHUNK, rows), :],
                ring.at[c % NBUF, pl.ds(0, rows), :], lsems[c % NBUF])

        def scatter_chunk(c):
            bi = c % NBUF
            s1 = pltpu.async_copy(ring.at[bi], acc_sums.at[lab_v.at[c]],
                                  ssems[bi], add=True)
            s2 = pltpu.async_copy(ones_v, acc_cnt.at[lab_v.at[c]],
                                  ssems[bi], add=True)
            return (s1, s2)

        def run_chunks(nch, sizes):
            loads = {}
            scats = {}
            for c in range(min(LOOK, nch)):
                loads[c] = load_chunk(c, sizes[c])
            for c in range(nch):
                if c - LOOK >= 0:
                    for s in scats[c - LOOK]:
                        s.wait()
                if c + LOOK < nch:
                    loads[c + LOOK] = load_chunk(c + LOOK, sizes[c + LOOK])
                loads[c].wait()
                scats[c] = scatter_chunk(c)
            for c in range(max(0, nch - LOOK), nch):
                for s in scats[c]:
                    s.wait()

        @pl.when(w < 31)
        def _():
            run_chunks(NCH, [CHUNK] * NCH)

        @pl.when(w == 31)
        def _():
            run_chunks(T31_FULL + 1, [CHUNK] * T31_FULL + [T31_TAIL])
            pltpu.sync_copy(idx_hbm, bidx_v)
            for j in range(BATCH // CHUNK):
                pltpu.sync_copy(
                    lab_hbm.at[bidx_v.at[pl.ds(j * CHUNK, CHUNK)]],
                    tgt_v.at[pl.ds(j * CHUNK, CHUNK)])
            pltpu.sync_copy(tgt_v, tgt_out)

        plsc.subcore_barrier()

        @pl.when(sid == 0)
        def _():
            pltpu.sync_copy(acc_sums, sums_out.at[cid])
            pltpu.sync_copy(acc_cnt, cnt_out.at[cid])

    return k(features, labels, labels_pad, indexes, z_sums, z_cnt, ones)


def _tc_loss_body(x_ref, s_ref, c_ref, t_ref, out_ref):
    x = x_ref[...]
    nrm = jnp.sqrt(jnp.sum(x * x, axis=1, keepdims=True))
    xn = x / jnp.maximum(nrm, 1e-12)
    s = s_ref[0, :NUM_CLASSES] + s_ref[1, :NUM_CLASSES]
    cnt = c_ref[0, :NUM_CLASSES, 0:1] + c_ref[1, :NUM_CLASSES, 0:1]
    sim = lax.dot_general(s, xn, (((1,), (1,)), ((), ())),
                          preferred_element_type=jnp.float32)
    denom = TEMP * jnp.where(cnt > 0, cnt, 1.0)
    sim = sim / denom
    mask = (cnt > 0).astype(jnp.float32)
    e = jnp.exp(sim) * mask
    tot = jnp.sum(e, axis=0, keepdims=True) + 1e-6
    cls = lax.broadcasted_iota(jnp.int32, (NUM_CLASSES, BATCH), 0)
    onehot = cls == t_ref[...]
    sim_t = jnp.sum(jnp.where(onehot, sim, 0.0), axis=0, keepdims=True)
    logp_t = jnp.log(jnp.exp(sim_t) / tot + 1e-6)
    out_ref[0, 0] = -jnp.sum(logp_t) / BATCH


def kernel(inputs, indexes, features, labels):
    labels_pad = jnp.concatenate(
        [labels,
         jnp.full((PAD_ROWS * CHUNK - NUM_MEMORY,), DUMP, jnp.int32)]
    ).reshape(32, NCH, CHUNK)
    z_sums = jnp.zeros((ACC_ROWS, NUM_FEATURES), jnp.float32)
    z_cnt = jnp.zeros((ACC_ROWS, CNT_W), jnp.float32)
    ones = jnp.ones((CHUNK, CNT_W), jnp.float32)
    sums, counts, targets = _sc_segment_stage(
        features, labels, labels_pad, indexes, z_sums, z_cnt, ones)
    loss = pl.pallas_call(
        _tc_loss_body,
        out_shape=jax.ShapeDtypeStruct((1, 1), jnp.float32),
        out_specs=pl.BlockSpec(memory_space=pltpu.SMEM),
    )(inputs, sums, counts, targets.reshape(1, BATCH))
    return loss[0, 0]

# --- scband reference (transcript-rebuilt; emitter-appended) ---
"""Pipeline reference for scband-rlccmemory-57346403336648 (READ-ONLY COPY).

The authoritative reference and input builder live on the scoring server;
editing this copy changes nothing except your own understanding.
"""

import jax, jax.numpy as jnp
import numpy as np

NUM_MEMORY = 100000
NUM_FEATURES = 64
NUM_CLASSES = 1000
BATCH = 1024
TEMP = 0.05


def setup_inputs(seed: int = 0) -> dict:
    key = jax.random.key(seed)
    k1, k2, k3, k4 = jax.random.split(key, 4)
    inputs = jax.random.normal(k1, (BATCH, NUM_FEATURES), dtype=jnp.float32)
    indexes = jax.random.randint(k2, (BATCH,), 0, NUM_MEMORY, dtype=jnp.int32)
    # memory bank buffer (torch buffer `features`), kept L2-normalized as in the hybrid-memory scheme
    feats_raw = jax.random.normal(k3, (NUM_MEMORY, NUM_FEATURES), dtype=jnp.float32)
    features = feats_raw / jnp.clip(jnp.linalg.norm(feats_raw, axis=1, keepdims=True), 1e-12, None)
    # cluster label buffer (torch buffer `labels`), all >= 0
    labels = jax.random.randint(k4, (NUM_MEMORY,), 0, NUM_CLASSES, dtype=jnp.int32)
    return {"inputs": inputs, "indexes": indexes, "features": features, "labels": labels}


def reference(inputs, indexes, features, labels):
    # F.normalize(inputs, p=2, dim=1)
    x = inputs / jnp.clip(jnp.linalg.norm(inputs, axis=1, keepdims=True), 1e-12, None)
    # HM.forward: inputs.mm(features.t()); then /= temp
    logits = jnp.dot(x, features.T) / TEMP  # [B, NUM_MEMORY]
    B = logits.shape[0]
    targets = labels[indexes]  # [B]
    # labels.min() >= 0 branch: sim.index_add_(0, labels, logits.t())
    sim = jax.ops.segment_sum(logits.T, labels, num_segments=NUM_CLASSES)  # [C, B]
    nums = jax.ops.segment_sum(jnp.ones((NUM_MEMORY, 1), jnp.float32), labels, num_segments=NUM_CLASSES)  # [C,1]
    mask = (nums > 0).astype(jnp.float32)  # [C,1]
    sim = sim / (mask * nums + (1.0 - mask))
    mask_full = jnp.broadcast_to(mask, sim.shape)
    # masked_softmax over classes per sample: rows of sim.T, mask.T
    simT = sim.T  # [B, C]
    maskT = mask_full.T  # [B, C]
    exps = jnp.exp(simT) * maskT
    masked_sums = jnp.sum(exps, axis=1, keepdims=True) + 1e-06
    masked_sim = exps / masked_sums
    # cur_epoch (=0) <= soft_label_start_epoch -> hard-label NLL path
    logp = jnp.log(masked_sim + 1e-06)
    loss = -jnp.mean(logp[jnp.arange(B), targets])
    return loss

if __name__ == "__main__":
    import jax
    _d = setup_inputs()
    print(jax.jit(kernel)(*tuple(_d.values())))

</pallas_src>

<mosaic_0001>
#map = affine_map<(d0, d1) -> (0, 0)>
#map1 = affine_map<(d0, d1) -> (0)>
#map2 = affine_map<(d0, d1) -> (0, 0, 0)>
module attributes {stable_mosaic.version = 14 : i64} {
  func.func @k(%arg0: i32, %arg1: i32, %arg2: memref<100000x64xf32, #tpu.memory_space<hbm>>, %arg3: memref<100000xi32, #tpu.memory_space<hbm>>, %arg4: memref<32x25x128xi32, #tpu.memory_space<hbm>>, %arg5: memref<1024xi32, #tpu.memory_space<hbm>>, %arg6: memref<1008x64xf32, #tpu.memory_space<hbm>>, %arg7: memref<1008x8xf32, #tpu.memory_space<hbm>>, %arg8: memref<128x8xf32, #tpu.memory_space<hbm>>, %arg9: memref<2x1008x64xf32, #tpu.memory_space<hbm>>, %arg10: memref<2x1008x8xf32, #tpu.memory_space<hbm>>, %arg11: memref<1024xi32, #tpu.memory_space<hbm>>, %arg12: memref<4x128x64xf32, #tpu.memory_space<vmem>>, %arg13: memref<25x128xi32, #tpu.memory_space<vmem>>, %arg14: memref<128x8xf32, #tpu.memory_space<vmem>>, %arg15: memref<1024xi32, #tpu.memory_space<vmem>>, %arg16: memref<1024xi32, #tpu.memory_space<vmem>>, %arg17: memref<1008x64xf32, #tpu.memory_space<vmem_shared>>, %arg18: memref<1008x8xf32, #tpu.memory_space<vmem_shared>>, %arg19: memref<!tpu.dma_semaphore, #tpu.memory_space<semaphore_mem>>, %arg20: memref<!tpu.dma_semaphore, #tpu.memory_space<semaphore_mem>>, %arg21: memref<!tpu.dma_semaphore, #tpu.memory_space<semaphore_mem>>, %arg22: memref<!tpu.dma_semaphore, #tpu.memory_space<semaphore_mem>>, %arg23: memref<!tpu.dma_semaphore, #tpu.memory_space<semaphore_mem>>, %arg24: memref<!tpu.dma_semaphore, #tpu.memory_space<semaphore_mem>>, %arg25: memref<!tpu.dma_semaphore, #tpu.memory_space<semaphore_mem>>, %arg26: memref<!tpu.dma_semaphore, #tpu.memory_space<semaphore_mem>>) attributes {dimension_semantics = [#tpu.dimension_semantics<core_parallel>, #tpu.dimension_semantics<subcore_parallel>], iteration_bounds = array<i64: 2, 16>, scalar_prefetch = 0 : i64, scratch_operands = 15 : i64, tpu.core_type = #tpu.core_type<sc_vector_subcore>, window_params = [{transform_indices = #map}, {transform_indices = #map1}, {transform_indices = #map2}, {transform_indices = #map1}, {transform_indices = #map}, {transform_indices = #map}, {transform_indices = #map}, {transform_indices = #map2}, {transform_indices = #map2}, {transform_indices = #map1}]} {
    %mul3A = arith.constant 2 : i32
    %mul3A_0 = arith.muli %arg1, %mul3A : i32
    %add3A = arith.addi %mul3A_0, %arg0 : i32
    %mul3A_1 = arith.constant 3200 : i32
    %mul3A_2 = arith.muli %add3A, %mul3A_1 : i32
    "tpu.region"() ({
      %run_scoped3A = tpu.sem_alloc : memref<!tpu.dma_semaphore, #tpu.memory_space<semaphore_mem>>
      %dma_start3A = arith.constant 0 : i32
      %dma_start3A_20 = arith.constant 0 : i32
      %dma_start3A_21 = tpu.memref_slice %arg4[%add3A, %dma_start3A, %dma_start3A_20] : memref<32x25x128xi32, #tpu.memory_space<hbm>> -> memref<1x25x128xi32, #tpu.memory_space<hbm>>
      %dma_start3A_22 = tpu.memref_squeeze %dma_start3A_21 : memref<1x25x128xi32, #tpu.memory_space<hbm>> -> memref<25x128xi32, #tpu.memory_space<hbm>>
      %dma_start3A_23 = arith.constant 0 : i32
      %dma_start3A_24 = arith.constant 0 : i32
      %dma_start3A_25 = tpu.memref_slice %arg4[%add3A, %dma_start3A_23, %dma_start3A_24] : memref<32x25x128xi32, #tpu.memory_space<hbm>> -> memref<1x25x128xi32, #tpu.memory_space<hbm>>
      %dma_start3A_26 = tpu.memref_squeeze %dma_start3A_25 : memref<1x25x128xi32, #tpu.memory_space<hbm>> -> memref<25x128xi32, #tpu.memory_space<hbm>>
      tpu.enqueue_dma source(%dma_start3A_26 : memref<25x128xi32, #tpu.memory_space<hbm>>) target(%arg13 : memref<25x128xi32, #tpu.memory_space<vmem>>) target_semaphore(%run_scoped3A : memref<!tpu.dma_semaphore, #tpu.memory_space<semaphore_mem>>)
      %dma_wait3A = arith.constant 0 : i32
      %dma_wait3A_27 = arith.constant 0 : i32
      %dma_wait3A_28 = tpu.memref_slice %arg4[%add3A, %dma_wait3A, %dma_wait3A_27] : memref<32x25x128xi32, #tpu.memory_space<hbm>> -> memref<1x25x128xi32, #tpu.memory_space<hbm>>
      %dma_wait3A_29 = tpu.memref_squeeze %dma_wait3A_28 : memref<1x25x128xi32, #tpu.memory_space<hbm>> -> memref<25x128xi32, #tpu.memory_space<hbm>>
      %dma_wait3A_30 = arith.constant 0 : i32
      %dma_wait3A_31 = arith.constant 0 : i32
      %dma_wait3A_32 = tpu.memref_slice %arg4[%add3A, %dma_wait3A_30, %dma_wait3A_31] : memref<32x25x128xi32, #tpu.memory_space<hbm>> -> memref<1x25x128xi32, #tpu.memory_space<hbm>>
      %dma_wait3A_33 = tpu.memref_squeeze %dma_wait3A_32 : memref<1x25x128xi32, #tpu.memory_space<hbm>> -> memref<25x128xi32, #tpu.memory_space<hbm>>
      tpu.wait_dma2 semaphore(%run_scoped3A : memref<!tpu.dma_semaphore, #tpu.memory_space<semaphore_mem>>) src(%dma_wait3A_33 : memref<25x128xi32, #tpu.memory_space<hbm>>) dst(%arg13 : memref<25x128xi32, #tpu.memory_space<vmem>>)
      tpu.yield
    }) : () -> ()
    "tpu.region"() ({
      %run_scoped3A = tpu.sem_alloc : memref<!tpu.dma_semaphore, #tpu.memory_space<semaphore_mem>>
      tpu.enqueue_dma source(%arg8 : memref<128x8xf32, #tpu.memory_space<hbm>>) target(%arg14 : memref<128x8xf32, #tpu.memory_space<vmem>>) target_semaphore(%run_scoped3A : memref<!tpu.dma_semaphore, #tpu.memory_space<semaphore_mem>>)
      tpu.wait_dma2 semaphore(%run_scoped3A : memref<!tpu.dma_semaphore, #tpu.memory_space<semaphore_mem>>) src(%arg8 : memref<128x8xf32, #tpu.memory_space<hbm>>) dst(%arg14 : memref<128x8xf32, #tpu.memory_space<vmem>>)
      tpu.yield
    }) : () -> ()
    %eq3A = arith.constant 0 : i32
    %eq3A_3 = arith.cmpi eq, %arg1, %eq3A : i32
    %convert_element_type3A = arith.extui %eq3A_3 : i1 to i32
    %cond3A = arith.constant 0 : i32
    %cond3A_4 = arith.cmpi ne, %convert_element_type3A, %cond3A : i32
    scf.if %cond3A_4 {
      "tpu.region"() ({
        %run_scoped3A = tpu.sem_alloc : memref<!tpu.dma_semaphore, #tpu.memory_space<semaphore_mem>>
        tpu.enqueue_dma source(%arg6 : memref<1008x64xf32, #tpu.memory_space<hbm>>) target(%arg17 : memref<1008x64xf32, #tpu.memory_space<vmem_shared>>) target_semaphore(%run_scoped3A : memref<!tpu.dma_semaphore, #tpu.memory_space<semaphore_mem>>)
        tpu.wait_dma2 semaphore(%run_scoped3A : memref<!tpu.dma_semaphore, #tpu.memory_space<semaphore_mem>>) src(%arg6 : memref<1008x64xf32, #tpu.memory_space<hbm>>) dst(%arg17 : memref<1008x64xf32, #tpu.memory_space<vmem_shared>>)
        tpu.yield
      }) : () -> ()
      "tpu.region"() ({
        %run_scoped3A = tpu.sem_alloc : memref<!tpu.dma_semaphore, #tpu.memory_space<semaphore_mem>>
        tpu.enqueue_dma source(%arg7 : memref<1008x8xf32, #tpu.memory_space<hbm>>) target(%arg18 : memref<1008x8xf32, #tpu.memory_space<vmem_shared>>) target_semaphore(%run_scoped3A : memref<!tpu.dma_semaphore, #tpu.memory_space<semaphore_mem>>)
        tpu.wait_dma2 semaphore(%run_scoped3A : memref<!tpu.dma_semaphore, #tpu.memory_space<semaphore_mem>>) src(%arg7 : memref<1008x8xf32, #tpu.memory_space<hbm>>) dst(%arg18 : memref<1008x8xf32, #tpu.memory_space<vmem_shared>>)
        tpu.yield
      }) : () -> ()
    } else {
    }
    %barrier3A = arith.constant 0 : index
    tpu.barrier barrier_id(%barrier3A)
    %lt3A = arith.constant 31 : i32
    %lt3A_5 = arith.cmpi slt, %add3A, %lt3A : i32
    %convert_element_type3A_6 = arith.extui %lt3A_5 : i1 to i32
    %cond3A_7 = arith.constant 0 : i32
    %cond3A_8 = arith.cmpi ne, %convert_element_type3A_6, %cond3A_7 : i32
    scf.if %cond3A_8 {
      %add3A_20 = arith.constant 0 : i32
      %add3A_21 = arith.addi %mul3A_2, %add3A_20 : i32
      %dma_start3A = arith.constant 0 : i32
      %dma_start3A_22 = arith.constant 0 : i32
      %dma_start3A_23 = arith.constant 0 : i32
      %dma_start3A_24 = tpu.memref_slice %arg12[%dma_start3A, %dma_start3A_22, %dma_start3A_23] : memref<4x128x64xf32, #tpu.memory_space<vmem>> -> memref<1x128x64xf32, #tpu.memory_space<vmem>>
      %dma_start3A_25 = tpu.memref_squeeze %dma_start3A_24 : memref<1x128x64xf32, #tpu.memory_space<vmem>> -> memref<128x64xf32, #tpu.memory_space<vmem>>
      %dma_start3A_26 = arith.constant 0 : i32
      %dma_start3A_27 = tpu.memref_slice %arg2[%add3A_21, %dma_start3A_26] : memref<100000x64xf32, #tpu.memory_space<hbm>> -> memref<128x64xf32, #tpu.memory_space<hbm>>
      %dma_start3A_28 = arith.constant 0 : i32
      %dma_start3A_29 = arith.constant 0 : i32
      %dma_start3A_30 = tpu.memref_slice %arg12[%dma_start3A, %dma_start3A_28, %dma_start3A_29] : memref<4x128x64xf32, #tpu.memory_space<vmem>> -> memref<1x128x64xf32, #tpu.memory_space<vmem>>
      %dma_start3A_31 = tpu.memref_squeeze %dma_start3A_30 : memref<1x128x64xf32, #tpu.memory_space<vmem>> -> memref<128x64xf32, #tpu.memory_space<vmem>>
      %dma_start3A_32 = arith.constant 0 : i32
      %dma_start3A_33 = tpu.memref_slice %arg2[%add3A_21, %dma_start3A_32] : memref<100000x64xf32, #tpu.memory_space<hbm>> -> memref<128x64xf32, #tpu.memory_space<hbm>>
      tpu.enqueue_dma source(%dma_start3A_33 : memref<128x64xf32, #tpu.memory_space<hbm>>) target(%dma_start3A_31 : memref<128x64xf32, #tpu.memory_space<vmem>>) target_semaphore(%arg19 : memref<!tpu.dma_semaphore, #tpu.memory_space<semaphore_mem>>)
      %add3A_34 = arith.constant 128 : i32
      %add3A_35 = arith.addi %mul3A_2, %add3A_34 : i32
      %dma_start3A_36 = arith.constant 1 : i32
      %dma_start3A_37 = arith.constant 0 : i32
      %dma_start3A_38 = arith.constant 0 : i32
      %dma_start3A_39 = tpu.memref_slice %arg12[%dma_start3A_36, %dma_start3A_37, %dma_start3A_38] : memref<4x128x64xf32, #tpu.memory_space<vmem>> -> memref<1x128x64xf32, #tpu.memory_space<vmem>>
      %dma_start3A_40 = tpu.memref_squeeze %dma_start3A_39 : memref<1x128x64xf32, #tpu.memory_space<vmem>> -> memref<128x64xf32, #tpu.memory_space<vmem>>
      %dma_start3A_41 = arith.constant 0 : i32
      %dma_start3A_42 = tpu.memref_slice %arg2[%add3A_35, %dma_start3A_41] : memref<100000x64xf32, #tpu.memory_space<hbm>> -> memref<128x64xf32, #tpu.memory_space<hbm>>
      %dma_start3A_43 = arith.constant 0 : i32
      %dma_start3A_44 = arith.constant 0 : i32
      %dma_start3A_45 = tpu.memref_slice %arg12[%dma_start3A_36, %dma_start3A_43, %dma_start3A_44] : memref<4x128x64xf32, #tpu.memory_space<vmem>> -> memref<1x128x64xf32, #tpu.memory_space<vmem>>
      %dma_start3A_46 = tpu.memref_squeeze %dma_start3A_45 : memref<1x128x64xf32, #tpu.memory_space<vmem>> -> memref<128x64xf32, #tpu.memory_space<vmem>>
      %dma_start3A_47 = arith.constant 0 : i32
      %dma_start3A_48 = tpu.memref_slice %arg2[%add3A_35, %dma_start3A_47] : memref<100000x64xf32, #tpu.memory_space<hbm>> -> memref<128x64xf32, #tpu.memory_space<hbm>>
      tpu.enqueue_dma source(%dma_start3A_48 : memref<128x64xf32, #tpu.memory_space<hbm>>) target(%dma_start3A_46 : memref<128x64xf32, #tpu.memory_space<vmem>>) target_semaphore(%arg20 : memref<!tpu.dma_semaphore, #tpu.memory_space<semaphore_mem>>)
      %add3A_49 = arith.constant 256 : i32
      %add3A_50 = arith.addi %mul3A_2, %add3A_49 : i32
      %dma_start3A_51 = arith.constant 2 : i32
      %dma_start3A_52 = arith.constant 0 : i32
      %dma_start3A_53 = arith.constant 0 : i32
      %dma_start3A_54 = tpu.memref_slice %arg12[%dma_start3A_51, %dma_start3A_52, %dma_start3A_53] : memref<4x128x64xf32, #tpu.memory_space<vmem>> -> memref<1x128x64xf32, #tpu.memory_space<vmem>>
      %dma_start3A_55 = tpu.memref_squeeze %dma_start3A_54 : memref<1x128x64xf32, #tpu.memory_space<vmem>> -> memref<128x64xf32, #tpu.memory_space<vmem>>
      %dma_start3A_56 = arith.constant 0 : i32
      %dma_start3A_57 = tpu.memref_slice %arg2[%add3A_50, %dma_start3A_56] : memref<100000x64xf32, #tpu.memory_space<hbm>> -> memref<128x64xf32, #tpu.memory_space<hbm>>
      %dma_start3A_58 = arith.constant 0 : i32
      %dma_start3A_59 = arith.constant 0 : i32
      %dma_start3A_60 = tpu.memref_slice %arg12[%dma_start3A_51, %dma_start3A_58, %dma_start3A_59] : memref<4x128x64xf32, #tpu.memory_space<vmem>> -> memref<1x128x64xf32, #tpu.memory_space<vmem>>
      %dma_start3A_61 = tpu.memref_squeeze %dma_start3A_60 : memref<1x128x64xf32, #tpu.memory_space<vmem>> -> memref<128x64xf32, #tpu.memory_space<vmem>>
      %dma_start3A_62 = arith.constant 0 : i32
      %dma_start3A_63 = tpu.memref_slice %arg2[%add3A_50, %dma_start3A_62] : memref<100000x64xf32, #tpu.memory_space<hbm>> -> memref<128x64xf32, #tpu.memory_space<hbm>>
      tpu.enqueue_dma source(%dma_start3A_63 : memref<128x64xf32, #tpu.memory_space<hbm>>) target(%dma_start3A_61 : memref<128x64xf32, #tpu.memory_space<vmem>>) target_semaphore(%arg21 : memref<!tpu.dma_semaphore, #tpu.memory_space<semaphore_mem>>)
      %dma_wait3A = arith.constant 0 : i32
      %dma_wait3A_64 = arith.constant 0 : i32
      %dma_wait3A_65 = arith.constant 0 : i32
      %dma_wait3A_66 = tpu.memref_slice %arg12[%dma_wait3A, %dma_wait3A_64, %dma_wait3A_65] : memref<4x128x64xf32, #tpu.memory_space<vmem>> -> memref<1x128x64xf32, #tpu.memory_space<vmem>>
      %dma_wait3A_67 = tpu.memref_squeeze %dma_wait3A_66 : memref<1x128x64xf32, #tpu.memory_space<vmem>> -> memref<128x64xf32, #tpu.memory_space<vmem>>
      %dma_wait3A_68 = arith.constant 0 : i32
      %dma_wait3A_69 = tpu.memref_slice %arg2[%add3A_21, %dma_wait3A_68] : memref<100000x64xf32, #tpu.memory_space<hbm>> -> memref<128x64xf32, #tpu.memory_space<hbm>>
      %dma_wait3A_70 = arith.constant 0 : i32
      %dma_wait3A_71 = arith.constant 0 : i32
      %dma_wait3A_72 = tpu.memref_slice %arg12[%dma_wait3A, %dma_wait3A_70, %dma_wait3A_71] : memref<4x128x64xf32, #tpu.memory_space<vmem>> -> memref<1x128x64xf32, #tpu.memory_space<vmem>>
      %dma_wait3A_73 = tpu.memref_squeeze %dma_wait3A_72 : memref<1x128x64xf32, #tpu.memory_space<vmem>> -> memref<128x64xf32, #tpu.memory_space<vmem>>
      %dma_wait3A_74 = arith.constant 0 : i32
      %dma_wait3A_75 = tpu.memref_slice %arg2[%add3A_21, %dma_wait3A_74] : memref<100000x64xf32, #tpu.memory_space<hbm>> -> memref<128x64xf32, #tpu.memory_space<hbm>>
      tpu.wait_dma2 semaphore(%arg19 : memref<!tpu.dma_semaphore, #tpu.memory_space<semaphore_mem>>) src(%dma_wait3A_75 : memref<128x64xf32, #tpu.memory_space<hbm>>) dst(%dma_wait3A_73 : memref<128x64xf32, #tpu.memory_space<vmem>>)
      %dma_start3A_76 = arith.constant 0 : i32
      %dma_start3A_77 = arith.constant 0 : i32
      %dma_start3A_78 = arith.constant 0 : i32
      %dma_start3A_79 = arith.constant 0 : i32
      %dma_start3A_80 = tpu.memref_slice %arg12[%dma_start3A_76, %dma_start3A_78, %dma_start3A_79] : memref<4x128x64xf32, #tpu.memory_space<vmem>> -> memref<1x128x64xf32, #tpu.memory_space<vmem>>
      %dma_start3A_81 = tpu.memref_squeeze %dma_start3A_80 : memref<1x128x64xf32, #tpu.memory_space<vmem>> -> memref<128x64xf32, #tpu.memory_space<vmem>>
      %dma_start3A_82 = arith.constant 0 : i32
      %dma_start3A_83 = tpu.memref_slice %arg13[%dma_start3A_77, %dma_start3A_82] : memref<25x128xi32, #tpu.memory_space<vmem>> -> memref<1x128xi32, #tpu.memory_space<vmem>>
      %dma_start3A_84 = tpu.memref_squeeze %dma_start3A_83 : memref<1x128xi32, #tpu.memory_space<vmem>> -> memref<128xi32, #tpu.memory_space<vmem>>
      %dma_start3A_85 = arith.constant 0 : i32
      %dma_start3A_86 = arith.constant 0 : i32
      %dma_start3A_87 = tpu.memref_slice %arg17[%dma_start3A_85, %dma_start3A_86] : memref<1008x64xf32, #tpu.memory_space<vmem_shared>> -> memref<1008x64xf32, #tpu.memory_space<vmem_shared>>
      tpu.enqueue_indirect_dma source(%dma_start3A_81 : memref<128x64xf32, #tpu.memory_space<vmem>>) target(%dma_start3A_87 : memref<1008x64xf32, #tpu.memory_space<vmem_shared>>) offsets(%dma_start3A_84 : memref<128xi32, #tpu.memory_space<vmem>>) semaphore(%arg23 : memref<!tpu.dma_semaphore, #tpu.memory_space<semaphore_mem>>) {add = true}
      %dma_start3A_88 = arith.constant 0 : i32
      %dma_start3A_89 = arith.constant 0 : i32
      %dma_start3A_90 = tpu.memref_slice %arg13[%dma_start3A_88, %dma_start3A_89] : memref<25x128xi32, #tpu.memory_space<vmem>> -> memref<1x128xi32, #tpu.memory_space<vmem>>
      %dma_start3A_91 = tpu.memref_squeeze %dma_start3A_90 : memref<1x128xi32, #tpu.memory_space<vmem>> -> memref<128xi32, #tpu.memory_space<vmem>>
      %dma_start3A_92 = arith.constant 0 : i32
      %dma_start3A_93 = arith.constant 0 : i32
      %dma_start3A_94 = tpu.memref_slice %arg18[%dma_start3A_92, %dma_start3A_93] : memref<1008x8xf32, #tpu.memory_space<vmem_shared>> -> memref<1008x8xf32, #tpu.memory_space<vmem_shared>>
      tpu.enqueue_indirect_dma source(%arg14 : memref<128x8xf32, #tpu.memory_space<vmem>>) target(%dma_start3A_94 : memref<1008x8xf32, #tpu.memory_space<vmem_shared>>) offsets(%dma_start3A_91 : memref<128xi32, #tpu.memory_space<vmem>>) semaphore(%arg23 : memref<!tpu.dma_semaphore, #tpu.memory_space<semaphore_mem>>) {add = true}
      %add3A_95 = arith.constant 384 : i32
      %add3A_96 = arith.addi %mul3A_2, %add3A_95 : i32
      %dma_start3A_97 = arith.constant 3 : i32
      %dma_start3A_98 = arith.constant 0 : i32
      %dma_start3A_99 = arith.constant 0 : i32
      %dma_start3A_100 = tpu.memref_slice %arg12[%dma_start3A_97, %dma_start3A_98, %dma_start3A_99] : memref<4x128x64xf32, #tpu.memory_space<vmem>> -> memref<1x128x64xf32, #tpu.memory_space<vmem>>
      %dma_start3A_101 = tpu.memref_squeeze %dma_start3A_100 : memref<1x128x64xf32, #tpu.memory_space<vmem>> -> memref<128x64xf32, #tpu.memory_space<vmem>>
      %dma_start3A_102 = arith.constant 0 : i32
      %dma_start3A_103 = tpu.memref_slice %arg2[%add3A_96, %dma_start3A_102] : memref<100000x64xf32, #tpu.memory_space<hbm>> -> memref<128x64xf32, #tpu.memory_space<hbm>>
      %dma_start3A_104 = arith.constant 0 : i32
      %dma_start3A_105 = arith.constant 0 : i32
      %dma_start3A_106 = tpu.memref_slice %arg12[%dma_start3A_97, %dma_start3A_104, %dma_start3A_105] : memref<4x128x64xf32, #tpu.memory_space<vmem>> -> memref<1x128x64xf32, #tpu.memory_space<vmem>>
      %dma_start3A_107 = tpu.memref_squeeze %dma_start3A_106 : memref<1x128x64xf32, #tpu.memory_space<vmem>> -> memref<128x64xf32, #tpu.memory_space<vmem>>
      %dma_start3A_108 = arith.constant 0 : i32
      %dma_start3A_109 = tpu.memref_slice %arg2[%add3A_96, %dma_start3A_108] : memref<100000x64xf32, #tpu.memory_space<hbm>> -> memref<128x64xf32, #tpu.memory_space<hbm>>
      tpu.enqueue_dma source(%dma_start3A_109 : memref<128x64xf32, #tpu.memory_space<hbm>>) target(%dma_start3A_107 : memref<128x64xf32, #tpu.memory_space<vmem>>) target_semaphore(%arg22 : memref<!tpu.dma_semaphore, #tpu.memory_space<semaphore_mem>>)
      %dma_wait3A_110 = arith.constant 1 : i32
      %dma_wait3A_111 = arith.constant 0 : i32
      %dma_wait3A_112 = arith.constant 0 : i32
      %dma_wait3A_113 = tpu.memref_slice %arg12[%dma_wait3A_110, %dma_wait3A_111, %dma_wait3A_112] : memref<4x128x64xf32, #tpu.memory_space<vmem>> -> memref<1x128x64xf32, #tpu.memory_space<vmem>>
      %dma_wait3A_114 = tpu.memref_squeeze %dma_wait3A_113 : memref<1x128x64xf32, #tpu.memory_space<vmem>> -> memref<128x64xf32, #tpu.memory_space<vmem>>
      %dma_wait3A_115 = arith.constant 0 : i32
      %dma_wait3A_116 = tpu.memref_slice %arg2[%add3A_35, %dma_wait3A_115] : memref<100000x64xf32, #tpu.memory_space<hbm>> -> memref<128x64xf32, #tpu.memory_space<hbm>>
      %dma_wait3A_117 = arith.constant 0 : i32
      %dma_wait3A_118 = arith.constant 0 : i32
      %dma_wait3A_119 = tpu.memref_slice %arg12[%dma_wait3A_110, %dma_wait3A_117, %dma_wait3A_118] : memref<4x128x64xf32, #tpu.memory_space<vmem>> -> memref<1x128x64xf32, #tpu.memory_space<vmem>>
      %dma_wait3A_120 = tpu.memref_squeeze %dma_wait3A_119 : memref<1x128x64xf32, #tpu.memory_space<vmem>> -> memref<128x64xf32, #tpu.memory_space<vmem>>
      %dma_wait3A_121 = arith.constant 0 : i32
      %dma_wait3A_122 = tpu.memref_slice %arg2[%add3A_35, %dma_wait3A_121] : memref<100000x64xf32, #tpu.memory_space<hbm>> -> memref<128x64xf32, #tpu.memory_space<hbm>>
      tpu.wait_dma2 semaphore(%arg20 : memref<!tpu.dma_semaphore, #tpu.memory_space<semaphore_mem>>) src(%dma_wait3A_122 : memref<128x64xf32, #tpu.memory_space<hbm>>) dst(%dma_wait3A_120 : memref<128x64xf32, #tpu.memory_space<vmem>>)
      %dma_start3A_123 = arith.constant 1 : i32
      %dma_start3A_124 = arith.constant 1 : i32
      %dma_start3A_125 = arith.constant 0 : i32
      %dma_start3A_126 = arith.constant 0 : i32
      %dma_start3A_127 = tpu.memref_slice %arg12[%dma_start3A_123, %dma_start3A_125, %dma_start3A_126] : memref<4x128x64xf32, #tpu.memory_space<vmem>> -> memref<1x128x64xf32, #tpu.memory_space<vmem>>
      %dma_start3A_128 = tpu.memref_squeeze %dma_start3A_127 : memref<1x128x64xf32, #tpu.memory_space<vmem>> -> memref<128x64xf32, #tpu.memory_space<vmem>>
      %dma_start3A_129 = arith.constant 0 : i32
      %dma_start3A_130 = tpu.memref_slice %arg13[%dma_start3A_124, %dma_start3A_129] : memref<25x128xi32, #tpu.memory_space<vmem>> -> memref<1x128xi32, #tpu.memory_space<vmem>>
      %dma_start3A_131 = tpu.memref_squeeze %dma_start3A_130 : memref<1x128xi32, #tpu.memory_space<vmem>> -> memref<128xi32, #tpu.memory_space<vmem>>
      %dma_start3A_132 = arith.constant 0 : i32
      %dma_start3A_133 = arith.constant 0 : i32
      %dma_start3A_134 = tpu.memref_slice %arg17[%dma_start3A_132, %dma_start3A_133] : memref<1008x64xf32, #tpu.memory_space<vmem_shared>> -> memref<1008x64xf32, #tpu.memory_space<vmem_shared>>
      tpu.enqueue_indirect_dma source(%dma_start3A_128 : memref<128x64xf32, #tpu.memory_space<vmem>>) target(%dma_start3A_134 : memref<1008x64xf32, #tpu.memory_space<vmem_shared>>) offsets(%dma_start3A_131 : memref<128xi32, #tpu.memory_space<vmem>>) semaphore(%arg24 : memref<!tpu.dma_semaphore, #tpu.memory_space<semaphore_mem>>) {add = true}
      %dma_start3A_135 = arith.constant 1 : i32
      %dma_start3A_136 = arith.constant 0 : i32
      %dma_start3A_137 = tpu.memref_slice %arg13[%dma_start3A_135, %dma_start3A_136] : memref<25x128xi32, #tpu.memory_space<vmem>> -> memref<1x128xi32, #tpu.memory_space<vmem>>
      %dma_start3A_138 = tpu.memref_squeeze %dma_start3A_137 : memref<1x128xi32, #tpu.memory_space<vmem>> -> memref<128xi32, #tpu.memory_space<vmem>>
      %dma_start3A_139 = arith.constant 0 : i32
      %dma_start3A_140 = arith.constant 0 : i32
      %dma_start3A_141 = tpu.memref_slice %arg18[%dma_start3A_139, %dma_start3A_140] : memref<1008x8xf32, #tpu.memory_space<vmem_shared>> -> memref<1008x8xf32, #tpu.memory_space<vmem_shared>>
      tpu.enqueue_indirect_dma source(%arg14 : memref<128x8xf32, #tpu.memory_space<vmem>>) target(%dma_start3A_141 : memref<1008x8xf32, #tpu.memory_space<vmem_shared>>) offsets(%dma_start3A_138 : memref<128xi32, #tpu.memory_space<vmem>>) semaphore(%arg24 : memref<!tpu.dma_semaphore, #tpu.memory_space<semaphore_mem>>) {add = true}
      %dma_wait3A_142 = arith.constant 0 : i32
      %dma_wait3A_143 = arith.constant 0 : i32
      %dma_wait3A_144 = arith.constant 0 : i32
      %dma_wait3A_145 = arith.constant 0 : i32
      %dma_wait3A_146 = tpu.memref_slice %arg12[%dma_wait3A_142, %dma_wait3A_144, %dma_wait3A_145] : memref<4x128x64xf32, #tpu.memory_space<vmem>> -> memref<1x128x64xf32, #tpu.memory_space<vmem>>
      %dma_wait3A_147 = tpu.memref_squeeze %dma_wait3A_146 : memref<1x128x64xf32, #tpu.memory_space<vmem>> -> memref<128x64xf32, #tpu.memory_space<vmem>>
      %dma_wait3A_148 = arith.constant 0 : i32
      %dma_wait3A_149 = tpu.memref_slice %arg13[%dma_wait3A_143, %dma_wait3A_148] : memref<25x128xi32, #tpu.memory_space<vmem>> -> memref<1x128xi32, #tpu.memory_space<vmem>>
      %dma_wait3A_150 = tpu.memref_squeeze %dma_wait3A_149 : memref<1x128xi32, #tpu.memory_space<vmem>> -> memref<128xi32, #tpu.memory_space<vmem>>
      %dma_wait3A_151 = arith.constant 0 : i32
      %dma_wait3A_152 = arith.constant 0 : i32
      %dma_wait3A_153 = tpu.memref_slice %arg17[%dma_wait3A_151, %dma_wait3A_152] : memref<1008x64xf32, #tpu.memory_space<vmem_shared>> -> memref<1008x64xf32, #tpu.memory_space<vmem_shared>>
      tpu.wait_indirect_dma semaphore(%arg23 : memref<!tpu.dma_semaphore, #tpu.memory_space<semaphore_mem>>) src(%dma_wait3A_147 : memref<128x64xf32, #tpu.memory_space<vmem>>) dst(%dma_wait3A_153 : memref<1008x64xf32, #tpu.memory_space<vmem_shared>>)
      %dma_wait3A_154 = arith.constant 0 : i32
      %dma_wait3A_155 = arith.constant 0 : i32
      %dma_wait3A_156 = tpu.memref_slice %arg13[%dma_wait3A_154, %dma_wait3A_155] : memref<25x128xi32, #tpu.memory_space<vmem>> -> memref<1x128xi32, #tpu.memory_space<vmem>>
      %dma_wait3A_157 = tpu.memref_squeeze %dma_wait3A_156 : memref<1x128xi32, #tpu.memory_space<vmem>> -> memref<128xi32, #tpu.memory_space<vmem>>
      %dma_wait3A_158 = arith.constant 0 : i32
      %dma_wait3A_159 = arith.constant 0 : i32
      %dma_wait3A_160 = tpu.memref_slice %arg18[%dma_wait3A_158, %dma_wait3A_159] : memref<1008x8xf32, #tpu.memory_space<vmem_shared>> -> memref<1008x8xf32, #tpu.memory_space<vmem_shared>>
      tpu.wait_indirect_dma semaphore(%arg23 : memref<!tpu.dma_semaphore, #tpu.memory_space<semaphore_mem>>) src(%arg14 : memref<128x8xf32, #tpu.memory_space<vmem>>) dst(%dma_wait3A_160 : memref<1008x8xf32, #tpu.memory_space<vmem_shared>>)
      %add3A_161 = arith.constant 512 : i32
      %add3A_162 = arith.addi %mul3A_2, %add3A_161 : i32
      %dma_start3A_163 = arith.constant 0 : i32
      %dma_start3A_164 = arith.constant 0 : i32
      %dma_start3A_165 = arith.constant 0 : i32
      %dma_start3A_166 = tpu.memref_slice %arg12[%dma_start3A_163, %dma_start3A_164, %dma_start3A_165] : memref<4x128x64xf32, #tpu.memory_space<vmem>> -> memref<1x128x64xf32, #tpu.memory_space<vmem>>
      %dma_start3A_167 = tpu.memref_squeeze %dma_start3A_166 : memref<1x128x64xf32, #tpu.memory_space<vmem>> -> memref<128x64xf32, #tpu.memory_space<vmem>>
      %dma_start3A_168 = arith.constant 0 : i32
      %dma_start3A_169 = tpu.memref_slice %arg2[%add3A_162, %dma_start3A_168] : memref<100000x64xf32, #tpu.memory_space<hbm>> -> memref<128x64xf32, #tpu.memory_space<hbm>>
      %dma_start3A_170 = arith.constant 0 : i32
      %dma_start3A_171 = arith.constant 0 : i32
      %dma_start3A_172 = tpu.memref_slice %arg12[%dma_start3A_163, %dma_start3A_170, %dma_start3A_171] : memref<4x128x64xf32, #tpu.memory_space<vmem>> -> memref<1x128x64xf32, #tpu.memory_space<vmem>>
      %dma_start3A_173 = tpu.memref_squeeze %dma_start3A_172 : memref<1x128x64xf32, #tpu.memory_space<vmem>> -> memref<128x64xf32, #tpu.memory_space<vmem>>
      %dma_start3A_174 = arith.constant 0 : i32
      %dma_start3A_175 = tpu.memref_slice %arg2[%add3A_162, %dma_start3A_174] : memref<100000x64xf32, #tpu.memory_space<hbm>> -> memref<128x64xf32, #tpu.memory_space<hbm>>
      tpu.enqueue_dma source(%dma_start3A_175 : memref<128x64xf32, #tpu.memory_space<hbm>>) target(%dma_start3A_173 : memref<128x64xf32, #tpu.memory_space<vmem>>) target_semaphore(%arg19 : memref<!tpu.dma_semaphore, #tpu.memory_space<semaphore_mem>>)
      %dma_wait3A_176 = arith.constant 2 : i32
      %dma_wait3A_177 = arith.constant 0 : i32
      %dma_wait3A_178 = arith.constant 0 : i32
      %dma_wait3A_179 = tpu.memref_slice %arg12[%dma_wait3A_176, %dma_wait3A_177, %dma_wait3A_178] : memref<4x128x64xf32, #tpu.memory_space<vmem>> -> memref<1x128x64xf32, #tpu.memory_space<vmem>>
      %dma_wait3A_180 = tpu.memref_squeeze %dma_wait3A_179 : memref<1x128x64xf32, #tpu.memory_space<vmem>> -> memref<128x64xf32, #tpu.memory_space<vmem>>
      %dma_wait3A_181 = arith.constant 0 : i32
      %dma_wait3A_182 = tpu.memref_slice %arg2[%add3A_50, %dma_wait3A_181] : memref<100000x64xf32, #tpu.memory_space<hbm>> -> memref<128x64xf32, #tpu.memory_space<hbm>>
      %dma_wait3A_183 = arith.constant 0 : i32
      %dma_wait3A_184 = arith.constant 0 : i32
      %dma_wait3A_185 = tpu.memref_slice %arg12[%dma_wait3A_176, %dma_wait3A_183, %dma_wait3A_184] : memref<4x128x64xf32, #tpu.memory_space<vmem>> -> memref<1x128x64xf32, #tpu.memory_space<vmem>>
      %dma_wait3A_186 = tpu.memref_squeeze %dma_wait3A_185 : memref<1x128x64xf32, #tpu.memory_space<vmem>> -> memref<128x64xf32, #tpu.memory_space<vmem>>
      %dma_wait3A_187 = arith.constant 0 : i32
      %dma_wait3A_188 = tpu.memref_slice %arg2[%add3A_50, %dma_wait3A_187] : memref<100000x64xf32, #tpu.memory_space<hbm>> -> memref<128x64xf32, #tpu.memory_space<hbm>>
      tpu.wait_dma2 semaphore(%arg21 : memref<!tpu.dma_semaphore, #tpu.memory_space<semaphore_mem>>) src(%dma_wait3A_188 : memref<128x64xf32, #tpu.memory_space<hbm>>) dst(%dma_wait3A_186 : memref<128x64xf32, #tpu.memory_space<vmem>>)
      %dma_start3A_189 = arith.constant 2 : i32
      %dma_start3A_190 = arith.constant 2 : i32
      %dma_start3A_191 = arith.constant 0 : i32
      %dma_start3A_192 = arith.constant 0 : i32
      %dma_start3A_193 = tpu.memref_slice %arg12[%dma_start3A_189, %dma_start3A_191, %dma_start3A_192] : memref<4x128x64xf32, #tpu.memory_space<vmem>> -> memref<1x128x64xf32, #tpu.memory_space<vmem>>
      %dma_start3A_194 = tpu.memref_squeeze %dma_start3A_193 : memref<1x128x64xf32, #tpu.memory_space<vmem>> -> memref<128x64xf32, #tpu.memory_space<vmem>>
      %dma_start3A_195 = arith.constant 0 : i32
      %dma_start3A_196 = tpu.memref_slice %arg13[%dma_start3A_190, %dma_start3A_195] : memref<25x128xi32, #tpu.memory_space<vmem>> -> memref<1x128xi32, #tpu.memory_space<vmem>>
      %dma_start3A_197 = tpu.memref_squeeze %dma_start3A_196 : memref<1x128xi32, #tpu.memory_space<vmem>> -> memref<128xi32, #tpu.memory_space<vmem>>
      %dma_start3A_198 = arith.constant 0 : i32
      %dma_start3A_199 = arith.constant 0 : i32
      %dma_start3A_200 = tpu.memref_slice %arg17[%dma_start3A_198, %dma_start3A_199] : memref<1008x64xf32, #tpu.memory_space<vmem_shared>> -> memref<1008x64xf32, #tpu.memory_space<vmem_shared>>
      tpu.enqueue_indirect_dma source(%dma_start3A_194 : memref<128x64xf32, #tpu.memory_space<vmem>>) target(%dma_start3A_200 : memref<1008x64xf32, #tpu.memory_space<vmem_shared>>) offsets(%dma_start3A_197 : memref<128xi32, #tpu.memory_space<vmem>>) semaphore(%arg25 : memref<!tpu.dma_semaphore, #tpu.memory_space<semaphore_mem>>) {add = true}
      %dma_start3A_201 = arith.constant 2 : i32
      %dma_start3A_202 = arith.constant 0 : i32
      %dma_start3A_203 = tpu.memref_slice %arg13[%dma_start3A_201, %dma_start3A_202] : memref<25x128xi32, #tpu.memory_space<vmem>> -> memref<1x128xi32, #tpu.memory_space<vmem>>
      %dma_start3A_204 = tpu.memref_squeeze %dma_start3A_203 : memref<1x128xi32, #tpu.memory_space<vmem>> -> memref<128xi32, #tpu.memory_space<vmem>>
      %dma_start3A_205 = arith.constant 0 : i32
      %dma_start3A_206 = arith.constant 0 : i32
      %dma_start3A_207 = tpu.memref_slice %arg18[%dma_start3A_205, %dma_start3A_206] : memref<1008x8xf32, #tpu.memory_space<vmem_shared>> -> memref<1008x8xf32, #tpu.memory_space<vmem_shared>>
      tpu.enqueue_indirect_dma source(%arg14 : memref<128x8xf32, #tpu.memory_space<vmem>>) target(%dma_start3A_207 : memref<1008x8xf32, #tpu.memory_space<vmem_shared>>) offsets(%dma_start3A_204 : memref<128xi32, #tpu.memory_space<vmem>>) semaphore(%arg25 : memref<!tpu.dma_semaphore, #tpu.memory_space<semaphore_mem>>) {add = true}
      %dma_wait3A_208 = arith.constant 1 : i32
      %dma_wait3A_209 = arith.constant 1 : i32
      %dma_wait3A_210 = arith.constant 0 : i32
      %dma_wait3A_211 = arith.constant 0 : i32
      %dma_wait3A_212 = tpu.memref_slice %arg12[%dma_wait3A_208, %dma_wait3A_210, %dma_wait3A_211] : memref<4x128x64xf32, #tpu.memory_space<vmem>> -> memref<1x128x64xf32, #tpu.memory_space<vmem>>
      %dma_wait3A_213 = tpu.memref_squeeze %dma_wait3A_212 : memref<1x128x64xf32, #tpu.memory_space<vmem>> -> memref<128x64xf32, #tpu.memory_space<vmem>>
      %dma_wait3A_214 = arith.constant 0 : i32
      %dma_wait3A_215 = tpu.memref_slice %arg13[%dma_wait3A_209, %dma_wait3A_214] : memref<25x128xi32, #tpu.memory_space<vmem>> -> memref<1x128xi32, #tpu.memory_space<vmem>>
      %dma_wait3A_216 = tpu.memref_squeeze %dma_wait3A_215 : memref<1x128xi32, #tpu.memory_space<vmem>> -> memref<128xi32, #tpu.memory_space<vmem>>
      %dma_wait3A_217 = arith.constant 0 : i32
      %dma_wait3A_218 = arith.constant 0 : i32
      %dma_wait3A_219 = tpu.memref_slice %arg17[%dma_wait3A_217, %dma_wait3A_218] : memref<1008x64xf32, #tpu.memory_space<vmem_shared>> -> memref<1008x64xf32, #tpu.memory_space<vmem_shared>>
      tpu.wait_indirect_dma semaphore(%arg24 : memref<!tpu.dma_semaphore, #tpu.memory_space<semaphore_mem>>) src(%dma_wait3A_213 : memref<128x64xf32, #tpu.memory_space<vmem>>) dst(%dma_wait3A_219 : memref<1008x64xf32, #tpu.memory_space<vmem_shared>>)
      %dma_wait3A_220 = arith.constant 1 : i32
      %dma_wait3A_221 = arith.constant 0 : i32
      %dma_wait3A_222 = tpu.memref_slice %arg13[%dma_wait3A_220, %dma_wait3A_221] : memref<25x128xi32, #tpu.memory_space<vmem>> -> memref<1x128xi32, #tpu.memory_space<vmem>>
      %dma_wait3A_223 = tpu.memref_squeeze %dma_wait3A_222 : memref<1x128xi32, #tpu.memory_space<vmem>> -> memref<128xi32, #tpu.memory_space<vmem>>
      %dma_wait3A_224 = arith.constant 0 : i32
      %dma_wait3A_225 = arith.constant 0 : i32
      %dma_wait3A_226 = tpu.memref_slice %arg18[%dma_wait3A_224, %dma_wait3A_225] : memref<1008x8xf32, #tpu.memory_space<vmem_shared>> -> memref<1008x8xf32, #tpu.memory_space<vmem_shared>>
      tpu.wait_indirect_dma semaphore(%arg24 : memref<!tpu.dma_semaphore, #tpu.memory_space<semaphore_mem>>) src(%arg14 : memref<128x8xf32, #tpu.memory_space<vmem>>) dst(%dma_wait3A_226 : memref<1008x8xf32, #tpu.memory_space<vmem_shared>>)
      %add3A_227 = arith.constant 640 : i32
      %add3A_228 = arith.addi %mul3A_2, %add3A_227 : i32
      %dma_start3A_229 = arith.constant 1 : i32
      %dma_start3A_230 = arith.constant 0 : i32
      %dma_start3A_231 = arith.constant 0 : i32
      %dma_start3A_232 = tpu.memref_slice %arg12[%dma_start3A_229, %dma_start3A_230, %dma_start3A_231] : memref<4x128x64xf32, #tpu.memory_space<vmem>> -> memref<1x128x64xf32, #tpu.memory_space<vmem>>
      %dma_start3A_233 = tpu.memref_squeeze %dma_start3A_232 : memref<1x128x64xf32, #tpu.memory_space<vmem>> -> memref<128x64xf32, #tpu.memory_space<vmem>>
      %dma_start3A_234 = arith.constant 0 : i32
      %dma_start3A_235 = tpu.memref_slice %arg2[%add3A_228, %dma_start3A_234] : memref<100000x64xf32, #tpu.memory_space<hbm>> -> memref<128x64xf32, #tpu.memory_space<hbm>>
      %dma_start3A_236 = arith.constant 0 : i32
      %dma_start3A_237 = arith.constant 0 : i32
      %dma_start3A_238 = tpu.memref_slice %arg12[%dma_start3A_229, %dma_start3A_236, %dma_start3A_237] : memref<4x128x64xf32, #tpu.memory_space<vmem>> -> memref<1x128x64xf32, #tpu.memory_space<vmem>>
      %dma_start3A_239 = tpu.memref_squeeze %dma_start3A_238 : memref<1x128x64xf32, #tpu.memory_space<vmem>> -> memref<128x64xf32, #tpu.memory_space<vmem>>
      %dma_start3A_240 = arith.constant 0 : i32
      %dma_start3A_241 = tpu.memref_slice %arg2[%add3A_228, %dma_start3A_240] : memref<100000x64xf32, #tpu.memory_space<hbm>> -> memref<128x64xf32, #tpu.memory_space<hbm>>
      tpu.enqueue_dma source(%dma_start3A_241 : memref<128x64xf32, #tpu.memory_space<hbm>>) target(%dma_start3A_239 : memref<128x64xf32, #tpu.memory_space<vmem>>) target_semaphore(%arg20 : memref<!tpu.dma_semaphore, #tpu.memory_space<semaphore_mem>>)
      %dma_wait3A_242 = arith.constant 3 : i32
      %dma_wait3A_243 = arith.constant 0 : i32
      %dma_wait3A_244 = arith.constant 0 : i32
      %dma_wait3A_245 = tpu.memref_slice %arg12[%dma_wait3A_242, %dma_wait3A_243, %dma_wait3A_244] : memref<4x128x64xf32, #tpu.memory_space<vmem>> -> memref<1x128x64xf32, #tpu.memory_space<vmem>>
      %dma_wait3A_246 = tpu.memref_squeeze %dma_wait3A_245 : memref<1x128x64xf32, #tpu.memory_space<vmem>> -> memref<128x64xf32, #tpu.memory_space<vmem>>
      %dma_wait3A_247 = arith.constant 0 : i32
      %dma_wait3A_248 = tpu.memref_slice %arg2[%add3A_96, %dma_wait3A_247] : memref<100000x64xf32, #tpu.memory_space<hbm>> -> memref<128x64xf32, #tpu.memory_space<hbm>>
      %dma_wait3A_249 = arith.constant 0 : i32
      %dma_wait3A_250 = arith.constant 0 : i32
      %dma_wait3A_251 = tpu.memref_slice %arg12[%dma_wait3A_242, %dma_wait3A_249, %dma_wait3A_250] : memref<4x128x64xf32, #tpu.memory_space<vmem>> -> memref<1x128x64xf32, #tpu.memory_space<vmem>>
      %dma_wait3A_252 = tpu.memref_squeeze %dma_wait3A_251 : memref<1x128x64xf32, #tpu.memory_space<vmem>> -> memref<128x64xf32, #tpu.memory_space<vmem>>
      %dma_wait3A_253 = arith.constant 0 : i32
      %dma_wait3A_254 = tpu.memref_slice %arg2[%add3A_96, %dma_wait3A_253] : memref<100000x64xf32, #tpu.memory_space<hbm>> -> memref<128x64xf32, #tpu.memory_space<hbm>>
      tpu.wait_dma2 semaphore(%arg22 : memref<!tpu.dma_semaphore, #tpu.memory_space<semaphore_mem>>) src(%dma_wait3A_254 : memref<128x64xf32, #tpu.memory_space<hbm>>) dst(%dma_wait3A_252 : memref<128x64xf32, #tpu.memory_space<vmem>>)
      %dma_start3A_255 = arith.constant 3 : i32
      %dma_start3A_256 = arith.constant 3 : i32
      %dma_start3A_257 = arith.constant 0 : i32
      %dma_start3A_258 = arith.constant 0 : i32
      %dma_start3A_259 = tpu.memref_slice %arg12[%dma_start3A_255, %dma_start3A_257, %dma_start3A_258] : memref<4x128x64xf32, #tpu.memory_space<vmem>> -> memref<1x128x64xf32, #tpu.memory_space<vmem>>
      %dma_start3A_260 = tpu.memref_squeeze %dma_start3A_259 : memref<1x128x64xf32, #tpu.memory_space<vmem>> -> memref<128x64xf32, #tpu.memory_space<vmem>>
      %dma_start3A_261 = arith.constant 0 : i32
      %dma_start3A_262 = tpu.memref_slice %arg13[%dma_start3A_256, %dma_start3A_261] : memref<25x128xi32, #tpu.memory_space<vmem>> -> memref<1x128xi32, #tpu.memory_space<vmem>>
      %dma_start3A_263 = tpu.memref_squeeze %dma_start3A_262 : memref<1x128xi32, #tpu.memory_space<vmem>> -> memref<128xi32, #tpu.memory_space<vmem>>
      %dma_start3A_264 = arith.constant 0 : i32
      %dma_start3A_265 = arith.constant 0 : i32
      %dma_start3A_266 = tpu.memref_slice %arg17[%dma_start3A_264, %dma_start3A_265] : memref<1008x64xf32, #tpu.memory_space<vmem_shared>> -> memref<1008x64xf32, #tpu.memory_space<vmem_shared>>
      tpu.enqueue_indirect_dma source(%dma_start3A_260 : memref<128x64xf32, #tpu.memory_space<vmem>>) target(%dma_start3A_266 : memref<1008x64xf32, #tpu.memory_space<vmem_shared>>) offsets(%dma_start3A_263 : memref<128xi32, #tpu.memory_space<vmem>>) semaphore(%arg26 : memref<!tpu.dma_semaphore, #tpu.memory_space<semaphore_mem>>) {add = true}
      %dma_start3A_267 = arith.constant 3 : i32
      %dma_start3A_268 = arith.constant 0 : i32
      %dma_start3A_269 = tpu.memref_slice %arg13[%dma_start3A_267, %dma_start3A_268] : memref<25x128xi32, #tpu.memory_space<vmem>> -> memref<1x128xi32, #tpu.memory_space<vmem>>
      %dma_start3A_270 = tpu.memref_squeeze %dma_start3A_269 : memref<1x128xi32, #tpu.memory_space<vmem>> -> memref<128xi32, #tpu.memory_space<vmem>>
      %dma_start3A_271 = arith.constant 0 : i32
      %dma_start3A_272 = arith.constant 0 : i32
      %dma_start3A_273 = tpu.memref_slice %arg18[%dma_start3A_271, %dma_start3A_272] : memref<1008x8xf32, #tpu.memory_space<vmem_shared>> -> memref<1008x8xf32, #tpu.memory_space<vmem_shared>>
      tpu.enqueue_indirect_dma source(%arg14 : memref<128x8xf32, #tpu.memory_space<vmem>>) target(%dma_start3A_273 : memref<1008x8xf32, #tpu.memory_space<vmem_shared>>) offsets(%dma_start3A_270 : memref<128xi32, #tpu.memory_space<vmem>>) semaphore(%arg26 : memref<!tpu.dma_semaphore, #tpu.memory_space<semaphore_mem>>) {add = true}
      %dma_wait3A_274 = arith.constant 2 : i32
      %dma_wait3A_275 = arith.constant 2 : i32
      %dma_wait3A_276 = arith.constant 0 : i32
      %dma_wait3A_277 = arith.constant 0 : i32
      %dma_wait3A_278 = tpu.memref_slice %arg12[%dma_wait3A_274, %dma_wait3A_276, %dma_wait3A_277] : memref<4x128x64xf32, #tpu.memory_space<vmem>> -> memref<1x128x64xf32, #tpu.memory_space<vmem>>
      %dma_wait3A_279 = tpu.memref_squeeze %dma_wait3A_278 : memref<1x128x64xf32, #tpu.memory_space<vmem>> -> memref<128x64xf32, #tpu.memory_space<vmem>>
      %dma_wait3A_280 = arith.constant 0 : i32
      %dma_wait3A_281 = tpu.memref_slice %arg13[%dma_wait3A_275, %dma_wait3A_280] : memref<25x128xi32, #tpu.memory_space<vmem>> -> memref<1x128xi32, #tpu.memory_space<vmem>>
      %dma_wait3A_282 = tpu.memref_squeeze %dma_wait3A_281 : memref<1x128xi32, #tpu.memory_space<vmem>> -> memref<128xi32, #tpu.memory_space<vmem>>
      %dma_wait3A_283 = arith.constant 0 : i32
      %dma_wait3A_284 = arith.constant 0 : i32
      %dma_wait3A_285 = tpu.memref_slice %arg17[%dma_wait3A_283, %dma_wait3A_284] : memref<1008x64xf32, #tpu.memory_space<vmem_shared>> -> memref<1008x64xf32, #tpu.memory_space<vmem_shared>>
      tpu.wait_indirect_dma semaphore(%arg25 : memref<!tpu.dma_semaphore, #tpu.memory_space<semaphore_mem>>) src(%dma_wait3A_279 : memref<128x64xf32, #tpu.memory_space<vmem>>) dst(%dma_wait3A_285 : memref<1008x64xf32, #tpu.memory_space<vmem_shared>>)
      %dma_wait3A_286 = arith.constant 2 : i32
      %dma_wait3A_287 = arith.constant 0 : i32
      %dma_wait3A_288 = tpu.memref_slice %arg13[%dma_wait3A_286, %dma_wait3A_287] : memref<25x128xi32, #tpu.memory_space<vmem>> -> memref<1x128xi32, #tpu.memory_space<vmem>>
      %dma_wait3A_289 = tpu.memref_squeeze %dma_wait3A_288 : memref<1x128xi32, #tpu.memory_space<vmem>> -> memref<128xi32, #tpu.memory_space<vmem>>
      %dma_wait3A_290 = arith.constant 0 : i32
      %dma_wait3A_291 = arith.constant 0 : i32
      %dma_wait3A_292 = tpu.memref_slice %arg18[%dma_wait3A_290, %dma_wait3A_291] : memref<1008x8xf32, #tpu.memory_space<vmem_shared>> -> memref<1008x8xf32, #tpu.memory_space<vmem_shared>>
      tpu.wait_indirect_dma semaphore(%arg25 : memref<!tpu.dma_semaphore, #tpu.memory_space<semaphore_mem>>) src(%arg14 : memref<128x8xf32, #tpu.memory_space<vmem>>) dst(%dma_wait3A_292 : memref<1008x8xf32, #tpu.memory_space<vmem_shared>>)
      %add3A_293 = arith.constant 768 : i32
      %add3A_294 = arith.addi %mul3A_2, %add3A_293 : i32
      %dma_start3A_295 = arith.constant 2 : i32
      %dma_start3A_296 = arith.constant 0 : i32
      %dma_start3A_297 = arith.constant 0 : i32
      %dma_start3A_298 = tpu.memref_slice %arg12[%dma_start3A_295, %dma_start3A_296, %dma_start3A_297] : memref<4x128x64xf32, #tpu.memory_space<vmem>> -> memref<1x128x64xf32, #tpu.memory_space<vmem>>
      %dma_start3A_299 = tpu.memref_squeeze %dma_start3A_298 : memref<1x128x64xf32, #tpu.memory_space<vmem>> -> memref<128x64xf32, #tpu.memory_space<vmem>>
      %dma_start3A_300 = arith.constant 0 : i32
      %dma_start3A_301 = tpu.memref_slice %arg2[%add3A_294, %dma_start3A_300] : memref<100000x64xf32, #tpu.memory_space<hbm>> -> memref<128x64xf32, #tpu.memory_space<hbm>>
      %dma_start3A_302 = arith.constant 0 : i32
      %dma_start3A_303 = arith.constant 0 : i32
      %dma_start3A_304 = tpu.memref_slice %arg12[%dma_start3A_295, %dma_start3A_302, %dma_start3A_303] : memref<4x128x64xf32, #tpu.memory_space<vmem>> -> memref<1x128x64xf32, #tpu.memory_space<vmem>>
      %dma_start3A_305 = tpu.memref_squeeze %dma_start3A_304 : memref<1x128x64xf32, #tpu.memory_space<vmem>> -> memref<128x64xf32, #tpu.memory_space<vmem>>
      %dma_start3A_306 = arith.constant 0 : i32
      %dma_start3A_307 = tpu.memref_slice %arg2[%add3A_294, %dma_start3A_306] : memref<100000x64xf32, #tpu.memory_space<hbm>> -> memref<128x64xf32, #tpu.memory_space<hbm>>
      tpu.enqueue_dma source(%dma_start3A_307 : memref<128x64xf32, #tpu.memory_space<hbm>>) target(%dma_start3A_305 : memref<128x64xf32, #tpu.memory_space<vmem>>) target_semaphore(%arg21 : memref<!tpu.dma_semaphore, #tpu.memory_space<semaphore_mem>>)
      %dma_wait3A_308 = arith.constant 0 : i32
      %dma_wait3A_309 = arith.constant 0 : i32
      %dma_wait3A_310 = arith.constant 0 : i32
      %dma_wait3A_311 = tpu.memref_slice %arg12[%dma_wait3A_308, %dma_wait3A_309, %dma_wait3A_310] : memref<4x128x64xf32, #tpu.memory_space<vmem>> -> memref<1x128x64xf32, #tpu.memory_space<vmem>>
      %dma_wait3A_312 = tpu.memref_squeeze %dma_wait3A_311 : memref<1x128x64xf32, #tpu.memory_space<vmem>> -> memref<128x64xf32, #tpu.memory_space<vmem>>
      %dma_wait3A_313 = arith.constant 0 : i32
      %dma_wait3A_314 = tpu.memref_slice %arg2[%add3A_162, %dma_wait3A_313] : memref<100000x64xf32, #tpu.memory_space<hbm>> -> memref<128x64xf32, #tpu.memory_space<hbm>>
      %dma_wait3A_315 = arith.constant 0 : i32
      %dma_wait3A_316 = arith.constant 0 : i32
      %dma_wait3A_317 = tpu.memref_slice %arg12[%dma_wait3A_308, %dma_wait3A_315, %dma_wait3A_316] : memref<4x128x64xf32, #tpu.memory_space<vmem>> -> memref<1x128x64xf32, #tpu.memory_space<vmem>>
      %dma_wait3A_318 = tpu.memref_squeeze %dma_wait3A_317 : memref<1x128x64xf32, #tpu.memory_space<vmem>> -> memref<128x64xf32, #tpu.memory_space<vmem>>
      %dma_wait3A_319 = arith.constant 0 : i32
      %dma_wait3A_320 = tpu.memref_slice %arg2[%add3A_162, %dma_wait3A_319] : memref<100000x64xf32, #tpu.memory_space<hbm>> -> memref<128x64xf32, #tpu.memory_space<hbm>>
      tpu.wait_dma2 semaphore(%arg19 : memref<!tpu.dma_semaphore, #tpu.memory_space<semaphore_mem>>) src(%dma_wait3A_320 : memref<128x64xf32, #tpu.memory_space<hbm>>) dst(%dma_wait3A_318 : memref<128x64xf32, #tpu.memory_space<vmem>>)
      %dma_start3A_321 = arith.constant 0 : i32
      %dma_start3A_322 = arith.constant 4 : i32
      %dma_start3A_323 = arith.constant 0 : i32
      %dma_start3A_324 = arith.constant 0 : i32
      %dma_start3A_325 = tpu.memref_slice %arg12[%dma_start3A_321, %dma_start3A_323, %dma_start3A_324] : memref<4x128x64xf32, #tpu.memory_space<vmem>> -> memref<1x128x64xf32, #tpu.memory_space<vmem>>
      %dma_start3A_326 = tpu.memref_squeeze %dma_start3A_325 : memref<1x128x64xf32, #tpu.memory_space<vmem>> -> memref<128x64xf32, #tpu.memory_space<vmem>>
      %dma_start3A_327 = arith.constant 0 : i32
      %dma_start3A_328 = tpu.memref_slice %arg13[%dma_start3A_322, %dma_start3A_327] : memref<25x128xi32, #tpu.memory_space<vmem>> -> memref<1x128xi32, #tpu.memory_space<vmem>>
      %dma_start3A_329 = tpu.memref_squeeze %dma_start3A_328 : memref<1x128xi32, #tpu.memory_space<vmem>> -> memref<128xi32, #tpu.memory_space<vmem>>
      %dma_start3A_330 = arith.constant 0 : i32
      %dma_start3A_331 = arith.constant 0 : i32
      %dma_start3A_332 = tpu.memref_slice %arg17[%dma_start3A_330, %dma_start3A_331] : memref<1008x64xf32, #tpu.memory_space<vmem_shared>> -> memref<1008x64xf32, #tpu.memory_space<vmem_shared>>
      tpu.enqueue_indirect_dma source(%dma_start3A_326 : memref<128x64xf32, #tpu.memory_space<vmem>>) target(%dma_start3A_332 : memref<1008x64xf32, #tpu.memory_space<vmem_shared>>) offsets(%dma_start3A_329 : memref<128xi32, #tpu.memory_space<vmem>>) semaphore(%arg23 : memref<!tpu.dma_semaphore, #tpu.memory_space<semaphore_mem>>) {add = true}
      %dma_start3A_333 = arith.constant 4 : i32
      %dma_start3A_334 = arith.constant 0 : i32
      %dma_start3A_335 = tpu.memref_slice %arg13[%dma_start3A_333, %dma_start3A_334] : memref<25x128xi32, #tpu.memory_space<vmem>> -> memref<1x128xi32, #tpu.memory_space<vmem>>
      %dma_start3A_336 = tpu.memref_squeeze %dma_start3A_335 : memref<1x128xi32, #tpu.memory_space<vmem>> -> memref<128xi32, #tpu.memory_space<vmem>>
      %dma_start3A_337 = arith.constant 0 : i32
      %dma_start3A_338 = arith.constant 0 : i32
      %dma_start3A_339 = tpu.memref_slice %arg18[%dma_start3A_337, %dma_start3A_338] : memref<1008x8xf32, #tpu.memory_space<vmem_shared>> -> memref<1008x8xf32, #tpu.memory_space<vmem_shared>>
      tpu.enqueue_indirect_dma source(%arg14 : memref<128x8xf32, #tpu.memory_space<vmem>>) target(%dma_start3A_339 : memref<1008x8xf32, #tpu.memory_space<vmem_shared>>) offsets(%dma_start3A_336 : memref<128xi32, #tpu.memory_space<vmem>>) semaphore(%arg23 : memref<!tpu.dma_semaphore, #tpu.memory_space<semaphore_mem>>) {add = true}
      %dma_wait3A_340 = arith.constant 3 : i32
      %dma_wait3A_341 = arith.constant 3 : i32
      %dma_wait3A_342 = arith.constant 0 : i32
      %dma_wait3A_343 = arith.constant 0 : i32
      %dma_wait3A_344 = tpu.memref_slice %arg12[%dma_wait3A_340, %dma_wait3A_342, %dma_wait3A_343] : memref<4x128x64xf32, #tpu.memory_space<vmem>> -> memref<1x128x64xf32, #tpu.memory_space<vmem>>
      %dma_wait3A_345 = tpu.memref_squeeze %dma_wait3A_344 : memref<1x128x64xf32, #tpu.memory_space<vmem>> -> memref<128x64xf32, #tpu.memory_space<vmem>>
      %dma_wait3A_346 = arith.constant 0 : i32
      %dma_wait3A_347 = tpu.memref_slice %arg13[%dma_wait3A_341, %dma_wait3A_346] : memref<25x128xi32, #tpu.memory_space<vmem>> -> memref<1x128xi32, #tpu.memory_space<vmem>>
      %dma_wait3A_348 = tpu.memref_squeeze %dma_wait3A_347 : memref<1x128xi32, #tpu.memory_space<vmem>> -> memref<128xi32, #tpu.memory_space<vmem>>
      %dma_wait3A_349 = arith.constant 0 : i32
      %dma_wait3A_350 = arith.constant 0 : i32
      %dma_wait3A_351 = tpu.memref_slice %arg17[%dma_wait3A_349, %dma_wait3A_350] : memref<1008x64xf32, #tpu.memory_space<vmem_shared>> -> memref<1008x64xf32, #tpu.memory_space<vmem_shared>>
      tpu.wait_indirect_dma semaphore(%arg26 : memref<!tpu.dma_semaphore, #tpu.memory_space<semaphore_mem>>) src(%dma_wait3A_345 : memref<128x64xf32, #tpu.memory_space<vmem>>) dst(%dma_wait3A_351 : memref<1008x64xf32, #tpu.memory_space<vmem_shared>>)
      %dma_wait3A_352 = arith.constant 3 : i32
      %dma_wait3A_353 = arith.constant 0 : i32
      %dma_wait3A_354 = tpu.memref_slice %arg13[%dma_wait3A_352, %dma_wait3A_353] : memref<25x128xi32, #tpu.memory_space<vmem>> -> memref<1x128xi32, #tpu.memory_space<vmem>>
      %dma_wait3A_355 = tpu.memref_squeeze %dma_wait3A_354 : memref<1x128xi32, #tpu.memory_space<vmem>> -> memref<128xi32, #tpu.memory_space<vmem>>
      %dma_wait3A_356 = arith.constant 0 : i32
      %dma_wait3A_357 = arith.constant 0 : i32
      %dma_wait3A_358 = tpu.memref_slice %arg18[%dma_wait3A_356, %dma_wait3A_357] : memref<1008x8xf32, #tpu.memory_space<vmem_shared>> -> memref<1008x8xf32, #tpu.memory_space<vmem_shared>>
      tpu.wait_indirect_dma semaphore(%arg26 : memref<!tpu.dma_semaphore, #tpu.memory_space<semaphore_mem>>) src(%arg14 : memref<128x8xf32, #tpu.memory_space<vmem>>) dst(%dma_wait3A_358 : memref<1008x8xf32, #tpu.memory_space<vmem_shared>>)
      %add3A_359 = arith.constant 896 : i32
      %add3A_360 = arith.addi %mul3A_2, %add3A_359 : i32
      %dma_start3A_361 = arith.constant 3 : i32
      %dma_start3A_362 = arith.constant 0 : i32
      %dma_start3A_363 = arith.constant 0 : i32
      %dma_start3A_364 = tpu.memref_slice %arg12[%dma_start3A_361, %dma_start3A_362, %dma_start3A_363] : memref<4x128x64xf32, #tpu.memory_space<vmem>> -> memref<1x128x64xf32, #tpu.memory_space<vmem>>
      %dma_start3A_365 = tpu.memref_squeeze %dma_start3A_364 : memref<1x128x64xf32, #tpu.memory_space<vmem>> -> memref<128x64xf32, #tpu.memory_space<vmem>>
      %dma_start3A_366 = arith.constant 0 : i32
      %dma_start3A_367 = tpu.memref_slice %arg2[%add3A_360, %dma_start3A_366] : memref<100000x64xf32, #tpu.memory_space<hbm>> -> memref<128x64xf32, #tpu.memory_space<hbm>>
      %dma_start3A_368 = arith.constant 0 : i32
      %dma_start3A_369 = arith.constant 0 : i32
      %dma_start3A_370 = tpu.memref_slice %arg12[%dma_start3A_361, %dma_start3A_368, %dma_start3A_369] : memref<4x128x64xf32, #tpu.memory_space<vmem>> -> memref<1x128x64xf32, #tpu.memory_space<vmem>>
      %dma_start3A_371 = tpu.memref_squeeze %dma_start3A_370 : memref<1x128x64xf32, #tpu.memory_space<vmem>> -> memref<128x64xf32, #tpu.memory_space<vmem>>
      %dma_start3A_372 = arith.constant 0 : i32
      %dma_start3A_373 = tpu.memref_slice %arg2[%add3A_360, %dma_start3A_372] : memref<100000x64xf32, #tpu.memory_space<hbm>> -> memref<128x64xf32, #tpu.memory_space<hbm>>
      tpu.enqueue_dma source(%dma_start3A_373 : memref<128x64xf32, #tpu.memory_space<hbm>>) target(%dma_start3A_371 : memref<128x64xf32, #tpu.memory_space<vmem>>) target_semaphore(%arg22 : memref<!tpu.dma_semaphore, #tpu.memory_space<semaphore_mem>>)
      %dma_wait3A_374 = arith.constant 1 : i32
      %dma_wait3A_375 = arith.constant 0 : i32
      %dma_wait3A_376 = arith.constant 0 : i32
      %dma_wait3A_377 = tpu.memref_slice %arg12[%dma_wait3A_374, %dma_wait3A_375, %dma_wait3A_376] : memref<4x128x64xf32, #tpu.memory_space<vmem>> -> memref<1x128x64xf32, #tpu.memory_space<vmem>>
      %dma_wait3A_378 = tpu.memref_squeeze %dma_wait3A_377 : memref<1x128x64xf32, #tpu.memory_space<vmem>> -> memref<128x64xf32, #tpu.memory_space<vmem>>
      %dma_wait3A_379 = arith.constant 0 : i32
      %dma_wait3A_380 = tpu.memref_slice %arg2[%add3A_228, %dma_wait3A_379] : memref<100000x64xf32, #tpu.memory_space<hbm>> -> memref<128x64xf32, #tpu.memory_space<hbm>>
      %dma_wait3A_381 = arith.constant 0 : i32
      %dma_wait3A_382 = arith.constant 0 : i32
      %dma_wait3A_383 = tpu.memref_slice %arg12[%dma_wait3A_374, %dma_wait3A_381, %dma_wait3A_382] : memref<4x128x64xf32, #tpu.memory_space<vmem>> -> memref<1x128x64xf32, #tpu.memory_space<vmem>>
      %dma_wait3A_384 = tpu.memref_squeeze %dma_wait3A_383 : memref<1x128x64xf32, #tpu.memory_space<vmem>> -> memref<128x64xf32, #tpu.memory_space<vmem>>
      %dma_wait3A_385 = arith.constant 0 : i32
      %dma_wait3A_386 = tpu.memref_slice %arg2[%add3A_228, %dma_wait3A_385] : memref<100000x64xf32, #tpu.memory_space<hbm>> -> memref<128x64xf32, #tpu.memory_space<hbm>>
      tpu.wait_dma2 semaphore(%arg20 : memref<!tpu.dma_semaphore, #tpu.memory_space<semaphore_mem>>) src(%dma_wait3A_386 : memref<128x64xf32, #tpu.memory_space<hbm>>) dst(%dma_wait3A_384 : memref<128x64xf32, #tpu.memory_space<vmem>>)
      %dma_start3A_387 = arith.constant 1 : i32
      %dma_start3A_388 = arith.constant 5 : i32
      %dma_start3A_389 = arith.constant 0 : i32
      %dma_start3A_390 = arith.constant 0 : i32
      %dma_start3A_391 = tpu.memref_slice %arg12[%dma_start3A_387, %dma_start3A_389, %dma_start3A_390] : memref<4x128x64xf32, #tpu.memory_space<vmem>> -> memref<1x128x64xf32, #tpu.memory_space<vmem>>
      %dma_start3A_392 = tpu.memref_squeeze %dma_start3A_391 : memref<1x128x64xf32, #tpu.memory_space<vmem>> -> memref<128x64xf32, #tpu.memory_space<vmem>>
      %dma_start3A_393 = arith.constant 0 : i32
      %dma_start3A_394 = tpu.memref_slice %arg13[%dma_start3A_388, %dma_start3A_393] : memref<25x128xi32, #tpu.memory_space<vmem>> -> memref<1x128xi32, #tpu.memory_space<vmem>>
      %dma_start3A_395 = tpu.memref_squeeze %dma_start3A_394 : memref<1x128xi32, #tpu.memory_space<vmem>> -> memref<128xi32, #tpu.memory_space<vmem>>
      %dma_start3A_396 = arith.constant 0 : i32
      %dma_start3A_397 = arith.constant 0 : i32
      %dma_start3A_398 = tpu.memref_slice %arg17[%dma_start3A_396, %dma_start3A_397] : memref<1008x64xf32, #tpu.memory_space<vmem_shared>> -> memref<1008x64xf32, #tpu.memory_space<vmem_shared>>
      tpu.enqueue_indirect_dma source(%dma_start3A_392 : memref<128x64xf32, #tpu.memory_space<vmem>>) target(%dma_start3A_398 : memref<1008x64xf32, #tpu.memory_space<vmem_shared>>) offsets(%dma_start3A_395 : memref<128xi32, #tpu.memory_space<vmem>>) semaphore(%arg24 : memref<!tpu.dma_semaphore, #tpu.memory_space<semaphore_mem>>) {add = true}
      %dma_start3A_399 = arith.constant 5 : i32
      %dma_start3A_400 = arith.constant 0 : i32
      %dma_start3A_401 = tpu.memref_slice %arg13[%dma_start3A_399, %dma_start3A_400] : memref<25x128xi32, #tpu.memory_space<vmem>> -> memref<1x128xi32, #tpu.memory_space<vmem>>
      %dma_start3A_402 = tpu.memref_squeeze %dma_start3A_401 : memref<1x128xi32, #tpu.memory_space<vmem>> -> memref<128xi32, #tpu.memory_space<vmem>>
      %dma_start3A_403 = arith.constant 0 : i32
      %dma_start3A_404 = arith.constant 0 : i32
      %dma_start3A_405 = tpu.memref_slice %arg18[%dma_start3A_403, %dma_start3A_404] : memref<1008x8xf32, #tpu.memory_space<vmem_shared>> -> memref<1008x8xf32, #tpu.memory_space<vmem_shared>>
      tpu.enqueue_indirect_dma source(%arg14 : memref<128x8xf32, #tpu.memory_space<vmem>>) target(%dma_start3A_405 : memref<1008x8xf32, #tpu.memory_space<vmem_shared>>) offsets(%dma_start3A_402 : memref<128xi32, #tpu.memory_space<vmem>>) semaphore(%arg24 : memref<!tpu.dma_semaphore, #tpu.memory_space<semaphore_mem>>) {add = true}
      %dma_wait3A_406 = arith.constant 0 : i32
      %dma_wait3A_407 = arith.constant 4 : i32
      %dma_wait3A_408 = arith.constant 0 : i32
      %dma_wait3A_409 = arith.constant 0 : i32
      %dma_wait3A_410 = tpu.memref_slice %arg12[%dma_wait3A_406, %dma_wait3A_408, %dma_wait3A_409] : memref<4x128x64xf32, #tpu.memory_space<vmem>> -> memref<1x128x64xf32, #tpu.memory_space<vmem>>
      %dma_wait3A_411 = tpu.memref_squeeze %dma_wait3A_410 : memref<1x128x64xf32, #tpu.memory_space<vmem>> -> memref<128x64xf32, #tpu.memory_space<vmem>>
      %dma_wait3A_412 = arith.constant 0 : i32
      %dma_wait3A_413 = tpu.memref_slice %arg13[%dma_wait3A_407, %dma_wait3A_412] : memref<25x128xi32, #tpu.memory_space<vmem>> -> memref<1x128xi32, #tpu.memory_space<vmem>>
      %dma_wait3A_414 = tpu.memref_squeeze %dma_wait3A_413 : memref<1x128xi32, #tpu.memory_space<vmem>> -> memref<128xi32, #tpu.memory_space<vmem>>
      %dma_wait3A_415 = arith.constant 0 : i32
      %dma_wait3A_416 = arith.constant 0 : i32
      %dma_wait3A_417 = tpu.memref_slice %arg17[%dma_wait3A_415, %dma_wait3A_416] : memref<1008x64xf32, #tpu.memory_space<vmem_shared>> -> memref<1008x64xf32, #tpu.memory_space<vmem_shared>>
      tpu.wait_indirect_dma semaphore(%arg23 : memref<!tpu.dma_semaphore, #tpu.memory_space<semaphore_mem>>) src(%dma_wait3A_411 : memref<128x64xf32, #tpu.memory_space<vmem>>) dst(%dma_wait3A_417 : memref<1008x64xf32, #tpu.memory_space<vmem_shared>>)
      %dma_wait3A_418 = arith.constant 4 : i32
      %dma_wait3A_419 = arith.constant 0 : i32
      %dma_wait3A_420 = tpu.memref_slice %arg13[%dma_wait3A_418, %dma_wait3A_419] : memref<25x128xi32, #tpu.memory_space<vmem>> -> memref<1x128xi32, #tpu.memory_space<vmem>>
      %dma_wait3A_421 = tpu.memref_squeeze %dma_wait3A_420 : memref<1x128xi32, #tpu.memory_space<vmem>> -> memref<128xi32, #tpu.memory_space<vmem>>
      %dma_wait3A_422 = arith.constant 0 : i32
      %dma_wait3A_423 = arith.constant 0 : i32
      %dma_wait3A_424 = tpu.memref_slice %arg18[%dma_wait3A_422, %dma_wait3A_423] : memref<1008x8xf32, #tpu.memory_space<vmem_shared>> -> memref<1008x8xf32, #tpu.memory_space<vmem_shared>>
      tpu.wait_indirect_dma semaphore(%arg23 : memref<!tpu.dma_semaphore, #tpu.memory_space<semaphore_mem>>) src(%arg14 : memref<128x8xf32, #tpu.memory_space<vmem>>) dst(%dma_wait3A_424 : memref<1008x8xf32, #tpu.memory_space<vmem_shared>>)
      %add3A_425 = arith.constant 1024 : i32
      %add3A_426 = arith.addi %mul3A_2, %add3A_425 : i32
      %dma_start3A_427 = arith.constant 0 : i32
      %dma_start3A_428 = arith.constant 0 : i32
      %dma_start3A_429 = arith.constant 0 : i32
      %dma_start3A_430 = tpu.memref_slice %arg12[%dma_start3A_427, %dma_start3A_428, %dma_start3A_429] : memref<4x128x64xf32, #tpu.memory_space<vmem>> -> memref<1x128x64xf32, #tpu.memory_space<vmem>>
      %dma_start3A_431 = tpu.memref_squeeze %dma_start3A_430 : memref<1x128x64xf32, #tpu.memory_space<vmem>> -> memref<128x64xf32, #tpu.memory_space<vmem>>
      %dma_start3A_432 = arith.constant 0 : i32
      %dma_start3A_433 = tpu.memref_slice %arg2[%add3A_426, %dma_start3A_432] : memref<100000x64xf32, #tpu.memory_space<hbm>> -> memref<128x64xf32, #tpu.memory_space<hbm>>
      %dma_start3A_434 = arith.constant 0 : i32
      %dma_start3A_435 = arith.constant 0 : i32
      %dma_start3A_436 = tpu.memref_slice %arg12[%dma_start3A_427, %dma_start3A_434, %dma_start3A_435] : memref<4x128x64xf32, #tpu.memory_space<vmem>> -> memref<1x128x64xf32, #tpu.memory_space<vmem>>
      %dma_start3A_437 = tpu.memref_squeeze %dma_start3A_436 : memref<1x128x64xf32, #tpu.memory_space<vmem>> -> memref<128x64xf32, #tpu.memory_space<vmem>>
      %dma_start3A_438 = arith.constant 0 : i32
      %dma_start3A_439 = tpu.memref_slice %arg2[%add3A_426, %dma_start3A_438] : memref<100000x64xf32, #tpu.memory_space<hbm>> -> memref<128x64xf32, #tpu.memory_space<hbm>>
      tpu.enqueue_dma source(%dma_start3A_439 : memref<128x64xf32, #tpu.memory_space<hbm>>) target(%dma_start3A_437 : memref<128x64xf32, #tpu.memory_space<vmem>>) target_semaphore(%arg19 : memref<!tpu.dma_semaphore, #tpu.memory_space<semaphore_mem>>)
      %dma_wait3A_440 = arith.constant 2 : i32
      %dma_wait3A_441 = arith.constant 0 : i32
      %dma_wait3A_442 = arith.constant 0 : i32
      %dma_wait3A_443 = tpu.memref_slice %arg12[%dma_wait3A_440, %dma_wait3A_441, %dma_wait3A_442] : memref<4x128x64xf32, #tpu.memory_space<vmem>> -> memref<1x128x64xf32, #tpu.memory_space<vmem>>
      %dma_wait3A_444 = tpu.memref_squeeze %dma_wait3A_443 : memref<1x128x64xf32, #tpu.memory_space<vmem>> -> memref<128x64xf32, #tpu.memory_space<vmem>>
      %dma_wait3A_445 = arith.constant 0 : i32
      %dma_wait3A_446 = tpu.memref_slice %arg2[%add3A_294, %dma_wait3A_445] : memref<100000x64xf32, #tpu.memory_space<hbm>> -> memref<128x64xf32, #tpu.memory_space<hbm>>
      %dma_wait3A_447 = arith.constant 0 : i32
      %dma_wait3A_448 = arith.constant 0 : i32
      %dma_wait3A_449 = tpu.memref_slice %arg12[%dma_wait3A_440, %dma_wait3A_447, %dma_wait3A_448] : memref<4x128x64xf32, #tpu.memory_space<vmem>> -> memref<1x128x64xf32, #tpu.memory_space<vmem>>
      %dma_wait3A_450 = tpu.memref_squeeze %dma_wait3A_449 : memref<1x128x64xf32, #tpu.memory_space<vmem>> -> memref<128x64xf32, #tpu.memory_space<vmem>>
      %dma_wait3A_451 = arith.constant 0 : i32
      %dma_wait3A_452 = tpu.memref_slice %arg2[%add3A_294, %dma_wait3A_451] : memref<100000x64xf32, #tpu.memory_space<hbm>> -> memref<128x64xf32, #tpu.memory_space<hbm>>
      tpu.wait_dma2 semaphore(%arg21 : memref<!tpu.dma_semaphore, #tpu.memory_space<semaphore_mem>>) src(%dma_wait3A_452 : memref<128x64xf32, #tpu.memory_space<hbm>>) dst(%dma_wait3A_450 : memref<128x64xf32, #tpu.memory_space<vmem>>)
      %dma_start3A_453 = arith.constant 2 : i32
      %dma_start3A_454 = arith.constant 6 : i32
      %dma_start3A_455 = arith.constant 0 : i32
      %dma_start3A_456 = arith.constant 0 : i32
      %dma_start3A_457 = tpu.memref_slice %arg12[%dma_start3A_453, %dma_start3A_455, %dma_start3A_456] : memref<4x128x64xf32, #tpu.memory_space<vmem>> -> memref<1x128x64xf32, #tpu.memory_space<vmem>>
      %dma_start3A_458 = tpu.memref_squeeze %dma_start3A_457 : memref<1x128x64xf32, #tpu.memory_space<vmem>> -> memref<128x64xf32, #tpu.memory_space<vmem>>
      %dma_start3A_459 = arith.constant 0 : i32
      %dma_start3A_460 = tpu.memref_slice %arg13[%dma_start3A_454, %dma_start3A_459] : memref<25x128xi32, #tpu.memory_space<vmem>> -> memref<1x128xi32, #tpu.memory_space<vmem>>
      %dma_start3A_461 = tpu.memref_squeeze %dma_start3A_460 : memref<1x128xi32, #tpu.memory_space<vmem>> -> memref<128xi32, #tpu.memory_space<vmem>>
      %dma_start3A_462 = arith.constant 0 : i32
      %dma_start3A_463 = arith.constant 0 : i32
      %dma_start3A_464 = tpu.memref_slice %arg17[%dma_start3A_462, %dma_start3A_463] : memref<1008x64xf32, #tpu.memory_space<vmem_shared>> -> memref<1008x64xf32, #tpu.memory_space<vmem_shared>>
      tpu.enqueue_indirect_dma source(%dma_start3A_458 : memref<128x64xf32, #tpu.memory_space<vmem>>) target(%dma_start3A_464 : memref<1008x64xf32, #tpu.memory_space<vmem_shared>>) offsets(%dma_start3A_461 : memref<128xi32, #tpu.memory_space<vmem>>) semaphore(%arg25 : memref<!tpu.dma_semaphore, #tpu.memory_space<semaphore_mem>>) {add = true}
      %dma_start3A_465 = arith.constant 6 : i32
      %dma_start3A_466 = arith.constant 0 : i32
      %dma_start3A_467 = tpu.memref_slice %arg13[%dma_start3A_465, %dma_start3A_466] : memref<25x128xi32, #tpu.memory_space<vmem>> -> memref<1x128xi32, #tpu.memory_space<vmem>>
      %dma_start3A_468 = tpu.memref_squeeze %dma_start3A_467 : memref<1x128xi32, #tpu.memory_space<vmem>> -> memref<128xi32, #tpu.memory_space<vmem>>
      %dma_start3A_469 = arith.constant 0 : i32
      %dma_start3A_470 = arith.constant 0 : i32
      %dma_start3A_471 = tpu.memref_slice %arg18[%dma_start3A_469, %dma_start3A_470] : memref<1008x8xf32, #tpu.memory_space<vmem_shared>> -> memref<1008x8xf32, #tpu.memory_space<vmem_shared>>
      tpu.enqueue_indirect_dma source(%arg14 : memref<128x8xf32, #tpu.memory_space<vmem>>) target(%dma_start3A_471 : memref<1008x8xf32, #tpu.memory_space<vmem_shared>>) offsets(%dma_start3A_468 : memref<128xi32, #tpu.memory_space<vmem>>) semaphore(%arg25 : memref<!tpu.dma_semaphore, #tpu.memory_space<semaphore_mem>>) {add = true}
      %dma_wait3A_472 = arith.constant 1 : i32
      %dma_wait3A_473 = arith.constant 5 : i32
      %dma_wait3A_474 = arith.constant 0 : i32
      %dma_wait3A_475 = arith.constant 0 : i32
      %dma_wait3A_476 = tpu.memref_slice %arg12[%dma_wait3A_472, %dma_wait3A_474, %dma_wait3A_475] : memref<4x128x64xf32, #tpu.memory_space<vmem>> -> memref<1x128x64xf32, #tpu.memory_space<vmem>>
      %dma_wait3A_477 = tpu.memref_squeeze %dma_wait3A_476 : memref<1x128x64xf32, #tpu.memory_space<vmem>> -> memref<128x64xf32, #tpu.memory_space<vmem>>
      %dma_wait3A_478 = arith.constant 0 : i32
      %dma_wait3A_479 = tpu.memref_slice %arg13[%dma_wait3A_473, %dma_wait3A_478] : memref<25x128xi32, #tpu.memory_space<vmem>> -> memref<1x128xi32, #tpu.memory_space<vmem>>
      %dma_wait3A_480 = tpu.memref_squeeze %dma_wait3A_479 : memref<1x128xi32, #tpu.memory_space<vmem>> -> memref<128xi32, #tpu.memory_space<vmem>>
      %dma_wait3A_481 = arith.constant 0 : i32
      %dma_wait3A_482 = arith.constant 0 : i32
      %dma_wait3A_483 = tpu.memref_slice %arg17[%dma_wait3A_481, %dma_wait3A_482] : memref<1008x64xf32, #tpu.memory_space<vmem_shared>> -> memref<1008x64xf32, #tpu.memory_space<vmem_shared>>
      tpu.wait_indirect_dma semaphore(%arg24 : memref<!tpu.dma_semaphore, #tpu.memory_space<semaphore_mem>>) src(%dma_wait3A_477 : memref<128x64xf32, #tpu.memory_space<vmem>>) dst(%dma_wait3A_483 : memref<1008x64xf32, #tpu.memory_space<vmem_shared>>)
      %dma_wait3A_484 = arith.constant 5 : i32
      %dma_wait3A_485 = arith.constant 0 : i32
      %dma_wait3A_486 = tpu.memref_slice %arg13[%dma_wait3A_484, %dma_wait3A_485] : memref<25x128xi32, #tpu.memory_space<vmem>> -> memref<1x128xi32, #tpu.memory_space<vmem>>
      %dma_wait3A_487 = tpu.memref_squeeze %dma_wait3A_486 : memref<1x128xi32, #tpu.memory_space<vmem>> -> memref<128xi32, #tpu.memory_space<vmem>>
      %dma_wait3A_488 = arith.constant 0 : i32
      %dma_wait3A_489 = arith.constant 0 : i32
      %dma_wait3A_490 = tpu.memref_slice %arg18[%dma_wait3A_488, %dma_wait3A_489] : memref<1008x8xf32, #tpu.memory_space<vmem_shared>> -> memref<1008x8xf32, #tpu.memory_space<vmem_shared>>
      tpu.wait_indirect_dma semaphore(%arg24 : memref<!tpu.dma_semaphore, #tpu.memory_space<semaphore_mem>>) src(%arg14 : memref<128x8xf32, #tpu.memory_space<vmem>>) dst(%dma_wait3A_490 : memref<1008x8xf32, #tpu.memory_space<vmem_shared>>)
      %add3A_491 = arith.constant 1152 : i32
      %add3A_492 = arith.addi %mul3A_2, %add3A_491 : i32
      %dma_start3A_493 = arith.constant 1 : i32
      %dma_start3A_494 = arith.constant 0 : i32
      %dma_start3A_495 = arith.constant 0 : i32
      %dma_start3A_496 = tpu.memref_slice %arg12[%dma_start3A_493, %dma_start3A_494, %dma_start3A_495] : memref<4x128x64xf32, #tpu.memory_space<vmem>> -> memref<1x128x64xf32, #tpu.memory_space<vmem>>
      %dma_start3A_497 = tpu.memref_squeeze %dma_start3A_496 : memref<1x128x64xf32, #tpu.memory_space<vmem>> -> memref<128x64xf32, #tpu.memory_space<vmem>>
      %dma_start3A_498 = arith.constant 0 : i32
      %dma_start3A_499 = tpu.memref_slice %arg2[%add3A_492, %dma_start3A_498] : memref<100000x64xf32, #tpu.memory_space<hbm>> -> memref<128x64xf32, #tpu.memory_space<hbm>>
      %dma_start3A_500 = arith.constant 0 : i32
      %dma_start3A_501 = arith.constant 0 : i32
      %dma_start3A_502 = tpu.memref_slice %arg12[%dma_start3A_493, %dma_start3A_500, %dma_start3A_501] : memref<4x128x64xf32, #tpu.memory_space<vmem>> -> memref<1x128x64xf32, #tpu.memory_space<vmem>>
      %dma_start3A_503 = tpu.memref_squeeze %dma_start3A_502 : memref<1x128x64xf32, #tpu.memory_space<vmem>> -> memref<128x64xf32, #tpu.memory_space<vmem>>
      %dma_start3A_504 = arith.constant 0 : i32
      %dma_start3A_505 = tpu.memref_slice %arg2[%add3A_492, %dma_start3A_504] : memref<100000x64xf32, #tpu.memory_space<hbm>> -> memref<128x64xf32, #tpu.memory_space<hbm>>
      tpu.enqueue_dma source(%dma_start3A_505 : memref<128x64xf32, #tpu.memory_space<hbm>>) target(%dma_start3A_503 : memref<128x64xf32, #tpu.memory_space<vmem>>) target_semaphore(%arg20 : memref<!tpu.dma_semaphore, #tpu.memory_space<semaphore_mem>>)
      %dma_wait3A_506 = arith.constant 3 : i32
      %dma_wait3A_507 = arith.constant 0 : i32
      %dma_wait3A_508 = arith.constant 0 : i32
      %dma_wait3A_509 = tpu.memref_slice %arg12[%dma_wait3A_506, %dma_wait3A_507, %dma_wait3A_508] : memref<4x128x64xf32, #tpu.memory_space<vmem>> -> memref<1x128x64xf32, #tpu.memory_space<vmem>>
      %dma_wait3A_510 = tpu.memref_squeeze %dma_wait3A_509 : memref<1x128x64xf32, #tpu.memory_space<vmem>> -> memref<128x64xf32, #tpu.memory_space<vmem>>
      %dma_wait3A_511 = arith.constant 0 : i32
      %dma_wait3A_512 = tpu.memref_slice %arg2[%add3A_360, %dma_wait3A_511] : memref<100000x64xf32, #tpu.memory_space<hbm>> -> memref<128x64xf32, #tpu.memory_space<hbm>>
      %dma_wait3A_513 = arith.constant 0 : i32
      %dma_wait3A_514 = arith.constant 0 : i32
      %dma_wait3A_515 = tpu.memref_slice %arg12[%dma_wait3A_506, %dma_wait3A_513, %dma_wait3A_514] : memref<4x128x64xf32, #tpu.memory_space<vmem>> -> memref<1x128x64xf32, #tpu.memory_space<vmem>>
      %dma_wait3A_516 = tpu.memref_squeeze %dma_wait3A_515 : memref<1x128x64xf32, #tpu.memory_space<vmem>> -> memref<128x64xf32, #tpu.memory_space<vmem>>
      %dma_wait3A_517 = arith.constant 0 : i32
      %dma_wait3A_518 = tpu.memref_slice %arg2[%add3A_360, %dma_wait3A_517] : memref<100000x64xf32, #tpu.memory_space<hbm>> -> memref<128x64xf32, #tpu.memory_space<hbm>>
      tpu.wait_dma2 semaphore(%arg22 : memref<!tpu.dma_semaphore, #tpu.memory_space<semaphore_mem>>) src(%dma_wait3A_518 : memref<128x64xf32, #tpu.memory_space<hbm>>) dst(%dma_wait3A_516 : memref<128x64xf32, #tpu.memory_space<vmem>>)
      %dma_start3A_519 = arith.constant 3 : i32
      %dma_start3A_520 = arith.constant 7 : i32
      %dma_start3A_521 = arith.constant 0 : i32
      %dma_start3A_522 = arith.constant 0 : i32
      %dma_start3A_523 = tpu.memref_slice %arg12[%dma_start3A_519, %dma_start3A_521, %dma_start3A_522] : memref<4x128x64xf32, #tpu.memory_space<vmem>> -> memref<1x128x64xf32, #tpu.memory_space<vmem>>
      %dma_start3A_524 = tpu.memref_squeeze %dma_start3A_523 : memref<1x128x64xf32, #tpu.memory_space<vmem>> -> memref<128x64xf32, #tpu.memory_space<vmem>>
      %dma_start3A_525 = arith.constant 0 : i32
      %dma_start3A_526 = tpu.memref_slice %arg13[%dma_start3A_520, %dma_start3A_525] : memref<25x128xi32, #tpu.memory_space<vmem>> -> memref<1x128xi32, #tpu.memory_space<vmem>>
      %dma_start3A_527 = tpu.memref_squeeze %dma_start3A_526 : memref<1x128xi32, #tpu.memory_space<vmem>> -> memref<128xi32, #tpu.memory_space<vmem>>
      %dma_start3A_528 = arith.constant 0 : i32
      %dma_start3A_529 = arith.constant 0 : i32
      %dma_start3A_530 = tpu.memref_slice %arg17[%dma_start3A_528, %dma_start3A_529] : memref<1008x64xf32, #tpu.memory_space<vmem_shared>> -> memref<1008x64xf32, #tpu.memory_space<vmem_shared>>
      tpu.enqueue_indirect_dma source(%dma_start3A_524 : memref<128x64xf32, #tpu.memory_space<vmem>>) target(%dma_start3A_530 : memref<1008x64xf32, #tpu.memory_space<vmem_shared>>) offsets(%dma_start3A_527 : memref<128xi32, #tpu.memory_space<vmem>>) semaphore(%arg26 : memref<!tpu.dma_semaphore, #tpu.memory_space<semaphore_mem>>) {add = true}
      %dma_start3A_531 = arith.constant 7 : i32
      %dma_start3A_532 = arith.constant 0 : i32
      %dma_start3A_533 = tpu.memref_slice %arg13[%dma_start3A_531, %dma_start3A_532] : memref<25x128xi32, #tpu.memory_space<vmem>> -> memref<1x128xi32, #tpu.memory_space<vmem>>
      %dma_start3A_534 = tpu.memref_squeeze %dma_start3A_533 : memref<1x128xi32, #tpu.memory_space<vmem>> -> memref<128xi32, #tpu.memory_space<vmem>>
      %dma_start3A_535 = arith.constant 0 : i32
      %dma_start3A_536 = arith.constant 0 : i32
      %dma_start3A_537 = tpu.memref_slice %arg18[%dma_start3A_535, %dma_start3A_536] : memref<1008x8xf32, #tpu.memory_space<vmem_shared>> -> memref<1008x8xf32, #tpu.memory_space<vmem_shared>>
      tpu.enqueue_indirect_dma source(%arg14 : memref<128x8xf32, #tpu.memory_space<vmem>>) target(%dma_start3A_537 : memref<1008x8xf32, #tpu.memory_space<vmem_shared>>) offsets(%dma_start3A_534 : memref<128xi32, #tpu.memory_space<vmem>>) semaphore(%arg26 : memref<!tpu.dma_semaphore, #tpu.memory_space<semaphore_mem>>) {add = true}
      %dma_wait3A_538 = arith.constant 2 : i32
      %dma_wait3A_539 = arith.constant 6 : i32
      %dma_wait3A_540 = arith.constant 0 : i32
      %dma_wait3A_541 = arith.constant 0 : i32
      %dma_wait3A_542 = tpu.memref_slice %arg12[%dma_wait3A_538, %dma_wait3A_540, %dma_wait3A_541] : memref<4x128x64xf32, #tpu.memory_space<vmem>> -> memref<1x128x64xf32, #tpu.memory_space<vmem>>
      %dma_wait3A_543 = tpu.memref_squeeze %dma_wait3A_542 : memref<1x128x64xf32, #tpu.memory_space<vmem>> -> memref<128x64xf32, #tpu.memory_space<vmem>>
      %dma_wait3A_544 = arith.constant 0 : i32
      %dma_wait3A_545 = tpu.memref_slice %arg13[%dma_wait3A_539, %dma_wait3A_544] : memref<25x128xi32, #tpu.memory_space<vmem>> -> memref<1x128xi32, #tpu.memory_space<vmem>>
      %dma_wait3A_546 = tpu.memref_squeeze %dma_wait3A_545 : memref<1x128xi32, #tpu.memory_space<vmem>> -> memref<128xi32, #tpu.memory_space<vmem>>
      %dma_wait3A_547 = arith.constant 0 : i32
      %dma_wait3A_548 = arith.constant 0 : i32
      %dma_wait3A_549 = tpu.memref_slice %arg17[%dma_wait3A_547, %dma_wait3A_548] : memref<1008x64xf32, #tpu.memory_space<vmem_shared>> -> memref<1008x64xf32, #tpu.memory_space<vmem_shared>>
      tpu.wait_indirect_dma semaphore(%arg25 : memref<!tpu.dma_semaphore, #tpu.memory_space<semaphore_mem>>) src(%dma_wait3A_543 : memref<128x64xf32, #tpu.memory_space<vmem>>) dst(%dma_wait3A_549 : memref<1008x64xf32, #tpu.memory_space<vmem_shared>>)
      %dma_wait3A_550 = arith.constant 6 : i32
      %dma_wait3A_551 = arith.constant 0 : i32
      %dma_wait3A_552 = tpu.memref_slice %arg13[%dma_wait3A_550, %dma_wait3A_551] : memref<25x128xi32, #tpu.memory_space<vmem>> -> memref<1x128xi32, #tpu.memory_space<vmem>>
      %dma_wait3A_553 = tpu.memref_squeeze %dma_wait3A_552 : memref<1x128xi32, #tpu.memory_space<vmem>> -> memref<128xi32, #tpu.memory_space<vmem>>
      %dma_wait3A_554 = arith.constant 0 : i32
      %dma_wait3A_555 = arith.constant 0 : i32
      %dma_wait3A_556 = tpu.memref_slice %arg18[%dma_wait3A_554, %dma_wait3A_555] : memref<1008x8xf32, #tpu.memory_space<vmem_shared>> -> memref<1008x8xf32, #tpu.memory_space<vmem_shared>>
      tpu.wait_indirect_dma semaphore(%arg25 : memref<!tpu.dma_semaphore, #tpu.memory_space<semaphore_mem>>) src(%arg14 : memref<128x8xf32, #tpu.memory_space<vmem>>) dst(%dma_wait3A_556 : memref<1008x8xf32, #tpu.memory_space<vmem_shared>>)
      %add3A_557 = arith.constant 1280 : i32
      %add3A_558 = arith.addi %mul3A_2, %add3A_557 : i32
      %dma_start3A_559 = arith.constant 2 : i32
      %dma_start3A_560 = arith.constant 0 : i32
      %dma_start3A_561 = arith.constant 0 : i32
      %dma_start3A_562 = tpu.memref_slice %arg12[%dma_start3A_559, %dma_start3A_560, %dma_start3A_561] : memref<4x128x64xf32, #tpu.memory_space<vmem>> -> memref<1x128x64xf32, #tpu.memory_space<vmem>>
      %dma_start3A_563 = tpu.memref_squeeze %dma_start3A_562 : memref<1x128x64xf32, #tpu.memory_space<vmem>> -> memref<128x64xf32, #tpu.memory_space<vmem>>
      %dma_start3A_564 = arith.constant 0 : i32
      %dma_start3A_565 = tpu.memref_slice %arg2[%add3A_558, %dma_start3A_564] : memref<100000x64xf32, #tpu.memory_space<hbm>> -> memref<128x64xf32, #tpu.memory_space<hbm>>
      %dma_start3A_566 = arith.constant 0 : i32
      %dma_start3A_567 = arith.constant 0 : i32
      %dma_start3A_568 = tpu.memref_slice %arg12[%dma_start3A_559, %dma_start3A_566, %dma_start3A_567] : memref<4x128x64xf32, #tpu.memory_space<vmem>> -> memref<1x128x64xf32, #tpu.memory_space<vmem>>
      %dma_start3A_569 = tpu.memref_squeeze %dma_start3A_568 : memref<1x128x64xf32, #tpu.memory_space<vmem>> -> memref<128x64xf32, #tpu.memory_space<vmem>>
      %dma_start3A_570 = arith.constant 0 : i32
      %dma_start3A_571 = tpu.memref_slice %arg2[%add3A_558, %dma_start3A_570] : memref<100000x64xf32, #tpu.memory_space<hbm>> -> memref<128x64xf32, #tpu.memory_space<hbm>>
      tpu.enqueue_dma source(%dma_start3A_571 : memref<128x64xf32, #tpu.memory_space<hbm>>) target(%dma_start3A_569 : memref<128x64xf32, #tpu.memory_space<vmem>>) target_semaphore(%arg21 : memref<!tpu.dma_semaphore, #tpu.memory_space<semaphore_mem>>)
      %dma_wait3A_572 = arith.constant 0 : i32
      %dma_wait3A_573 = arith.constant 0 : i32
      %dma_wait3A_574 = arith.constant 0 : i32
      %dma_wait3A_575 = tpu.memref_slice %arg12[%dma_wait3A_572, %dma_wait3A_573, %dma_wait3A_574] : memref<4x128x64xf32, #tpu.memory_space<vmem>> -> memref<1x128x64xf32, #tpu.memory_space<vmem>>
      %dma_wait3A_576 = tpu.memref_squeeze %dma_wait3A_575 : memref<1x128x64xf32, #tpu.memory_space<vmem>> -> memref<128x64xf32, #tpu.memory_space<vmem>>
      %dma_wait3A_577 = arith.constant 0 : i32
      %dma_wait3A_578 = tpu.memref_slice %arg2[%add3A_426, %dma_wait3A_577] : memref<100000x64xf32, #tpu.memory_space<hbm>> -> memref<128x64xf32, #tpu.memory_space<hbm>>
      %dma_wait3A_579 = arith.constant 0 : i32
      %dma_wait3A_580 = arith.constant 0 : i32
      %dma_wait3A_581 = tpu.memref_slice %arg12[%dma_wait3A_572, %dma_wait3A_579, %dma_wait3A_580] : memref<4x128x64xf32, #tpu.memory_space<vmem>> -> memref<1x128x64xf32, #tpu.memory_space<vmem>>
      %dma_wait3A_582 = tpu.memref_squeeze %dma_wait3A_581 : memref<1x128x64xf32, #tpu.memory_space<vmem>> -> memref<128x64xf32, #tpu.memory_space<vmem>>
      %dma_wait3A_583 = arith.constant 0 : i32
      %dma_wait3A_584 = tpu.memref_slice %arg2[%add3A_426, %dma_wait3A_583] : memref<100000x64xf32, #tpu.memory_space<hbm>> -> memref<128x64xf32, #tpu.memory_space<hbm>>
      tpu.wait_dma2 semaphore(%arg19 : memref<!tpu.dma_semaphore, #tpu.memory_space<semaphore_mem>>) src(%dma_wait3A_584 : memref<128x64xf32, #tpu.memory_space<hbm>>) dst(%dma_wait3A_582 : memref<128x64xf32, #tpu.memory_space<vmem>>)
      %dma_start3A_585 = arith.constant 0 : i32
      %dma_start3A_586 = arith.constant 8 : i32
      %dma_start3A_587 = arith.constant 0 : i32
      %dma_start3A_588 = arith.constant 0 : i32
      %dma_start3A_589 = tpu.memref_slice %arg12[%dma_start3A_585, %dma_start3A_587, %dma_start3A_588] : memref<4x128x64xf32, #tpu.memory_space<vmem>> -> memref<1x128x64xf32, #tpu.memory_space<vmem>>
      %dma_start3A_590 = tpu.memref_squeeze %dma_start3A_589 : memref<1x128x64xf32, #tpu.memory_space<vmem>> -> memref<128x64xf32, #tpu.memory_space<vmem>>
      %dma_start3A_591 = arith.constant 0 : i32
      %dma_start3A_592 = tpu.memref_slice %arg13[%dma_start3A_586, %dma_start3A_591] : memref<25x128xi32, #tpu.memory_space<vmem>> -> memref<1x128xi32, #tpu.memory_space<vmem>>
      %dma_start3A_593 = tpu.memref_squeeze %dma_start3A_592 : memref<1x128xi32, #tpu.memory_space<vmem>> -> memref<128xi32, #tpu.memory_space<vmem>>
      %dma_start3A_594 = arith.constant 0 : i32
      %dma_start3A_595 = arith.constant 0 : i32
      %dma_start3A_596 = tpu.memref_slice %arg17[%dma_start3A_594, %dma_start3A_595] : memref<1008x64xf32, #tpu.memory_space<vmem_shared>> -> memref<1008x64xf32, #tpu.memory_space<vmem_shared>>
      tpu.enqueue_indirect_dma source(%dma_start3A_590 : memref<128x64xf32, #tpu.memory_space<vmem>>) target(%dma_start3A_596 : memref<1008x64xf32, #tpu.memory_space<vmem_shared>>) offsets(%dma_start3A_593 : memref<128xi32, #tpu.memory_space<vmem>>) semaphore(%arg23 : memref<!tpu.dma_semaphore, #tpu.memory_space<semaphore_mem>>) {add = true}
      %dma_start3A_597 = arith.constant 8 : i32
      %dma_start3A_598 = arith.constant 0 : i32
      %dma_start3A_599 = tpu.memref_slice %arg13[%dma_start3A_597, %dma_start3A_598] : memref<25x128xi32, #tpu.memory_space<vmem>> -> memref<1x128xi32, #tpu.memory_space<vmem>>
      %dma_start3A_600 = tpu.memref_squeeze %dma_start3A_599 : memref<1x128xi32, #tpu.memory_space<vmem>> -> memref<128xi32, #tpu.memory_space<vmem>>
      %dma_start3A_601 = arith.constant 0 : i32
      %dma_start3A_602 = arith.constant 0 : i32
      %dma_start3A_603 = tpu.memref_slice %arg18[%dma_start3A_601, %dma_start3A_602] : memref<1008x8xf32, #tpu.memory_space<vmem_shared>> -> memref<1008x8xf32, #tpu.memory_space<vmem_shared>>
      tpu.enqueue_indirect_dma source(%arg14 : memref<128x8xf32, #tpu.memory_space<vmem>>) target(%dma_start3A_603 : memref<1008x8xf32, #tpu.memory_space<vmem_shared>>) offsets(%dma_start3A_600 : memref<128xi32, #tpu.memory_space<vmem>>) semaphore(%arg23 : memref<!tpu.dma_semaphore, #tpu.memory_space<semaphore_mem>>) {add = true}
      %dma_wait3A_604 = arith.constant 3 : i32
      %dma_wait3A_605 = arith.constant 7 : i32
      %dma_wait3A_606 = arith.constant 0 : i32
      %dma_wait3A_607 = arith.constant 0 : i32
      %dma_wait3A_608 = tpu.memref_slice %arg12[%dma_wait3A_604, %dma_wait3A_606, %dma_wait3A_607] : memref<4x128x64xf32, #tpu.memory_space<vmem>> -> memref<1x128x64xf32, #tpu.memory_space<vmem>>
      %dma_wait3A_609 = tpu.memref_squeeze %dma_wait3A_608 : memref<1x128x64xf32, #tpu.memory_space<vmem>> -> memref<128x64xf32, #tpu.memory_space<vmem>>
      %dma_wait3A_610 = arith.constant 0 : i32
      %dma_wait3A_611 = tpu.memref_slice %arg13[%dma_wait3A_605, %dma_wait3A_610] : memref<25x128xi32, #tpu.memory_space<vmem>> -> memref<1x128xi32, #tpu.memory_space<vmem>>
      %dma_wait3A_612 = tpu.memref_squeeze %dma_wait3A_611 : memref<1x128xi32, #tpu.memory_space<vmem>> -> memref<128xi32, #tpu.memory_space<vmem>>
      %dma_wait3A_613 = arith.constant 0 : i32
      %dma_wait3A_614 = arith.constant 0 : i32
      %dma_wait3A_615 = tpu.memref_slice %arg17[%dma_wait3A_613, %dma_wait3A_614] : memref<1008x64xf32, #tpu.memory_space<vmem_shared>> -> memref<1008x64xf32, #tpu.memory_space<vmem_shared>>
      tpu.wait_indirect_dma semaphore(%arg26 : memref<!tpu.dma_semaphore, #tpu.memory_space<semaphore_mem>>) src(%dma_wait3A_609 : memref<128x64xf32, #tpu.memory_space<vmem>>) dst(%dma_wait3A_615 : memref<1008x64xf32, #tpu.memory_space<vmem_shared>>)
      %dma_wait3A_616 = arith.constant 7 : i32
      %dma_wait3A_617 = arith.constant 0 : i32
      %dma_wait3A_618 = tpu.memref_slice %arg13[%dma_wait3A_616, %dma_wait3A_617] : memref<25x128xi32, #tpu.memory_space<vmem>> -> memref<1x128xi32, #tpu.memory_space<vmem>>
      %dma_wait3A_619 = tpu.memref_squeeze %dma_wait3A_618 : memref<1x128xi32, #tpu.memory_space<vmem>> -> memref<128xi32, #tpu.memory_space<vmem>>
      %dma_wait3A_620 = arith.constant 0 : i32
      %dma_wait3A_621 = arith.constant 0 : i32
      %dma_wait3A_622 = tpu.memref_slice %arg18[%dma_wait3A_620, %dma_wait3A_621] : memref<1008x8xf32, #tpu.memory_space<vmem_shared>> -> memref<1008x8xf32, #tpu.memory_space<vmem_shared>>
      tpu.wait_indirect_dma semaphore(%arg26 : memref<!tpu.dma_semaphore, #tpu.memory_space<semaphore_mem>>) src(%arg14 : memref<128x8xf32, #tpu.memory_space<vmem>>) dst(%dma_wait3A_622 : memref<1008x8xf32, #tpu.memory_space<vmem_shared>>)
      %add3A_623 = arith.constant 1408 : i32
      %add3A_624 = arith.addi %mul3A_2, %add3A_623 : i32
      %dma_start3A_625 = arith.constant 3 : i32
      %dma_start3A_626 = arith.constant 0 : i32
      %dma_start3A_627 = arith.constant 0 : i32
      %dma_start3A_628 = tpu.memref_slice %arg12[%dma_start3A_625, %dma_start3A_626, %dma_start3A_627] : memref<4x128x64xf32, #tpu.memory_space<vmem>> -> memref<1x128x64xf32, #tpu.memory_space<vmem>>
      %dma_start3A_629 = tpu.memref_squeeze %dma_start3A_628 : memref<1x128x64xf32, #tpu.memory_space<vmem>> -> memref<128x64xf32, #tpu.memory_space<vmem>>
      %dma_start3A_630 = arith.constant 0 : i32
      %dma_start3A_631 = tpu.memref_slice %arg2[%add3A_624, %dma_start3A_630] : memref<100000x64xf32, #tpu.memory_space<hbm>> -> memref<128x64xf32, #tpu.memory_space<hbm>>
      %dma_start3A_632 = arith.constant 0 : i32
      %dma_start3A_633 = arith.constant 0 : i32
      %dma_start3A_634 = tpu.memref_slice %arg12[%dma_start3A_625, %dma_start3A_632, %dma_start3A_633] : memref<4x128x64xf32, #tpu.memory_space<vmem>> -> memref<1x128x64xf32, #tpu.memory_space<vmem>>
      %dma_start3A_635 = tpu.memref_squeeze %dma_start3A_634 : memref<1x128x64xf32, #tpu.memory_space<vmem>> -> memref<128x64xf32, #tpu.memory_space<vmem>>
      %dma_start3A_636 = arith.constant 0 : i32
      %dma_start3A_637 = tpu.memref_slice %arg2[%add3A_624, %dma_start3A_636] : memref<100000x64xf32, #tpu.memory_space<hbm>> -> memref<128x64xf32, #tpu.memory_space<hbm>>
      tpu.enqueue_dma source(%dma_start3A_637 : memref<128x64xf32, #tpu.memory_space<hbm>>) target(%dma_start3A_635 : memref<128x64xf32, #tpu.memory_space<vmem>>) target_semaphore(%arg22 : memref<!tpu.dma_semaphore, #tpu.memory_space<semaphore_mem>>)
      %dma_wait3A_638 = arith.constant 1 : i32
      %dma_wait3A_639 = arith.constant 0 : i32
      %dma_wait3A_640 = arith.constant 0 : i32
      %dma_wait3A_641 = tpu.memref_slice %arg12[%dma_wait3A_638, %dma_wait3A_639, %dma_wait3A_640] : memref<4x128x64xf32, #tpu.memory_space<vmem>> -> memref<1x128x64xf32, #tpu.memory_space<vmem>>
      %dma_wait3A_642 = tpu.memref_squeeze %dma_wait3A_641 : memref<1x128x64xf32, #tpu.memory_space<vmem>> -> memref<128x64xf32, #tpu.memory_space<vmem>>
      %dma_wait3A_643 = arith.constant 0 : i32
      %dma_wait3A_644 = tpu.memref_slice %arg2[%add3A_492, %dma_wait3A_643] : memref<100000x64xf32, #tpu.memory_space<hbm>> -> memref<128x64xf32, #tpu.memory_space<hbm>>
      %dma_wait3A_645 = arith.constant 0 : i32
      %dma_wait3A_646 = arith.constant 0 : i32
      %dma_wait3A_647 = tpu.memref_slice %arg12[%dma_wait3A_638, %dma_wait3A_645, %dma_wait3A_646] : memref<4x128x64xf32, #tpu.memory_space<vmem>> -> memref<1x128x64xf32, #tpu.memory_space<vmem>>
      %dma_wait3A_648 = tpu.memref_squeeze %dma_wait3A_647 : memref<1x128x64xf32, #tpu.memory_space<vmem>> -> memref<128x64xf32, #tpu.memory_space<vmem>>
      %dma_wait3A_649 = arith.constant 0 : i32
      %dma_wait3A_650 = tpu.memref_slice %arg2[%add3A_492, %dma_wait3A_649] : memref<100000x64xf32, #tpu.memory_space<hbm>> -> memref<128x64xf32, #tpu.memory_space<hbm>>
      tpu.wait_dma2 semaphore(%arg20 : memref<!tpu.dma_semaphore, #tpu.memory_space<semaphore_mem>>) src(%dma_wait3A_650 : memref<128x64xf32, #tpu.memory_space<hbm>>) dst(%dma_wait3A_648 : memref<128x64xf32, #tpu.memory_space<vmem>>)
      %dma_start3A_651 = arith.constant 1 : i32
      %dma_start3A_652 = arith.constant 9 : i32
      %dma_start3A_653 = arith.constant 0 : i32
      %dma_start3A_654 = arith.constant 0 : i32
      %dma_start3A_655 = tpu.memref_slice %arg12[%dma_start3A_651, %dma_start3A_653, %dma_start3A_654] : memref<4x128x64xf32, #tpu.memory_space<vmem>> -> memref<1x128x64xf32, #tpu.memory_space<vmem>>
      %dma_start3A_656 = tpu.memref_squeeze %dma_start3A_655 : memref<1x128x64xf32, #tpu.memory_space<vmem>> -> memref<128x64xf32, #tpu.memory_space<vmem>>
      %dma_start3A_657 = arith.constant 0 : i32
      %dma_start3A_658 = tpu.memref_slice %arg13[%dma_start3A_652, %dma_start3A_657] : memref<25x128xi32, #tpu.memory_space<vmem>> -> memref<1x128xi32, #tpu.memory_space<vmem>>
      %dma_start3A_659 = tpu.memref_squeeze %dma_start3A_658 : memref<1x128xi32, #tpu.memory_space<vmem>> -> memref<128xi32, #tpu.memory_space<vmem>>
      %dma_start3A_660 = arith.constant 0 : i32
      %dma_start3A_661 = arith.constant 0 : i32
      %dma_start3A_662 = tpu.memref_slice %arg17[%dma_start3A_660, %dma_start3A_661] : memref<1008x64xf32, #tpu.memory_space<vmem_shared>> -> memref<1008x64xf32, #tpu.memory_space<vmem_shared>>
      tpu.enqueue_indirect_dma source(%dma_start3A_656 : memref<128x64xf32, #tpu.memory_space<vmem>>) target(%dma_start3A_662 : memref<1008x64xf32, #tpu.memory_space<vmem_shared>>) offsets(%dma_start3A_659 : memref<128xi32, #tpu.memory_space<vmem>>) semaphore(%arg24 : memref<!tpu.dma_semaphore, #tpu.memory_space<semaphore_mem>>) {add = true}
      %dma_start3A_663 = arith.constant 9 : i32
      %dma_start3A_664 = arith.constant 0 : i32
      %dma_start3A_665 = tpu.memref_slice %arg13[%dma_start3A_663, %dma_start3A_664] : memref<25x128xi32, #tpu.memory_space<vmem>> -> memref<1x128xi32, #tpu.memory_space<vmem>>
      %dma_start3A_666 = tpu.memref_squeeze %dma_start3A_665 : memref<1x128xi32, #tpu.memory_space<vmem>> -> memref<128xi32, #tpu.memory_space<vmem>>
      %dma_start3A_667 = arith.constant 0 : i32
      %dma_start3A_668 = arith.constant 0 : i32
      %dma_start3A_669 = tpu.memref_slice %arg18[%dma_start3A_667, %dma_start3A_668] : memref<1008x8xf32, #tpu.memory_space<vmem_shared>> -> memref<1008x8xf32, #tpu.memory_space<vmem_shared>>
      tpu.enqueue_indirect_dma source(%arg14 : memref<128x8xf32, #tpu.memory_space<vmem>>) target(%dma_start3A_669 : memref<1008x8xf32, #tpu.memory_space<vmem_shared>>) offsets(%dma_start3A_666 : memref<128xi32, #tpu.memory_space<vmem>>) semaphore(%arg24 : memref<!tpu.dma_semaphore, #tpu.memory_space<semaphore_mem>>) {add = true}
      %dma_wait3A_670 = arith.constant 0 : i32
      %dma_wait3A_671 = arith.constant 8 : i32
      %dma_wait3A_672 = arith.constant 0 : i32
      %dma_wait3A_673 = arith.constant 0 : i32
      %dma_wait3A_674 = tpu.memref_slice %arg12[%dma_wait3A_670, %dma_wait3A_672, %dma_wait3A_673] : memref<4x128x64xf32, #tpu.memory_space<vmem>> -> memref<1x128x64xf32, #tpu.memory_space<vmem>>
      %dma_wait3A_675 = tpu.memref_squeeze %dma_wait3A_674 : memref<1x128x64xf32, #tpu.memory_space<vmem>> -> memref<128x64xf32, #tpu.memory_space<vmem>>
      %dma_wait3A_676 = arith.constant 0 : i32
      %dma_wait3A_677 = tpu.memref_slice %arg13[%dma_wait3A_671, %dma_wait3A_676] : memref<25x128xi32, #tpu.memory_space<vmem>> -> memref<1x128xi32, #tpu.memory_space<vmem>>
      %dma_wait3A_678 = tpu.memref_squeeze %dma_wait3A_677 : memref<1x128xi32, #tpu.memory_space<vmem>> -> memref<128xi32, #tpu.memory_space<vmem>>
      %dma_wait3A_679 = arith.constant 0 : i32
      %dma_wait3A_680 = arith.constant 0 : i32
      %dma_wait3A_681 = tpu.memref_slice %arg17[%dma_wait3A_679, %dma_wait3A_680] : memref<1008x64xf32, #tpu.memory_space<vmem_shared>> -> memref<1008x64xf32, #tpu.memory_space<vmem_shared>>
      tpu.wait_indirect_dma semaphore(%arg23 : memref<!tpu.dma_semaphore, #tpu.memory_space<semaphore_mem>>) src(%dma_wait3A_675 : memref<128x64xf32, #tpu.memory_space<vmem>>) dst(%dma_wait3A_681 : memref<1008x64xf32, #tpu.memory_space<vmem_shared>>)
      %dma_wait3A_682 = arith.constant 8 : i32
      %dma_wait3A_683 = arith.constant 0 : i32
      %dma_wait3A_684 = tpu.memref_slice %arg13[%dma_wait3A_682, %dma_wait3A_683] : memref<25x128xi32, #tpu.memory_space<vmem>> -> memref<1x128xi32, #tpu.memory_space<vmem>>
      %dma_wait3A_685 = tpu.memref_squeeze %dma_wait3A_684 : memref<1x128xi32, #tpu.memory_space<vmem>> -> memref<128xi32, #tpu.memory_space<vmem>>
      %dma_wait3A_686 = arith.constant 0 : i32
      %dma_wait3A_687 = arith.constant 0 : i32
      %dma_wait3A_688 = tpu.memref_slice %arg18[%dma_wait3A_686, %dma_wait3A_687] : memref<1008x8xf32, #tpu.memory_space<vmem_shared>> -> memref<1008x8xf32, #tpu.memory_space<vmem_shared>>
      tpu.wait_indirect_dma semaphore(%arg23 : memref<!tpu.dma_semaphore, #tpu.memory_space<semaphore_mem>>) src(%arg14 : memref<128x8xf32, #tpu.memory_space<vmem>>) dst(%dma_wait3A_688 : memref<1008x8xf32, #tpu.memory_space<vmem_shared>>)
      %add3A_689 = arith.constant 1536 : i32
      %add3A_690 = arith.addi %mul3A_2, %add3A_689 : i32
      %dma_start3A_691 = arith.constant 0 : i32
      %dma_start3A_692 = arith.constant 0 : i32
      %dma_start3A_693 = arith.constant 0 : i32
      %dma_start3A_694 = tpu.memref_slice %arg12[%dma_start3A_691, %dma_start3A_692, %dma_start3A_693] : memref<4x128x64xf32, #tpu.memory_space<vmem>> -> memref<1x128x64xf32, #tpu.memory_space<vmem>>
      %dma_start3A_695 = tpu.memref_squeeze %dma_start3A_694 : memref<1x128x64xf32, #tpu.memory_space<vmem>> -> memref<128x64xf32, #tpu.memory_space<vmem>>
      %dma_start3A_696 = arith.constant 0 : i32
      %dma_start3A_697 = tpu.memref_slice %arg2[%add3A_690, %dma_start3A_696] : memref<100000x64xf32, #tpu.memory_space<hbm>> -> memref<128x64xf32, #tpu.memory_space<hbm>>
      %dma_start3A_698 = arith.constant 0 : i32
      %dma_start3A_699 = arith.constant 0 : i32
      %dma_start3A_700 = tpu.memref_slice %arg12[%dma_start3A_691, %dma_start3A_698, %dma_start3A_699] : memref<4x128x64xf32, #tpu.memory_space<vmem>> -> memref<1x128x64xf32, #tpu.memory_space<vmem>>
      %dma_start3A_701 = tpu.memref_squeeze %dma_start3A_700 : memref<1x128x64xf32, #tpu.memory_space<vmem>> -> memref<128x64xf32, #tpu.memory_space<vmem>>
      %dma_start3A_702 = arith.constant 0 : i32
      %dma_start3A_703 = tpu.memref_slice %arg2[%add3A_690, %dma_start3A_702] : memref<100000x64xf32, #tpu.memory_space<hbm>> -> memref<128x64xf32, #tpu.memory_space<hbm>>
      tpu.enqueue_dma source(%dma_start3A_703 : memref<128x64xf32, #tpu.memory_space<hbm>>) target(%dma_start3A_701 : memref<128x64xf32, #tpu.memory_space<vmem>>) target_semaphore(%arg19 : memref<!tpu.dma_semaphore, #tpu.memory_space<semaphore_mem>>)
      %dma_wait3A_704 = arith.constant 2 : i32
      %dma_wait3A_705 = arith.constant 0 : i32
      %dma_wait3A_706 = arith.constant 0 : i32
      %dma_wait3A_707 = tpu.memref_slice %arg12[%dma_wait3A_704, %dma_wait3A_705, %dma_wait3A_706] : memref<4x128x64xf32, #tpu.memory_space<vmem>> -> memref<1x128x64xf32, #tpu.memory_space<vmem>>
      %dma_wait3A_708 = tpu.memref_squeeze %dma_wait3A_707 : memref<1x128x64xf32, #tpu.memory_space<vmem>> -> memref<128x64xf32, #tpu.memory_space<vmem>>
      %dma_wait3A_709 = arith.constant 0 : i32
      %dma_wait3A_710 = tpu.memref_slice %arg2[%add3A_558, %dma_wait3A_709] : memref<100000x64xf32, #tpu.memory_space<hbm>> -> memref<128x64xf32, #tpu.memory_space<hbm>>
      %dma_wait3A_711 = arith.constant 0 : i32
      %dma_wait3A_712 = arith.constant 0 : i32
      %dma_wait3A_713 = tpu.memref_slice %arg12[%dma_wait3A_704, %dma_wait3A_711, %dma_wait3A_712] : memref<4x128x64xf32, #tpu.memory_space<vmem>> -> memref<1x128x64xf32, #tpu.memory_space<vmem>>
      %dma_wait3A_714 = tpu.memref_squeeze %dma_wait3A_713 : memref<1x128x64xf32, #tpu.memory_space<vmem>> -> memref<128x64xf32, #tpu.memory_space<vmem>>
      %dma_wait3A_715 = arith.constant 0 : i32
      %dma_wait3A_716 = tpu.memref_slice %arg2[%add3A_558, %dma_wait3A_715] : memref<100000x64xf32, #tpu.memory_space<hbm>> -> memref<128x64xf32, #tpu.memory_space<hbm>>
      tpu.wait_dma2 semaphore(%arg21 : memref<!tpu.dma_semaphore, #tpu.memory_space<semaphore_mem>>) src(%dma_wait3A_716 : memref<128x64xf32, #tpu.memory_space<hbm>>) dst(%dma_wait3A_714 : memref<128x64xf32, #tpu.memory_space<vmem>>)
      %dma_start3A_717 = arith.constant 2 : i32
      %dma_start3A_718 = arith.constant 10 : i32
      %dma_start3A_719 = arith.constant 0 : i32
      %dma_start3A_720 = arith.constant 0 : i32
      %dma_start3A_721 = tpu.memref_slice %arg12[%dma_start3A_717, %dma_start3A_719, %dma_start3A_720] : memref<4x128x64xf32, #tpu.memory_space<vmem>> -> memref<1x128x64xf32, #tpu.memory_space<vmem>>
      %dma_start3A_722 = tpu.memref_squeeze %dma_start3A_721 : memref<1x128x64xf32, #tpu.memory_space<vmem>> -> memref<128x64xf32, #tpu.memory_space<vmem>>
      %dma_start3A_723 = arith.constant 0 : i32
      %dma_start3A_724 = tpu.memref_slice %arg13[%dma_start3A_718, %dma_start3A_723] : memref<25x128xi32, #tpu.memory_space<vmem>> -> memref<1x128xi32, #tpu.memory_space<vmem>>
      %dma_start3A_725 = tpu.memref_squeeze %dma_start3A_724 : memref<1x128xi32, #tpu.memory_space<vmem>> -> memref<128xi32, #tpu.memory_space<vmem>>
      %dma_start3A_726 = arith.constant 0 : i32
      %dma_start3A_727 = arith.constant 0 : i32
      %dma_start3A_728 = tpu.memref_slice %arg17[%dma_start3A_726, %dma_start3A_727] : memref<1008x64xf32, #tpu.memory_space<vmem_shared>> -> memref<1008x64xf32, #tpu.memory_space<vmem_shared>>
      tpu.enqueue_indirect_dma source(%dma_start3A_722 : memref<128x64xf32, #tpu.memory_space<vmem>>) target(%dma_start3A_728 : memref<1008x64xf32, #tpu.memory_space<vmem_shared>>) offsets(%dma_start3A_725 : memref<128xi32, #tpu.memory_space<vmem>>) semaphore(%arg25 : memref<!tpu.dma_semaphore, #tpu.memory_space<semaphore_mem>>) {add = true}
      %dma_start3A_729 = arith.constant 10 : i32
      %dma_start3A_730 = arith.constant 0 : i32
      %dma_start3A_731 = tpu.memref_slice %arg13[%dma_start3A_729, %dma_start3A_730] : memref<25x128xi32, #tpu.memory_space<vmem>> -> memref<1x128xi32, #tpu.memory_space<vmem>>
      %dma_start3A_732 = tpu.memref_squeeze %dma_start3A_731 : memref<1x128xi32, #tpu.memory_space<vmem>> -> memref<128xi32, #tpu.memory_space<vmem>>
      %dma_start3A_733 = arith.constant 0 : i32
      %dma_start3A_734 = arith.constant 0 : i32
      %dma_start3A_735 = tpu.memref_slice %arg18[%dma_start3A_733, %dma_start3A_734] : memref<1008x8xf32, #tpu.memory_space<vmem_shared>> -> memref<1008x8xf32, #tpu.memory_space<vmem_shared>>
      tpu.enqueue_indirect_dma source(%arg14 : memref<128x8xf32, #tpu.memory_space<vmem>>) target(%dma_start3A_735 : memref<1008x8xf32, #tpu.memory_space<vmem_shared>>) offsets(%dma_start3A_732 : memref<128xi32, #tpu.memory_space<vmem>>) semaphore(%arg25 : memref<!tpu.dma_semaphore, #tpu.memory_space<semaphore_mem>>) {add = true}
      %dma_wait3A_736 = arith.constant 1 : i32
      %dma_wait3A_737 = arith.constant 9 : i32
      %dma_wait3A_738 = arith.constant 0 : i32
      %dma_wait3A_739 = arith.constant 0 : i32
      %dma_wait3A_740 = tpu.memref_slice %arg12[%dma_wait3A_736, %dma_wait3A_738, %dma_wait3A_739] : memref<4x128x64xf32, #tpu.memory_space<vmem>> -> memref<1x128x64xf32, #tpu.memory_space<vmem>>
      %dma_wait3A_741 = tpu.memref_squeeze %dma_wait3A_740 : memref<1x128x64xf32, #tpu.memory_space<vmem>> -> memref<128x64xf32, #tpu.memory_space<vmem>>
      %dma_wait3A_742 = arith.constant 0 : i32
      %dma_wait3A_743 = tpu.memref_slice %arg13[%dma_wait3A_737, %dma_wait3A_742] : memref<25x128xi32, #tpu.memory_space<vmem>> -> memref<1x128xi32, #tpu.memory_space<vmem>>
      %dma_wait3A_744 = tpu.memref_squeeze %dma_wait3A_743 : memref<1x128xi32, #tpu.memory_space<vmem>> -> memref<128xi32, #tpu.memory_space<vmem>>
      %dma_wait3A_745 = arith.constant 0 : i32
      %dma_wait3A_746 = arith.constant 0 : i32
      %dma_wait3A_747 = tpu.memref_slice %arg17[%dma_wait3A_745, %dma_wait3A_746] : memref<1008x64xf32, #tpu.memory_space<vmem_shared>> -> memref<1008x64xf32, #tpu.memory_space<vmem_shared>>
      tpu.wait_indirect_dma semaphore(%arg24 : memref<!tpu.dma_semaphore, #tpu.memory_space<semaphore_mem>>) src(%dma_wait3A_741 : memref<128x64xf32, #tpu.memory_space<vmem>>) dst(%dma_wait3A_747 : memref<1008x64xf32, #tpu.memory_space<vmem_shared>>)
      %dma_wait3A_748 = arith.constant 9 : i32
      %dma_wait3A_749 = arith.constant 0 : i32
      %dma_wait3A_750 = tpu.memref_slice %arg13[%dma_wait3A_748, %dma_wait3A_749] : memref<25x128xi32, #tpu.memory_space<vmem>> -> memref<1x128xi32, #tpu.memory_space<vmem>>
      %dma_wait3A_751 = tpu.memref_squeeze %dma_wait3A_750 : memref<1x128xi32, #tpu.memory_space<vmem>> -> memref<128xi32, #tpu.memory_space<vmem>>
      %dma_wait3A_752 = arith.constant 0 : i32
      %dma_wait3A_753 = arith.constant 0 : i32
      %dma_wait3A_754 = tpu.memref_slice %arg18[%dma_wait3A_752, %dma_wait3A_753] : memref<1008x8xf32, #tpu.memory_space<vmem_shared>> -> memref<1008x8xf32, #tpu.memory_space<vmem_shared>>
      tpu.wait_indirect_dma semaphore(%arg24 : memref<!tpu.dma_semaphore, #tpu.memory_space<semaphore_mem>>) src(%arg14 : memref<128x8xf32, #tpu.memory_space<vmem>>) dst(%dma_wait3A_754 : memref<1008x8xf32, #tpu.memory_space<vmem_shared>>)
      %add3A_755 = arith.constant 1664 : i32
      %add3A_756 = arith.addi %mul3A_2, %add3A_755 : i32
      %dma_start3A_757 = arith.constant 1 : i32
      %dma_start3A_758 = arith.constant 0 : i32
      %dma_start3A_759 = arith.constant 0 : i32
      %dma_start3A_760 = tpu.memref_slice %arg12[%dma_start3A_757, %dma_start3A_758, %dma_start3A_759] : memref<4x128x64xf32, #tpu.memory_space<vmem>> -> memref<1x128x64xf32, #tpu.memory_space<vmem>>
      %dma_start3A_761 = tpu.memref_squeeze %dma_start3A_760 : memref<1x128x64xf32, #tpu.memory_space<vmem>> -> memref<128x64xf32, #tpu.memory_space<vmem>>
      %dma_start3A_762 = arith.constant 0 : i32
      %dma_start3A_763 = tpu.memref_slice %arg2[%add3A_756, %dma_start3A_762] : memref<100000x64xf32, #tpu.memory_space<hbm>> -> memref<128x64xf32, #tpu.memory_space<hbm>>
      %dma_start3A_764 = arith.constant 0 : i32
      %dma_start3A_765 = arith.constant 0 : i32
      %dma_start3A_766 = tpu.memref_slice %arg12[%dma_start3A_757, %dma_start3A_764, %dma_start3A_765] : memref<4x128x64xf32, #tpu.memory_space<vmem>> -> memref<1x128x64xf32, #tpu.memory_space<vmem>>
      %dma_start3A_767 = tpu.memref_squeeze %dma_start3A_766 : memref<1x128x64xf32, #tpu.memory_space<vmem>> -> memref<128x64xf32, #tpu.memory_space<vmem>>
      %dma_start3A_768 = arith.constant 0 : i32
      %dma_start3A_769 = tpu.memref_slice %arg2[%add3A_756, %dma_start3A_768] : memref<100000x64xf32, #tpu.memory_space<hbm>> -> memref<128x64xf32, #tpu.memory_space<hbm>>
      tpu.enqueue_dma source(%dma_start3A_769 : memref<128x64xf32, #tpu.memory_space<hbm>>) target(%dma_start3A_767 : memref<128x64xf32, #tpu.memory_space<vmem>>) target_semaphore(%arg20 : memref<!tpu.dma_semaphore, #tpu.memory_space<semaphore_mem>>)
      %dma_wait3A_770 = arith.constant 3 : i32
      %dma_wait3A_771 = arith.constant 0 : i32
      %dma_wait3A_772 = arith.constant 0 : i32
      %dma_wait3A_773 = tpu.memref_slice %arg12[%dma_wait3A_770, %dma_wait3A_771, %dma_wait3A_772] : memref<4x128x64xf32, #tpu.memory_space<vmem>> -> memref<1x128x64xf32, #tpu.memory_space<vmem>>
      %dma_wait3A_774 = tpu.memref_squeeze %dma_wait3A_773 : memref<1x128x64xf32, #tpu.memory_space<vmem>> -> memref<128x64xf32, #tpu.memory_space<vmem>>
      %dma_wait3A_775 = arith.constant 0 : i32
      %dma_wait3A_776 = tpu.memref_slice %arg2[%add3A_624, %dma_wait3A_775] : memref<100000x64xf32, #tpu.memory_space<hbm>> -> memref<128x64xf32, #tpu.memory_space<hbm>>
      %dma_wait3A_777 = arith.constant 0 : i32
      %dma_wait3A_778 = arith.constant 0 : i32
      %dma_wait3A_779 = tpu.memref_slice %arg12[%dma_wait3A_770, %dma_wait3A_777, %dma_wait3A_778] : memref<4x128x64xf32, #tpu.memory_space<vmem>> -> memref<1x128x64xf32, #tpu.memory_space<vmem>>
      %dma_wait3A_780 = tpu.memref_squeeze %dma_wait3A_779 : memref<1x128x64xf32, #tpu.memory_space<vmem>> -> memref<128x64xf32, #tpu.memory_space<vmem>>
      %dma_wait3A_781 = arith.constant 0 : i32
      %dma_wait3A_782 = tpu.memref_slice %arg2[%add3A_624, %dma_wait3A_781] : memref<100000x64xf32, #tpu.memory_space<hbm>> -> memref<128x64xf32, #tpu.memory_space<hbm>>
      tpu.wait_dma2 semaphore(%arg22 : memref<!tpu.dma_semaphore, #tpu.memory_space<semaphore_mem>>) src(%dma_wait3A_782 : memref<128x64xf32, #tpu.memory_space<hbm>>) dst(%dma_wait3A_780 : memref<128x64xf32, #tpu.memory_space<vmem>>)
      %dma_start3A_783 = arith.constant 3 : i32
      %dma_start3A_784 = arith.constant 11 : i32
      %dma_start3A_785 = arith.constant 0 : i32
      %dma_start3A_786 = arith.constant 0 : i32
      %dma_start3A_787 = tpu.memref_slice %arg12[%dma_start3A_783, %dma_start3A_785, %dma_start3A_786] : memref<4x128x64xf32, #tpu.memory_space<vmem>> -> memref<1x128x64xf32, #tpu.memory_space<vmem>>
      %dma_start3A_788 = tpu.memref_squeeze %dma_start3A_787 : memref<1x128x64xf32, #tpu.memory_space<vmem>> -> memref<128x64xf32, #tpu.memory_space<vmem>>
      %dma_start3A_789 = arith.constant 0 : i32
      %dma_start3A_790 = tpu.memref_slice %arg13[%dma_start3A_784, %dma_start3A_789] : memref<25x128xi32, #tpu.memory_space<vmem>> -> memref<1x128xi32, #tpu.memory_space<vmem>>
      %dma_start3A_791 = tpu.memref_squeeze %dma_start3A_790 : memref<1x128xi32, #tpu.memory_space<vmem>> -> memref<128xi32, #tpu.memory_space<vmem>>
      %dma_start3A_792 = arith.constant 0 : i32
      %dma_start3A_793 = arith.constant 0 : i32
      %dma_start3A_794 = tpu.memref_slice %arg17[%dma_start3A_792, %dma_start3A_793] : memref<1008x64xf32, #tpu.memory_space<vmem_shared>> -> memref<1008x64xf32, #tpu.memory_space<vmem_shared>>
      tpu.enqueue_indirect_dma source(%dma_start3A_788 : memref<128x64xf32, #tpu.memory_space<vmem>>) target(%dma_start3A_794 : memref<1008x64xf32, #tpu.memory_space<vmem_shared>>) offsets(%dma_start3A_791 : memref<128xi32, #tpu.memory_space<vmem>>) semaphore(%arg26 : memref<!tpu.dma_semaphore, #tpu.memory_space<semaphore_mem>>) {add = true}
      %dma_start3A_795 = arith.constant 11 : i32
      %dma_start3A_796 = arith.constant 0 : i32
      %dma_start3A_797 = tpu.memref_slice %arg13[%dma_start3A_795, %dma_start3A_796] : memref<25x128xi32, #tpu.memory_space<vmem>> -> memref<1x128xi32, #tpu.memory_space<vmem>>
      %dma_start3A_798 = tpu.memref_squeeze %dma_start3A_797 : memref<1x128xi32, #tpu.memory_space<vmem>> -> memref<128xi32, #tpu.memory_space<vmem>>
      %dma_start3A_799 = arith.constant 0 : i32
      %dma_start3A_800 = arith.constant 0 : i32
      %dma_start3A_801 = tpu.memref_slice %arg18[%dma_start3A_799, %dma_start3A_800] : memref<1008x8xf32, #tpu.memory_space<vmem_shared>> -> memref<1008x8xf32, #tpu.memory_space<vmem_shared>>
      tpu.enqueue_indirect_dma source(%arg14 : memref<128x8xf32, #tpu.memory_space<vmem>>) target(%dma_start3A_801 : memref<1008x8xf32, #tpu.memory_space<vmem_shared>>) offsets(%dma_start3A_798 : memref<128xi32, #tpu.memory_space<vmem>>) semaphore(%arg26 : memref<!tpu.dma_semaphore, #tpu.memory_space<semaphore_mem>>) {add = true}
      %dma_wait3A_802 = arith.constant 2 : i32
      %dma_wait3A_803 = arith.constant 10 : i32
      %dma_wait3A_804 = arith.constant 0 : i32
      %dma_wait3A_805 = arith.constant 0 : i32
      %dma_wait3A_806 = tpu.memref_slice %arg12[%dma_wait3A_802, %dma_wait3A_804, %dma_wait3A_805] : memref<4x128x64xf32, #tpu.memory_space<vmem>> -> memref<1x128x64xf32, #tpu.memory_space<vmem>>
      %dma_wait3A_807 = tpu.memref_squeeze %dma_wait3A_806 : memref<1x128x64xf32, #tpu.memory_space<vmem>> -> memref<128x64xf32, #tpu.memory_space<vmem>>
      %dma_wait3A_808 = arith.constant 0 : i32
      %dma_wait3A_809 = tpu.memref_slice %arg13[%dma_wait3A_803, %dma_wait3A_808] : memref<25x128xi32, #tpu.memory_space<vmem>> -> memref<1x128xi32, #tpu.memory_space<vmem>>
      %dma_wait3A_810 = tpu.memref_squeeze %dma_wait3A_809 : memref<1x128xi32, #tpu.memory_space<vmem>> -> memref<128xi32, #tpu.memory_space<vmem>>
      %dma_wait3A_811 = arith.constant 0 : i32
      %dma_wait3A_812 = arith.constant 0 : i32
      %dma_wait3A_813 = tpu.memref_slice %arg17[%dma_wait3A_811, %dma_wait3A_812] : memref<1008x64xf32, #tpu.memory_space<vmem_shared>> -> memref<1008x64xf32, #tpu.memory_space<vmem_shared>>
      tpu.wait_indirect_dma semaphore(%arg25 : memref<!tpu.dma_semaphore, #tpu.memory_space<semaphore_mem>>) src(%dma_wait3A_807 : memref<128x64xf32, #tpu.memory_space<vmem>>) dst(%dma_wait3A_813 : memref<1008x64xf32, #tpu.memory_space<vmem_shared>>)
      %dma_wait3A_814 = arith.constant 10 : i32
      %dma_wait3A_815 = arith.constant 0 : i32
      %dma_wait3A_816 = tpu.memref_slice %arg13[%dma_wait3A_814, %dma_wait3A_815] : memref<25x128xi32, #tpu.memory_space<vmem>> -> memref<1x128xi32, #tpu.memory_space<vmem>>
      %dma_wait3A_817 = tpu.memref_squeeze %dma_wait3A_816 : memref<1x128xi32, #tpu.memory_space<vmem>> -> memref<128xi32, #tpu.memory_space<vmem>>
      %dma_wait3A_818 = arith.constant 0 : i32
      %dma_wait3A_819 = arith.constant 0 : i32
      %dma_wait3A_820 = tpu.memref_slice %arg18[%dma_wait3A_818, %dma_wait3A_819] : memref<1008x8xf32, #tpu.memory_space<vmem_shared>> -> memref<1008x8xf32, #tpu.memory_space<vmem_shared>>
      tpu.wait_indirect_dma semaphore(%arg25 : memref<!tpu.dma_semaphore, #tpu.memory_space<semaphore_mem>>) src(%arg14 : memref<128x8xf32, #tpu.memory_space<vmem>>) dst(%dma_wait3A_820 : memref<1008x8xf32, #tpu.memory_space<vmem_shared>>)
      %add3A_821 = arith.constant 1792 : i32
      %add3A_822 = arith.addi %mul3A_2, %add3A_821 : i32
      %dma_start3A_823 = arith.constant 2 : i32
      %dma_start3A_824 = arith.constant 0 : i32
      %dma_start3A_825 = arith.constant 0 : i32
      %dma_start3A_826 = tpu.memref_slice %arg12[%dma_start3A_823, %dma_start3A_824, %dma_start3A_825] : memref<4x128x64xf32, #tpu.memory_space<vmem>> -> memref<1x128x64xf32, #tpu.memory_space<vmem>>
      %dma_start3A_827 = tpu.memref_squeeze %dma_start3A_826 : memref<1x128x64xf32, #tpu.memory_space<vmem>> -> memref<128x64xf32, #tpu.memory_space<vmem>>
      %dma_start3A_828 = arith.constant 0 : i32
      %dma_start3A_829 = tpu.memref_slice %arg2[%add3A_822, %dma_start3A_828] : memref<100000x64xf32, #tpu.memory_space<hbm>> -> memref<128x64xf32, #tpu.memory_space<hbm>>
      %dma_start3A_830 = arith.constant 0 : i32
      %dma_start3A_831 = arith.constant 0 : i32
      %dma_start3A_832 = tpu.memref_slice %arg12[%dma_start3A_823, %dma_start3A_830, %dma_start3A_831] : memref<4x128x64xf32, #tpu.memory_space<vmem>> -> memref<1x128x64xf32, #tpu.memory_space<vmem>>
      %dma_start3A_833 = tpu.memref_squeeze %dma_start3A_832 : memref<1x128x64xf32, #tpu.memory_space<vmem>> -> memref<128x64xf32, #tpu.memory_space<vmem>>
      %dma_start3A_834 = arith.constant 0 : i32
      %dma_start3A_835 = tpu.memref_slice %arg2[%add3A_822, %dma_start3A_834] : memref<100000x64xf32, #tpu.memory_space<hbm>> -> memref<128x64xf32, #tpu.memory_space<hbm>>
      tpu.enqueue_dma source(%dma_start3A_835 : memref<128x64xf32, #tpu.memory_space<hbm>>) target(%dma_start3A_833 : memref<128x64xf32, #tpu.memory_space<vmem>>) target_semaphore(%arg21 : memref<!tpu.dma_semaphore, #tpu.memory_space<semaphore_mem>>)
      %dma_wait3A_836 = arith.constant 0 : i32
      %dma_wait3A_837 = arith.constant 0 : i32
      %dma_wait3A_838 = arith.constant 0 : i32
      %dma_wait3A_839 = tpu.memref_slice %arg12[%dma_wait3A_836, %dma_wait3A_837, %dma_wait3A_838] : memref<4x128x64xf32, #tpu.memory_space<vmem>> -> memref<1x128x64xf32, #tpu.memory_space<vmem>>
      %dma_wait3A_840 = tpu.memref_squeeze %dma_wait3A_839 : memref<1x128x64xf32, #tpu.memory_space<vmem>> -> memref<128x64xf32, #tpu.memory_space<vmem>>
      %dma_wait3A_841 = arith.constant 0 : i32
      %dma_wait3A_842 = tpu.memref_slice %arg2[%add3A_690, %dma_wait3A_841] : memref<100000x64xf32, #tpu.memory_space<hbm>> -> memref<128x64xf32, #tpu.memory_space<hbm>>
      %dma_wait3A_843 = arith.constant 0 : i32
      %dma_wait3A_844 = arith.constant 0 : i32
      %dma_wait3A_845 = tpu.memref_slice %arg12[%dma_wait3A_836, %dma_wait3A_843, %dma_wait3A_844] : memref<4x128x64xf32, #tpu.memory_space<vmem>> -> memref<1x128x64xf32, #tpu.memory_space<vmem>>
      %dma_wait3A_846 = tpu.memref_squeeze %dma_wait3A_845 : memref<1x128x64xf32, #tpu.memory_space<vmem>> -> memref<128x64xf32, #tpu.memory_space<vmem>>
      %dma_wait3A_847 = arith.constant 0 : i32
      %dma_wait3A_848 = tpu.memref_slice %arg2[%add3A_690, %dma_wait3A_847] : memref<100000x64xf32, #tpu.memory_space<hbm>> -> memref<128x64xf32, #tpu.memory_space<hbm>>
      tpu.wait_dma2 semaphore(%arg19 : memref<!tpu.dma_semaphore, #tpu.memory_space<semaphore_mem>>) src(%dma_wait3A_848 : memref<128x64xf32, #tpu.memory_space<hbm>>) dst(%dma_wait3A_846 : memref<128x64xf32, #tpu.memory_space<vmem>>)
      %dma_start3A_849 = arith.constant 0 : i32
      %dma_start3A_850 = arith.constant 12 : i32
      %dma_start3A_851 = arith.constant 0 : i32
      %dma_start3A_852 = arith.constant 0 : i32
      %dma_start3A_853 = tpu.memref_slice %arg12[%dma_start3A_849, %dma_start3A_851, %dma_start3A_852] : memref<4x128x64xf32, #tpu.memory_space<vmem>> -> memref<1x128x64xf32, #tpu.memory_space<vmem>>
      %dma_start3A_854 = tpu.memref_squeeze %dma_start3A_853 : memref<1x128x64xf32, #tpu.memory_space<vmem>> -> memref<128x64xf32, #tpu.memory_space<vmem>>
      %dma_start3A_855 = arith.constant 0 : i32
      %dma_start3A_856 = tpu.memref_slice %arg13[%dma_start3A_850, %dma_start3A_855] : memref<25x128xi32, #tpu.memory_space<vmem>> -> memref<1x128xi32, #tpu.memory_space<vmem>>
      %dma_start3A_857 = tpu.memref_squeeze %dma_start3A_856 : memref<1x128xi32, #tpu.memory_space<vmem>> -> memref<128xi32, #tpu.memory_space<vmem>>
      %dma_start3A_858 = arith.constant 0 : i32
      %dma_start3A_859 = arith.constant 0 : i32
      %dma_start3A_860 = tpu.memref_slice %arg17[%dma_start3A_858, %dma_start3A_859] : memref<1008x64xf32, #tpu.memory_space<vmem_shared>> -> memref<1008x64xf32, #tpu.memory_space<vmem_shared>>
      tpu.enqueue_indirect_dma source(%dma_start3A_854 : memref<128x64xf32, #tpu.memory_space<vmem>>) target(%dma_start3A_860 : memref<1008x64xf32, #tpu.memory_space<vmem_shared>>) offsets(%dma_start3A_857 : memref<128xi32, #tpu.memory_space<vmem>>) semaphore(%arg23 : memref<!tpu.dma_semaphore, #tpu.memory_space<semaphore_mem>>) {add = true}
      %dma_start3A_861 = arith.constant 12 : i32
      %dma_start3A_862 = arith.constant 0 : i32
      %dma_start3A_863 = tpu.memref_slice %arg13[%dma_start3A_861, %dma_start3A_862] : memref<25x128xi32, #tpu.memory_space<vmem>> -> memref<1x128xi32, #tpu.memory_space<vmem>>
      %dma_start3A_864 = tpu.memref_squeeze %dma_start3A_863 : memref<1x128xi32, #tpu.memory_space<vmem>> -> memref<128xi32, #tpu.memory_space<vmem>>
      %dma_start3A_865 = arith.constant 0 : i32
      %dma_start3A_866 = arith.constant 0 : i32
      %dma_start3A_867 = tpu.memref_slice %arg18[%dma_start3A_865, %dma_start3A_866] : memref<1008x8xf32, #tpu.memory_space<vmem_shared>> -> memref<1008x8xf32, #tpu.memory_space<vmem_shared>>
      tpu.enqueue_indirect_dma source(%arg14 : memref<128x8xf32, #tpu.memory_space<vmem>>) target(%dma_start3A_867 : memref<1008x8xf32, #tpu.memory_space<vmem_shared>>) offsets(%dma_start3A_864 : memref<128xi32, #tpu.memory_space<vmem>>) semaphore(%arg23 : memref<!tpu.dma_semaphore, #tpu.memory_space<semaphore_mem>>) {add = true}
      %dma_wait3A_868 = arith.constant 3 : i32
      %dma_wait3A_869 = arith.constant 11 : i32
      %dma_wait3A_870 = arith.constant 0 : i32
      %dma_wait3A_871 = arith.constant 0 : i32
      %dma_wait3A_872 = tpu.memref_slice %arg12[%dma_wait3A_868, %dma_wait3A_870, %dma_wait3A_871] : memref<4x128x64xf32, #tpu.memory_space<vmem>> -> memref<1x128x64xf32, #tpu.memory_space<vmem>>
      %dma_wait3A_873 = tpu.memref_squeeze %dma_wait3A_872 : memref<1x128x64xf32, #tpu.memory_space<vmem>> -> memref<128x64xf32, #tpu.memory_space<vmem>>
      %dma_wait3A_874 = arith.constant 0 : i32
      %dma_wait3A_875 = tpu.memref_slice %arg13[%dma_wait3A_869, %dma_wait3A_874] : memref<25x128xi32, #tpu.memory_space<vmem>> -> memref<1x128xi32, #tpu.memory_space<vmem>>
      %dma_wait3A_876 = tpu.memref_squeeze %dma_wait3A_875 : memref<1x128xi32, #tpu.memory_space<vmem>> -> memref<128xi32, #tpu.memory_space<vmem>>
      %dma_wait3A_877 = arith.constant 0 : i32
      %dma_wait3A_878 = arith.constant 0 : i32
      %dma_wait3A_879 = tpu.memref_slice %arg17[%dma_wait3A_877, %dma_wait3A_878] : memref<1008x64xf32, #tpu.memory_space<vmem_shared>> -> memref<1008x64xf32, #tpu.memory_space<vmem_shared>>
      tpu.wait_indirect_dma semaphore(%arg26 : memref<!tpu.dma_semaphore, #tpu.memory_space<semaphore_mem>>) src(%dma_wait3A_873 : memref<128x64xf32, #tpu.memory_space<vmem>>) dst(%dma_wait3A_879 : memref<1008x64xf32, #tpu.memory_space<vmem_shared>>)
      %dma_wait3A_880 = arith.constant 11 : i32
      %dma_wait3A_881 = arith.constant 0 : i32
      %dma_wait3A_882 = tpu.memref_slice %arg13[%dma_wait3A_880, %dma_wait3A_881] : memref<25x128xi32, #tpu.memory_space<vmem>> -> memref<1x128xi32, #tpu.memory_space<vmem>>
      %dma_wait3A_883 = tpu.memref_squeeze %dma_wait3A_882 : memref<1x128xi32, #tpu.memory_space<vmem>> -> memref<128xi32, #tpu.memory_space<vmem>>
      %dma_wait3A_884 = arith.constant 0 : i32
      %dma_wait3A_885 = arith.constant 0 : i32
      %dma_wait3A_886 = tpu.memref_slice %arg18[%dma_wait3A_884, %dma_wait3A_885] : memref<1008x8xf32, #tpu.memory_space<vmem_shared>> -> memref<1008x8xf32, #tpu.memory_space<vmem_shared>>
      tpu.wait_indirect_dma semaphore(%arg26 : memref<!tpu.dma_semaphore, #tpu.memory_space<semaphore_mem>>) src(%arg14 : memref<128x8xf32, #tpu.memory_space<vmem>>) dst(%dma_wait3A_886 : memref<1008x8xf32, #tpu.memory_space<vmem_shared>>)
      %add3A_887 = arith.constant 1920 : i32
      %add3A_888 = arith.addi %mul3A_2, %add3A_887 : i32
      %dma_start3A_889 = arith.constant 3 : i32
      %dma_start3A_890 = arith.constant 0 : i32
      %dma_start3A_891 = arith.constant 0 : i32
      %dma_start3A_892 = tpu.memref_slice %arg12[%dma_start3A_889, %dma_start3A_890, %dma_start3A_891] : memref<4x128x64xf32, #tpu.memory_space<vmem>> -> memref<1x128x64xf32, #tpu.memory_space<vmem>>
      %dma_start3A_893 = tpu.memref_squeeze %dma_start3A_892 : memref<1x128x64xf32, #tpu.memory_space<vmem>> -> memref<128x64xf32, #tpu.memory_space<vmem>>
      %dma_start3A_894 = arith.constant 0 : i32
      %dma_start3A_895 = tpu.memref_slice %arg2[%add3A_888, %dma_start3A_894] : memref<100000x64xf32, #tpu.memory_space<hbm>> -> memref<128x64xf32, #tpu.memory_space<hbm>>
      %dma_start3A_896 = arith.constant 0 : i32
      %dma_start3A_897 = arith.constant 0 : i32
      %dma_start3A_898 = tpu.memref_slice %arg12[%dma_start3A_889, %dma_start3A_896, %dma_start3A_897] : memref<4x128x64xf32, #tpu.memory_space<vmem>> -> memref<1x128x64xf32, #tpu.memory_space<vmem>>
      %dma_start3A_899 = tpu.memref_squeeze %dma_start3A_898 : memref<1x128x64xf32, #tpu.memory_space<vmem>> -> memref<128x64xf32, #tpu.memory_space<vmem>>
      %dma_start3A_900 = arith.constant 0 : i32
      %dma_start3A_901 = tpu.memref_slice %arg2[%add3A_888, %dma_start3A_900] : memref<100000x64xf32, #tpu.memory_space<hbm>> -> memref<128x64xf32, #tpu.memory_space<hbm>>
      tpu.enqueue_dma source(%dma_start3A_901 : memref<128x64xf32, #tpu.memory_space<hbm>>) target(%dma_start3A_899 : memref<128x64xf32, #tpu.memory_space<vmem>>) target_semaphore(%arg22 : memref<!tpu.dma_semaphore, #tpu.memory_space<semaphore_mem>>)
      %dma_wait3A_902 = arith.constant 1 : i32
      %dma_wait3A_903 = arith.constant 0 : i32
      %dma_wait3A_904 = arith.constant 0 : i32
      %dma_wait3A_905 = tpu.memref_slice %arg12[%dma_wait3A_902, %dma_wait3A_903, %dma_wait3A_904] : memref<4x128x64xf32, #tpu.memory_space<vmem>> -> memref<1x128x64xf32, #tpu.memory_space<vmem>>
      %dma_wait3A_906 = tpu.memref_squeeze %dma_wait3A_905 : memref<1x128x64xf32, #tpu.memory_space<vmem>> -> memref<128x64xf32, #tpu.memory_space<vmem>>
      %dma_wait3A_907 = arith.constant 0 : i32
      %dma_wait3A_908 = tpu.memref_slice %arg2[%add3A_756, %dma_wait3A_907] : memref<100000x64xf32, #tpu.memory_space<hbm>> -> memref<128x64xf32, #tpu.memory_space<hbm>>
      %dma_wait3A_909 = arith.constant 0 : i32
      %dma_wait3A_910 = arith.constant 0 : i32
      %dma_wait3A_911 = tpu.memref_slice %arg12[%dma_wait3A_902, %dma_wait3A_909, %dma_wait3A_910] : memref<4x128x64xf32, #tpu.memory_space<vmem>> -> memref<1x128x64xf32, #tpu.memory_space<vmem>>
      %dma_wait3A_912 = tpu.memref_squeeze %dma_wait3A_911 : memref<1x128x64xf32, #tpu.memory_space<vmem>> -> memref<128x64xf32, #tpu.memory_space<vmem>>
      %dma_wait3A_913 = arith.constant 0 : i32
      %dma_wait3A_914 = tpu.memref_slice %arg2[%add3A_756, %dma_wait3A_913] : memref<100000x64xf32, #tpu.memory_space<hbm>> -> memref<128x64xf32, #tpu.memory_space<hbm>>
      tpu.wait_dma2 semaphore(%arg20 : memref<!tpu.dma_semaphore, #tpu.memory_space<semaphore_mem>>) src(%dma_wait3A_914 : memref<128x64xf32, #tpu.memory_space<hbm>>) dst(%dma_wait3A_912 : memref<128x64xf32, #tpu.memory_space<vmem>>)
      %dma_start3A_915 = arith.constant 1 : i32
      %dma_start3A_916 = arith.constant 13 : i32
      %dma_start3A_917 = arith.constant 0 : i32
      %dma_start3A_918 = arith.constant 0 : i32
      %dma_start3A_919 = tpu.memref_slice %arg12[%dma_start3A_915, %dma_start3A_917, %dma_start3A_918] : memref<4x128x64xf32, #tpu.memory_space<vmem>> -> memref<1x128x64xf32, #tpu.memory_space<vmem>>
      %dma_start3A_920 = tpu.memref_squeeze %dma_start3A_919 : memref<1x128x64xf32, #tpu.memory_space<vmem>> -> memref<128x64xf32, #tpu.memory_space<vmem>>
      %dma_start3A_921 = arith.constant 0 : i32
      %dma_start3A_922 = tpu.memref_slice %arg13[%dma_start3A_916, %dma_start3A_921] : memref<25x128xi32, #tpu.memory_space<vmem>> -> memref<1x128xi32, #tpu.memory_space<vmem>>
      %dma_start3A_923 = tpu.memref_squeeze %dma_start3A_922 : memref<1x128xi32, #tpu.memory_space<vmem>> -> memref<128xi32, #tpu.memory_space<vmem>>
      %dma_start3A_924 = arith.constant 0 : i32
      %dma_start3A_925 = arith.constant 0 : i32
      %dma_start3A_926 = tpu.memref_slice %arg17[%dma_start3A_924, %dma_start3A_925] : memref<1008x64xf32, #tpu.memory_space<vmem_shared>> -> memref<1008x64xf32, #tpu.memory_space<vmem_shared>>
      tpu.enqueue_indirect_dma source(%dma_start3A_920 : memref<128x64xf32, #tpu.memory_space<vmem>>) target(%dma_start3A_926 : memref<1008x64xf32, #tpu.memory_space<vmem_shared>>) offsets(%dma_start3A_923 : memref<128xi32, #tpu.memory_space<vmem>>) semaphore(%arg24 : memref<!tpu.dma_semaphore, #tpu.memory_space<semaphore_mem>>) {add = true}
      %dma_start3A_927 = arith.constant 13 : i32
      %dma_start3A_928 = arith.constant 0 : i32
      %dma_start3A_929 = tpu.memref_slice %arg13[%dma_start3A_927, %dma_start3A_928] : memref<25x128xi32, #tpu.memory_space<vmem>> -> memref<1x128xi32, #tpu.memory_space<vmem>>
      %dma_start3A_930 = tpu.memref_squeeze %dma_start3A_929 : memref<1x128xi32, #tpu.memory_space<vmem>> -> memref<128xi32, #tpu.memory_space<vmem>>
      %dma_start3A_931 = arith.constant 0 : i32
      %dma_start3A_932 = arith.constant 0 : i32
      %dma_start3A_933 = tpu.memref_slice %arg18[%dma_start3A_931, %dma_start3A_932] : memref<1008x8xf32, #tpu.memory_space<vmem_shared>> -> memref<1008x8xf32, #tpu.memory_space<vmem_shared>>
      tpu.enqueue_indirect_dma source(%arg14 : memref<128x8xf32, #tpu.memory_space<vmem>>) target(%dma_start3A_933 : memref<1008x8xf32, #tpu.memory_space<vmem_shared>>) offsets(%dma_start3A_930 : memref<128xi32, #tpu.memory_space<vmem>>) semaphore(%arg24 : memref<!tpu.dma_semaphore, #tpu.memory_space<semaphore_mem>>) {add = true}
      %dma_wait3A_934 = arith.constant 0 : i32
      %dma_wait3A_935 = arith.constant 12 : i32
      %dma_wait3A_936 = arith.constant 0 : i32
      %dma_wait3A_937 = arith.constant 0 : i32
      %dma_wait3A_938 = tpu.memref_slice %arg12[%dma_wait3A_934, %dma_wait3A_936, %dma_wait3A_937] : memref<4x128x64xf32, #tpu.memory_space<vmem>> -> memref<1x128x64xf32, #tpu.memory_space<vmem>>
      %dma_wait3A_939 = tpu.memref_squeeze %dma_wait3A_938 : memref<1x128x64xf32, #tpu.memory_space<vmem>> -> memref<128x64xf32, #tpu.memory_space<vmem>>
      %dma_wait3A_940 = arith.constant 0 : i32
      %dma_wait3A_941 = tpu.memref_slice %arg13[%dma_wait3A_935, %dma_wait3A_940] : memref<25x128xi32, #tpu.memory_space<vmem>> -> memref<1x128xi32, #tpu.memory_space<vmem>>
      %dma_wait3A_942 = tpu.memref_squeeze %dma_wait3A_941 : memref<1x128xi32, #tpu.memory_space<vmem>> -> memref<128xi32, #tpu.memory_space<vmem>>
      %dma_wait3A_943 = arith.constant 0 : i32
      %dma_wait3A_944 = arith.constant 0 : i32
      %dma_wait3A_945 = tpu.memref_slice %arg17[%dma_wait3A_943, %dma_wait3A_944] : memref<1008x64xf32, #tpu.memory_space<vmem_shared>> -> memref<1008x64xf32, #tpu.memory_space<vmem_shared>>
      tpu.wait_indirect_dma semaphore(%arg23 : memref<!tpu.dma_semaphore, #tpu.memory_space<semaphore_mem>>) src(%dma_wait3A_939 : memref<128x64xf32, #tpu.memory_space<vmem>>) dst(%dma_wait3A_945 : memref<1008x64xf32, #tpu.memory_space<vmem_shared>>)
      %dma_wait3A_946 = arith.constant 12 : i32
      %dma_wait3A_947 = arith.constant 0 : i32
      %dma_wait3A_948 = tpu.memref_slice %arg13[%dma_wait3A_946, %dma_wait3A_947] : memref<25x128xi32, #tpu.memory_space<vmem>> -> memref<1x128xi32, #tpu.memory_space<vmem>>
      %dma_wait3A_949 = tpu.memref_squeeze %dma_wait3A_948 : memref<1x128xi32, #tpu.memory_space<vmem>> -> memref<128xi32, #tpu.memory_space<vmem>>
      %dma_wait3A_950 = arith.constant 0 : i32
      %dma_wait3A_951 = arith.constant 0 : i32
      %dma_wait3A_952 = tpu.memref_slice %arg18[%dma_wait3A_950, %dma_wait3A_951] : memref<1008x8xf32, #tpu.memory_space<vmem_shared>> -> memref<1008x8xf32, #tpu.memory_space<vmem_shared>>
      tpu.wait_indirect_dma semaphore(%arg23 : memref<!tpu.dma_semaphore, #tpu.memory_space<semaphore_mem>>) src(%arg14 : memref<128x8xf32, #tpu.memory_space<vmem>>) dst(%dma_wait3A_952 : memref<1008x8xf32, #tpu.memory_space<vmem_shared>>)
      %add3A_953 = arith.constant 2048 : i32
      %add3A_954 = arith.addi %mul3A_2, %add3A_953 : i32
      %dma_start3A_955 = arith.constant 0 : i32
      %dma_start3A_956 = arith.constant 0 : i32
      %dma_start3A_957 = arith.constant 0 : i32
      %dma_start3A_958 = tpu.memref_slice %arg12[%dma_start3A_955, %dma_start3A_956, %dma_start3A_957] : memref<4x128x64xf32, #tpu.memory_space<vmem>> -> memref<1x128x64xf32, #tpu.memory_space<vmem>>
      %dma_start3A_959 = tpu.memref_squeeze %dma_start3A_958 : memref<1x128x64xf32, #tpu.memory_space<vmem>> -> memref<128x64xf32, #tpu.memory_space<vmem>>
      %dma_start3A_960 = arith.constant 0 : i32
      %dma_start3A_961 = tpu.memref_slice %arg2[%add3A_954, %dma_start3A_960] : memref<100000x64xf32, #tpu.memory_space<hbm>> -> memref<128x64xf32, #tpu.memory_space<hbm>>
      %dma_start3A_962 = arith.constant 0 : i32
      %dma_start3A_963 = arith.constant 0 : i32
      %dma_start3A_964 = tpu.memref_slice %arg12[%dma_start3A_955, %dma_start3A_962, %dma_start3A_963] : memref<4x128x64xf32, #tpu.memory_space<vmem>> -> memref<1x128x64xf32, #tpu.memory_space<vmem>>
      %dma_start3A_965 = tpu.memref_squeeze %dma_start3A_964 : memref<1x128x64xf32, #tpu.memory_space<vmem>> -> memref<128x64xf32, #tpu.memory_space<vmem>>
      %dma_start3A_966 = arith.constant 0 : i32
      %dma_start3A_967 = tpu.memref_slice %arg2[%add3A_954, %dma_start3A_966] : memref<100000x64xf32, #tpu.memory_space<hbm>> -> memref<128x64xf32, #tpu.memory_space<hbm>>
      tpu.enqueue_dma source(%dma_start3A_967 : memref<128x64xf32, #tpu.memory_space<hbm>>) target(%dma_start3A_965 : memref<128x64xf32, #tpu.memory_space<vmem>>) target_semaphore(%arg19 : memref<!tpu.dma_semaphore, #tpu.memory_space<semaphore_mem>>)
      %dma_wait3A_968 = arith.constant 2 : i32
      %dma_wait3A_969 = arith.constant 0 : i32
      %dma_wait3A_970 = arith.constant 0 : i32
      %dma_wait3A_971 = tpu.memref_slice %arg12[%dma_wait3A_968, %dma_wait3A_969, %dma_wait3A_970] : memref<4x128x64xf32, #tpu.memory_space<vmem>> -> memref<1x128x64xf32, #tpu.memory_space<vmem>>
      %dma_wait3A_972 = tpu.memref_squeeze %dma_wait3A_971 : memref<1x128x64xf32, #tpu.memory_space<vmem>> -> memref<128x64xf32, #tpu.memory_space<vmem>>
      %dma_wait3A_973 = arith.constant 0 : i32
      %dma_wait3A_974 = tpu.memref_slice %arg2[%add3A_822, %dma_wait3A_973] : memref<100000x64xf32, #tpu.memory_space<hbm>> -> memref<128x64xf32, #tpu.memory_space<hbm>>
      %dma_wait3A_975 = arith.constant 0 : i32
      %dma_wait3A_976 = arith.constant 0 : i32
      %dma_wait3A_977 = tpu.memref_slice %arg12[%dma_wait3A_968, %dma_wait3A_975, %dma_wait3A_976] : memref<4x128x64xf32, #tpu.memory_space<vmem>> -> memref<1x128x64xf32, #tpu.memory_space<vmem>>
      %dma_wait3A_978 = tpu.memref_squeeze %dma_wait3A_977 : memref<1x128x64xf32, #tpu.memory_space<vmem>> -> memref<128x64xf32, #tpu.memory_space<vmem>>
      %dma_wait3A_979 = arith.constant 0 : i32
      %dma_wait3A_980 = tpu.memref_slice %arg2[%add3A_822, %dma_wait3A_979] : memref<100000x64xf32, #tpu.memory_space<hbm>> -> memref<128x64xf32, #tpu.memory_space<hbm>>
      tpu.wait_dma2 semaphore(%arg21 : memref<!tpu.dma_semaphore, #tpu.memory_space<semaphore_mem>>) src(%dma_wait3A_980 : memref<128x64xf32, #tpu.memory_space<hbm>>) dst(%dma_wait3A_978 : memref<128x64xf32, #tpu.memory_space<vmem>>)
      %dma_start3A_981 = arith.constant 2 : i32
      %dma_start3A_982 = arith.constant 14 : i32
      %dma_start3A_983 = arith.constant 0 : i32
      %dma_start3A_984 = arith.constant 0 : i32
      %dma_start3A_985 = tpu.memref_slice %arg12[%dma_start3A_981, %dma_start3A_983, %dma_start3A_984] : memref<4x128x64xf32, #tpu.memory_space<vmem>> -> memref<1x128x64xf32, #tpu.memory_space<vmem>>
      %dma_start3A_986 = tpu.memref_squeeze %dma_start3A_985 : memref<1x128x64xf32, #tpu.memory_space<vmem>> -> memref<128x64xf32, #tpu.memory_space<vmem>>
      %dma_start3A_987 = arith.constant 0 : i32
      %dma_start3A_988 = tpu.memref_slice %arg13[%dma_start3A_982, %dma_start3A_987] : memref<25x128xi32, #tpu.memory_space<vmem>> -> memref<1x128xi32, #tpu.memory_space<vmem>>
      %dma_start3A_989 = tpu.memref_squeeze %dma_start3A_988 : memref<1x128xi32, #tpu.memory_space<vmem>> -> memref<128xi32, #tpu.memory_space<vmem>>
      %dma_start3A_990 = arith.constant 0 : i32
      %dma_start3A_991 = arith.constant 0 : i32
      %dma_start3A_992 = tpu.memref_slice %arg17[%dma_start3A_990, %dma_start3A_991] : memref<1008x64xf32, #tpu.memory_space<vmem_shared>> -> memref<1008x64xf32, #tpu.memory_space<vmem_shared>>
      tpu.enqueue_indirect_dma source(%dma_start3A_986 : memref<128x64xf32, #tpu.memory_space<vmem>>) target(%dma_start3A_992 : memref<1008x64xf32, #tpu.memory_space<vmem_shared>>) offsets(%dma_start3A_989 : memref<128xi32, #tpu.memory_space<vmem>>) semaphore(%arg25 : memref<!tpu.dma_semaphore, #tpu.memory_space<semaphore_mem>>) {add = true}
      %dma_start3A_993 = arith.constant 14 : i32
      %dma_start3A_994 = arith.constant 0 : i32
      %dma_start3A_995 = tpu.memref_slice %arg13[%dma_start3A_993, %dma_start3A_994] : memref<25x128xi32, #tpu.memory_space<vmem>> -> memref<1x128xi32, #tpu.memory_space<vmem>>
      %dma_start3A_996 = tpu.memref_squeeze %dma_start3A_995 : memref<1x128xi32, #tpu.memory_space<vmem>> -> memref<128xi32, #tpu.memory_space<vmem>>
      %dma_start3A_997 = arith.constant 0 : i32
      %dma_start3A_998 = arith.constant 0 : i32
      %dma_start3A_999 = tpu.memref_slice %arg18[%dma_start3A_997, %dma_start3A_998] : memref<1008x8xf32, #tpu.memory_space<vmem_shared>> -> memref<1008x8xf32, #tpu.memory_space<vmem_shared>>
      tpu.enqueue_indirect_dma source(%arg14 : memref<128x8xf32, #tpu.memory_space<vmem>>) target(%dma_start3A_999 : memref<1008x8xf32, #tpu.memory_space<vmem_shared>>) offsets(%dma_start3A_996 : memref<128xi32, #tpu.memory_space<vmem>>) semaphore(%arg25 : memref<!tpu.dma_semaphore, #tpu.memory_space<semaphore_mem>>) {add = true}
      %dma_wait3A_1000 = arith.constant 1 : i32
      %dma_wait3A_1001 = arith.constant 13 : i32
      %dma_wait3A_1002 = arith.constant 0 : i32
      %dma_wait3A_1003 = arith.constant 0 : i32
      %dma_wait3A_1004 = tpu.memref_slice %arg12[%dma_wait3A_1000, %dma_wait3A_1002, %dma_wait3A_1003] : memref<4x128x64xf32, #tpu.memory_space<vmem>> -> memref<1x128x64xf32, #tpu.memory_space<vmem>>
      %dma_wait3A_1005 = tpu.memref_squeeze %dma_wait3A_1004 : memref<1x128x64xf32, #tpu.memory_space<vmem>> -> memref<128x64xf32, #tpu.memory_space<vmem>>
      %dma_wait3A_1006 = arith.constant 0 : i32
      %dma_wait3A_1007 = tpu.memref_slice %arg13[%dma_wait3A_1001, %dma_wait3A_1006] : memref<25x128xi32, #tpu.memory_space<vmem>> -> memref<1x128xi32, #tpu.memory_space<vmem>>
      %dma_wait3A_1008 = tpu.memref_squeeze %dma_wait3A_1007 : memref<1x128xi32, #tpu.memory_space<vmem>> -> memref<128xi32, #tpu.memory_space<vmem>>
      %dma_wait3A_1009 = arith.constant 0 : i32
      %dma_wait3A_1010 = arith.constant 0 : i32
      %dma_wait3A_1011 = tpu.memref_slice %arg17[%dma_wait3A_1009, %dma_wait3A_1010] : memref<1008x64xf32, #tpu.memory_space<vmem_shared>> -> memref<1008x64xf32, #tpu.memory_space<vmem_shared>>
      tpu.wait_indirect_dma semaphore(%arg24 : memref<!tpu.dma_semaphore, #tpu.memory_space<semaphore_mem>>) src(%dma_wait3A_1005 : memref<128x64xf32, #tpu.memory_space<vmem>>) dst(%dma_wait3A_1011 : memref<1008x64xf32, #tpu.memory_space<vmem_shared>>)
      %dma_wait3A_1012 = arith.constant 13 : i32
      %dma_wait3A_1013 = arith.constant 0 : i32
      %dma_wait3A_1014 = tpu.memref_slice %arg13[%dma_wait3A_1012, %dma_wait3A_1013] : memref<25x128xi32, #tpu.memory_space<vmem>> -> memref<1x128xi32, #tpu.memory_space<vmem>>
      %dma_wait3A_1015 = tpu.memref_squeeze %dma_wait3A_1014 : memref<1x128xi32, #tpu.memory_space<vmem>> -> memref<128xi32, #tpu.memory_space<vmem>>
      %dma_wait3A_1016 = arith.constant 0 : i32
      %dma_wait3A_1017 = arith.constant 0 : i32
      %dma_wait3A_1018 = tpu.memref_slice %arg18[%dma_wait3A_1016, %dma_wait3A_1017] : memref<1008x8xf32, #tpu.memory_space<vmem_shared>> -> memref<1008x8xf32, #tpu.memory_space<vmem_shared>>
      tpu.wait_indirect_dma semaphore(%arg24 : memref<!tpu.dma_semaphore, #tpu.memory_space<semaphore_mem>>) src(%arg14 : memref<128x8xf32, #tpu.memory_space<vmem>>) dst(%dma_wait3A_1018 : memref<1008x8xf32, #tpu.memory_space<vmem_shared>>)
      %add3A_1019 = arith.constant 2176 : i32
      %add3A_1020 = arith.addi %mul3A_2, %add3A_1019 : i32
      %dma_start3A_1021 = arith.constant 1 : i32
      %dma_start3A_1022 = arith.constant 0 : i32
      %dma_start3A_1023 = arith.constant 0 : i32
      %dma_start3A_1024 = tpu.memref_slice %arg12[%dma_start3A_1021, %dma_start3A_1022, %dma_start3A_1023] : memref<4x128x64xf32, #tpu.memory_space<vmem>> -> memref<1x128x64xf32, #tpu.memory_space<vmem>>
      %dma_start3A_1025 = tpu.memref_squeeze %dma_start3A_1024 : memref<1x128x64xf32, #tpu.memory_space<vmem>> -> memref<128x64xf32, #tpu.memory_space<vmem>>
      %dma_start3A_1026 = arith.constant 0 : i32
      %dma_start3A_1027 = tpu.memref_slice %arg2[%add3A_1020, %dma_start3A_1026] : memref<100000x64xf32, #tpu.memory_space<hbm>> -> memref<128x64xf32, #tpu.memory_space<hbm>>
      %dma_start3A_1028 = arith.constant 0 : i32
      %dma_start3A_1029 = arith.constant 0 : i32
      %dma_start3A_1030 = tpu.memref_slice %arg12[%dma_start3A_1021, %dma_start3A_1028, %dma_start3A_1029] : memref<4x128x64xf32, #tpu.memory_space<vmem>> -> memref<1x128x64xf32, #tpu.memory_space<vmem>>
      %dma_start3A_1031 = tpu.memref_squeeze %dma_start3A_1030 : memref<1x128x64xf32, #tpu.memory_space<vmem>> -> memref<128x64xf32, #tpu.memory_space<vmem>>
      %dma_start3A_1032 = arith.constant 0 : i32
      %dma_start3A_1033 = tpu.memref_slice %arg2[%add3A_1020, %dma_start3A_1032] : memref<100000x64xf32, #tpu.memory_space<hbm>> -> memref<128x64xf32, #tpu.memory_space<hbm>>
      tpu.enqueue_dma source(%dma_start3A_1033 : memref<128x64xf32, #tpu.memory_space<hbm>>) target(%dma_start3A_1031 : memref<128x64xf32, #tpu.memory_space<vmem>>) target_semaphore(%arg20 : memref<!tpu.dma_semaphore, #tpu.memory_space<semaphore_mem>>)
      %dma_wait3A_1034 = arith.constant 3 : i32
      %dma_wait3A_1035 = arith.constant 0 : i32
      %dma_wait3A_1036 = arith.constant 0 : i32
      %dma_wait3A_1037 = tpu.memref_slice %arg12[%dma_wait3A_1034, %dma_wait3A_1035, %dma_wait3A_1036] : memref<4x128x64xf32, #tpu.memory_space<vmem>> -> memref<1x128x64xf32, #tpu.memory_space<vmem>>
      %dma_wait3A_1038 = tpu.memref_squeeze %dma_wait3A_1037 : memref<1x128x64xf32, #tpu.memory_space<vmem>> -> memref<128x64xf32, #tpu.memory_space<vmem>>
      %dma_wait3A_1039 = arith.constant 0 : i32
      %dma_wait3A_1040 = tpu.memref_slice %arg2[%add3A_888, %dma_wait3A_1039] : memref<100000x64xf32, #tpu.memory_space<hbm>> -> memref<128x64xf32, #tpu.memory_space<hbm>>
      %dma_wait3A_1041 = arith.constant 0 : i32
      %dma_wait3A_1042 = arith.constant 0 : i32
      %dma_wait3A_1043 = tpu.memref_slice %arg12[%dma_wait3A_1034, %dma_wait3A_1041, %dma_wait3A_1042] : memref<4x128x64xf32, #tpu.memory_space<vmem>> -> memref<1x128x64xf32, #tpu.memory_space<vmem>>
      %dma_wait3A_1044 = tpu.memref_squeeze %dma_wait3A_1043 : memref<1x128x64xf32, #tpu.memory_space<vmem>> -> memref<128x64xf32, #tpu.memory_space<vmem>>
      %dma_wait3A_1045 = arith.constant 0 : i32
      %dma_wait3A_1046 = tpu.memref_slice %arg2[%add3A_888, %dma_wait3A_1045] : memref<100000x64xf32, #tpu.memory_space<hbm>> -> memref<128x64xf32, #tpu.memory_space<hbm>>
      tpu.wait_dma2 semaphore(%arg22 : memref<!tpu.dma_semaphore, #tpu.memory_space<semaphore_mem>>) src(%dma_wait3A_1046 : memref<128x64xf32, #tpu.memory_space<hbm>>) dst(%dma_wait3A_1044 : memref<128x64xf32, #tpu.memory_space<vmem>>)
      %dma_start3A_1047 = arith.constant 3 : i32
      %dma_start3A_1048 = arith.constant 15 : i32
      %dma_start3A_1049 = arith.constant 0 : i32
      %dma_start3A_1050 = arith.constant 0 : i32
      %dma_start3A_1051 = tpu.memref_slice %arg12[%dma_start3A_1047, %dma_start3A_1049, %dma_start3A_1050] : memref<4x128x64xf32, #tpu.memory_space<vmem>> -> memref<1x128x64xf32, #tpu.memory_space<vmem>>
      %dma_start3A_1052 = tpu.memref_squeeze %dma_start3A_1051 : memref<1x128x64xf32, #tpu.memory_space<vmem>> -> memref<128x64xf32, #tpu.memory_space<vmem>>
      %dma_start3A_1053 = arith.constant 0 : i32
      %dma_start3A_1054 = tpu.memref_slice %arg13[%dma_start3A_1048, %dma_start3A_1053] : memref<25x128xi32, #tpu.memory_space<vmem>> -> memref<1x128xi32, #tpu.memory_space<vmem>>
      %dma_start3A_1055 = tpu.memref_squeeze %dma_start3A_1054 : memref<1x128xi32, #tpu.memory_space<vmem>> -> memref<128xi32, #tpu.memory_space<vmem>>
      %dma_start3A_1056 = arith.constant 0 : i32
      %dma_start3A_1057 = arith.constant 0 : i32
      %dma_start3A_1058 = tpu.memref_slice %arg17[%dma_start3A_1056, %dma_start3A_1057] : memref<1008x64xf32, #tpu.memory_space<vmem_shared>> -> memref<1008x64xf32, #tpu.memory_space<vmem_shared>>
      tpu.enqueue_indirect_dma source(%dma_start3A_1052 : memref<128x64xf32, #tpu.memory_space<vmem>>) target(%dma_start3A_1058 : memref<1008x64xf32, #tpu.memory_space<vmem_shared>>) offsets(%dma_start3A_1055 : memref<128xi32, #tpu.memory_space<vmem>>) semaphore(%arg26 : memref<!tpu.dma_semaphore, #tpu.memory_space<semaphore_mem>>) {add = true}
      %dma_start3A_1059 = arith.constant 15 : i32
      %dma_start3A_1060 = arith.constant 0 : i32
      %dma_start3A_1061 = tpu.memref_slice %arg13[%dma_start3A_1059, %dma_start3A_1060] : memref<25x128xi32, #tpu.memory_space<vmem>> -> memref<1x128xi32, #tpu.memory_space<vmem>>
      %dma_start3A_1062 = tpu.memref_squeeze %dma_start3A_1061 : memref<1x128xi32, #tpu.memory_space<vmem>> -> memref<128xi32, #tpu.memory_space<vmem>>
      %dma_start3A_1063 = arith.constant 0 : i32
      %dma_start3A_1064 = arith.constant 0 : i32
      %dma_start3A_1065 = tpu.memref_slice %arg18[%dma_start3A_1063, %dma_start3A_1064] : memref<1008x8xf32, #tpu.memory_space<vmem_shared>> -> memref<1008x8xf32, #tpu.memory_space<vmem_shared>>
      tpu.enqueue_indirect_dma source(%arg14 : memref<128x8xf32, #tpu.memory_space<vmem>>) target(%dma_start3A_1065 : memref<1008x8xf32, #tpu.memory_space<vmem_shared>>) offsets(%dma_start3A_1062 : memref<128xi32, #tpu.memory_space<vmem>>) semaphore(%arg26 : memref<!tpu.dma_semaphore, #tpu.memory_space<semaphore_mem>>) {add = true}
      %dma_wait3A_1066 = arith.constant 2 : i32
      %dma_wait3A_1067 = arith.constant 14 : i32
      %dma_wait3A_1068 = arith.constant 0 : i32
      %dma_wait3A_1069 = arith.constant 0 : i32
      %dma_wait3A_1070 = tpu.memref_slice %arg12[%dma_wait3A_1066, %dma_wait3A_1068, %dma_wait3A_1069] : memref<4x128x64xf32, #tpu.memory_space<vmem>> -> memref<1x128x64xf32, #tpu.memory_space<vmem>>
      %dma_wait3A_1071 = tpu.memref_squeeze %dma_wait3A_1070 : memref<1x128x64xf32, #tpu.memory_space<vmem>> -> memref<128x64xf32, #tpu.memory_space<vmem>>
      %dma_wait3A_1072 = arith.constant 0 : i32
      %dma_wait3A_1073 = tpu.memref_slice %arg13[%dma_wait3A_1067, %dma_wait3A_1072] : memref<25x128xi32, #tpu.memory_space<vmem>> -> memref<1x128xi32, #tpu.memory_space<vmem>>
      %dma_wait3A_1074 = tpu.memref_squeeze %dma_wait3A_1073 : memref<1x128xi32, #tpu.memory_space<vmem>> -> memref<128xi32, #tpu.memory_space<vmem>>
      %dma_wait3A_1075 = arith.constant 0 : i32
      %dma_wait3A_1076 = arith.constant 0 : i32
      %dma_wait3A_1077 = tpu.memref_slice %arg17[%dma_wait3A_1075, %dma_wait3A_1076] : memref<1008x64xf32, #tpu.memory_space<vmem_shared>> -> memref<1008x64xf32, #tpu.memory_space<vmem_shared>>
      tpu.wait_indirect_dma semaphore(%arg25 : memref<!tpu.dma_semaphore, #tpu.memory_space<semaphore_mem>>) src(%dma_wait3A_1071 : memref<128x64xf32, #tpu.memory_space<vmem>>) dst(%dma_wait3A_1077 : memref<1008x64xf32, #tpu.memory_space<vmem_shared>>)
      %dma_wait3A_1078 = arith.constant 14 : i32
      %dma_wait3A_1079 = arith.constant 0 : i32
      %dma_wait3A_1080 = tpu.memref_slice %arg13[%dma_wait3A_1078, %dma_wait3A_1079] : memref<25x128xi32, #tpu.memory_space<vmem>> -> memref<1x128xi32, #tpu.memory_space<vmem>>
      %dma_wait3A_1081 = tpu.memref_squeeze %dma_wait3A_1080 : memref<1x128xi32, #tpu.memory_space<vmem>> -> memref<128xi32, #tpu.memory_space<vmem>>
      %dma_wait3A_1082 = arith.constant 0 : i32
      %dma_wait3A_1083 = arith.constant 0 : i32
      %dma_wait3A_1084 = tpu.memref_slice %arg18[%dma_wait3A_1082, %dma_wait3A_1083] : memref<1008x8xf32, #tpu.memory_space<vmem_shared>> -> memref<1008x8xf32, #tpu.memory_space<vmem_shared>>
      tpu.wait_indirect_dma semaphore(%arg25 : memref<!tpu.dma_semaphore, #tpu.memory_space<semaphore_mem>>) src(%arg14 : memref<128x8xf32, #tpu.memory_space<vmem>>) dst(%dma_wait3A_1084 : memref<1008x8xf32, #tpu.memory_space<vmem_shared>>)
      %add3A_1085 = arith.constant 2304 : i32
      %add3A_1086 = arith.addi %mul3A_2, %add3A_1085 : i32
      %dma_start3A_1087 = arith.constant 2 : i32
      %dma_start3A_1088 = arith.constant 0 : i32
      %dma_start3A_1089 = arith.constant 0 : i32
      %dma_start3A_1090 = tpu.memref_slice %arg12[%dma_start3A_1087, %dma_start3A_1088, %dma_start3A_1089] : memref<4x128x64xf32, #tpu.memory_space<vmem>> -> memref<1x128x64xf32, #tpu.memory_space<vmem>>
      %dma_start3A_1091 = tpu.memref_squeeze %dma_start3A_1090 : memref<1x128x64xf32, #tpu.memory_space<vmem>> -> memref<128x64xf32, #tpu.memory_space<vmem>>
      %dma_start3A_1092 = arith.constant 0 : i32
      %dma_start3A_1093 = tpu.memref_slice %arg2[%add3A_1086, %dma_start3A_1092] : memref<100000x64xf32, #tpu.memory_space<hbm>> -> memref<128x64xf32, #tpu.memory_space<hbm>>
      %dma_start3A_1094 = arith.constant 0 : i32
      %dma_start3A_1095 = arith.constant 0 : i32
      %dma_start3A_1096 = tpu.memref_slice %arg12[%dma_start3A_1087, %dma_start3A_1094, %dma_start3A_1095] : memref<4x128x64xf32, #tpu.memory_space<vmem>> -> memref<1x128x64xf32, #tpu.memory_space<vmem>>
      %dma_start3A_1097 = tpu.memref_squeeze %dma_start3A_1096 : memref<1x128x64xf32, #tpu.memory_space<vmem>> -> memref<128x64xf32, #tpu.memory_space<vmem>>
      %dma_start3A_1098 = arith.constant 0 : i32
      %dma_start3A_1099 = tpu.memref_slice %arg2[%add3A_1086, %dma_start3A_1098] : memref<100000x64xf32, #tpu.memory_space<hbm>> -> memref<128x64xf32, #tpu.memory_space<hbm>>
      tpu.enqueue_dma source(%dma_start3A_1099 : memref<128x64xf32, #tpu.memory_space<hbm>>) target(%dma_start3A_1097 : memref<128x64xf32, #tpu.memory_space<vmem>>) target_semaphore(%arg21 : memref<!tpu.dma_semaphore, #tpu.memory_space<semaphore_mem>>)
      %dma_wait3A_1100 = arith.constant 0 : i32
      %dma_wait3A_1101 = arith.constant 0 : i32
      %dma_wait3A_1102 = arith.constant 0 : i32
      %dma_wait3A_1103 = tpu.memref_slice %arg12[%dma_wait3A_1100, %dma_wait3A_1101, %dma_wait3A_1102] : memref<4x128x64xf32, #tpu.memory_space<vmem>> -> memref<1x128x64xf32, #tpu.memory_space<vmem>>
      %dma_wait3A_1104 = tpu.memref_squeeze %dma_wait3A_1103 : memref<1x128x64xf32, #tpu.memory_space<vmem>> -> memref<128x64xf32, #tpu.memory_space<vmem>>
      %dma_wait3A_1105 = arith.constant 0 : i32
      %dma_wait3A_1106 = tpu.memref_slice %arg2[%add3A_954, %dma_wait3A_1105] : memref<100000x64xf32, #tpu.memory_space<hbm>> -> memref<128x64xf32, #tpu.memory_space<hbm>>
      %dma_wait3A_1107 = arith.constant 0 : i32
      %dma_wait3A_1108 = arith.constant 0 : i32
      %dma_wait3A_1109 = tpu.memref_slice %arg12[%dma_wait3A_1100, %dma_wait3A_1107, %dma_wait3A_1108] : memref<4x128x64xf32, #tpu.memory_space<vmem>> -> memref<1x128x64xf32, #tpu.memory_space<vmem>>
      %dma_wait3A_1110 = tpu.memref_squeeze %dma_wait3A_1109 : memref<1x128x64xf32, #tpu.memory_space<vmem>> -> memref<128x64xf32, #tpu.memory_space<vmem>>
      %dma_wait3A_1111 = arith.constant 0 : i32
      %dma_wait3A_1112 = tpu.memref_slice %arg2[%add3A_954, %dma_wait3A_1111] : memref<100000x64xf32, #tpu.memory_space<hbm>> -> memref<128x64xf32, #tpu.memory_space<hbm>>
      tpu.wait_dma2 semaphore(%arg19 : memref<!tpu.dma_semaphore, #tpu.memory_space<semaphore_mem>>) src(%dma_wait3A_1112 : memref<128x64xf32, #tpu.memory_space<hbm>>) dst(%dma_wait3A_1110 : memref<128x64xf32, #tpu.memory_space<vmem>>)
      %dma_start3A_1113 = arith.constant 0 : i32
      %dma_start3A_1114 = arith.constant 16 : i32
      %dma_start3A_1115 = arith.constant 0 : i32
      %dma_start3A_1116 = arith.constant 0 : i32
      %dma_start3A_1117 = tpu.memref_slice %arg12[%dma_start3A_1113, %dma_start3A_1115, %dma_start3A_1116] : memref<4x128x64xf32, #tpu.memory_space<vmem>> -> memref<1x128x64xf32, #tpu.memory_space<vmem>>
      %dma_start3A_1118 = tpu.memref_squeeze %dma_start3A_1117 : memref<1x128x64xf32, #tpu.memory_space<vmem>> -> memref<128x64xf32, #tpu.memory_space<vmem>>
      %dma_start3A_1119 = arith.constant 0 : i32
      %dma_start3A_1120 = tpu.memref_slice %arg13[%dma_start3A_1114, %dma_start3A_1119] : memref<25x128xi32, #tpu.memory_space<vmem>> -> memref<1x128xi32, #tpu.memory_space<vmem>>
      %dma_start3A_1121 = tpu.memref_squeeze %dma_start3A_1120 : memref<1x128xi32, #tpu.memory_space<vmem>> -> memref<128xi32, #tpu.memory_space<vmem>>
      %dma_start3A_1122 = arith.constant 0 : i32
      %dma_start3A_1123 = arith.constant 0 : i32
      %dma_start3A_1124 = tpu.memref_slice %arg17[%dma_start3A_1122, %dma_start3A_1123] : memref<1008x64xf32, #tpu.memory_space<vmem_shared>> -> memref<1008x64xf32, #tpu.memory_space<vmem_shared>>
      tpu.enqueue_indirect_dma source(%dma_start3A_1118 : memref<128x64xf32, #tpu.memory_space<vmem>>) target(%dma_start3A_1124 : memref<1008x64xf32, #tpu.memory_space<vmem_shared>>) offsets(%dma_start3A_1121 : memref<128xi32, #tpu.memory_space<vmem>>) semaphore(%arg23 : memref<!tpu.dma_semaphore, #tpu.memory_space<semaphore_mem>>) {add = true}
      %dma_start3A_1125 = arith.constant 16 : i32
      %dma_start3A_1126 = arith.constant 0 : i32
      %dma_start3A_1127 = tpu.memref_slice %arg13[%dma_start3A_1125, %dma_start3A_1126] : memref<25x128xi32, #tpu.memory_space<vmem>> -> memref<1x128xi32, #tpu.memory_space<vmem>>
      %dma_start3A_1128 = tpu.memref_squeeze %dma_start3A_1127 : memref<1x128xi32, #tpu.memory_space<vmem>> -> memref<128xi32, #tpu.memory_space<vmem>>
      %dma_start3A_1129 = arith.constant 0 : i32
      %dma_start3A_1130 = arith.constant 0 : i32
      %dma_start3A_1131 = tpu.memref_slice %arg18[%dma_start3A_1129, %dma_start3A_1130] : memref<1008x8xf32, #tpu.memory_space<vmem_shared>> -> memref<1008x8xf32, #tpu.memory_space<vmem_shared>>
      tpu.enqueue_indirect_dma source(%arg14 : memref<128x8xf32, #tpu.memory_space<vmem>>) target(%dma_start3A_1131 : memref<1008x8xf32, #tpu.memory_space<vmem_shared>>) offsets(%dma_start3A_1128 : memref<128xi32, #tpu.memory_space<vmem>>) semaphore(%arg23 : memref<!tpu.dma_semaphore, #tpu.memory_space<semaphore_mem>>) {add = true}
      %dma_wait3A_1132 = arith.constant 3 : i32
      %dma_wait3A_1133 = arith.constant 15 : i32
      %dma_wait3A_1134 = arith.constant 0 : i32
      %dma_wait3A_1135 = arith.constant 0 : i32
      %dma_wait3A_1136 = tpu.memref_slice %arg12[%dma_wait3A_1132, %dma_wait3A_1134, %dma_wait3A_1135] : memref<4x128x64xf32, #tpu.memory_space<vmem>> -> memref<1x128x64xf32, #tpu.memory_space<vmem>>
      %dma_wait3A_1137 = tpu.memref_squeeze %dma_wait3A_1136 : memref<1x128x64xf32, #tpu.memory_space<vmem>> -> memref<128x64xf32, #tpu.memory_space<vmem>>
      %dma_wait3A_1138 = arith.constant 0 : i32
      %dma_wait3A_1139 = tpu.memref_slice %arg13[%dma_wait3A_1133, %dma_wait3A_1138] : memref<25x128xi32, #tpu.memory_space<vmem>> -> memref<1x128xi32, #tpu.memory_space<vmem>>
      %dma_wait3A_1140 = tpu.memref_squeeze %dma_wait3A_1139 : memref<1x128xi32, #tpu.memory_space<vmem>> -> memref<128xi32, #tpu.memory_space<vmem>>
      %dma_wait3A_1141 = arith.constant 0 : i32
      %dma_wait3A_1142 = arith.constant 0 : i32
      %dma_wait3A_1143 = tpu.memref_slice %arg17[%dma_wait3A_1141, %dma_wait3A_1142] : memref<1008x64xf32, #tpu.memory_space<vmem_shared>> -> memref<1008x64xf32, #tpu.memory_space<vmem_shared>>
      tpu.wait_indirect_dma semaphore(%arg26 : memref<!tpu.dma_semaphore, #tpu.memory_space<semaphore_mem>>) src(%dma_wait3A_1137 : memref<128x64xf32, #tpu.memory_space<vmem>>) dst(%dma_wait3A_1143 : memref<1008x64xf32, #tpu.memory_space<vmem_shared>>)
      %dma_wait3A_1144 = arith.constant 15 : i32
      %dma_wait3A_1145 = arith.constant 0 : i32
      %dma_wait3A_1146 = tpu.memref_slice %arg13[%dma_wait3A_1144, %dma_wait3A_1145] : memref<25x128xi32, #tpu.memory_space<vmem>> -> memref<1x128xi32, #tpu.memory_space<vmem>>
      %dma_wait3A_1147 = tpu.memref_squeeze %dma_wait3A_1146 : memref<1x128xi32, #tpu.memory_space<vmem>> -> memref<128xi32, #tpu.memory_space<vmem>>
      %dma_wait3A_1148 = arith.constant 0 : i32
      %dma_wait3A_1149 = arith.constant 0 : i32
      %dma_wait3A_1150 = tpu.memref_slice %arg18[%dma_wait3A_1148, %dma_wait3A_1149] : memref<1008x8xf32, #tpu.memory_space<vmem_shared>> -> memref<1008x8xf32, #tpu.memory_space<vmem_shared>>
      tpu.wait_indirect_dma semaphore(%arg26 : memref<!tpu.dma_semaphore, #tpu.memory_space<semaphore_mem>>) src(%arg14 : memref<128x8xf32, #tpu.memory_space<vmem>>) dst(%dma_wait3A_1150 : memref<1008x8xf32, #tpu.memory_space<vmem_shared>>)
      %add3A_1151 = arith.constant 2432 : i32
      %add3A_1152 = arith.addi %mul3A_2, %add3A_1151 : i32
      %dma_start3A_1153 = arith.constant 3 : i32
      %dma_start3A_1154 = arith.constant 0 : i32
      %dma_start3A_1155 = arith.constant 0 : i32
      %dma_start3A_1156 = tpu.memref_slice %arg12[%dma_start3A_1153, %dma_start3A_1154, %dma_start3A_1155] : memref<4x128x64xf32, #tpu.memory_space<vmem>> -> memref<1x128x64xf32, #tpu.memory_space<vmem>>
      %dma_start3A_1157 = tpu.memref_squeeze %dma_start3A_1156 : memref<1x128x64xf32, #tpu.memory_space<vmem>> -> memref<128x64xf32, #tpu.memory_space<vmem>>
      %dma_start3A_1158 = arith.constant 0 : i32
      %dma_start3A_1159 = tpu.memref_slice %arg2[%add3A_1152, %dma_start3A_1158] : memref<100000x64xf32, #tpu.memory_space<hbm>> -> memref<128x64xf32, #tpu.memory_space<hbm>>
      %dma_start3A_1160 = arith.constant 0 : i32
      %dma_start3A_1161 = arith.constant 0 : i32
      %dma_start3A_1162 = tpu.memref_slice %arg12[%dma_start3A_1153, %dma_start3A_1160, %dma_start3A_1161] : memref<4x128x64xf32, #tpu.memory_space<vmem>> -> memref<1x128x64xf32, #tpu.memory_space<vmem>>
      %dma_start3A_1163 = tpu.memref_squeeze %dma_start3A_1162 : memref<1x128x64xf32, #tpu.memory_space<vmem>> -> memref<128x64xf32, #tpu.memory_space<vmem>>
      %dma_start3A_1164 = arith.constant 0 : i32
      %dma_start3A_1165 = tpu.memref_slice %arg2[%add3A_1152, %dma_start3A_1164] : memref<100000x64xf32, #tpu.memory_space<hbm>> -> memref<128x64xf32, #tpu.memory_space<hbm>>
      tpu.enqueue_dma source(%dma_start3A_1165 : memref<128x64xf32, #tpu.memory_space<hbm>>) target(%dma_start3A_1163 : memref<128x64xf32, #tpu.memory_space<vmem>>) target_semaphore(%arg22 : memref<!tpu.dma_semaphore, #tpu.memory_space<semaphore_mem>>)
      %dma_wait3A_1166 = arith.constant 1 : i32
      %dma_wait3A_1167 = arith.constant 0 : i32
      %dma_wait3A_1168 = arith.constant 0 : i32
      %dma_wait3A_1169 = tpu.memref_slice %arg12[%dma_wait3A_1166, %dma_wait3A_1167, %dma_wait3A_1168] : memref<4x128x64xf32, #tpu.memory_space<vmem>> -> memref<1x128x64xf32, #tpu.memory_space<vmem>>
      %dma_wait3A_1170 = tpu.memref_squeeze %dma_wait3A_1169 : memref<1x128x64xf32, #tpu.memory_space<vmem>> -> memref<128x64xf32, #tpu.memory_space<vmem>>
      %dma_wait3A_1171 = arith.constant 0 : i32
      %dma_wait3A_1172 = tpu.memref_slice %arg2[%add3A_1020, %dma_wait3A_1171] : memref<100000x64xf32, #tpu.memory_space<hbm>> -> memref<128x64xf32, #tpu.memory_space<hbm>>
      %dma_wait3A_1173 = arith.constant 0 : i32
      %dma_wait3A_1174 = arith.constant 0 : i32
      %dma_wait3A_1175 = tpu.memref_slice %arg12[%dma_wait3A_1166, %dma_wait3A_1173, %dma_wait3A_1174] : memref<4x128x64xf32, #tpu.memory_space<vmem>> -> memref<1x128x64xf32, #tpu.memory_space<vmem>>
      %dma_wait3A_1176 = tpu.memref_squeeze %dma_wait3A_1175 : memref<1x128x64xf32, #tpu.memory_space<vmem>> -> memref<128x64xf32, #tpu.memory_space<vmem>>
      %dma_wait3A_1177 = arith.constant 0 : i32
      %dma_wait3A_1178 = tpu.memref_slice %arg2[%add3A_1020, %dma_wait3A_1177] : memref<100000x64xf32, #tpu.memory_space<hbm>> -> memref<128x64xf32, #tpu.memory_space<hbm>>
      tpu.wait_dma2 semaphore(%arg20 : memref<!tpu.dma_semaphore, #tpu.memory_space<semaphore_mem>>) src(%dma_wait3A_1178 : memref<128x64xf32, #tpu.memory_space<hbm>>) dst(%dma_wait3A_1176 : memref<128x64xf32, #tpu.memory_space<vmem>>)
      %dma_start3A_1179 = arith.constant 1 : i32
      %dma_start3A_1180 = arith.constant 17 : i32
      %dma_start3A_1181 = arith.constant 0 : i32
      %dma_start3A_1182 = arith.constant 0 : i32
      %dma_start3A_1183 = tpu.memref_slice %arg12[%dma_start3A_1179, %dma_start3A_1181, %dma_start3A_1182] : memref<4x128x64xf32, #tpu.memory_space<vmem>> -> memref<1x128x64xf32, #tpu.memory_space<vmem>>
      %dma_start3A_1184 = tpu.memref_squeeze %dma_start3A_1183 : memref<1x128x64xf32, #tpu.memory_space<vmem>> -> memref<128x64xf32, #tpu.memory_space<vmem>>
      %dma_start3A_1185 = arith.constant 0 : i32
      %dma_start3A_1186 = tpu.memref_slice %arg13[%dma_start3A_1180, %dma_start3A_1185] : memref<25x128xi32, #tpu.memory_space<vmem>> -> memref<1x128xi32, #tpu.memory_space<vmem>>
      %dma_start3A_1187 = tpu.memref_squeeze %dma_start3A_1186 : memref<1x128xi32, #tpu.memory_space<vmem>> -> memref<128xi32, #tpu.memory_space<vmem>>
      %dma_start3A_1188 = arith.constant 0 : i32
      %dma_start3A_1189 = arith.constant 0 : i32
      %dma_start3A_1190 = tpu.memref_slice %arg17[%dma_start3A_1188, %dma_start3A_1189] : memref<1008x64xf32, #tpu.memory_space<vmem_shared>> -> memref<1008x64xf32, #tpu.memory_space<vmem_shared>>
      tpu.enqueue_indirect_dma source(%dma_start3A_1184 : memref<128x64xf32, #tpu.memory_space<vmem>>) target(%dma_start3A_1190 : memref<1008x64xf32, #tpu.memory_space<vmem_shared>>) offsets(%dma_start3A_1187 : memref<128xi32, #tpu.memory_space<vmem>>) semaphore(%arg24 : memref<!tpu.dma_semaphore, #tpu.memory_space<semaphore_mem>>) {add = true}
      %dma_start3A_1191 = arith.constant 17 : i32
      %dma_start3A_1192 = arith.constant 0 : i32
      %dma_start3A_1193 = tpu.memref_slice %arg13[%dma_start3A_1191, %dma_start3A_1192] : memref<25x128xi32, #tpu.memory_space<vmem>> -> memref<1x128xi32, #tpu.memory_space<vmem>>
      %dma_start3A_1194 = tpu.memref_squeeze %dma_start3A_1193 : memref<1x128xi32, #tpu.memory_space<vmem>> -> memref<128xi32, #tpu.memory_space<vmem>>
      %dma_start3A_1195 = arith.constant 0 : i32
      %dma_start3A_1196 = arith.constant 0 : i32
      %dma_start3A_1197 = tpu.memref_slice %arg18[%dma_start3A_1195, %dma_start3A_1196] : memref<1008x8xf32, #tpu.memory_space<vmem_shared>> -> memref<1008x8xf32, #tpu.memory_space<vmem_shared>>
      tpu.enqueue_indirect_dma source(%arg14 : memref<128x8xf32, #tpu.memory_space<vmem>>) target(%dma_start3A_1197 : memref<1008x8xf32, #tpu.memory_space<vmem_shared>>) offsets(%dma_start3A_1194 : memref<128xi32, #tpu.memory_space<vmem>>) semaphore(%arg24 : memref<!tpu.dma_semaphore, #tpu.memory_space<semaphore_mem>>) {add = true}
      %dma_wait3A_1198 = arith.constant 0 : i32
      %dma_wait3A_1199 = arith.constant 16 : i32
      %dma_wait3A_1200 = arith.constant 0 : i32
      %dma_wait3A_1201 = arith.constant 0 : i32
      %dma_wait3A_1202 = tpu.memref_slice %arg12[%dma_wait3A_1198, %dma_wait3A_1200, %dma_wait3A_1201] : memref<4x128x64xf32, #tpu.memory_space<vmem>> -> memref<1x128x64xf32, #tpu.memory_space<vmem>>
      %dma_wait3A_1203 = tpu.memref_squeeze %dma_wait3A_1202 : memref<1x128x64xf32, #tpu.memory_space<vmem>> -> memref<128x64xf32, #tpu.memory_space<vmem>>
      %dma_wait3A_1204 = arith.constant 0 : i32
      %dma_wait3A_1205 = tpu.memref_slice %arg13[%dma_wait3A_1199, %dma_wait3A_1204] : memref<25x128xi32, #tpu.memory_space<vmem>> -> memref<1x128xi32, #tpu.memory_space<vmem>>
      %dma_wait3A_1206 = tpu.memref_squeeze %dma_wait3A_1205 : memref<1x128xi32, #tpu.memory_space<vmem>> -> memref<128xi32, #tpu.memory_space<vmem>>
      %dma_wait3A_1207 = arith.constant 0 : i32
      %dma_wait3A_1208 = arith.constant 0 : i32
      %dma_wait3A_1209 = tpu.memref_slice %arg17[%dma_wait3A_1207, %dma_wait3A_1208] : memref<1008x64xf32, #tpu.memory_space<vmem_shared>> -> memref<1008x64xf32, #tpu.memory_space<vmem_shared>>
      tpu.wait_indirect_dma semaphore(%arg23 : memref<!tpu.dma_semaphore, #tpu.memory_space<semaphore_mem>>) src(%dma_wait3A_1203 : memref<128x64xf32, #tpu.memory_space<vmem>>) dst(%dma_wait3A_1209 : memref<1008x64xf32, #tpu.memory_space<vmem_shared>>)
      %dma_wait3A_1210 = arith.constant 16 : i32
      %dma_wait3A_1211 = arith.constant 0 : i32
      %dma_wait3A_1212 = tpu.memref_slice %arg13[%dma_wait3A_1210, %dma_wait3A_1211] : memref<25x128xi32, #tpu.memory_space<vmem>> -> memref<1x128xi32, #tpu.memory_space<vmem>>
      %dma_wait3A_1213 = tpu.memref_squeeze %dma_wait3A_1212 : memref<1x128xi32, #tpu.memory_space<vmem>> -> memref<128xi32, #tpu.memory_space<vmem>>
      %dma_wait3A_1214 = arith.constant 0 : i32
      %dma_wait3A_1215 = arith.constant 0 : i32
      %dma_wait3A_1216 = tpu.memref_slice %arg18[%dma_wait3A_1214, %dma_wait3A_1215] : memref<1008x8xf32, #tpu.memory_space<vmem_shared>> -> memref<1008x8xf32, #tpu.memory_space<vmem_shared>>
      tpu.wait_indirect_dma semaphore(%arg23 : memref<!tpu.dma_semaphore, #tpu.memory_space<semaphore_mem>>) src(%arg14 : memref<128x8xf32, #tpu.memory_space<vmem>>) dst(%dma_wait3A_1216 : memref<1008x8xf32, #tpu.memory_space<vmem_shared>>)
      %add3A_1217 = arith.constant 2560 : i32
      %add3A_1218 = arith.addi %mul3A_2, %add3A_1217 : i32
      %dma_start3A_1219 = arith.constant 0 : i32
      %dma_start3A_1220 = arith.constant 0 : i32
      %dma_start3A_1221 = arith.constant 0 : i32
      %dma_start3A_1222 = tpu.memref_slice %arg12[%dma_start3A_1219, %dma_start3A_1220, %dma_start3A_1221] : memref<4x128x64xf32, #tpu.memory_space<vmem>> -> memref<1x128x64xf32, #tpu.memory_space<vmem>>
      %dma_start3A_1223 = tpu.memref_squeeze %dma_start3A_1222 : memref<1x128x64xf32, #tpu.memory_space<vmem>> -> memref<128x64xf32, #tpu.memory_space<vmem>>
      %dma_start3A_1224 = arith.constant 0 : i32
      %dma_start3A_1225 = tpu.memref_slice %arg2[%add3A_1218, %dma_start3A_1224] : memref<100000x64xf32, #tpu.memory_space<hbm>> -> memref<128x64xf32, #tpu.memory_space<hbm>>
      %dma_start3A_1226 = arith.constant 0 : i32
      %dma_start3A_1227 = arith.constant 0 : i32
      %dma_start3A_1228 = tpu.memref_slice %arg12[%dma_start3A_1219, %dma_start3A_1226, %dma_start3A_1227] : memref<4x128x64xf32, #tpu.memory_space<vmem>> -> memref<1x128x64xf32, #tpu.memory_space<vmem>>
      %dma_start3A_1229 = tpu.memref_squeeze %dma_start3A_1228 : memref<1x128x64xf32, #tpu.memory_space<vmem>> -> memref<128x64xf32, #tpu.memory_space<vmem>>
      %dma_start3A_1230 = arith.constant 0 : i32
      %dma_start3A_1231 = tpu.memref_slice %arg2[%add3A_1218, %dma_start3A_1230] : memref<100000x64xf32, #tpu.memory_space<hbm>> -> memref<128x64xf32, #tpu.memory_space<hbm>>
      tpu.enqueue_dma source(%dma_start3A_1231 : memref<128x64xf32, #tpu.memory_space<hbm>>) target(%dma_start3A_1229 : memref<128x64xf32, #tpu.memory_space<vmem>>) target_semaphore(%arg19 : memref<!tpu.dma_semaphore, #tpu.memory_space<semaphore_mem>>)
      %dma_wait3A_1232 = arith.constant 2 : i32
      %dma_wait3A_1233 = arith.constant 0 : i32
      %dma_wait3A_1234 = arith.constant 0 : i32
      %dma_wait3A_1235 = tpu.memref_slice %arg12[%dma_wait3A_1232, %dma_wait3A_1233, %dma_wait3A_1234] : memref<4x128x64xf32, #tpu.memory_space<vmem>> -> memref<1x128x64xf32, #tpu.memory_space<vmem>>
      %dma_wait3A_1236 = tpu.memref_squeeze %dma_wait3A_1235 : memref<1x128x64xf32, #tpu.memory_space<vmem>> -> memref<128x64xf32, #tpu.memory_space<vmem>>
      %dma_wait3A_1237 = arith.constant 0 : i32
      %dma_wait3A_1238 = tpu.memref_slice %arg2[%add3A_1086, %dma_wait3A_1237] : memref<100000x64xf32, #tpu.memory_space<hbm>> -> memref<128x64xf32, #tpu.memory_space<hbm>>
      %dma_wait3A_1239 = arith.constant 0 : i32
      %dma_wait3A_1240 = arith.constant 0 : i32
      %dma_wait3A_1241 = tpu.memref_slice %arg12[%dma_wait3A_1232, %dma_wait3A_1239, %dma_wait3A_1240] : memref<4x128x64xf32, #tpu.memory_space<vmem>> -> memref<1x128x64xf32, #tpu.memory_space<vmem>>
      %dma_wait3A_1242 = tpu.memref_squeeze %dma_wait3A_1241 : memref<1x128x64xf32, #tpu.memory_space<vmem>> -> memref<128x64xf32, #tpu.memory_space<vmem>>
      %dma_wait3A_1243 = arith.constant 0 : i32
      %dma_wait3A_1244 = tpu.memref_slice %arg2[%add3A_1086, %dma_wait3A_1243] : memref<100000x64xf32, #tpu.memory_space<hbm>> -> memref<128x64xf32, #tpu.memory_space<hbm>>
      tpu.wait_dma2 semaphore(%arg21 : memref<!tpu.dma_semaphore, #tpu.memory_space<semaphore_mem>>) src(%dma_wait3A_1244 : memref<128x64xf32, #tpu.memory_space<hbm>>) dst(%dma_wait3A_1242 : memref<128x64xf32, #tpu.memory_space<vmem>>)
      %dma_start3A_1245 = arith.constant 2 : i32
      %dma_start3A_1246 = arith.constant 18 : i32
      %dma_start3A_1247 = arith.constant 0 : i32
      %dma_start3A_1248 = arith.constant 0 : i32
      %dma_start3A_1249 = tpu.memref_slice %arg12[%dma_start3A_1245, %dma_start3A_1247, %dma_start3A_1248] : memref<4x128x64xf32, #tpu.memory_space<vmem>> -> memref<1x128x64xf32, #tpu.memory_space<vmem>>
      %dma_start3A_1250 = tpu.memref_squeeze %dma_start3A_1249 : memref<1x128x64xf32, #tpu.memory_space<vmem>> -> memref<128x64xf32, #tpu.memory_space<vmem>>
      %dma_start3A_1251 = arith.constant 0 : i32
      %dma_start3A_1252 = tpu.memref_slice %arg13[%dma_start3A_1246, %dma_start3A_1251] : memref<25x128xi32, #tpu.memory_space<vmem>> -> memref<1x128xi32, #tpu.memory_space<vmem>>
      %dma_start3A_1253 = tpu.memref_squeeze %dma_start3A_1252 : memref<1x128xi32, #tpu.memory_space<vmem>> -> memref<128xi32, #tpu.memory_space<vmem>>
      %dma_start3A_1254 = arith.constant 0 : i32
      %dma_start3A_1255 = arith.constant 0 : i32
      %dma_start3A_1256 = tpu.memref_slice %arg17[%dma_start3A_1254, %dma_start3A_1255] : memref<1008x64xf32, #tpu.memory_space<vmem_shared>> -> memref<1008x64xf32, #tpu.memory_space<vmem_shared>>
      tpu.enqueue_indirect_dma source(%dma_start3A_1250 : memref<128x64xf32, #tpu.memory_space<vmem>>) target(%dma_start3A_1256 : memref<1008x64xf32, #tpu.memory_space<vmem_shared>>) offsets(%dma_start3A_1253 : memref<128xi32, #tpu.memory_space<vmem>>) semaphore(%arg25 : memref<!tpu.dma_semaphore, #tpu.memory_space<semaphore_mem>>) {add = true}
      %dma_start3A_1257 = arith.constant 18 : i32
      %dma_start3A_1258 = arith.constant 0 : i32
      %dma_start3A_1259 = tpu.memref_slice %arg13[%dma_start3A_1257, %dma_start3A_1258] : memref<25x128xi32, #tpu.memory_space<vmem>> -> memref<1x128xi32, #tpu.memory_space<vmem>>
      %dma_start3A_1260 = tpu.memref_squeeze %dma_start3A_1259 : memref<1x128xi32, #tpu.memory_space<vmem>> -> memref<128xi32, #tpu.memory_space<vmem>>
      %dma_start3A_1261 = arith.constant 0 : i32
      %dma_start3A_1262 = arith.constant 0 : i32
      %dma_start3A_1263 = tpu.memref_slice %arg18[%dma_start3A_1261, %dma_start3A_1262] : memref<1008x8xf32, #tpu.memory_space<vmem_shared>> -> memref<1008x8xf32, #tpu.memory_space<vmem_shared>>
      tpu.enqueue_indirect_dma source(%arg14 : memref<128x8xf32, #tpu.memory_space<vmem>>) target(%dma_start3A_1263 : memref<1008x8xf32, #tpu.memory_space<vmem_shared>>) offsets(%dma_start3A_1260 : memref<128xi32, #tpu.memory_space<vmem>>) semaphore(%arg25 : memref<!tpu.dma_semaphore, #tpu.memory_space<semaphore_mem>>) {add = true}
      %dma_wait3A_1264 = arith.constant 1 : i32
      %dma_wait3A_1265 = arith.constant 17 : i32
      %dma_wait3A_1266 = arith.constant 0 : i32
      %dma_wait3A_1267 = arith.constant 0 : i32
      %dma_wait3A_1268 = tpu.memref_slice %arg12[%dma_wait3A_1264, %dma_wait3A_1266, %dma_wait3A_1267] : memref<4x128x64xf32, #tpu.memory_space<vmem>> -> memref<1x128x64xf32, #tpu.memory_space<vmem>>
      %dma_wait3A_1269 = tpu.memref_squeeze %dma_wait3A_1268 : memref<1x128x64xf32, #tpu.memory_space<vmem>> -> memref<128x64xf32, #tpu.memory_space<vmem>>
      %dma_wait3A_1270 = arith.constant 0 : i32
      %dma_wait3A_1271 = tpu.memref_slice %arg13[%dma_wait3A_1265, %dma_wait3A_1270] : memref<25x128xi32, #tpu.memory_space<vmem>> -> memref<1x128xi32, #tpu.memory_space<vmem>>
      %dma_wait3A_1272 = tpu.memref_squeeze %dma_wait3A_1271 : memref<1x128xi32, #tpu.memory_space<vmem>> -> memref<128xi32, #tpu.memory_space<vmem>>
      %dma_wait3A_1273 = arith.constant 0 : i32
      %dma_wait3A_1274 = arith.constant 0 : i32
      %dma_wait3A_1275 = tpu.memref_slice %arg17[%dma_wait3A_1273, %dma_wait3A_1274] : memref<1008x64xf32, #tpu.memory_space<vmem_shared>> -> memref<1008x64xf32, #tpu.memory_space<vmem_shared>>
      tpu.wait_indirect_dma semaphore(%arg24 : memref<!tpu.dma_semaphore, #tpu.memory_space<semaphore_mem>>) src(%dma_wait3A_1269 : memref<128x64xf32, #tpu.memory_space<vmem>>) dst(%dma_wait3A_1275 : memref<1008x64xf32, #tpu.memory_space<vmem_shared>>)
      %dma_wait3A_1276 = arith.constant 17 : i32
      %dma_wait3A_1277 = arith.constant 0 : i32
      %dma_wait3A_1278 = tpu.memref_slice %arg13[%dma_wait3A_1276, %dma_wait3A_1277] : memref<25x128xi32, #tpu.memory_space<vmem>> -> memref<1x128xi32, #tpu.memory_space<vmem>>
      %dma_wait3A_1279 = tpu.memref_squeeze %dma_wait3A_1278 : memref<1x128xi32, #tpu.memory_space<vmem>> -> memref<128xi32, #tpu.memory_space<vmem>>
      %dma_wait3A_1280 = arith.constant 0 : i32
      %dma_wait3A_1281 = arith.constant 0 : i32
      %dma_wait3A_1282 = tpu.memref_slice %arg18[%dma_wait3A_1280, %dma_wait3A_1281] : memref<1008x8xf32, #tpu.memory_space<vmem_shared>> -> memref<1008x8xf32, #tpu.memory_space<vmem_shared>>
      tpu.wait_indirect_dma semaphore(%arg24 : memref<!tpu.dma_semaphore, #tpu.memory_space<semaphore_mem>>) src(%arg14 : memref<128x8xf32, #tpu.memory_space<vmem>>) dst(%dma_wait3A_1282 : memref<1008x8xf32, #tpu.memory_space<vmem_shared>>)
      %add3A_1283 = arith.constant 2688 : i32
      %add3A_1284 = arith.addi %mul3A_2, %add3A_1283 : i32
      %dma_start3A_1285 = arith.constant 1 : i32
      %dma_start3A_1286 = arith.constant 0 : i32
      %dma_start3A_1287 = arith.constant 0 : i32
      %dma_start3A_1288 = tpu.memref_slice %arg12[%dma_start3A_1285, %dma_start3A_1286, %dma_start3A_1287] : memref<4x128x64xf32, #tpu.memory_space<vmem>> -> memref<1x128x64xf32, #tpu.memory_space<vmem>>
      %dma_start3A_1289 = tpu.memref_squeeze %dma_start3A_1288 : memref<1x128x64xf32, #tpu.memory_space<vmem>> -> memref<128x64xf32, #tpu.memory_space<vmem>>
      %dma_start3A_1290 = arith.constant 0 : i32
      %dma_start3A_1291 = tpu.memref_slice %arg2[%add3A_1284, %dma_start3A_1290] : memref<100000x64xf32, #tpu.memory_space<hbm>> -> memref<128x64xf32, #tpu.memory_space<hbm>>
      %dma_start3A_1292 = arith.constant 0 : i32
      %dma_start3A_1293 = arith.constant 0 : i32
      %dma_start3A_1294 = tpu.memref_slice %arg12[%dma_start3A_1285, %dma_start3A_1292, %dma_start3A_1293] : memref<4x128x64xf32, #tpu.memory_space<vmem>> -> memref<1x128x64xf32, #tpu.memory_space<vmem>>
      %dma_start3A_1295 = tpu.memref_squeeze %dma_start3A_1294 : memref<1x128x64xf32, #tpu.memory_space<vmem>> -> memref<128x64xf32, #tpu.memory_space<vmem>>
      %dma_start3A_1296 = arith.constant 0 : i32
      %dma_start3A_1297 = tpu.memref_slice %arg2[%add3A_1284, %dma_start3A_1296] : memref<100000x64xf32, #tpu.memory_space<hbm>> -> memref<128x64xf32, #tpu.memory_space<hbm>>
      tpu.enqueue_dma source(%dma_start3A_1297 : memref<128x64xf32, #tpu.memory_space<hbm>>) target(%dma_start3A_1295 : memref<128x64xf32, #tpu.memory_space<vmem>>) target_semaphore(%arg20 : memref<!tpu.dma_semaphore, #tpu.memory_space<semaphore_mem>>)
      %dma_wait3A_1298 = arith.constant 3 : i32
      %dma_wait3A_1299 = arith.constant 0 : i32
      %dma_wait3A_1300 = arith.constant 0 : i32
      %dma_wait3A_1301 = tpu.memref_slice %arg12[%dma_wait3A_1298, %dma_wait3A_1299, %dma_wait3A_1300] : memref<4x128x64xf32, #tpu.memory_space<vmem>> -> memref<1x128x64xf32, #tpu.memory_space<vmem>>
      %dma_wait3A_1302 = tpu.memref_squeeze %dma_wait3A_1301 : memref<1x128x64xf32, #tpu.memory_space<vmem>> -> memref<128x64xf32, #tpu.memory_space<vmem>>
      %dma_wait3A_1303 = arith.constant 0 : i32
      %dma_wait3A_1304 = tpu.memref_slice %arg2[%add3A_1152, %dma_wait3A_1303] : memref<100000x64xf32, #tpu.memory_space<hbm>> -> memref<128x64xf32, #tpu.memory_space<hbm>>
      %dma_wait3A_1305 = arith.constant 0 : i32
      %dma_wait3A_1306 = arith.constant 0 : i32
      %dma_wait3A_1307 = tpu.memref_slice %arg12[%dma_wait3A_1298, %dma_wait3A_1305, %dma_wait3A_1306] : memref<4x128x64xf32, #tpu.memory_space<vmem>> -> memref<1x128x64xf32, #tpu.memory_space<vmem>>
      %dma_wait3A_1308 = tpu.memref_squeeze %dma_wait3A_1307 : memref<1x128x64xf32, #tpu.memory_space<vmem>> -> memref<128x64xf32, #tpu.memory_space<vmem>>
      %dma_wait3A_1309 = arith.constant 0 : i32
      %dma_wait3A_1310 = tpu.memref_slice %arg2[%add3A_1152, %dma_wait3A_1309] : memref<100000x64xf32, #tpu.memory_space<hbm>> -> memref<128x64xf32, #tpu.memory_space<hbm>>
      tpu.wait_dma2 semaphore(%arg22 : memref<!tpu.dma_semaphore, #tpu.memory_space<semaphore_mem>>) src(%dma_wait3A_1310 : memref<128x64xf32, #tpu.memory_space<hbm>>) dst(%dma_wait3A_1308 : memref<128x64xf32, #tpu.memory_space<vmem>>)
      %dma_start3A_1311 = arith.constant 3 : i32
      %dma_start3A_1312 = arith.constant 19 : i32
      %dma_start3A_1313 = arith.constant 0 : i32
      %dma_start3A_1314 = arith.constant 0 : i32
      %dma_start3A_1315 = tpu.memref_slice %arg12[%dma_start3A_1311, %dma_start3A_1313, %dma_start3A_1314] : memref<4x128x64xf32, #tpu.memory_space<vmem>> -> memref<1x128x64xf32, #tpu.memory_space<vmem>>
      %dma_start3A_1316 = tpu.memref_squeeze %dma_start3A_1315 : memref<1x128x64xf32, #tpu.memory_space<vmem>> -> memref<128x64xf32, #tpu.memory_space<vmem>>
      %dma_start3A_1317 = arith.constant 0 : i32
      %dma_start3A_1318 = tpu.memref_slice %arg13[%dma_start3A_1312, %dma_start3A_1317] : memref<25x128xi32, #tpu.memory_space<vmem>> -> memref<1x128xi32, #tpu.memory_space<vmem>>
      %dma_start3A_1319 = tpu.memref_squeeze %dma_start3A_1318 : memref<1x128xi32, #tpu.memory_space<vmem>> -> memref<128xi32, #tpu.memory_space<vmem>>
      %dma_start3A_1320 = arith.constant 0 : i32
      %dma_start3A_1321 = arith.constant 0 : i32
      %dma_start3A_1322 = tpu.memref_slice %arg17[%dma_start3A_1320, %dma_start3A_1321] : memref<1008x64xf32, #tpu.memory_space<vmem_shared>> -> memref<1008x64xf32, #tpu.memory_space<vmem_shared>>
      tpu.enqueue_indirect_dma source(%dma_start3A_1316 : memref<128x64xf32, #tpu.memory_space<vmem>>) target(%dma_start3A_1322 : memref<1008x64xf32, #tpu.memory_space<vmem_shared>>) offsets(%dma_start3A_1319 : memref<128xi32, #tpu.memory_space<vmem>>) semaphore(%arg26 : memref<!tpu.dma_semaphore, #tpu.memory_space<semaphore_mem>>) {add = true}
      %dma_start3A_1323 = arith.constant 19 : i32
      %dma_start3A_1324 = arith.constant 0 : i32
      %dma_start3A_1325 = tpu.memref_slice %arg13[%dma_start3A_1323, %dma_start3A_1324] : memref<25x128xi32, #tpu.memory_space<vmem>> -> memref<1x128xi32, #tpu.memory_space<vmem>>
      %dma_start3A_1326 = tpu.memref_squeeze %dma_start3A_1325 : memref<1x128xi32, #tpu.memory_space<vmem>> -> memref<128xi32, #tpu.memory_space<vmem>>
      %dma_start3A_1327 = arith.constant 0 : i32
      %dma_start3A_1328 = arith.constant 0 : i32
      %dma_start3A_1329 = tpu.memref_slice %arg18[%dma_start3A_1327, %dma_start3A_1328] : memref<1008x8xf32, #tpu.memory_space<vmem_shared>> -> memref<1008x8xf32, #tpu.memory_space<vmem_shared>>
      tpu.enqueue_indirect_dma source(%arg14 : memref<128x8xf32, #tpu.memory_space<vmem>>) target(%dma_start3A_1329 : memref<1008x8xf32, #tpu.memory_space<vmem_shared>>) offsets(%dma_start3A_1326 : memref<128xi32, #tpu.memory_space<vmem>>) semaphore(%arg26 : memref<!tpu.dma_semaphore, #tpu.memory_space<semaphore_mem>>) {add = true}
      %dma_wait3A_1330 = arith.constant 2 : i32
      %dma_wait3A_1331 = arith.constant 18 : i32
      %dma_wait3A_1332 = arith.constant 0 : i32
      %dma_wait3A_1333 = arith.constant 0 : i32
      %dma_wait3A_1334 = tpu.memref_slice %arg12[%dma_wait3A_1330, %dma_wait3A_1332, %dma_wait3A_1333] : memref<4x128x64xf32, #tpu.memory_space<vmem>> -> memref<1x128x64xf32, #tpu.memory_space<vmem>>
      %dma_wait3A_1335 = tpu.memref_squeeze %dma_wait3A_1334 : memref<1x128x64xf32, #tpu.memory_space<vmem>> -> memref<128x64xf32, #tpu.memory_space<vmem>>
      %dma_wait3A_1336 = arith.constant 0 : i32
      %dma_wait3A_1337 = tpu.memref_slice %arg13[%dma_wait3A_1331, %dma_wait3A_1336] : memref<25x128xi32, #tpu.memory_space<vmem>> -> memref<1x128xi32, #tpu.memory_space<vmem>>
      %dma_wait3A_1338 = tpu.memref_squeeze %dma_wait3A_1337 : memref<1x128xi32, #tpu.memory_space<vmem>> -> memref<128xi32, #tpu.memory_space<vmem>>
      %dma_wait3A_1339 = arith.constant 0 : i32
      %dma_wait3A_1340 = arith.constant 0 : i32
      %dma_wait3A_1341 = tpu.memref_slice %arg17[%dma_wait3A_1339, %dma_wait3A_1340] : memref<1008x64xf32, #tpu.memory_space<vmem_shared>> -> memref<1008x64xf32, #tpu.memory_space<vmem_shared>>
      tpu.wait_indirect_dma semaphore(%arg25 : memref<!tpu.dma_semaphore, #tpu.memory_space<semaphore_mem>>) src(%dma_wait3A_1335 : memref<128x64xf32, #tpu.memory_space<vmem>>) dst(%dma_wait3A_1341 : memref<1008x64xf32, #tpu.memory_space<vmem_shared>>)
      %dma_wait3A_1342 = arith.constant 18 : i32
      %dma_wait3A_1343 = arith.constant 0 : i32
      %dma_wait3A_1344 = tpu.memref_slice %arg13[%dma_wait3A_1342, %dma_wait3A_1343] : memref<25x128xi32, #tpu.memory_space<vmem>> -> memref<1x128xi32, #tpu.memory_space<vmem>>
      %dma_wait3A_1345 = tpu.memref_squeeze %dma_wait3A_1344 : memref<1x128xi32, #tpu.memory_space<vmem>> -> memref<128xi32, #tpu.memory_space<vmem>>
      %dma_wait3A_1346 = arith.constant 0 : i32
      %dma_wait3A_1347 = arith.constant 0 : i32
      %dma_wait3A_1348 = tpu.memref_slice %arg18[%dma_wait3A_1346, %dma_wait3A_1347] : memref<1008x8xf32, #tpu.memory_space<vmem_shared>> -> memref<1008x8xf32, #tpu.memory_space<vmem_shared>>
      tpu.wait_indirect_dma semaphore(%arg25 : memref<!tpu.dma_semaphore, #tpu.memory_space<semaphore_mem>>) src(%arg14 : memref<128x8xf32, #tpu.memory_space<vmem>>) dst(%dma_wait3A_1348 : memref<1008x8xf32, #tpu.memory_space<vmem_shared>>)
      %add3A_1349 = arith.constant 2816 : i32
      %add3A_1350 = arith.addi %mul3A_2, %add3A_1349 : i32
      %dma_start3A_1351 = arith.constant 2 : i32
      %dma_start3A_1352 = arith.constant 0 : i32
      %dma_start3A_1353 = arith.constant 0 : i32
      %dma_start3A_1354 = tpu.memref_slice %arg12[%dma_start3A_1351, %dma_start3A_1352, %dma_start3A_1353] : memref<4x128x64xf32, #tpu.memory_space<vmem>> -> memref<1x128x64xf32, #tpu.memory_space<vmem>>
      %dma_start3A_1355 = tpu.memref_squeeze %dma_start3A_1354 : memref<1x128x64xf32, #tpu.memory_space<vmem>> -> memref<128x64xf32, #tpu.memory_space<vmem>>
      %dma_start3A_1356 = arith.constant 0 : i32
      %dma_start3A_1357 = tpu.memref_slice %arg2[%add3A_1350, %dma_start3A_1356] : memref<100000x64xf32, #tpu.memory_space<hbm>> -> memref<128x64xf32, #tpu.memory_space<hbm>>
      %dma_start3A_1358 = arith.constant 0 : i32
      %dma_start3A_1359 = arith.constant 0 : i32
      %dma_start3A_1360 = tpu.memref_slice %arg12[%dma_start3A_1351, %dma_start3A_1358, %dma_start3A_1359] : memref<4x128x64xf32, #tpu.memory_space<vmem>> -> memref<1x128x64xf32, #tpu.memory_space<vmem>>
      %dma_start3A_1361 = tpu.memref_squeeze %dma_start3A_1360 : memref<1x128x64xf32, #tpu.memory_space<vmem>> -> memref<128x64xf32, #tpu.memory_space<vmem>>
      %dma_start3A_1362 = arith.constant 0 : i32
      %dma_start3A_1363 = tpu.memref_slice %arg2[%add3A_1350, %dma_start3A_1362] : memref<100000x64xf32, #tpu.memory_space<hbm>> -> memref<128x64xf32, #tpu.memory_space<hbm>>
      tpu.enqueue_dma source(%dma_start3A_1363 : memref<128x64xf32, #tpu.memory_space<hbm>>) target(%dma_start3A_1361 : memref<128x64xf32, #tpu.memory_space<vmem>>) target_semaphore(%arg21 : memref<!tpu.dma_semaphore, #tpu.memory_space<semaphore_mem>>)
      %dma_wait3A_1364 = arith.constant 0 : i32
      %dma_wait3A_1365 = arith.constant 0 : i32
      %dma_wait3A_1366 = arith.constant 0 : i32
      %dma_wait3A_1367 = tpu.memref_slice %arg12[%dma_wait3A_1364, %dma_wait3A_1365, %dma_wait3A_1366] : memref<4x128x64xf32, #tpu.memory_space<vmem>> -> memref<1x128x64xf32, #tpu.memory_space<vmem>>
      %dma_wait3A_1368 = tpu.memref_squeeze %dma_wait3A_1367 : memref<1x128x64xf32, #tpu.memory_space<vmem>> -> memref<128x64xf32, #tpu.memory_space<vmem>>
      %dma_wait3A_1369 = arith.constant 0 : i32
      %dma_wait3A_1370 = tpu.memref_slice %arg2[%add3A_1218, %dma_wait3A_1369] : memref<100000x64xf32, #tpu.memory_space<hbm>> -> memref<128x64xf32, #tpu.memory_space<hbm>>
      %dma_wait3A_1371 = arith.constant 0 : i32
      %dma_wait3A_1372 = arith.constant 0 : i32
      %dma_wait3A_1373 = tpu.memref_slice %arg12[%dma_wait3A_1364, %dma_wait3A_1371, %dma_wait3A_1372] : memref<4x128x64xf32, #tpu.memory_space<vmem>> -> memref<1x128x64xf32, #tpu.memory_space<vmem>>
      %dma_wait3A_1374 = tpu.memref_squeeze %dma_wait3A_1373 : memref<1x128x64xf32, #tpu.memory_space<vmem>> -> memref<128x64xf32, #tpu.memory_space<vmem>>
      %dma_wait3A_1375 = arith.constant 0 : i32
      %dma_wait3A_1376 = tpu.memref_slice %arg2[%add3A_1218, %dma_wait3A_1375] : memref<100000x64xf32, #tpu.memory_space<hbm>> -> memref<128x64xf32, #tpu.memory_space<hbm>>
      tpu.wait_dma2 semaphore(%arg19 : memref<!tpu.dma_semaphore, #tpu.memory_space<semaphore_mem>>) src(%dma_wait3A_1376 : memref<128x64xf32, #tpu.memory_space<hbm>>) dst(%dma_wait3A_1374 : memref<128x64xf32, #tpu.memory_space<vmem>>)
      %dma_start3A_1377 = arith.constant 0 : i32
      %dma_start3A_1378 = arith.constant 20 : i32
      %dma_start3A_1379 = arith.constant 0 : i32
      %dma_start3A_1380 = arith.constant 0 : i32
      %dma_start3A_1381 = tpu.memref_slice %arg12[%dma_start3A_1377, %dma_start3A_1379, %dma_start3A_1380] : memref<4x128x64xf32, #tpu.memory_space<vmem>> -> memref<1x128x64xf32, #tpu.memory_space<vmem>>
      %dma_start3A_1382 = tpu.memref_squeeze %dma_start3A_1381 : memref<1x128x64xf32, #tpu.memory_space<vmem>> -> memref<128x64xf32, #tpu.memory_space<vmem>>
      %dma_start3A_1383 = arith.constant 0 : i32
      %dma_start3A_1384 = tpu.memref_slice %arg13[%dma_start3A_1378, %dma_start3A_1383] : memref<25x128xi32, #tpu.memory_space<vmem>> -> memref<1x128xi32, #tpu.memory_space<vmem>>
      %dma_start3A_1385 = tpu.memref_squeeze %dma_start3A_1384 : memref<1x128xi32, #tpu.memory_space<vmem>> -> memref<128xi32, #tpu.memory_space<vmem>>
      %dma_start3A_1386 = arith.constant 0 : i32
      %dma_start3A_1387 = arith.constant 0 : i32
      %dma_start3A_1388 = tpu.memref_slice %arg17[%dma_start3A_1386, %dma_start3A_1387] : memref<1008x64xf32, #tpu.memory_space<vmem_shared>> -> memref<1008x64xf32, #tpu.memory_space<vmem_shared>>
      tpu.enqueue_indirect_dma source(%dma_start3A_1382 : memref<128x64xf32, #tpu.memory_space<vmem>>) target(%dma_start3A_1388 : memref<1008x64xf32, #tpu.memory_space<vmem_shared>>) offsets(%dma_start3A_1385 : memref<128xi32, #tpu.memory_space<vmem>>) semaphore(%arg23 : memref<!tpu.dma_semaphore, #tpu.memory_space<semaphore_mem>>) {add = true}
      %dma_start3A_1389 = arith.constant 20 : i32
      %dma_start3A_1390 = arith.constant 0 : i32
      %dma_start3A_1391 = tpu.memref_slice %arg13[%dma_start3A_1389, %dma_start3A_1390] : memref<25x128xi32, #tpu.memory_space<vmem>> -> memref<1x128xi32, #tpu.memory_space<vmem>>
      %dma_start3A_1392 = tpu.memref_squeeze %dma_start3A_1391 : memref<1x128xi32, #tpu.memory_space<vmem>> -> memref<128xi32, #tpu.memory_space<vmem>>
      %dma_start3A_1393 = arith.constant 0 : i32
      %dma_start3A_1394 = arith.constant 0 : i32
      %dma_start3A_1395 = tpu.memref_slice %arg18[%dma_start3A_1393, %dma_start3A_1394] : memref<1008x8xf32, #tpu.memory_space<vmem_shared>> -> memref<1008x8xf32, #tpu.memory_space<vmem_shared>>
      tpu.enqueue_indirect_dma source(%arg14 : memref<128x8xf32, #tpu.memory_space<vmem>>) target(%dma_start3A_1395 : memref<1008x8xf32, #tpu.memory_space<vmem_shared>>) offsets(%dma_start3A_1392 : memref<128xi32, #tpu.memory_space<vmem>>) semaphore(%arg23 : memref<!tpu.dma_semaphore, #tpu.memory_space<semaphore_mem>>) {add = true}
      %dma_wait3A_1396 = arith.constant 3 : i32
      %dma_wait3A_1397 = arith.constant 19 : i32
      %dma_wait3A_1398 = arith.constant 0 : i32
      %dma_wait3A_1399 = arith.constant 0 : i32
      %dma_wait3A_1400 = tpu.memref_slice %arg12[%dma_wait3A_1396, %dma_wait3A_1398, %dma_wait3A_1399] : memref<4x128x64xf32, #tpu.memory_space<vmem>> -> memref<1x128x64xf32, #tpu.memory_space<vmem>>
      %dma_wait3A_1401 = tpu.memref_squeeze %dma_wait3A_1400 : memref<1x128x64xf32, #tpu.memory_space<vmem>> -> memref<128x64xf32, #tpu.memory_space<vmem>>
      %dma_wait3A_1402 = arith.constant 0 : i32
      %dma_wait3A_1403 = tpu.memref_slice %arg13[%dma_wait3A_1397, %dma_wait3A_1402] : memref<25x128xi32, #tpu.memory_space<vmem>> -> memref<1x128xi32, #tpu.memory_space<vmem>>
      %dma_wait3A_1404 = tpu.memref_squeeze %dma_wait3A_1403 : memref<1x128xi32, #tpu.memory_space<vmem>> -> memref<128xi32, #tpu.memory_space<vmem>>
      %dma_wait3A_1405 = arith.constant 0 : i32
      %dma_wait3A_1406 = arith.constant 0 : i32
      %dma_wait3A_1407 = tpu.memref_slice %arg17[%dma_wait3A_1405, %dma_wait3A_1406] : memref<1008x64xf32, #tpu.memory_space<vmem_shared>> -> memref<1008x64xf32, #tpu.memory_space<vmem_shared>>
      tpu.wait_indirect_dma semaphore(%arg26 : memref<!tpu.dma_semaphore, #tpu.memory_space<semaphore_mem>>) src(%dma_wait3A_1401 : memref<128x64xf32, #tpu.memory_space<vmem>>) dst(%dma_wait3A_1407 : memref<1008x64xf32, #tpu.memory_space<vmem_shared>>)
      %dma_wait3A_1408 = arith.constant 19 : i32
      %dma_wait3A_1409 = arith.constant 0 : i32
      %dma_wait3A_1410 = tpu.memref_slice %arg13[%dma_wait3A_1408, %dma_wait3A_1409] : memref<25x128xi32, #tpu.memory_space<vmem>> -> memref<1x128xi32, #tpu.memory_space<vmem>>
      %dma_wait3A_1411 = tpu.memref_squeeze %dma_wait3A_1410 : memref<1x128xi32, #tpu.memory_space<vmem>> -> memref<128xi32, #tpu.memory_space<vmem>>
      %dma_wait3A_1412 = arith.constant 0 : i32
      %dma_wait3A_1413 = arith.constant 0 : i32
      %dma_wait3A_1414 = tpu.memref_slice %arg18[%dma_wait3A_1412, %dma_wait3A_1413] : memref<1008x8xf32, #tpu.memory_space<vmem_shared>> -> memref<1008x8xf32, #tpu.memory_space<vmem_shared>>
      tpu.wait_indirect_dma semaphore(%arg26 : memref<!tpu.dma_semaphore, #tpu.memory_space<semaphore_mem>>) src(%arg14 : memref<128x8xf32, #tpu.memory_space<vmem>>) dst(%dma_wait3A_1414 : memref<1008x8xf32, #tpu.memory_space<vmem_shared>>)
      %add3A_1415 = arith.constant 2944 : i32
      %add3A_1416 = arith.addi %mul3A_2, %add3A_1415 : i32
      %dma_start3A_1417 = arith.constant 3 : i32
      %dma_start3A_1418 = arith.constant 0 : i32
      %dma_start3A_1419 = arith.constant 0 : i32
      %dma_start3A_1420 = tpu.memref_slice %arg12[%dma_start3A_1417, %dma_start3A_1418, %dma_start3A_1419] : memref<4x128x64xf32, #tpu.memory_space<vmem>> -> memref<1x128x64xf32, #tpu.memory_space<vmem>>
      %dma_start3A_1421 = tpu.memref_squeeze %dma_start3A_1420 : memref<1x128x64xf32, #tpu.memory_space<vmem>> -> memref<128x64xf32, #tpu.memory_space<vmem>>
      %dma_start3A_1422 = arith.constant 0 : i32
      %dma_start3A_1423 = tpu.memref_slice %arg2[%add3A_1416, %dma_start3A_1422] : memref<100000x64xf32, #tpu.memory_space<hbm>> -> memref<128x64xf32, #tpu.memory_space<hbm>>
      %dma_start3A_1424 = arith.constant 0 : i32
      %dma_start3A_1425 = arith.constant 0 : i32
      %dma_start3A_1426 = tpu.memref_slice %arg12[%dma_start3A_1417, %dma_start3A_1424, %dma_start3A_1425] : memref<4x128x64xf32, #tpu.memory_space<vmem>> -> memref<1x128x64xf32, #tpu.memory_space<vmem>>
      %dma_start3A_1427 = tpu.memref_squeeze %dma_start3A_1426 : memref<1x128x64xf32, #tpu.memory_space<vmem>> -> memref<128x64xf32, #tpu.memory_space<vmem>>
      %dma_start3A_1428 = arith.constant 0 : i32
      %dma_start3A_1429 = tpu.memref_slice %arg2[%add3A_1416, %dma_start3A_1428] : memref<100000x64xf32, #tpu.memory_space<hbm>> -> memref<128x64xf32, #tpu.memory_space<hbm>>
      tpu.enqueue_dma source(%dma_start3A_1429 : memref<128x64xf32, #tpu.memory_space<hbm>>) target(%dma_start3A_1427 : memref<128x64xf32, #tpu.memory_space<vmem>>) target_semaphore(%arg22 : memref<!tpu.dma_semaphore, #tpu.memory_space<semaphore_mem>>)
      %dma_wait3A_1430 = arith.constant 1 : i32
      %dma_wait3A_1431 = arith.constant 0 : i32
      %dma_wait3A_1432 = arith.constant 0 : i32
      %dma_wait3A_1433 = tpu.memref_slice %arg12[%dma_wait3A_1430, %dma_wait3A_1431, %dma_wait3A_1432] : memref<4x128x64xf32, #tpu.memory_space<vmem>> -> memref<1x128x64xf32, #tpu.memory_space<vmem>>
      %dma_wait3A_1434 = tpu.memref_squeeze %dma_wait3A_1433 : memref<1x128x64xf32, #tpu.memory_space<vmem>> -> memref<128x64xf32, #tpu.memory_space<vmem>>
      %dma_wait3A_1435 = arith.constant 0 : i32
      %dma_wait3A_1436 = tpu.memref_slice %arg2[%add3A_1284, %dma_wait3A_1435] : memref<100000x64xf32, #tpu.memory_space<hbm>> -> memref<128x64xf32, #tpu.memory_space<hbm>>
      %dma_wait3A_1437 = arith.constant 0 : i32
      %dma_wait3A_1438 = arith.constant 0 : i32
      %dma_wait3A_1439 = tpu.memref_slice %arg12[%dma_wait3A_1430, %dma_wait3A_1437, %dma_wait3A_1438] : memref<4x128x64xf32, #tpu.memory_space<vmem>> -> memref<1x128x64xf32, #tpu.memory_space<vmem>>
      %dma_wait3A_1440 = tpu.memref_squeeze %dma_wait3A_1439 : memref<1x128x64xf32, #tpu.memory_space<vmem>> -> memref<128x64xf32, #tpu.memory_space<vmem>>
      %dma_wait3A_1441 = arith.constant 0 : i32
      %dma_wait3A_1442 = tpu.memref_slice %arg2[%add3A_1284, %dma_wait3A_1441] : memref<100000x64xf32, #tpu.memory_space<hbm>> -> memref<128x64xf32, #tpu.memory_space<hbm>>
      tpu.wait_dma2 semaphore(%arg20 : memref<!tpu.dma_semaphore, #tpu.memory_space<semaphore_mem>>) src(%dma_wait3A_1442 : memref<128x64xf32, #tpu.memory_space<hbm>>) dst(%dma_wait3A_1440 : memref<128x64xf32, #tpu.memory_space<vmem>>)
      %dma_start3A_1443 = arith.constant 1 : i32
      %dma_start3A_1444 = arith.constant 21 : i32
      %dma_start3A_1445 = arith.constant 0 : i32
      %dma_start3A_1446 = arith.constant 0 : i32
      %dma_start3A_1447 = tpu.memref_slice %arg12[%dma_start3A_1443, %dma_start3A_1445, %dma_start3A_1446] : memref<4x128x64xf32, #tpu.memory_space<vmem>> -> memref<1x128x64xf32, #tpu.memory_space<vmem>>
      %dma_start3A_1448 = tpu.memref_squeeze %dma_start3A_1447 : memref<1x128x64xf32, #tpu.memory_space<vmem>> -> memref<128x64xf32, #tpu.memory_space<vmem>>
      %dma_start3A_1449 = arith.constant 0 : i32
      %dma_start3A_1450 = tpu.memref_slice %arg13[%dma_start3A_1444, %dma_start3A_1449] : memref<25x128xi32, #tpu.memory_space<vmem>> -> memref<1x128xi32, #tpu.memory_space<vmem>>
      %dma_start3A_1451 = tpu.memref_squeeze %dma_start3A_1450 : memref<1x128xi32, #tpu.memory_space<vmem>> -> memref<128xi32, #tpu.memory_space<vmem>>
      %dma_start3A_1452 = arith.constant 0 : i32
      %dma_start3A_1453 = arith.constant 0 : i32
      %dma_start3A_1454 = tpu.memref_slice %arg17[%dma_start3A_1452, %dma_start3A_1453] : memref<1008x64xf32, #tpu.memory_space<vmem_shared>> -> memref<1008x64xf32, #tpu.memory_space<vmem_shared>>
      tpu.enqueue_indirect_dma source(%dma_start3A_1448 : memref<128x64xf32, #tpu.memory_space<vmem>>) target(%dma_start3A_1454 : memref<1008x64xf32, #tpu.memory_space<vmem_shared>>) offsets(%dma_start3A_1451 : memref<128xi32, #tpu.memory_space<vmem>>) semaphore(%arg24 : memref<!tpu.dma_semaphore, #tpu.memory_space<semaphore_mem>>) {add = true}
      %dma_start3A_1455 = arith.constant 21 : i32
      %dma_start3A_1456 = arith.constant 0 : i32
      %dma_start3A_1457 = tpu.memref_slice %arg13[%dma_start3A_1455, %dma_start3A_1456] : memref<25x128xi32, #tpu.memory_space<vmem>> -> memref<1x128xi32, #tpu.memory_space<vmem>>
      %dma_start3A_1458 = tpu.memref_squeeze %dma_start3A_1457 : memref<1x128xi32, #tpu.memory_space<vmem>> -> memref<128xi32, #tpu.memory_space<vmem>>
      %dma_start3A_1459 = arith.constant 0 : i32
      %dma_start3A_1460 = arith.constant 0 : i32
      %dma_start3A_1461 = tpu.memref_slice %arg18[%dma_start3A_1459, %dma_start3A_1460] : memref<1008x8xf32, #tpu.memory_space<vmem_shared>> -> memref<1008x8xf32, #tpu.memory_space<vmem_shared>>
      tpu.enqueue_indirect_dma source(%arg14 : memref<128x8xf32, #tpu.memory_space<vmem>>) target(%dma_start3A_1461 : memref<1008x8xf32, #tpu.memory_space<vmem_shared>>) offsets(%dma_start3A_1458 : memref<128xi32, #tpu.memory_space<vmem>>) semaphore(%arg24 : memref<!tpu.dma_semaphore, #tpu.memory_space<semaphore_mem>>) {add = true}
      %dma_wait3A_1462 = arith.constant 0 : i32
      %dma_wait3A_1463 = arith.constant 20 : i32
      %dma_wait3A_1464 = arith.constant 0 : i32
      %dma_wait3A_1465 = arith.constant 0 : i32
      %dma_wait3A_1466 = tpu.memref_slice %arg12[%dma_wait3A_1462, %dma_wait3A_1464, %dma_wait3A_1465] : memref<4x128x64xf32, #tpu.memory_space<vmem>> -> memref<1x128x64xf32, #tpu.memory_space<vmem>>
      %dma_wait3A_1467 = tpu.memref_squeeze %dma_wait3A_1466 : memref<1x128x64xf32, #tpu.memory_space<vmem>> -> memref<128x64xf32, #tpu.memory_space<vmem>>
      %dma_wait3A_1468 = arith.constant 0 : i32
      %dma_wait3A_1469 = tpu.memref_slice %arg13[%dma_wait3A_1463, %dma_wait3A_1468] : memref<25x128xi32, #tpu.memory_space<vmem>> -> memref<1x128xi32, #tpu.memory_space<vmem>>
      %dma_wait3A_1470 = tpu.memref_squeeze %dma_wait3A_1469 : memref<1x128xi32, #tpu.memory_space<vmem>> -> memref<128xi32, #tpu.memory_space<vmem>>
      %dma_wait3A_1471 = arith.constant 0 : i32
      %dma_wait3A_1472 = arith.constant 0 : i32
      %dma_wait3A_1473 = tpu.memref_slice %arg17[%dma_wait3A_1471, %dma_wait3A_1472] : memref<1008x64xf32, #tpu.memory_space<vmem_shared>> -> memref<1008x64xf32, #tpu.memory_space<vmem_shared>>
      tpu.wait_indirect_dma semaphore(%arg23 : memref<!tpu.dma_semaphore, #tpu.memory_space<semaphore_mem>>) src(%dma_wait3A_1467 : memref<128x64xf32, #tpu.memory_space<vmem>>) dst(%dma_wait3A_1473 : memref<1008x64xf32, #tpu.memory_space<vmem_shared>>)
      %dma_wait3A_1474 = arith.constant 20 : i32
      %dma_wait3A_1475 = arith.constant 0 : i32
      %dma_wait3A_1476 = tpu.memref_slice %arg13[%dma_wait3A_1474, %dma_wait3A_1475] : memref<25x128xi32, #tpu.memory_space<vmem>> -> memref<1x128xi32, #tpu.memory_space<vmem>>
      %dma_wait3A_1477 = tpu.memref_squeeze %dma_wait3A_1476 : memref<1x128xi32, #tpu.memory_space<vmem>> -> memref<128xi32, #tpu.memory_space<vmem>>
      %dma_wait3A_1478 = arith.constant 0 : i32
      %dma_wait3A_1479 = arith.constant 0 : i32
      %dma_wait3A_1480 = tpu.memref_slice %arg18[%dma_wait3A_1478, %dma_wait3A_1479] : memref<1008x8xf32, #tpu.memory_space<vmem_shared>> -> memref<1008x8xf32, #tpu.memory_space<vmem_shared>>
      tpu.wait_indirect_dma semaphore(%arg23 : memref<!tpu.dma_semaphore, #tpu.memory_space<semaphore_mem>>) src(%arg14 : memref<128x8xf32, #tpu.memory_space<vmem>>) dst(%dma_wait3A_1480 : memref<1008x8xf32, #tpu.memory_space<vmem_shared>>)
      %add3A_1481 = arith.constant 3072 : i32
      %add3A_1482 = arith.addi %mul3A_2, %add3A_1481 : i32
      %dma_start3A_1483 = arith.constant 0 : i32
      %dma_start3A_1484 = arith.constant 0 : i32
      %dma_start3A_1485 = arith.constant 0 : i32
      %dma_start3A_1486 = tpu.memref_slice %arg12[%dma_start3A_1483, %dma_start3A_1484, %dma_start3A_1485] : memref<4x128x64xf32, #tpu.memory_space<vmem>> -> memref<1x128x64xf32, #tpu.memory_space<vmem>>
      %dma_start3A_1487 = tpu.memref_squeeze %dma_start3A_1486 : memref<1x128x64xf32, #tpu.memory_space<vmem>> -> memref<128x64xf32, #tpu.memory_space<vmem>>
      %dma_start3A_1488 = arith.constant 0 : i32
      %dma_start3A_1489 = tpu.memref_slice %arg2[%add3A_1482, %dma_start3A_1488] : memref<100000x64xf32, #tpu.memory_space<hbm>> -> memref<128x64xf32, #tpu.memory_space<hbm>>
      %dma_start3A_1490 = arith.constant 0 : i32
      %dma_start3A_1491 = arith.constant 0 : i32
      %dma_start3A_1492 = tpu.memref_slice %arg12[%dma_start3A_1483, %dma_start3A_1490, %dma_start3A_1491] : memref<4x128x64xf32, #tpu.memory_space<vmem>> -> memref<1x128x64xf32, #tpu.memory_space<vmem>>
      %dma_start3A_1493 = tpu.memref_squeeze %dma_start3A_1492 : memref<1x128x64xf32, #tpu.memory_space<vmem>> -> memref<128x64xf32, #tpu.memory_space<vmem>>
      %dma_start3A_1494 = arith.constant 0 : i32
      %dma_start3A_1495 = tpu.memref_slice %arg2[%add3A_1482, %dma_start3A_1494] : memref<100000x64xf32, #tpu.memory_space<hbm>> -> memref<128x64xf32, #tpu.memory_space<hbm>>
      tpu.enqueue_dma source(%dma_start3A_1495 : memref<128x64xf32, #tpu.memory_space<hbm>>) target(%dma_start3A_1493 : memref<128x64xf32, #tpu.memory_space<vmem>>) target_semaphore(%arg19 : memref<!tpu.dma_semaphore, #tpu.memory_space<semaphore_mem>>)
      %dma_wait3A_1496 = arith.constant 2 : i32
      %dma_wait3A_1497 = arith.constant 0 : i32
      %dma_wait3A_1498 = arith.constant 0 : i32
      %dma_wait3A_1499 = tpu.memref_slice %arg12[%dma_wait3A_1496, %dma_wait3A_1497, %dma_wait3A_1498] : memref<4x128x64xf32, #tpu.memory_space<vmem>> -> memref<1x128x64xf32, #tpu.memory_space<vmem>>
      %dma_wait3A_1500 = tpu.memref_squeeze %dma_wait3A_1499 : memref<1x128x64xf32, #tpu.memory_space<vmem>> -> memref<128x64xf32, #tpu.memory_space<vmem>>
      %dma_wait3A_1501 = arith.constant 0 : i32
      %dma_wait3A_1502 = tpu.memref_slice %arg2[%add3A_1350, %dma_wait3A_1501] : memref<100000x64xf32, #tpu.memory_space<hbm>> -> memref<128x64xf32, #tpu.memory_space<hbm>>
      %dma_wait3A_1503 = arith.constant 0 : i32
      %dma_wait3A_1504 = arith.constant 0 : i32
      %dma_wait3A_1505 = tpu.memref_slice %arg12[%dma_wait3A_1496, %dma_wait3A_1503, %dma_wait3A_1504] : memref<4x128x64xf32, #tpu.memory_space<vmem>> -> memref<1x128x64xf32, #tpu.memory_space<vmem>>
      %dma_wait3A_1506 = tpu.memref_squeeze %dma_wait3A_1505 : memref<1x128x64xf32, #tpu.memory_space<vmem>> -> memref<128x64xf32, #tpu.memory_space<vmem>>
      %dma_wait3A_1507 = arith.constant 0 : i32
      %dma_wait3A_1508 = tpu.memref_slice %arg2[%add3A_1350, %dma_wait3A_1507] : memref<100000x64xf32, #tpu.memory_space<hbm>> -> memref<128x64xf32, #tpu.memory_space<hbm>>
      tpu.wait_dma2 semaphore(%arg21 : memref<!tpu.dma_semaphore, #tpu.memory_space<semaphore_mem>>) src(%dma_wait3A_1508 : memref<128x64xf32, #tpu.memory_space<hbm>>) dst(%dma_wait3A_1506 : memref<128x64xf32, #tpu.memory_space<vmem>>)
      %dma_start3A_1509 = arith.constant 2 : i32
      %dma_start3A_1510 = arith.constant 22 : i32
      %dma_start3A_1511 = arith.constant 0 : i32
      %dma_start3A_1512 = arith.constant 0 : i32
      %dma_start3A_1513 = tpu.memref_slice %arg12[%dma_start3A_1509, %dma_start3A_1511, %dma_start3A_1512] : memref<4x128x64xf32, #tpu.memory_space<vmem>> -> memref<1x128x64xf32, #tpu.memory_space<vmem>>
      %dma_start3A_1514 = tpu.memref_squeeze %dma_start3A_1513 : memref<1x128x64xf32, #tpu.memory_space<vmem>> -> memref<128x64xf32, #tpu.memory_space<vmem>>
      %dma_start3A_1515 = arith.constant 0 : i32
      %dma_start3A_1516 = tpu.memref_slice %arg13[%dma_start3A_1510, %dma_start3A_1515] : memref<25x128xi32, #tpu.memory_space<vmem>> -> memref<1x128xi32, #tpu.memory_space<vmem>>
      %dma_start3A_1517 = tpu.memref_squeeze %dma_start3A_1516 : memref<1x128xi32, #tpu.memory_space<vmem>> -> memref<128xi32, #tpu.memory_space<vmem>>
      %dma_start3A_1518 = arith.constant 0 : i32
      %dma_start3A_1519 = arith.constant 0 : i32
      %dma_start3A_1520 = tpu.memref_slice %arg17[%dma_start3A_1518, %dma_start3A_1519] : memref<1008x64xf32, #tpu.memory_space<vmem_shared>> -> memref<1008x64xf32, #tpu.memory_space<vmem_shared>>
      tpu.enqueue_indirect_dma source(%dma_start3A_1514 : memref<128x64xf32, #tpu.memory_space<vmem>>) target(%dma_start3A_1520 : memref<1008x64xf32, #tpu.memory_space<vmem_shared>>) offsets(%dma_start3A_1517 : memref<128xi32, #tpu.memory_space<vmem>>) semaphore(%arg25 : memref<!tpu.dma_semaphore, #tpu.memory_space<semaphore_mem>>) {add = true}
      %dma_start3A_1521 = arith.constant 22 : i32
      %dma_start3A_1522 = arith.constant 0 : i32
      %dma_start3A_1523 = tpu.memref_slice %arg13[%dma_start3A_1521, %dma_start3A_1522] : memref<25x128xi32, #tpu.memory_space<vmem>> -> memref<1x128xi32, #tpu.memory_space<vmem>>
      %dma_start3A_1524 = tpu.memref_squeeze %dma_start3A_1523 : memref<1x128xi32, #tpu.memory_space<vmem>> -> memref<128xi32, #tpu.memory_space<vmem>>
      %dma_start3A_1525 = arith.constant 0 : i32
      %dma_start3A_1526 = arith.constant 0 : i32
      %dma_start3A_1527 = tpu.memref_slice %arg18[%dma_start3A_1525, %dma_start3A_1526] : memref<1008x8xf32, #tpu.memory_space<vmem_shared>> -> memref<1008x8xf32, #tpu.memory_space<vmem_shared>>
      tpu.enqueue_indirect_dma source(%arg14 : memref<128x8xf32, #tpu.memory_space<vmem>>) target(%dma_start3A_1527 : memref<1008x8xf32, #tpu.memory_space<vmem_shared>>) offsets(%dma_start3A_1524 : memref<128xi32, #tpu.memory_space<vmem>>) semaphore(%arg25 : memref<!tpu.dma_semaphore, #tpu.memory_space<semaphore_mem>>) {add = true}
      %dma_wait3A_1528 = arith.constant 1 : i32
      %dma_wait3A_1529 = arith.constant 21 : i32
      %dma_wait3A_1530 = arith.constant 0 : i32
      %dma_wait3A_1531 = arith.constant 0 : i32
      %dma_wait3A_1532 = tpu.memref_slice %arg12[%dma_wait3A_1528, %dma_wait3A_1530, %dma_wait3A_1531] : memref<4x128x64xf32, #tpu.memory_space<vmem>> -> memref<1x128x64xf32, #tpu.memory_space<vmem>>
      %dma_wait3A_1533 = tpu.memref_squeeze %dma_wait3A_1532 : memref<1x128x64xf32, #tpu.memory_space<vmem>> -> memref<128x64xf32, #tpu.memory_space<vmem>>
      %dma_wait3A_1534 = arith.constant 0 : i32
      %dma_wait3A_1535 = tpu.memref_slice %arg13[%dma_wait3A_1529, %dma_wait3A_1534] : memref<25x128xi32, #tpu.memory_space<vmem>> -> memref<1x128xi32, #tpu.memory_space<vmem>>
      %dma_wait3A_1536 = tpu.memref_squeeze %dma_wait3A_1535 : memref<1x128xi32, #tpu.memory_space<vmem>> -> memref<128xi32, #tpu.memory_space<vmem>>
      %dma_wait3A_1537 = arith.constant 0 : i32
      %dma_wait3A_1538 = arith.constant 0 : i32
      %dma_wait3A_1539 = tpu.memref_slice %arg17[%dma_wait3A_1537, %dma_wait3A_1538] : memref<1008x64xf32, #tpu.memory_space<vmem_shared>> -> memref<1008x64xf32, #tpu.memory_space<vmem_shared>>
      tpu.wait_indirect_dma semaphore(%arg24 : memref<!tpu.dma_semaphore, #tpu.memory_space<semaphore_mem>>) src(%dma_wait3A_1533 : memref<128x64xf32, #tpu.memory_space<vmem>>) dst(%dma_wait3A_1539 : memref<1008x64xf32, #tpu.memory_space<vmem_shared>>)
      %dma_wait3A_1540 = arith.constant 21 : i32
      %dma_wait3A_1541 = arith.constant 0 : i32
      %dma_wait3A_1542 = tpu.memref_slice %arg13[%dma_wait3A_1540, %dma_wait3A_1541] : memref<25x128xi32, #tpu.memory_space<vmem>> -> memref<1x128xi32, #tpu.memory_space<vmem>>
      %dma_wait3A_1543 = tpu.memref_squeeze %dma_wait3A_1542 : memref<1x128xi32, #tpu.memory_space<vmem>> -> memref<128xi32, #tpu.memory_space<vmem>>
      %dma_wait3A_1544 = arith.constant 0 : i32
      %dma_wait3A_1545 = arith.constant 0 : i32
      %dma_wait3A_1546 = tpu.memref_slice %arg18[%dma_wait3A_1544, %dma_wait3A_1545] : memref<1008x8xf32, #tpu.memory_space<vmem_shared>> -> memref<1008x8xf32, #tpu.memory_space<vmem_shared>>
      tpu.wait_indirect_dma semaphore(%arg24 : memref<!tpu.dma_semaphore, #tpu.memory_space<semaphore_mem>>) src(%arg14 : memref<128x8xf32, #tpu.memory_space<vmem>>) dst(%dma_wait3A_1546 : memref<1008x8xf32, #tpu.memory_space<vmem_shared>>)
      %dma_wait3A_1547 = arith.constant 3 : i32
      %dma_wait3A_1548 = arith.constant 0 : i32
      %dma_wait3A_1549 = arith.constant 0 : i32
      %dma_wait3A_1550 = tpu.memref_slice %arg12[%dma_wait3A_1547, %dma_wait3A_1548, %dma_wait3A_1549] : memref<4x128x64xf32, #tpu.memory_space<vmem>> -> memref<1x128x64xf32, #tpu.memory_space<vmem>>
      %dma_wait3A_1551 = tpu.memref_squeeze %dma_wait3A_1550 : memref<1x128x64xf32, #tpu.memory_space<vmem>> -> memref<128x64xf32, #tpu.memory_space<vmem>>
      %dma_wait3A_1552 = arith.constant 0 : i32
      %dma_wait3A_1553 = tpu.memref_slice %arg2[%add3A_1416, %dma_wait3A_1552] : memref<100000x64xf32, #tpu.memory_space<hbm>> -> memref<128x64xf32, #tpu.memory_space<hbm>>
      %dma_wait3A_1554 = arith.constant 0 : i32
      %dma_wait3A_1555 = arith.constant 0 : i32
      %dma_wait3A_1556 = tpu.memref_slice %arg12[%dma_wait3A_1547, %dma_wait3A_1554, %dma_wait3A_1555] : memref<4x128x64xf32, #tpu.memory_space<vmem>> -> memref<1x128x64xf32, #tpu.memory_space<vmem>>
      %dma_wait3A_1557 = tpu.memref_squeeze %dma_wait3A_1556 : memref<1x128x64xf32, #tpu.memory_space<vmem>> -> memref<128x64xf32, #tpu.memory_space<vmem>>
      %dma_wait3A_1558 = arith.constant 0 : i32
      %dma_wait3A_1559 = tpu.memref_slice %arg2[%add3A_1416, %dma_wait3A_1558] : memref<100000x64xf32, #tpu.memory_space<hbm>> -> memref<128x64xf32, #tpu.memory_space<hbm>>
      tpu.wait_dma2 semaphore(%arg22 : memref<!tpu.dma_semaphore, #tpu.memory_space<semaphore_mem>>) src(%dma_wait3A_1559 : memref<128x64xf32, #tpu.memory_space<hbm>>) dst(%dma_wait3A_1557 : memref<128x64xf32, #tpu.memory_space<vmem>>)
      %dma_start3A_1560 = arith.constant 3 : i32
      %dma_start3A_1561 = arith.constant 23 : i32
      %dma_start3A_1562 = arith.constant 0 : i32
      %dma_start3A_1563 = arith.constant 0 : i32
      %dma_start3A_1564 = tpu.memref_slice %arg12[%dma_start3A_1560, %dma_start3A_1562, %dma_start3A_1563] : memref<4x128x64xf32, #tpu.memory_space<vmem>> -> memref<1x128x64xf32, #tpu.memory_space<vmem>>
      %dma_start3A_1565 = tpu.memref_squeeze %dma_start3A_1564 : memref<1x128x64xf32, #tpu.memory_space<vmem>> -> memref<128x64xf32, #tpu.memory_space<vmem>>
      %dma_start3A_1566 = arith.constant 0 : i32
      %dma_start3A_1567 = tpu.memref_slice %arg13[%dma_start3A_1561, %dma_start3A_1566] : memref<25x128xi32, #tpu.memory_space<vmem>> -> memref<1x128xi32, #tpu.memory_space<vmem>>
      %dma_start3A_1568 = tpu.memref_squeeze %dma_start3A_1567 : memref<1x128xi32, #tpu.memory_space<vmem>> -> memref<128xi32, #tpu.memory_space<vmem>>
      %dma_start3A_1569 = arith.constant 0 : i32
      %dma_start3A_1570 = arith.constant 0 : i32
      %dma_start3A_1571 = tpu.memref_slice %arg17[%dma_start3A_1569, %dma_start3A_1570] : memref<1008x64xf32, #tpu.memory_space<vmem_shared>> -> memref<1008x64xf32, #tpu.memory_space<vmem_shared>>
      tpu.enqueue_indirect_dma source(%dma_start3A_1565 : memref<128x64xf32, #tpu.memory_space<vmem>>) target(%dma_start3A_1571 : memref<1008x64xf32, #tpu.memory_space<vmem_shared>>) offsets(%dma_start3A_1568 : memref<128xi32, #tpu.memory_space<vmem>>) semaphore(%arg26 : memref<!tpu.dma_semaphore, #tpu.memory_space<semaphore_mem>>) {add = true}
      %dma_start3A_1572 = arith.constant 23 : i32
      %dma_start3A_1573 = arith.constant 0 : i32
      %dma_start3A_1574 = tpu.memref_slice %arg13[%dma_start3A_1572, %dma_start3A_1573] : memref<25x128xi32, #tpu.memory_space<vmem>> -> memref<1x128xi32, #tpu.memory_space<vmem>>
      %dma_start3A_1575 = tpu.memref_squeeze %dma_start3A_1574 : memref<1x128xi32, #tpu.memory_space<vmem>> -> memref<128xi32, #tpu.memory_space<vmem>>
      %dma_start3A_1576 = arith.constant 0 : i32
      %dma_start3A_1577 = arith.constant 0 : i32
      %dma_start3A_1578 = tpu.memref_slice %arg18[%dma_start3A_1576, %dma_start3A_1577] : memref<1008x8xf32, #tpu.memory_space<vmem_shared>> -> memref<1008x8xf32, #tpu.memory_space<vmem_shared>>
      tpu.enqueue_indirect_dma source(%arg14 : memref<128x8xf32, #tpu.memory_space<vmem>>) target(%dma_start3A_1578 : memref<1008x8xf32, #tpu.memory_space<vmem_shared>>) offsets(%dma_start3A_1575 : memref<128xi32, #tpu.memory_space<vmem>>) semaphore(%arg26 : memref<!tpu.dma_semaphore, #tpu.memory_space<semaphore_mem>>) {add = true}
      %dma_wait3A_1579 = arith.constant 2 : i32
      %dma_wait3A_1580 = arith.constant 22 : i32
      %dma_wait3A_1581 = arith.constant 0 : i32
      %dma_wait3A_1582 = arith.constant 0 : i32
      %dma_wait3A_1583 = tpu.memref_slice %arg12[%dma_wait3A_1579, %dma_wait3A_1581, %dma_wait3A_1582] : memref<4x128x64xf32, #tpu.memory_space<vmem>> -> memref<1x128x64xf32, #tpu.memory_space<vmem>>
      %dma_wait3A_1584 = tpu.memref_squeeze %dma_wait3A_1583 : memref<1x128x64xf32, #tpu.memory_space<vmem>> -> memref<128x64xf32, #tpu.memory_space<vmem>>
      %dma_wait3A_1585 = arith.constant 0 : i32
      %dma_wait3A_1586 = tpu.memref_slice %arg13[%dma_wait3A_1580, %dma_wait3A_1585] : memref<25x128xi32, #tpu.memory_space<vmem>> -> memref<1x128xi32, #tpu.memory_space<vmem>>
      %dma_wait3A_1587 = tpu.memref_squeeze %dma_wait3A_1586 : memref<1x128xi32, #tpu.memory_space<vmem>> -> memref<128xi32, #tpu.memory_space<vmem>>
      %dma_wait3A_1588 = arith.constant 0 : i32
      %dma_wait3A_1589 = arith.constant 0 : i32
      %dma_wait3A_1590 = tpu.memref_slice %arg17[%dma_wait3A_1588, %dma_wait3A_1589] : memref<1008x64xf32, #tpu.memory_space<vmem_shared>> -> memref<1008x64xf32, #tpu.memory_space<vmem_shared>>
      tpu.wait_indirect_dma semaphore(%arg25 : memref<!tpu.dma_semaphore, #tpu.memory_space<semaphore_mem>>) src(%dma_wait3A_1584 : memref<128x64xf32, #tpu.memory_space<vmem>>) dst(%dma_wait3A_1590 : memref<1008x64xf32, #tpu.memory_space<vmem_shared>>)
      %dma_wait3A_1591 = arith.constant 22 : i32
      %dma_wait3A_1592 = arith.constant 0 : i32
      %dma_wait3A_1593 = tpu.memref_slice %arg13[%dma_wait3A_1591, %dma_wait3A_1592] : memref<25x128xi32, #tpu.memory_space<vmem>> -> memref<1x128xi32, #tpu.memory_space<vmem>>
      %dma_wait3A_1594 = tpu.memref_squeeze %dma_wait3A_1593 : memref<1x128xi32, #tpu.memory_space<vmem>> -> memref<128xi32, #tpu.memory_space<vmem>>
      %dma_wait3A_1595 = arith.constant 0 : i32
      %dma_wait3A_1596 = arith.constant 0 : i32
      %dma_wait3A_1597 = tpu.memref_slice %arg18[%dma_wait3A_1595, %dma_wait3A_1596] : memref<1008x8xf32, #tpu.memory_space<vmem_shared>> -> memref<1008x8xf32, #tpu.memory_space<vmem_shared>>
      tpu.wait_indirect_dma semaphore(%arg25 : memref<!tpu.dma_semaphore, #tpu.memory_space<semaphore_mem>>) src(%arg14 : memref<128x8xf32, #tpu.memory_space<vmem>>) dst(%dma_wait3A_1597 : memref<1008x8xf32, #tpu.memory_space<vmem_shared>>)
      %dma_wait3A_1598 = arith.constant 0 : i32
      %dma_wait3A_1599 = arith.constant 0 : i32
      %dma_wait3A_1600 = arith.constant 0 : i32
      %dma_wait3A_1601 = tpu.memref_slice %arg12[%dma_wait3A_1598, %dma_wait3A_1599, %dma_wait3A_1600] : memref<4x128x64xf32, #tpu.memory_space<vmem>> -> memref<1x128x64xf32, #tpu.memory_space<vmem>>
      %dma_wait3A_1602 = tpu.memref_squeeze %dma_wait3A_1601 : memref<1x128x64xf32, #tpu.memory_space<vmem>> -> memref<128x64xf32, #tpu.memory_space<vmem>>
      %dma_wait3A_1603 = arith.constant 0 : i32
      %dma_wait3A_1604 = tpu.memref_slice %arg2[%add3A_1482, %dma_wait3A_1603] : memref<100000x64xf32, #tpu.memory_space<hbm>> -> memref<128x64xf32, #tpu.memory_space<hbm>>
      %dma_wait3A_1605 = arith.constant 0 : i32
      %dma_wait3A_1606 = arith.constant 0 : i32
      %dma_wait3A_1607 = tpu.memref_slice %arg12[%dma_wait3A_1598, %dma_wait3A_1605, %dma_wait3A_1606] : memref<4x128x64xf32, #tpu.memory_space<vmem>> -> memref<1x128x64xf32, #tpu.memory_space<vmem>>
      %dma_wait3A_1608 = tpu.memref_squeeze %dma_wait3A_1607 : memref<1x128x64xf32, #tpu.memory_space<vmem>> -> memref<128x64xf32, #tpu.memory_space<vmem>>
      %dma_wait3A_1609 = arith.constant 0 : i32
      %dma_wait3A_1610 = tpu.memref_slice %arg2[%add3A_1482, %dma_wait3A_1609] : memref<100000x64xf32, #tpu.memory_space<hbm>> -> memref<128x64xf32, #tpu.memory_space<hbm>>
      tpu.wait_dma2 semaphore(%arg19 : memref<!tpu.dma_semaphore, #tpu.memory_space<semaphore_mem>>) src(%dma_wait3A_1610 : memref<128x64xf32, #tpu.memory_space<hbm>>) dst(%dma_wait3A_1608 : memref<128x64xf32, #tpu.memory_space<vmem>>)
      %dma_start3A_1611 = arith.constant 0 : i32
      %dma_start3A_1612 = arith.constant 24 : i32
      %dma_start3A_1613 = arith.constant 0 : i32
      %dma_start3A_1614 = arith.constant 0 : i32
      %dma_start3A_1615 = tpu.memref_slice %arg12[%dma_start3A_1611, %dma_start3A_1613, %dma_start3A_1614] : memref<4x128x64xf32, #tpu.memory_space<vmem>> -> memref<1x128x64xf32, #tpu.memory_space<vmem>>
      %dma_start3A_1616 = tpu.memref_squeeze %dma_start3A_1615 : memref<1x128x64xf32, #tpu.memory_space<vmem>> -> memref<128x64xf32, #tpu.memory_space<vmem>>
      %dma_start3A_1617 = arith.constant 0 : i32
      %dma_start3A_1618 = tpu.memref_slice %arg13[%dma_start3A_1612, %dma_start3A_1617] : memref<25x128xi32, #tpu.memory_space<vmem>> -> memref<1x128xi32, #tpu.memory_space<vmem>>
      %dma_start3A_1619 = tpu.memref_squeeze %dma_start3A_1618 : memref<1x128xi32, #tpu.memory_space<vmem>> -> memref<128xi32, #tpu.memory_space<vmem>>
      %dma_start3A_1620 = arith.constant 0 : i32
      %dma_start3A_1621 = arith.constant 0 : i32
      %dma_start3A_1622 = tpu.memref_slice %arg17[%dma_start3A_1620, %dma_start3A_1621] : memref<1008x64xf32, #tpu.memory_space<vmem_shared>> -> memref<1008x64xf32, #tpu.memory_space<vmem_shared>>
      tpu.enqueue_indirect_dma source(%dma_start3A_1616 : memref<128x64xf32, #tpu.memory_space<vmem>>) target(%dma_start3A_1622 : memref<1008x64xf32, #tpu.memory_space<vmem_shared>>) offsets(%dma_start3A_1619 : memref<128xi32, #tpu.memory_space<vmem>>) semaphore(%arg23 : memref<!tpu.dma_semaphore, #tpu.memory_space<semaphore_mem>>) {add = true}
      %dma_start3A_1623 = arith.constant 24 : i32
      %dma_start3A_1624 = arith.constant 0 : i32
      %dma_start3A_1625 = tpu.memref_slice %arg13[%dma_start3A_1623, %dma_start3A_1624] : memref<25x128xi32, #tpu.memory_space<vmem>> -> memref<1x128xi32, #tpu.memory_space<vmem>>
      %dma_start3A_1626 = tpu.memref_squeeze %dma_start3A_1625 : memref<1x128xi32, #tpu.memory_space<vmem>> -> memref<128xi32, #tpu.memory_space<vmem>>
      %dma_start3A_1627 = arith.constant 0 : i32
      %dma_start3A_1628 = arith.constant 0 : i32
      %dma_start3A_1629 = tpu.memref_slice %arg18[%dma_start3A_1627, %dma_start3A_1628] : memref<1008x8xf32, #tpu.memory_space<vmem_shared>> -> memref<1008x8xf32, #tpu.memory_space<vmem_shared>>
      tpu.enqueue_indirect_dma source(%arg14 : memref<128x8xf32, #tpu.memory_space<vmem>>) target(%dma_start3A_1629 : memref<1008x8xf32, #tpu.memory_space<vmem_shared>>) offsets(%dma_start3A_1626 : memref<128xi32, #tpu.memory_space<vmem>>) semaphore(%arg23 : memref<!tpu.dma_semaphore, #tpu.memory_space<semaphore_mem>>) {add = true}
      %dma_wait3A_1630 = arith.constant 3 : i32
      %dma_wait3A_1631 = arith.constant 23 : i32
      %dma_wait3A_1632 = arith.constant 0 : i32
      %dma_wait3A_1633 = arith.constant 0 : i32
      %dma_wait3A_1634 = tpu.memref_slice %arg12[%dma_wait3A_1630, %dma_wait3A_1632, %dma_wait3A_1633] : memref<4x128x64xf32, #tpu.memory_space<vmem>> -> memref<1x128x64xf32, #tpu.memory_space<vmem>>
      %dma_wait3A_1635 = tpu.memref_squeeze %dma_wait3A_1634 : memref<1x128x64xf32, #tpu.memory_space<vmem>> -> memref<128x64xf32, #tpu.memory_space<vmem>>
      %dma_wait3A_1636 = arith.constant 0 : i32
      %dma_wait3A_1637 = tpu.memref_slice %arg13[%dma_wait3A_1631, %dma_wait3A_1636] : memref<25x128xi32, #tpu.memory_space<vmem>> -> memref<1x128xi32, #tpu.memory_space<vmem>>
      %dma_wait3A_1638 = tpu.memref_squeeze %dma_wait3A_1637 : memref<1x128xi32, #tpu.memory_space<vmem>> -> memref<128xi32, #tpu.memory_space<vmem>>
      %dma_wait3A_1639 = arith.constant 0 : i32
      %dma_wait3A_1640 = arith.constant 0 : i32
      %dma_wait3A_1641 = tpu.memref_slice %arg17[%dma_wait3A_1639, %dma_wait3A_1640] : memref<1008x64xf32, #tpu.memory_space<vmem_shared>> -> memref<1008x64xf32, #tpu.memory_space<vmem_shared>>
      tpu.wait_indirect_dma semaphore(%arg26 : memref<!tpu.dma_semaphore, #tpu.memory_space<semaphore_mem>>) src(%dma_wait3A_1635 : memref<128x64xf32, #tpu.memory_space<vmem>>) dst(%dma_wait3A_1641 : memref<1008x64xf32, #tpu.memory_space<vmem_shared>>)
      %dma_wait3A_1642 = arith.constant 23 : i32
      %dma_wait3A_1643 = arith.constant 0 : i32
      %dma_wait3A_1644 = tpu.memref_slice %arg13[%dma_wait3A_1642, %dma_wait3A_1643] : memref<25x128xi32, #tpu.memory_space<vmem>> -> memref<1x128xi32, #tpu.memory_space<vmem>>
      %dma_wait3A_1645 = tpu.memref_squeeze %dma_wait3A_1644 : memref<1x128xi32, #tpu.memory_space<vmem>> -> memref<128xi32, #tpu.memory_space<vmem>>
      %dma_wait3A_1646 = arith.constant 0 : i32
      %dma_wait3A_1647 = arith.constant 0 : i32
      %dma_wait3A_1648 = tpu.memref_slice %arg18[%dma_wait3A_1646, %dma_wait3A_1647] : memref<1008x8xf32, #tpu.memory_space<vmem_shared>> -> memref<1008x8xf32, #tpu.memory_space<vmem_shared>>
      tpu.wait_indirect_dma semaphore(%arg26 : memref<!tpu.dma_semaphore, #tpu.memory_space<semaphore_mem>>) src(%arg14 : memref<128x8xf32, #tpu.memory_space<vmem>>) dst(%dma_wait3A_1648 : memref<1008x8xf32, #tpu.memory_space<vmem_shared>>)
      %dma_wait3A_1649 = arith.constant 0 : i32
      %dma_wait3A_1650 = arith.constant 24 : i32
      %dma_wait3A_1651 = arith.constant 0 : i32
      %dma_wait3A_1652 = arith.constant 0 : i32
      %dma_wait3A_1653 = tpu.memref_slice %arg12[%dma_wait3A_1649, %dma_wait3A_1651, %dma_wait3A_1652] : memref<4x128x64xf32, #tpu.memory_space<vmem>> -> memref<1x128x64xf32, #tpu.memory_space<vmem>>
      %dma_wait3A_1654 = tpu.memref_squeeze %dma_wait3A_1653 : memref<1x128x64xf32, #tpu.memory_space<vmem>> -> memref<128x64xf32, #tpu.memory_space<vmem>>
      %dma_wait3A_1655 = arith.constant 0 : i32
      %dma_wait3A_1656 = tpu.memref_slice %arg13[%dma_wait3A_1650, %dma_wait3A_1655] : memref<25x128xi32, #tpu.memory_space<vmem>> -> memref<1x128xi32, #tpu.memory_space<vmem>>
      %dma_wait3A_1657 = tpu.memref_squeeze %dma_wait3A_1656 : memref<1x128xi32, #tpu.memory_space<vmem>> -> memref<128xi32, #tpu.memory_space<vmem>>
      %dma_wait3A_1658 = arith.constant 0 : i32
      %dma_wait3A_1659 = arith.constant 0 : i32
      %dma_wait3A_1660 = tpu.memref_slice %arg17[%dma_wait3A_1658, %dma_wait3A_1659] : memref<1008x64xf32, #tpu.memory_space<vmem_shared>> -> memref<1008x64xf32, #tpu.memory_space<vmem_shared>>
      tpu.wait_indirect_dma semaphore(%arg23 : memref<!tpu.dma_semaphore, #tpu.memory_space<semaphore_mem>>) src(%dma_wait3A_1654 : memref<128x64xf32, #tpu.memory_space<vmem>>) dst(%dma_wait3A_1660 : memref<1008x64xf32, #tpu.memory_space<vmem_shared>>)
      %dma_wait3A_1661 = arith.constant 24 : i32
      %dma_wait3A_1662 = arith.constant 0 : i32
      %dma_wait3A_1663 = tpu.memref_slice %arg13[%dma_wait3A_1661, %dma_wait3A_1662] : memref<25x128xi32, #tpu.memory_space<vmem>> -> memref<1x128xi32, #tpu.memory_space<vmem>>
      %dma_wait3A_1664 = tpu.memref_squeeze %dma_wait3A_1663 : memref<1x128xi32, #tpu.memory_space<vmem>> -> memref<128xi32, #tpu.memory_space<vmem>>
      %dma_wait3A_1665 = arith.constant 0 : i32
      %dma_wait3A_1666 = arith.constant 0 : i32
      %dma_wait3A_1667 = tpu.memref_slice %arg18[%dma_wait3A_1665, %dma_wait3A_1666] : memref<1008x8xf32, #tpu.memory_space<vmem_shared>> -> memref<1008x8xf32, #tpu.memory_space<vmem_shared>>
      tpu.wait_indirect_dma semaphore(%arg23 : memref<!tpu.dma_semaphore, #tpu.memory_space<semaphore_mem>>) src(%arg14 : memref<128x8xf32, #tpu.memory_space<vmem>>) dst(%dma_wait3A_1667 : memref<1008x8xf32, #tpu.memory_space<vmem_shared>>)
    } else {
    }
    %eq3A_9 = arith.constant 31 : i32
    %eq3A_10 = arith.cmpi eq, %add3A, %eq3A_9 : i32
    %convert_element_type3A_11 = arith.extui %eq3A_10 : i1 to i32
    %cond3A_12 = arith.constant 0 : i32
    %cond3A_13 = arith.cmpi ne, %convert_element_type3A_11, %cond3A_12 : i32
    scf.if %cond3A_13 {
      %add3A_20 = arith.constant 0 : i32
      %add3A_21 = arith.addi %mul3A_2, %add3A_20 : i32
      %dma_start3A = arith.constant 0 : i32
      %dma_start3A_22 = arith.constant 0 : i32
      %dma_start3A_23 = arith.constant 0 : i32
      %dma_start3A_24 = tpu.memref_slice %arg12[%dma_start3A, %dma_start3A_22, %dma_start3A_23] : memref<4x128x64xf32, #tpu.memory_space<vmem>> -> memref<1x128x64xf32, #tpu.memory_space<vmem>>
      %dma_start3A_25 = tpu.memref_squeeze %dma_start3A_24 : memref<1x128x64xf32, #tpu.memory_space<vmem>> -> memref<128x64xf32, #tpu.memory_space<vmem>>
      %dma_start3A_26 = arith.constant 0 : i32
      %dma_start3A_27 = tpu.memref_slice %arg2[%add3A_21, %dma_start3A_26] : memref<100000x64xf32, #tpu.memory_space<hbm>> -> memref<128x64xf32, #tpu.memory_space<hbm>>
      %dma_start3A_28 = arith.constant 0 : i32
      %dma_start3A_29 = arith.constant 0 : i32
      %dma_start3A_30 = tpu.memref_slice %arg12[%dma_start3A, %dma_start3A_28, %dma_start3A_29] : memref<4x128x64xf32, #tpu.memory_space<vmem>> -> memref<1x128x64xf32, #tpu.memory_space<vmem>>
      %dma_start3A_31 = tpu.memref_squeeze %dma_start3A_30 : memref<1x128x64xf32, #tpu.memory_space<vmem>> -> memref<128x64xf32, #tpu.memory_space<vmem>>
      %dma_start3A_32 = arith.constant 0 : i32
      %dma_start3A_33 = tpu.memref_slice %arg2[%add3A_21, %dma_start3A_32] : memref<100000x64xf32, #tpu.memory_space<hbm>> -> memref<128x64xf32, #tpu.memory_space<hbm>>
      tpu.enqueue_dma source(%dma_start3A_33 : memref<128x64xf32, #tpu.memory_space<hbm>>) target(%dma_start3A_31 : memref<128x64xf32, #tpu.memory_space<vmem>>) target_semaphore(%arg19 : memref<!tpu.dma_semaphore, #tpu.memory_space<semaphore_mem>>)
      %add3A_34 = arith.constant 128 : i32
      %add3A_35 = arith.addi %mul3A_2, %add3A_34 : i32
      %dma_start3A_36 = arith.constant 1 : i32
      %dma_start3A_37 = arith.constant 0 : i32
      %dma_start3A_38 = arith.constant 0 : i32
      %dma_start3A_39 = tpu.memref_slice %arg12[%dma_start3A_36, %dma_start3A_37, %dma_start3A_38] : memref<4x128x64xf32, #tpu.memory_space<vmem>> -> memref<1x128x64xf32, #tpu.memory_space<vmem>>
      %dma_start3A_40 = tpu.memref_squeeze %dma_start3A_39 : memref<1x128x64xf32, #tpu.memory_space<vmem>> -> memref<128x64xf32, #tpu.memory_space<vmem>>
      %dma_start3A_41 = arith.constant 0 : i32
      %dma_start3A_42 = tpu.memref_slice %arg2[%add3A_35, %dma_start3A_41] : memref<100000x64xf32, #tpu.memory_space<hbm>> -> memref<128x64xf32, #tpu.memory_space<hbm>>
      %dma_start3A_43 = arith.constant 0 : i32
      %dma_start3A_44 = arith.constant 0 : i32
      %dma_start3A_45 = tpu.memref_slice %arg12[%dma_start3A_36, %dma_start3A_43, %dma_start3A_44] : memref<4x128x64xf32, #tpu.memory_space<vmem>> -> memref<1x128x64xf32, #tpu.memory_space<vmem>>
      %dma_start3A_46 = tpu.memref_squeeze %dma_start3A_45 : memref<1x128x64xf32, #tpu.memory_space<vmem>> -> memref<128x64xf32, #tpu.memory_space<vmem>>
      %dma_start3A_47 = arith.constant 0 : i32
      %dma_start3A_48 = tpu.memref_slice %arg2[%add3A_35, %dma_start3A_47] : memref<100000x64xf32, #tpu.memory_space<hbm>> -> memref<128x64xf32, #tpu.memory_space<hbm>>
      tpu.enqueue_dma source(%dma_start3A_48 : memref<128x64xf32, #tpu.memory_space<hbm>>) target(%dma_start3A_46 : memref<128x64xf32, #tpu.memory_space<vmem>>) target_semaphore(%arg20 : memref<!tpu.dma_semaphore, #tpu.memory_space<semaphore_mem>>)
      %add3A_49 = arith.constant 256 : i32
      %add3A_50 = arith.addi %mul3A_2, %add3A_49 : i32
      %dma_start3A_51 = arith.constant 2 : i32
      %dma_start3A_52 = arith.constant 0 : i32
      %dma_start3A_53 = arith.constant 0 : i32
      %dma_start3A_54 = tpu.memref_slice %arg12[%dma_start3A_51, %dma_start3A_52, %dma_start3A_53] : memref<4x128x64xf32, #tpu.memory_space<vmem>> -> memref<1x128x64xf32, #tpu.memory_space<vmem>>
      %dma_start3A_55 = tpu.memref_squeeze %dma_start3A_54 : memref<1x128x64xf32, #tpu.memory_space<vmem>> -> memref<128x64xf32, #tpu.memory_space<vmem>>
      %dma_start3A_56 = arith.constant 0 : i32
      %dma_start3A_57 = tpu.memref_slice %arg2[%add3A_50, %dma_start3A_56] : memref<100000x64xf32, #tpu.memory_space<hbm>> -> memref<128x64xf32, #tpu.memory_space<hbm>>
      %dma_start3A_58 = arith.constant 0 : i32
      %dma_start3A_59 = arith.constant 0 : i32
      %dma_start3A_60 = tpu.memref_slice %arg12[%dma_start3A_51, %dma_start3A_58, %dma_start3A_59] : memref<4x128x64xf32, #tpu.memory_space<vmem>> -> memref<1x128x64xf32, #tpu.memory_space<vmem>>
      %dma_start3A_61 = tpu.memref_squeeze %dma_start3A_60 : memref<1x128x64xf32, #tpu.memory_space<vmem>> -> memref<128x64xf32, #tpu.memory_space<vmem>>
      %dma_start3A_62 = arith.constant 0 : i32
      %dma_start3A_63 = tpu.memref_slice %arg2[%add3A_50, %dma_start3A_62] : memref<100000x64xf32, #tpu.memory_space<hbm>> -> memref<128x64xf32, #tpu.memory_space<hbm>>
      tpu.enqueue_dma source(%dma_start3A_63 : memref<128x64xf32, #tpu.memory_space<hbm>>) target(%dma_start3A_61 : memref<128x64xf32, #tpu.memory_space<vmem>>) target_semaphore(%arg21 : memref<!tpu.dma_semaphore, #tpu.memory_space<semaphore_mem>>)
      %dma_wait3A = arith.constant 0 : i32
      %dma_wait3A_64 = arith.constant 0 : i32
      %dma_wait3A_65 = arith.constant 0 : i32
      %dma_wait3A_66 = tpu.memref_slice %arg12[%dma_wait3A, %dma_wait3A_64, %dma_wait3A_65] : memref<4x128x64xf32, #tpu.memory_space<vmem>> -> memref<1x128x64xf32, #tpu.memory_space<vmem>>
      %dma_wait3A_67 = tpu.memref_squeeze %dma_wait3A_66 : memref<1x128x64xf32, #tpu.memory_space<vmem>> -> memref<128x64xf32, #tpu.memory_space<vmem>>
      %dma_wait3A_68 = arith.constant 0 : i32
      %dma_wait3A_69 = tpu.memref_slice %arg2[%add3A_21, %dma_wait3A_68] : memref<100000x64xf32, #tpu.memory_space<hbm>> -> memref<128x64xf32, #tpu.memory_space<hbm>>
      %dma_wait3A_70 = arith.constant 0 : i32
      %dma_wait3A_71 = arith.constant 0 : i32
      %dma_wait3A_72 = tpu.memref_slice %arg12[%dma_wait3A, %dma_wait3A_70, %dma_wait3A_71] : memref<4x128x64xf32, #tpu.memory_space<vmem>> -> memref<1x128x64xf32, #tpu.memory_space<vmem>>
      %dma_wait3A_73 = tpu.memref_squeeze %dma_wait3A_72 : memref<1x128x64xf32, #tpu.memory_space<vmem>> -> memref<128x64xf32, #tpu.memory_space<vmem>>
      %dma_wait3A_74 = arith.constant 0 : i32
      %dma_wait3A_75 = tpu.memref_slice %arg2[%add3A_21, %dma_wait3A_74] : memref<100000x64xf32, #tpu.memory_space<hbm>> -> memref<128x64xf32, #tpu.memory_space<hbm>>
      tpu.wait_dma2 semaphore(%arg19 : memref<!tpu.dma_semaphore, #tpu.memory_space<semaphore_mem>>) src(%dma_wait3A_75 : memref<128x64xf32, #tpu.memory_space<hbm>>) dst(%dma_wait3A_73 : memref<128x64xf32, #tpu.memory_space<vmem>>)
      %dma_start3A_76 = arith.constant 0 : i32
      %dma_start3A_77 = arith.constant 0 : i32
      %dma_start3A_78 = arith.constant 0 : i32
      %dma_start3A_79 = arith.constant 0 : i32
      %dma_start3A_80 = tpu.memref_slice %arg12[%dma_start3A_76, %dma_start3A_78, %dma_start3A_79] : memref<4x128x64xf32, #tpu.memory_space<vmem>> -> memref<1x128x64xf32, #tpu.memory_space<vmem>>
      %dma_start3A_81 = tpu.memref_squeeze %dma_start3A_80 : memref<1x128x64xf32, #tpu.memory_space<vmem>> -> memref<128x64xf32, #tpu.memory_space<vmem>>
      %dma_start3A_82 = arith.constant 0 : i32
      %dma_start3A_83 = tpu.memref_slice %arg13[%dma_start3A_77, %dma_start3A_82] : memref<25x128xi32, #tpu.memory_space<vmem>> -> memref<1x128xi32, #tpu.memory_space<vmem>>
      %dma_start3A_84 = tpu.memref_squeeze %dma_start3A_83 : memref<1x128xi32, #tpu.memory_space<vmem>> -> memref<128xi32, #tpu.memory_space<vmem>>
      %dma_start3A_85 = arith.constant 0 : i32
      %dma_start3A_86 = arith.constant 0 : i32
      %dma_start3A_87 = tpu.memref_slice %arg17[%dma_start3A_85, %dma_start3A_86] : memref<1008x64xf32, #tpu.memory_space<vmem_shared>> -> memref<1008x64xf32, #tpu.memory_space<vmem_shared>>
      tpu.enqueue_indirect_dma source(%dma_start3A_81 : memref<128x64xf32, #tpu.memory_space<vmem>>) target(%dma_start3A_87 : memref<1008x64xf32, #tpu.memory_space<vmem_shared>>) offsets(%dma_start3A_84 : memref<128xi32, #tpu.memory_space<vmem>>) semaphore(%arg23 : memref<!tpu.dma_semaphore, #tpu.memory_space<semaphore_mem>>) {add = true}
      %dma_start3A_88 = arith.constant 0 : i32
      %dma_start3A_89 = arith.constant 0 : i32
      %dma_start3A_90 = tpu.memref_slice %arg13[%dma_start3A_88, %dma_start3A_89] : memref<25x128xi32, #tpu.memory_space<vmem>> -> memref<1x128xi32, #tpu.memory_space<vmem>>
      %dma_start3A_91 = tpu.memref_squeeze %dma_start3A_90 : memref<1x128xi32, #tpu.memory_space<vmem>> -> memref<128xi32, #tpu.memory_space<vmem>>
      %dma_start3A_92 = arith.constant 0 : i32
      %dma_start3A_93 = arith.constant 0 : i32
      %dma_start3A_94 = tpu.memref_slice %arg18[%dma_start3A_92, %dma_start3A_93] : memref<1008x8xf32, #tpu.memory_space<vmem_shared>> -> memref<1008x8xf32, #tpu.memory_space<vmem_shared>>
      tpu.enqueue_indirect_dma source(%arg14 : memref<128x8xf32, #tpu.memory_space<vmem>>) target(%dma_start3A_94 : memref<1008x8xf32, #tpu.memory_space<vmem_shared>>) offsets(%dma_start3A_91 : memref<128xi32, #tpu.memory_space<vmem>>) semaphore(%arg23 : memref<!tpu.dma_semaphore, #tpu.memory_space<semaphore_mem>>) {add = true}
      %add3A_95 = arith.constant 384 : i32
      %add3A_96 = arith.addi %mul3A_2, %add3A_95 : i32
      %dma_start3A_97 = arith.constant 3 : i32
      %dma_start3A_98 = arith.constant 0 : i32
      %dma_start3A_99 = arith.constant 0 : i32
      %dma_start3A_100 = tpu.memref_slice %arg12[%dma_start3A_97, %dma_start3A_98, %dma_start3A_99] : memref<4x128x64xf32, #tpu.memory_space<vmem>> -> memref<1x128x64xf32, #tpu.memory_space<vmem>>
      %dma_start3A_101 = tpu.memref_squeeze %dma_start3A_100 : memref<1x128x64xf32, #tpu.memory_space<vmem>> -> memref<128x64xf32, #tpu.memory_space<vmem>>
      %dma_start3A_102 = arith.constant 0 : i32
      %dma_start3A_103 = tpu.memref_slice %arg2[%add3A_96, %dma_start3A_102] : memref<100000x64xf32, #tpu.memory_space<hbm>> -> memref<128x64xf32, #tpu.memory_space<hbm>>
      %dma_start3A_104 = arith.constant 0 : i32
      %dma_start3A_105 = arith.constant 0 : i32
      %dma_start3A_106 = tpu.memref_slice %arg12[%dma_start3A_97, %dma_start3A_104, %dma_start3A_105] : memref<4x128x64xf32, #tpu.memory_space<vmem>> -> memref<1x128x64xf32, #tpu.memory_space<vmem>>
      %dma_start3A_107 = tpu.memref_squeeze %dma_start3A_106 : memref<1x128x64xf32, #tpu.memory_space<vmem>> -> memref<128x64xf32, #tpu.memory_space<vmem>>
      %dma_start3A_108 = arith.constant 0 : i32
      %dma_start3A_109 = tpu.memref_slice %arg2[%add3A_96, %dma_start3A_108] : memref<100000x64xf32, #tpu.memory_space<hbm>> -> memref<128x64xf32, #tpu.memory_space<hbm>>
      tpu.enqueue_dma source(%dma_start3A_109 : memref<128x64xf32, #tpu.memory_space<hbm>>) target(%dma_start3A_107 : memref<128x64xf32, #tpu.memory_space<vmem>>) target_semaphore(%arg22 : memref<!tpu.dma_semaphore, #tpu.memory_space<semaphore_mem>>)
      %dma_wait3A_110 = arith.constant 1 : i32
      %dma_wait3A_111 = arith.constant 0 : i32
      %dma_wait3A_112 = arith.constant 0 : i32
      %dma_wait3A_113 = tpu.memref_slice %arg12[%dma_wait3A_110, %dma_wait3A_111, %dma_wait3A_112] : memref<4x128x64xf32, #tpu.memory_space<vmem>> -> memref<1x128x64xf32, #tpu.memory_space<vmem>>
      %dma_wait3A_114 = tpu.memref_squeeze %dma_wait3A_113 : memref<1x128x64xf32, #tpu.memory_space<vmem>> -> memref<128x64xf32, #tpu.memory_space<vmem>>
      %dma_wait3A_115 = arith.constant 0 : i32
      %dma_wait3A_116 = tpu.memref_slice %arg2[%add3A_35, %dma_wait3A_115] : memref<100000x64xf32, #tpu.memory_space<hbm>> -> memref<128x64xf32, #tpu.memory_space<hbm>>
      %dma_wait3A_117 = arith.constant 0 : i32
      %dma_wait3A_118 = arith.constant 0 : i32
      %dma_wait3A_119 = tpu.memref_slice %arg12[%dma_wait3A_110, %dma_wait3A_117, %dma_wait3A_118] : memref<4x128x64xf32, #tpu.memory_space<vmem>> -> memref<1x128x64xf32, #tpu.memory_space<vmem>>
      %dma_wait3A_120 = tpu.memref_squeeze %dma_wait3A_119 : memref<1x128x64xf32, #tpu.memory_space<vmem>> -> memref<128x64xf32, #tpu.memory_space<vmem>>
      %dma_wait3A_121 = arith.constant 0 : i32
      %dma_wait3A_122 = tpu.memref_slice %arg2[%add3A_35, %dma_wait3A_121] : memref<100000x64xf32, #tpu.memory_space<hbm>> -> memref<128x64xf32, #tpu.memory_space<hbm>>
      tpu.wait_dma2 semaphore(%arg20 : memref<!tpu.dma_semaphore, #tpu.memory_space<semaphore_mem>>) src(%dma_wait3A_122 : memref<128x64xf32, #tpu.memory_space<hbm>>) dst(%dma_wait3A_120 : memref<128x64xf32, #tpu.memory_space<vmem>>)
      %dma_start3A_123 = arith.constant 1 : i32
      %dma_start3A_124 = arith.constant 1 : i32
      %dma_start3A_125 = arith.constant 0 : i32
      %dma_start3A_126 = arith.constant 0 : i32
      %dma_start3A_127 = tpu.memref_slice %arg12[%dma_start3A_123, %dma_start3A_125, %dma_start3A_126] : memref<4x128x64xf32, #tpu.memory_space<vmem>> -> memref<1x128x64xf32, #tpu.memory_space<vmem>>
      %dma_start3A_128 = tpu.memref_squeeze %dma_start3A_127 : memref<1x128x64xf32, #tpu.memory_space<vmem>> -> memref<128x64xf32, #tpu.memory_space<vmem>>
      %dma_start3A_129 = arith.constant 0 : i32
      %dma_start3A_130 = tpu.memref_slice %arg13[%dma_start3A_124, %dma_start3A_129] : memref<25x128xi32, #tpu.memory_space<vmem>> -> memref<1x128xi32, #tpu.memory_space<vmem>>
      %dma_start3A_131 = tpu.memref_squeeze %dma_start3A_130 : memref<1x128xi32, #tpu.memory_space<vmem>> -> memref<128xi32, #tpu.memory_space<vmem>>
      %dma_start3A_132 = arith.constant 0 : i32
      %dma_start3A_133 = arith.constant 0 : i32
      %dma_start3A_134 = tpu.memref_slice %arg17[%dma_start3A_132, %dma_start3A_133] : memref<1008x64xf32, #tpu.memory_space<vmem_shared>> -> memref<1008x64xf32, #tpu.memory_space<vmem_shared>>
      tpu.enqueue_indirect_dma source(%dma_start3A_128 : memref<128x64xf32, #tpu.memory_space<vmem>>) target(%dma_start3A_134 : memref<1008x64xf32, #tpu.memory_space<vmem_shared>>) offsets(%dma_start3A_131 : memref<128xi32, #tpu.memory_space<vmem>>) semaphore(%arg24 : memref<!tpu.dma_semaphore, #tpu.memory_space<semaphore_mem>>) {add = true}
      %dma_start3A_135 = arith.constant 1 : i32
      %dma_start3A_136 = arith.constant 0 : i32
      %dma_start3A_137 = tpu.memref_slice %arg13[%dma_start3A_135, %dma_start3A_136] : memref<25x128xi32, #tpu.memory_space<vmem>> -> memref<1x128xi32, #tpu.memory_space<vmem>>
      %dma_start3A_138 = tpu.memref_squeeze %dma_start3A_137 : memref<1x128xi32, #tpu.memory_space<vmem>> -> memref<128xi32, #tpu.memory_space<vmem>>
      %dma_start3A_139 = arith.constant 0 : i32
      %dma_start3A_140 = arith.constant 0 : i32
      %dma_start3A_141 = tpu.memref_slice %arg18[%dma_start3A_139, %dma_start3A_140] : memref<1008x8xf32, #tpu.memory_space<vmem_shared>> -> memref<1008x8xf32, #tpu.memory_space<vmem_shared>>
      tpu.enqueue_indirect_dma source(%arg14 : memref<128x8xf32, #tpu.memory_space<vmem>>) target(%dma_start3A_141 : memref<1008x8xf32, #tpu.memory_space<vmem_shared>>) offsets(%dma_start3A_138 : memref<128xi32, #tpu.memory_space<vmem>>) semaphore(%arg24 : memref<!tpu.dma_semaphore, #tpu.memory_space<semaphore_mem>>) {add = true}
      %dma_wait3A_142 = arith.constant 0 : i32
      %dma_wait3A_143 = arith.constant 0 : i32
      %dma_wait3A_144 = arith.constant 0 : i32
      %dma_wait3A_145 = arith.constant 0 : i32
      %dma_wait3A_146 = tpu.memref_slice %arg12[%dma_wait3A_142, %dma_wait3A_144, %dma_wait3A_145] : memref<4x128x64xf32, #tpu.memory_space<vmem>> -> memref<1x128x64xf32, #tpu.memory_space<vmem>>
      %dma_wait3A_147 = tpu.memref_squeeze %dma_wait3A_146 : memref<1x128x64xf32, #tpu.memory_space<vmem>> -> memref<128x64xf32, #tpu.memory_space<vmem>>
      %dma_wait3A_148 = arith.constant 0 : i32
      %dma_wait3A_149 = tpu.memref_slice %arg13[%dma_wait3A_143, %dma_wait3A_148] : memref<25x128xi32, #tpu.memory_space<vmem>> -> memref<1x128xi32, #tpu.memory_space<vmem>>
      %dma_wait3A_150 = tpu.memref_squeeze %dma_wait3A_149 : memref<1x128xi32, #tpu.memory_space<vmem>> -> memref<128xi32, #tpu.memory_space<vmem>>
      %dma_wait3A_151 = arith.constant 0 : i32
      %dma_wait3A_152 = arith.constant 0 : i32
      %dma_wait3A_153 = tpu.memref_slice %arg17[%dma_wait3A_151, %dma_wait3A_152] : memref<1008x64xf32, #tpu.memory_space<vmem_shared>> -> memref<1008x64xf32, #tpu.memory_space<vmem_shared>>
      tpu.wait_indirect_dma semaphore(%arg23 : memref<!tpu.dma_semaphore, #tpu.memory_space<semaphore_mem>>) src(%dma_wait3A_147 : memref<128x64xf32, #tpu.memory_space<vmem>>) dst(%dma_wait3A_153 : memref<1008x64xf32, #tpu.memory_space<vmem_shared>>)
      %dma_wait3A_154 = arith.constant 0 : i32
      %dma_wait3A_155 = arith.constant 0 : i32
      %dma_wait3A_156 = tpu.memref_slice %arg13[%dma_wait3A_154, %dma_wait3A_155] : memref<25x128xi32, #tpu.memory_space<vmem>> -> memref<1x128xi32, #tpu.memory_space<vmem>>
      %dma_wait3A_157 = tpu.memref_squeeze %dma_wait3A_156 : memref<1x128xi32, #tpu.memory_space<vmem>> -> memref<128xi32, #tpu.memory_space<vmem>>
      %dma_wait3A_158 = arith.constant 0 : i32
      %dma_wait3A_159 = arith.constant 0 : i32
      %dma_wait3A_160 = tpu.memref_slice %arg18[%dma_wait3A_158, %dma_wait3A_159] : memref<1008x8xf32, #tpu.memory_space<vmem_shared>> -> memref<1008x8xf32, #tpu.memory_space<vmem_shared>>
      tpu.wait_indirect_dma semaphore(%arg23 : memref<!tpu.dma_semaphore, #tpu.memory_space<semaphore_mem>>) src(%arg14 : memref<128x8xf32, #tpu.memory_space<vmem>>) dst(%dma_wait3A_160 : memref<1008x8xf32, #tpu.memory_space<vmem_shared>>)
      %add3A_161 = arith.constant 512 : i32
      %add3A_162 = arith.addi %mul3A_2, %add3A_161 : i32
      %dma_start3A_163 = arith.constant 0 : i32
      %dma_start3A_164 = arith.constant 0 : i32
      %dma_start3A_165 = arith.constant 0 : i32
      %dma_start3A_166 = tpu.memref_slice %arg12[%dma_start3A_163, %dma_start3A_164, %dma_start3A_165] : memref<4x128x64xf32, #tpu.memory_space<vmem>> -> memref<1x128x64xf32, #tpu.memory_space<vmem>>
      %dma_start3A_167 = tpu.memref_squeeze %dma_start3A_166 : memref<1x128x64xf32, #tpu.memory_space<vmem>> -> memref<128x64xf32, #tpu.memory_space<vmem>>
      %dma_start3A_168 = arith.constant 0 : i32
      %dma_start3A_169 = tpu.memref_slice %arg2[%add3A_162, %dma_start3A_168] : memref<100000x64xf32, #tpu.memory_space<hbm>> -> memref<128x64xf32, #tpu.memory_space<hbm>>
      %dma_start3A_170 = arith.constant 0 : i32
      %dma_start3A_171 = arith.constant 0 : i32
      %dma_start3A_172 = tpu.memref_slice %arg12[%dma_start3A_163, %dma_start3A_170, %dma_start3A_171] : memref<4x128x64xf32, #tpu.memory_space<vmem>> -> memref<1x128x64xf32, #tpu.memory_space<vmem>>
      %dma_start3A_173 = tpu.memref_squeeze %dma_start3A_172 : memref<1x128x64xf32, #tpu.memory_space<vmem>> -> memref<128x64xf32, #tpu.memory_space<vmem>>
      %dma_start3A_174 = arith.constant 0 : i32
      %dma_start3A_175 = tpu.memref_slice %arg2[%add3A_162, %dma_start3A_174] : memref<100000x64xf32, #tpu.memory_space<hbm>> -> memref<128x64xf32, #tpu.memory_space<hbm>>
      tpu.enqueue_dma source(%dma_start3A_175 : memref<128x64xf32, #tpu.memory_space<hbm>>) target(%dma_start3A_173 : memref<128x64xf32, #tpu.memory_space<vmem>>) target_semaphore(%arg19 : memref<!tpu.dma_semaphore, #tpu.memory_space<semaphore_mem>>)
      %dma_wait3A_176 = arith.constant 2 : i32
      %dma_wait3A_177 = arith.constant 0 : i32
      %dma_wait3A_178 = arith.constant 0 : i32
      %dma_wait3A_179 = tpu.memref_slice %arg12[%dma_wait3A_176, %dma_wait3A_177, %dma_wait3A_178] : memref<4x128x64xf32, #tpu.memory_space<vmem>> -> memref<1x128x64xf32, #tpu.memory_space<vmem>>
      %dma_wait3A_180 = tpu.memref_squeeze %dma_wait3A_179 : memref<1x128x64xf32, #tpu.memory_space<vmem>> -> memref<128x64xf32, #tpu.memory_space<vmem>>
      %dma_wait3A_181 = arith.constant 0 : i32
      %dma_wait3A_182 = tpu.memref_slice %arg2[%add3A_50, %dma_wait3A_181] : memref<100000x64xf32, #tpu.memory_space<hbm>> -> memref<128x64xf32, #tpu.memory_space<hbm>>
      %dma_wait3A_183 = arith.constant 0 : i32
      %dma_wait3A_184 = arith.constant 0 : i32
      %dma_wait3A_185 = tpu.memref_slice %arg12[%dma_wait3A_176, %dma_wait3A_183, %dma_wait3A_184] : memref<4x128x64xf32, #tpu.memory_space<vmem>> -> memref<1x128x64xf32, #tpu.memory_space<vmem>>
      %dma_wait3A_186 = tpu.memref_squeeze %dma_wait3A_185 : memref<1x128x64xf32, #tpu.memory_space<vmem>> -> memref<128x64xf32, #tpu.memory_space<vmem>>
      %dma_wait3A_187 = arith.constant 0 : i32
      %dma_wait3A_188 = tpu.memref_slice %arg2[%add3A_50, %dma_wait3A_187] : memref<100000x64xf32, #tpu.memory_space<hbm>> -> memref<128x64xf32, #tpu.memory_space<hbm>>
      tpu.wait_dma2 semaphore(%arg21 : memref<!tpu.dma_semaphore, #tpu.memory_space<semaphore_mem>>) src(%dma_wait3A_188 : memref<128x64xf32, #tpu.memory_space<hbm>>) dst(%dma_wait3A_186 : memref<128x64xf32, #tpu.memory_space<vmem>>)
      %dma_start3A_189 = arith.constant 2 : i32
      %dma_start3A_190 = arith.constant 2 : i32
      %dma_start3A_191 = arith.constant 0 : i32
      %dma_start3A_192 = arith.constant 0 : i32
      %dma_start3A_193 = tpu.memref_slice %arg12[%dma_start3A_189, %dma_start3A_191, %dma_start3A_192] : memref<4x128x64xf32, #tpu.memory_space<vmem>> -> memref<1x128x64xf32, #tpu.memory_space<vmem>>
      %dma_start3A_194 = tpu.memref_squeeze %dma_start3A_193 : memref<1x128x64xf32, #tpu.memory_space<vmem>> -> memref<128x64xf32, #tpu.memory_space<vmem>>
      %dma_start3A_195 = arith.constant 0 : i32
      %dma_start3A_196 = tpu.memref_slice %arg13[%dma_start3A_190, %dma_start3A_195] : memref<25x128xi32, #tpu.memory_space<vmem>> -> memref<1x128xi32, #tpu.memory_space<vmem>>
      %dma_start3A_197 = tpu.memref_squeeze %dma_start3A_196 : memref<1x128xi32, #tpu.memory_space<vmem>> -> memref<128xi32, #tpu.memory_space<vmem>>
      %dma_start3A_198 = arith.constant 0 : i32
      %dma_start3A_199 = arith.constant 0 : i32
      %dma_start3A_200 = tpu.memref_slice %arg17[%dma_start3A_198, %dma_start3A_199] : memref<1008x64xf32, #tpu.memory_space<vmem_shared>> -> memref<1008x64xf32, #tpu.memory_space<vmem_shared>>
      tpu.enqueue_indirect_dma source(%dma_start3A_194 : memref<128x64xf32, #tpu.memory_space<vmem>>) target(%dma_start3A_200 : memref<1008x64xf32, #tpu.memory_space<vmem_shared>>) offsets(%dma_start3A_197 : memref<128xi32, #tpu.memory_space<vmem>>) semaphore(%arg25 : memref<!tpu.dma_semaphore, #tpu.memory_space<semaphore_mem>>) {add = true}
      %dma_start3A_201 = arith.constant 2 : i32
      %dma_start3A_202 = arith.constant 0 : i32
      %dma_start3A_203 = tpu.memref_slice %arg13[%dma_start3A_201, %dma_start3A_202] : memref<25x128xi32, #tpu.memory_space<vmem>> -> memref<1x128xi32, #tpu.memory_space<vmem>>
      %dma_start3A_204 = tpu.memref_squeeze %dma_start3A_203 : memref<1x128xi32, #tpu.memory_space<vmem>> -> memref<128xi32, #tpu.memory_space<vmem>>
      %dma_start3A_205 = arith.constant 0 : i32
      %dma_start3A_206 = arith.constant 0 : i32
      %dma_start3A_207 = tpu.memref_slice %arg18[%dma_start3A_205, %dma_start3A_206] : memref<1008x8xf32, #tpu.memory_space<vmem_shared>> -> memref<1008x8xf32, #tpu.memory_space<vmem_shared>>
      tpu.enqueue_indirect_dma source(%arg14 : memref<128x8xf32, #tpu.memory_space<vmem>>) target(%dma_start3A_207 : memref<1008x8xf32, #tpu.memory_space<vmem_shared>>) offsets(%dma_start3A_204 : memref<128xi32, #tpu.memory_space<vmem>>) semaphore(%arg25 : memref<!tpu.dma_semaphore, #tpu.memory_space<semaphore_mem>>) {add = true}
      %dma_wait3A_208 = arith.constant 1 : i32
      %dma_wait3A_209 = arith.constant 1 : i32
      %dma_wait3A_210 = arith.constant 0 : i32
      %dma_wait3A_211 = arith.constant 0 : i32
      %dma_wait3A_212 = tpu.memref_slice %arg12[%dma_wait3A_208, %dma_wait3A_210, %dma_wait3A_211] : memref<4x128x64xf32, #tpu.memory_space<vmem>> -> memref<1x128x64xf32, #tpu.memory_space<vmem>>
      %dma_wait3A_213 = tpu.memref_squeeze %dma_wait3A_212 : memref<1x128x64xf32, #tpu.memory_space<vmem>> -> memref<128x64xf32, #tpu.memory_space<vmem>>
      %dma_wait3A_214 = arith.constant 0 : i32
      %dma_wait3A_215 = tpu.memref_slice %arg13[%dma_wait3A_209, %dma_wait3A_214] : memref<25x128xi32, #tpu.memory_space<vmem>> -> memref<1x128xi32, #tpu.memory_space<vmem>>
      %dma_wait3A_216 = tpu.memref_squeeze %dma_wait3A_215 : memref<1x128xi32, #tpu.memory_space<vmem>> -> memref<128xi32, #tpu.memory_space<vmem>>
      %dma_wait3A_217 = arith.constant 0 : i32
      %dma_wait3A_218 = arith.constant 0 : i32
      %dma_wait3A_219 = tpu.memref_slice %arg17[%dma_wait3A_217, %dma_wait3A_218] : memref<1008x64xf32, #tpu.memory_space<vmem_shared>> -> memref<1008x64xf32, #tpu.memory_space<vmem_shared>>
      tpu.wait_indirect_dma semaphore(%arg24 : memref<!tpu.dma_semaphore, #tpu.memory_space<semaphore_mem>>) src(%dma_wait3A_213 : memref<128x64xf32, #tpu.memory_space<vmem>>) dst(%dma_wait3A_219 : memref<1008x64xf32, #tpu.memory_space<vmem_shared>>)
      %dma_wait3A_220 = arith.constant 1 : i32
      %dma_wait3A_221 = arith.constant 0 : i32
      %dma_wait3A_222 = tpu.memref_slice %arg13[%dma_wait3A_220, %dma_wait3A_221] : memref<25x128xi32, #tpu.memory_space<vmem>> -> memref<1x128xi32, #tpu.memory_space<vmem>>
      %dma_wait3A_223 = tpu.memref_squeeze %dma_wait3A_222 : memref<1x128xi32, #tpu.memory_space<vmem>> -> memref<128xi32, #tpu.memory_space<vmem>>
      %dma_wait3A_224 = arith.constant 0 : i32
      %dma_wait3A_225 = arith.constant 0 : i32
      %dma_wait3A_226 = tpu.memref_slice %arg18[%dma_wait3A_224, %dma_wait3A_225] : memref<1008x8xf32, #tpu.memory_space<vmem_shared>> -> memref<1008x8xf32, #tpu.memory_space<vmem_shared>>
      tpu.wait_indirect_dma semaphore(%arg24 : memref<!tpu.dma_semaphore, #tpu.memory_space<semaphore_mem>>) src(%arg14 : memref<128x8xf32, #tpu.memory_space<vmem>>) dst(%dma_wait3A_226 : memref<1008x8xf32, #tpu.memory_space<vmem_shared>>)
      %add3A_227 = arith.constant 640 : i32
      %add3A_228 = arith.addi %mul3A_2, %add3A_227 : i32
      %dma_start3A_229 = arith.constant 1 : i32
      %dma_start3A_230 = arith.constant 0 : i32
      %dma_start3A_231 = arith.constant 0 : i32
      %dma_start3A_232 = tpu.memref_slice %arg12[%dma_start3A_229, %dma_start3A_230, %dma_start3A_231] : memref<4x128x64xf32, #tpu.memory_space<vmem>> -> memref<1x128x64xf32, #tpu.memory_space<vmem>>
      %dma_start3A_233 = tpu.memref_squeeze %dma_start3A_232 : memref<1x128x64xf32, #tpu.memory_space<vmem>> -> memref<128x64xf32, #tpu.memory_space<vmem>>
      %dma_start3A_234 = arith.constant 0 : i32
      %dma_start3A_235 = tpu.memref_slice %arg2[%add3A_228, %dma_start3A_234] : memref<100000x64xf32, #tpu.memory_space<hbm>> -> memref<128x64xf32, #tpu.memory_space<hbm>>
      %dma_start3A_236 = arith.constant 0 : i32
      %dma_start3A_237 = arith.constant 0 : i32
      %dma_start3A_238 = tpu.memref_slice %arg12[%dma_start3A_229, %dma_start3A_236, %dma_start3A_237] : memref<4x128x64xf32, #tpu.memory_space<vmem>> -> memref<1x128x64xf32, #tpu.memory_space<vmem>>
      %dma_start3A_239 = tpu.memref_squeeze %dma_start3A_238 : memref<1x128x64xf32, #tpu.memory_space<vmem>> -> memref<128x64xf32, #tpu.memory_space<vmem>>
      %dma_start3A_240 = arith.constant 0 : i32
      %dma_start3A_241 = tpu.memref_slice %arg2[%add3A_228, %dma_start3A_240] : memref<100000x64xf32, #tpu.memory_space<hbm>> -> memref<128x64xf32, #tpu.memory_space<hbm>>
      tpu.enqueue_dma source(%dma_start3A_241 : memref<128x64xf32, #tpu.memory_space<hbm>>) target(%dma_start3A_239 : memref<128x64xf32, #tpu.memory_space<vmem>>) target_semaphore(%arg20 : memref<!tpu.dma_semaphore, #tpu.memory_space<semaphore_mem>>)
      %dma_wait3A_242 = arith.constant 3 : i32
      %dma_wait3A_243 = arith.constant 0 : i32
      %dma_wait3A_244 = arith.constant 0 : i32
      %dma_wait3A_245 = tpu.memref_slice %arg12[%dma_wait3A_242, %dma_wait3A_243, %dma_wait3A_244] : memref<4x128x64xf32, #tpu.memory_space<vmem>> -> memref<1x128x64xf32, #tpu.memory_space<vmem>>
      %dma_wait3A_246 = tpu.memref_squeeze %dma_wait3A_245 : memref<1x128x64xf32, #tpu.memory_space<vmem>> -> memref<128x64xf32, #tpu.memory_space<vmem>>
      %dma_wait3A_247 = arith.constant 0 : i32
      %dma_wait3A_248 = tpu.memref_slice %arg2[%add3A_96, %dma_wait3A_247] : memref<100000x64xf32, #tpu.memory_space<hbm>> -> memref<128x64xf32, #tpu.memory_space<hbm>>
      %dma_wait3A_249 = arith.constant 0 : i32
      %dma_wait3A_250 = arith.constant 0 : i32
      %dma_wait3A_251 = tpu.memref_slice %arg12[%dma_wait3A_242, %dma_wait3A_249, %dma_wait3A_250] : memref<4x128x64xf32, #tpu.memory_space<vmem>> -> memref<1x128x64xf32, #tpu.memory_space<vmem>>
      %dma_wait3A_252 = tpu.memref_squeeze %dma_wait3A_251 : memref<1x128x64xf32, #tpu.memory_space<vmem>> -> memref<128x64xf32, #tpu.memory_space<vmem>>
      %dma_wait3A_253 = arith.constant 0 : i32
      %dma_wait3A_254 = tpu.memref_slice %arg2[%add3A_96, %dma_wait3A_253] : memref<100000x64xf32, #tpu.memory_space<hbm>> -> memref<128x64xf32, #tpu.memory_space<hbm>>
      tpu.wait_dma2 semaphore(%arg22 : memref<!tpu.dma_semaphore, #tpu.memory_space<semaphore_mem>>) src(%dma_wait3A_254 : memref<128x64xf32, #tpu.memory_space<hbm>>) dst(%dma_wait3A_252 : memref<128x64xf32, #tpu.memory_space<vmem>>)
      %dma_start3A_255 = arith.constant 3 : i32
      %dma_start3A_256 = arith.constant 3 : i32
      %dma_start3A_257 = arith.constant 0 : i32
      %dma_start3A_258 = arith.constant 0 : i32
      %dma_start3A_259 = tpu.memref_slice %arg12[%dma_start3A_255, %dma_start3A_257, %dma_start3A_258] : memref<4x128x64xf32, #tpu.memory_space<vmem>> -> memref<1x128x64xf32, #tpu.memory_space<vmem>>
      %dma_start3A_260 = tpu.memref_squeeze %dma_start3A_259 : memref<1x128x64xf32, #tpu.memory_space<vmem>> -> memref<128x64xf32, #tpu.memory_space<vmem>>
      %dma_start3A_261 = arith.constant 0 : i32
      %dma_start3A_262 = tpu.memref_slice %arg13[%dma_start3A_256, %dma_start3A_261] : memref<25x128xi32, #tpu.memory_space<vmem>> -> memref<1x128xi32, #tpu.memory_space<vmem>>
      %dma_start3A_263 = tpu.memref_squeeze %dma_start3A_262 : memref<1x128xi32, #tpu.memory_space<vmem>> -> memref<128xi32, #tpu.memory_space<vmem>>
      %dma_start3A_264 = arith.constant 0 : i32
      %dma_start3A_265 = arith.constant 0 : i32
      %dma_start3A_266 = tpu.memref_slice %arg17[%dma_start3A_264, %dma_start3A_265] : memref<1008x64xf32, #tpu.memory_space<vmem_shared>> -> memref<1008x64xf32, #tpu.memory_space<vmem_shared>>
      tpu.enqueue_indirect_dma source(%dma_start3A_260 : memref<128x64xf32, #tpu.memory_space<vmem>>) target(%dma_start3A_266 : memref<1008x64xf32, #tpu.memory_space<vmem_shared>>) offsets(%dma_start3A_263 : memref<128xi32, #tpu.memory_space<vmem>>) semaphore(%arg26 : memref<!tpu.dma_semaphore, #tpu.memory_space<semaphore_mem>>) {add = true}
      %dma_start3A_267 = arith.constant 3 : i32
      %dma_start3A_268 = arith.constant 0 : i32
      %dma_start3A_269 = tpu.memref_slice %arg13[%dma_start3A_267, %dma_start3A_268] : memref<25x128xi32, #tpu.memory_space<vmem>> -> memref<1x128xi32, #tpu.memory_space<vmem>>
      %dma_start3A_270 = tpu.memref_squeeze %dma_start3A_269 : memref<1x128xi32, #tpu.memory_space<vmem>> -> memref<128xi32, #tpu.memory_space<vmem>>
      %dma_start3A_271 = arith.constant 0 : i32
      %dma_start3A_272 = arith.constant 0 : i32
      %dma_start3A_273 = tpu.memref_slice %arg18[%dma_start3A_271, %dma_start3A_272] : memref<1008x8xf32, #tpu.memory_space<vmem_shared>> -> memref<1008x8xf32, #tpu.memory_space<vmem_shared>>
      tpu.enqueue_indirect_dma source(%arg14 : memref<128x8xf32, #tpu.memory_space<vmem>>) target(%dma_start3A_273 : memref<1008x8xf32, #tpu.memory_space<vmem_shared>>) offsets(%dma_start3A_270 : memref<128xi32, #tpu.memory_space<vmem>>) semaphore(%arg26 : memref<!tpu.dma_semaphore, #tpu.memory_space<semaphore_mem>>) {add = true}
      %dma_wait3A_274 = arith.constant 2 : i32
      %dma_wait3A_275 = arith.constant 2 : i32
      %dma_wait3A_276 = arith.constant 0 : i32
      %dma_wait3A_277 = arith.constant 0 : i32
      %dma_wait3A_278 = tpu.memref_slice %arg12[%dma_wait3A_274, %dma_wait3A_276, %dma_wait3A_277] : memref<4x128x64xf32, #tpu.memory_space<vmem>> -> memref<1x128x64xf32, #tpu.memory_space<vmem>>
      %dma_wait3A_279 = tpu.memref_squeeze %dma_wait3A_278 : memref<1x128x64xf32, #tpu.memory_space<vmem>> -> memref<128x64xf32, #tpu.memory_space<vmem>>
      %dma_wait3A_280 = arith.constant 0 : i32
      %dma_wait3A_281 = tpu.memref_slice %arg13[%dma_wait3A_275, %dma_wait3A_280] : memref<25x128xi32, #tpu.memory_space<vmem>> -> memref<1x128xi32, #tpu.memory_space<vmem>>
      %dma_wait3A_282 = tpu.memref_squeeze %dma_wait3A_281 : memref<1x128xi32, #tpu.memory_space<vmem>> -> memref<128xi32, #tpu.memory_space<vmem>>
      %dma_wait3A_283 = arith.constant 0 : i32
      %dma_wait3A_284 = arith.constant 0 : i32
      %dma_wait3A_285 = tpu.memref_slice %arg17[%dma_wait3A_283, %dma_wait3A_284] : memref<1008x64xf32, #tpu.memory_space<vmem_shared>> -> memref<1008x64xf32, #tpu.memory_space<vmem_shared>>
      tpu.wait_indirect_dma semaphore(%arg25 : memref<!tpu.dma_semaphore, #tpu.memory_space<semaphore_mem>>) src(%dma_wait3A_279 : memref<128x64xf32, #tpu.memory_space<vmem>>) dst(%dma_wait3A_285 : memref<1008x64xf32, #tpu.memory_space<vmem_shared>>)
      %dma_wait3A_286 = arith.constant 2 : i32
      %dma_wait3A_287 = arith.constant 0 : i32
      %dma_wait3A_288 = tpu.memref_slice %arg13[%dma_wait3A_286, %dma_wait3A_287] : memref<25x128xi32, #tpu.memory_space<vmem>> -> memref<1x128xi32, #tpu.memory_space<vmem>>
      %dma_wait3A_289 = tpu.memref_squeeze %dma_wait3A_288 : memref<1x128xi32, #tpu.memory_space<vmem>> -> memref<128xi32, #tpu.memory_space<vmem>>
      %dma_wait3A_290 = arith.constant 0 : i32
      %dma_wait3A_291 = arith.constant 0 : i32
      %dma_wait3A_292 = tpu.memref_slice %arg18[%dma_wait3A_290, %dma_wait3A_291] : memref<1008x8xf32, #tpu.memory_space<vmem_shared>> -> memref<1008x8xf32, #tpu.memory_space<vmem_shared>>
      tpu.wait_indirect_dma semaphore(%arg25 : memref<!tpu.dma_semaphore, #tpu.memory_space<semaphore_mem>>) src(%arg14 : memref<128x8xf32, #tpu.memory_space<vmem>>) dst(%dma_wait3A_292 : memref<1008x8xf32, #tpu.memory_space<vmem_shared>>)
      %add3A_293 = arith.constant 768 : i32
      %add3A_294 = arith.addi %mul3A_2, %add3A_293 : i32
      %dma_start3A_295 = arith.constant 2 : i32
      %dma_start3A_296 = arith.constant 0 : i32
      %dma_start3A_297 = arith.constant 0 : i32
      %dma_start3A_298 = tpu.memref_slice %arg12[%dma_start3A_295, %dma_start3A_296, %dma_start3A_297] : memref<4x128x64xf32, #tpu.memory_space<vmem>> -> memref<1x32x64xf32, #tpu.memory_space<vmem>>
      %dma_start3A_299 = tpu.memref_squeeze %dma_start3A_298 : memref<1x32x64xf32, #tpu.memory_space<vmem>> -> memref<32x64xf32, #tpu.memory_space<vmem>>
      %dma_start3A_300 = arith.constant 0 : i32
      %dma_start3A_301 = tpu.memref_slice %arg2[%add3A_294, %dma_start3A_300] : memref<100000x64xf32, #tpu.memory_space<hbm>> -> memref<32x64xf32, #tpu.memory_space<hbm>>
      %dma_start3A_302 = arith.constant 0 : i32
      %dma_start3A_303 = arith.constant 0 : i32
      %dma_start3A_304 = tpu.memref_slice %arg12[%dma_start3A_295, %dma_start3A_302, %dma_start3A_303] : memref<4x128x64xf32, #tpu.memory_space<vmem>> -> memref<1x32x64xf32, #tpu.memory_space<vmem>>
      %dma_start3A_305 = tpu.memref_squeeze %dma_start3A_304 : memref<1x32x64xf32, #tpu.memory_space<vmem>> -> memref<32x64xf32, #tpu.memory_space<vmem>>
      %dma_start3A_306 = arith.constant 0 : i32
      %dma_start3A_307 = tpu.memref_slice %arg2[%add3A_294, %dma_start3A_306] : memref<100000x64xf32, #tpu.memory_space<hbm>> -> memref<32x64xf32, #tpu.memory_space<hbm>>
      tpu.enqueue_dma source(%dma_start3A_307 : memref<32x64xf32, #tpu.memory_space<hbm>>) target(%dma_start3A_305 : memref<32x64xf32, #tpu.memory_space<vmem>>) target_semaphore(%arg21 : memref<!tpu.dma_semaphore, #tpu.memory_space<semaphore_mem>>)
      %dma_wait3A_308 = arith.constant 0 : i32
      %dma_wait3A_309 = arith.constant 0 : i32
      %dma_wait3A_310 = arith.constant 0 : i32
      %dma_wait3A_311 = tpu.memref_slice %arg12[%dma_wait3A_308, %dma_wait3A_309, %dma_wait3A_310] : memref<4x128x64xf32, #tpu.memory_space<vmem>> -> memref<1x128x64xf32, #tpu.memory_space<vmem>>
      %dma_wait3A_312 = tpu.memref_squeeze %dma_wait3A_311 : memref<1x128x64xf32, #tpu.memory_space<vmem>> -> memref<128x64xf32, #tpu.memory_space<vmem>>
      %dma_wait3A_313 = arith.constant 0 : i32
      %dma_wait3A_314 = tpu.memref_slice %arg2[%add3A_162, %dma_wait3A_313] : memref<100000x64xf32, #tpu.memory_space<hbm>> -> memref<128x64xf32, #tpu.memory_space<hbm>>
      %dma_wait3A_315 = arith.constant 0 : i32
      %dma_wait3A_316 = arith.constant 0 : i32
      %dma_wait3A_317 = tpu.memref_slice %arg12[%dma_wait3A_308, %dma_wait3A_315, %dma_wait3A_316] : memref<4x128x64xf32, #tpu.memory_space<vmem>> -> memref<1x128x64xf32, #tpu.memory_space<vmem>>
      %dma_wait3A_318 = tpu.memref_squeeze %dma_wait3A_317 : memref<1x128x64xf32, #tpu.memory_space<vmem>> -> memref<128x64xf32, #tpu.memory_space<vmem>>
      %dma_wait3A_319 = arith.constant 0 : i32
      %dma_wait3A_320 = tpu.memref_slice %arg2[%add3A_162, %dma_wait3A_319] : memref<100000x64xf32, #tpu.memory_space<hbm>> -> memref<128x64xf32, #tpu.memory_space<hbm>>
      tpu.wait_dma2 semaphore(%arg19 : memref<!tpu.dma_semaphore, #tpu.memory_space<semaphore_mem>>) src(%dma_wait3A_320 : memref<128x64xf32, #tpu.memory_space<hbm>>) dst(%dma_wait3A_318 : memref<128x64xf32, #tpu.memory_space<vmem>>)
      %dma_start3A_321 = arith.constant 0 : i32
      %dma_start3A_322 = arith.constant 4 : i32
      %dma_start3A_323 = arith.constant 0 : i32
      %dma_start3A_324 = arith.constant 0 : i32
      %dma_start3A_325 = tpu.memref_slice %arg12[%dma_start3A_321, %dma_start3A_323, %dma_start3A_324] : memref<4x128x64xf32, #tpu.memory_space<vmem>> -> memref<1x128x64xf32, #tpu.memory_space<vmem>>
      %dma_start3A_326 = tpu.memref_squeeze %dma_start3A_325 : memref<1x128x64xf32, #tpu.memory_space<vmem>> -> memref<128x64xf32, #tpu.memory_space<vmem>>
      %dma_start3A_327 = arith.constant 0 : i32
      %dma_start3A_328 = tpu.memref_slice %arg13[%dma_start3A_322, %dma_start3A_327] : memref<25x128xi32, #tpu.memory_space<vmem>> -> memref<1x128xi32, #tpu.memory_space<vmem>>
      %dma_start3A_329 = tpu.memref_squeeze %dma_start3A_328 : memref<1x128xi32, #tpu.memory_space<vmem>> -> memref<128xi32, #tpu.memory_space<vmem>>
      %dma_start3A_330 = arith.constant 0 : i32
      %dma_start3A_331 = arith.constant 0 : i32
      %dma_start3A_332 = tpu.memref_slice %arg17[%dma_start3A_330, %dma_start3A_331] : memref<1008x64xf32, #tpu.memory_space<vmem_shared>> -> memref<1008x64xf32, #tpu.memory_space<vmem_shared>>
      tpu.enqueue_indirect_dma source(%dma_start3A_326 : memref<128x64xf32, #tpu.memory_space<vmem>>) target(%dma_start3A_332 : memref<1008x64xf32, #tpu.memory_space<vmem_shared>>) offsets(%dma_start3A_329 : memref<128xi32, #tpu.memory_space<vmem>>) semaphore(%arg23 : memref<!tpu.dma_semaphore, #tpu.memory_space<semaphore_mem>>) {add = true}
      %dma_start3A_333 = arith.constant 4 : i32
      %dma_start3A_334 = arith.constant 0 : i32
      %dma_start3A_335 = tpu.memref_slice %arg13[%dma_start3A_333, %dma_start3A_334] : memref<25x128xi32, #tpu.memory_space<vmem>> -> memref<1x128xi32, #tpu.memory_space<vmem>>
      %dma_start3A_336 = tpu.memref_squeeze %dma_start3A_335 : memref<1x128xi32, #tpu.memory_space<vmem>> -> memref<128xi32, #tpu.memory_space<vmem>>
      %dma_start3A_337 = arith.constant 0 : i32
      %dma_start3A_338 = arith.constant 0 : i32
      %dma_start3A_339 = tpu.memref_slice %arg18[%dma_start3A_337, %dma_start3A_338] : memref<1008x8xf32, #tpu.memory_space<vmem_shared>> -> memref<1008x8xf32, #tpu.memory_space<vmem_shared>>
      tpu.enqueue_indirect_dma source(%arg14 : memref<128x8xf32, #tpu.memory_space<vmem>>) target(%dma_start3A_339 : memref<1008x8xf32, #tpu.memory_space<vmem_shared>>) offsets(%dma_start3A_336 : memref<128xi32, #tpu.memory_space<vmem>>) semaphore(%arg23 : memref<!tpu.dma_semaphore, #tpu.memory_space<semaphore_mem>>) {add = true}
      %dma_wait3A_340 = arith.constant 3 : i32
      %dma_wait3A_341 = arith.constant 3 : i32
      %dma_wait3A_342 = arith.constant 0 : i32
      %dma_wait3A_343 = arith.constant 0 : i32
      %dma_wait3A_344 = tpu.memref_slice %arg12[%dma_wait3A_340, %dma_wait3A_342, %dma_wait3A_343] : memref<4x128x64xf32, #tpu.memory_space<vmem>> -> memref<1x128x64xf32, #tpu.memory_space<vmem>>
      %dma_wait3A_345 = tpu.memref_squeeze %dma_wait3A_344 : memref<1x128x64xf32, #tpu.memory_space<vmem>> -> memref<128x64xf32, #tpu.memory_space<vmem>>
      %dma_wait3A_346 = arith.constant 0 : i32
      %dma_wait3A_347 = tpu.memref_slice %arg13[%dma_wait3A_341, %dma_wait3A_346] : memref<25x128xi32, #tpu.memory_space<vmem>> -> memref<1x128xi32, #tpu.memory_space<vmem>>
      %dma_wait3A_348 = tpu.memref_squeeze %dma_wait3A_347 : memref<1x128xi32, #tpu.memory_space<vmem>> -> memref<128xi32, #tpu.memory_space<vmem>>
      %dma_wait3A_349 = arith.constant 0 : i32
      %dma_wait3A_350 = arith.constant 0 : i32
      %dma_wait3A_351 = tpu.memref_slice %arg17[%dma_wait3A_349, %dma_wait3A_350] : memref<1008x64xf32, #tpu.memory_space<vmem_shared>> -> memref<1008x64xf32, #tpu.memory_space<vmem_shared>>
      tpu.wait_indirect_dma semaphore(%arg26 : memref<!tpu.dma_semaphore, #tpu.memory_space<semaphore_mem>>) src(%dma_wait3A_345 : memref<128x64xf32, #tpu.memory_space<vmem>>) dst(%dma_wait3A_351 : memref<1008x64xf32, #tpu.memory_space<vmem_shared>>)
      %dma_wait3A_352 = arith.constant 3 : i32
      %dma_wait3A_353 = arith.constant 0 : i32
      %dma_wait3A_354 = tpu.memref_slice %arg13[%dma_wait3A_352, %dma_wait3A_353] : memref<25x128xi32, #tpu.memory_space<vmem>> -> memref<1x128xi32, #tpu.memory_space<vmem>>
      %dma_wait3A_355 = tpu.memref_squeeze %dma_wait3A_354 : memref<1x128xi32, #tpu.memory_space<vmem>> -> memref<128xi32, #tpu.memory_space<vmem>>
      %dma_wait3A_356 = arith.constant 0 : i32
      %dma_wait3A_357 = arith.constant 0 : i32
      %dma_wait3A_358 = tpu.memref_slice %arg18[%dma_wait3A_356, %dma_wait3A_357] : memref<1008x8xf32, #tpu.memory_space<vmem_shared>> -> memref<1008x8xf32, #tpu.memory_space<vmem_shared>>
      tpu.wait_indirect_dma semaphore(%arg26 : memref<!tpu.dma_semaphore, #tpu.memory_space<semaphore_mem>>) src(%arg14 : memref<128x8xf32, #tpu.memory_space<vmem>>) dst(%dma_wait3A_358 : memref<1008x8xf32, #tpu.memory_space<vmem_shared>>)
      %dma_wait3A_359 = arith.constant 1 : i32
      %dma_wait3A_360 = arith.constant 0 : i32
      %dma_wait3A_361 = arith.constant 0 : i32
      %dma_wait3A_362 = tpu.memref_slice %arg12[%dma_wait3A_359, %dma_wait3A_360, %dma_wait3A_361] : memref<4x128x64xf32, #tpu.memory_space<vmem>> -> memref<1x128x64xf32, #tpu.memory_space<vmem>>
      %dma_wait3A_363 = tpu.memref_squeeze %dma_wait3A_362 : memref<1x128x64xf32, #tpu.memory_space<vmem>> -> memref<128x64xf32, #tpu.memory_space<vmem>>
      %dma_wait3A_364 = arith.constant 0 : i32
      %dma_wait3A_365 = tpu.memref_slice %arg2[%add3A_228, %dma_wait3A_364] : memref<100000x64xf32, #tpu.memory_space<hbm>> -> memref<128x64xf32, #tpu.memory_space<hbm>>
      %dma_wait3A_366 = arith.constant 0 : i32
      %dma_wait3A_367 = arith.constant 0 : i32
      %dma_wait3A_368 = tpu.memref_slice %arg12[%dma_wait3A_359, %dma_wait3A_366, %dma_wait3A_367] : memref<4x128x64xf32, #tpu.memory_space<vmem>> -> memref<1x128x64xf32, #tpu.memory_space<vmem>>
      %dma_wait3A_369 = tpu.memref_squeeze %dma_wait3A_368 : memref<1x128x64xf32, #tpu.memory_space<vmem>> -> memref<128x64xf32, #tpu.memory_space<vmem>>
      %dma_wait3A_370 = arith.constant 0 : i32
      %dma_wait3A_371 = tpu.memref_slice %arg2[%add3A_228, %dma_wait3A_370] : memref<100000x64xf32, #tpu.memory_space<hbm>> -> memref<128x64xf32, #tpu.memory_space<hbm>>
      tpu.wait_dma2 semaphore(%arg20 : memref<!tpu.dma_semaphore, #tpu.memory_space<semaphore_mem>>) src(%dma_wait3A_371 : memref<128x64xf32, #tpu.memory_space<hbm>>) dst(%dma_wait3A_369 : memref<128x64xf32, #tpu.memory_space<vmem>>)
      %dma_start3A_372 = arith.constant 1 : i32
      %dma_start3A_373 = arith.constant 5 : i32
      %dma_start3A_374 = arith.constant 0 : i32
      %dma_start3A_375 = arith.constant 0 : i32
      %dma_start3A_376 = tpu.memref_slice %arg12[%dma_start3A_372, %dma_start3A_374, %dma_start3A_375] : memref<4x128x64xf32, #tpu.memory_space<vmem>> -> memref<1x128x64xf32, #tpu.memory_space<vmem>>
      %dma_start3A_377 = tpu.memref_squeeze %dma_start3A_376 : memref<1x128x64xf32, #tpu.memory_space<vmem>> -> memref<128x64xf32, #tpu.memory_space<vmem>>
      %dma_start3A_378 = arith.constant 0 : i32
      %dma_start3A_379 = tpu.memref_slice %arg13[%dma_start3A_373, %dma_start3A_378] : memref<25x128xi32, #tpu.memory_space<vmem>> -> memref<1x128xi32, #tpu.memory_space<vmem>>
      %dma_start3A_380 = tpu.memref_squeeze %dma_start3A_379 : memref<1x128xi32, #tpu.memory_space<vmem>> -> memref<128xi32, #tpu.memory_space<vmem>>
      %dma_start3A_381 = arith.constant 0 : i32
      %dma_start3A_382 = arith.constant 0 : i32
      %dma_start3A_383 = tpu.memref_slice %arg17[%dma_start3A_381, %dma_start3A_382] : memref<1008x64xf32, #tpu.memory_space<vmem_shared>> -> memref<1008x64xf32, #tpu.memory_space<vmem_shared>>
      tpu.enqueue_indirect_dma source(%dma_start3A_377 : memref<128x64xf32, #tpu.memory_space<vmem>>) target(%dma_start3A_383 : memref<1008x64xf32, #tpu.memory_space<vmem_shared>>) offsets(%dma_start3A_380 : memref<128xi32, #tpu.memory_space<vmem>>) semaphore(%arg24 : memref<!tpu.dma_semaphore, #tpu.memory_space<semaphore_mem>>) {add = true}
      %dma_start3A_384 = arith.constant 5 : i32
      %dma_start3A_385 = arith.constant 0 : i32
      %dma_start3A_386 = tpu.memref_slice %arg13[%dma_start3A_384, %dma_start3A_385] : memref<25x128xi32, #tpu.memory_space<vmem>> -> memref<1x128xi32, #tpu.memory_space<vmem>>
      %dma_start3A_387 = tpu.memref_squeeze %dma_start3A_386 : memref<1x128xi32, #tpu.memory_space<vmem>> -> memref<128xi32, #tpu.memory_space<vmem>>
      %dma_start3A_388 = arith.constant 0 : i32
      %dma_start3A_389 = arith.constant 0 : i32
      %dma_start3A_390 = tpu.memref_slice %arg18[%dma_start3A_388, %dma_start3A_389] : memref<1008x8xf32, #tpu.memory_space<vmem_shared>> -> memref<1008x8xf32, #tpu.memory_space<vmem_shared>>
      tpu.enqueue_indirect_dma source(%arg14 : memref<128x8xf32, #tpu.memory_space<vmem>>) target(%dma_start3A_390 : memref<1008x8xf32, #tpu.memory_space<vmem_shared>>) offsets(%dma_start3A_387 : memref<128xi32, #tpu.memory_space<vmem>>) semaphore(%arg24 : memref<!tpu.dma_semaphore, #tpu.memory_space<semaphore_mem>>) {add = true}
      %dma_wait3A_391 = arith.constant 0 : i32
      %dma_wait3A_392 = arith.constant 4 : i32
      %dma_wait3A_393 = arith.constant 0 : i32
      %dma_wait3A_394 = arith.constant 0 : i32
      %dma_wait3A_395 = tpu.memref_slice %arg12[%dma_wait3A_391, %dma_wait3A_393, %dma_wait3A_394] : memref<4x128x64xf32, #tpu.memory_space<vmem>> -> memref<1x128x64xf32, #tpu.memory_space<vmem>>
      %dma_wait3A_396 = tpu.memref_squeeze %dma_wait3A_395 : memref<1x128x64xf32, #tpu.memory_space<vmem>> -> memref<128x64xf32, #tpu.memory_space<vmem>>
      %dma_wait3A_397 = arith.constant 0 : i32
      %dma_wait3A_398 = tpu.memref_slice %arg13[%dma_wait3A_392, %dma_wait3A_397] : memref<25x128xi32, #tpu.memory_space<vmem>> -> memref<1x128xi32, #tpu.memory_space<vmem>>
      %dma_wait3A_399 = tpu.memref_squeeze %dma_wait3A_398 : memref<1x128xi32, #tpu.memory_space<vmem>> -> memref<128xi32, #tpu.memory_space<vmem>>
      %dma_wait3A_400 = arith.constant 0 : i32
      %dma_wait3A_401 = arith.constant 0 : i32
      %dma_wait3A_402 = tpu.memref_slice %arg17[%dma_wait3A_400, %dma_wait3A_401] : memref<1008x64xf32, #tpu.memory_space<vmem_shared>> -> memref<1008x64xf32, #tpu.memory_space<vmem_shared>>
      tpu.wait_indirect_dma semaphore(%arg23 : memref<!tpu.dma_semaphore, #tpu.memory_space<semaphore_mem>>) src(%dma_wait3A_396 : memref<128x64xf32, #tpu.memory_space<vmem>>) dst(%dma_wait3A_402 : memref<1008x64xf32, #tpu.memory_space<vmem_shared>>)
      %dma_wait3A_403 = arith.constant 4 : i32
      %dma_wait3A_404 = arith.constant 0 : i32
      %dma_wait3A_405 = tpu.memref_slice %arg13[%dma_wait3A_403, %dma_wait3A_404] : memref<25x128xi32, #tpu.memory_space<vmem>> -> memref<1x128xi32, #tpu.memory_space<vmem>>
      %dma_wait3A_406 = tpu.memref_squeeze %dma_wait3A_405 : memref<1x128xi32, #tpu.memory_space<vmem>> -> memref<128xi32, #tpu.memory_space<vmem>>
      %dma_wait3A_407 = arith.constant 0 : i32
      %dma_wait3A_408 = arith.constant 0 : i32
      %dma_wait3A_409 = tpu.memref_slice %arg18[%dma_wait3A_407, %dma_wait3A_408] : memref<1008x8xf32, #tpu.memory_space<vmem_shared>> -> memref<1008x8xf32, #tpu.memory_space<vmem_shared>>
      tpu.wait_indirect_dma semaphore(%arg23 : memref<!tpu.dma_semaphore, #tpu.memory_space<semaphore_mem>>) src(%arg14 : memref<128x8xf32, #tpu.memory_space<vmem>>) dst(%dma_wait3A_409 : memref<1008x8xf32, #tpu.memory_space<vmem_shared>>)
      %dma_wait3A_410 = arith.constant 2 : i32
      %dma_wait3A_411 = arith.constant 0 : i32
      %dma_wait3A_412 = arith.constant 0 : i32
      %dma_wait3A_413 = tpu.memref_slice %arg12[%dma_wait3A_410, %dma_wait3A_411, %dma_wait3A_412] : memref<4x128x64xf32, #tpu.memory_space<vmem>> -> memref<1x32x64xf32, #tpu.memory_space<vmem>>
      %dma_wait3A_414 = tpu.memref_squeeze %dma_wait3A_413 : memref<1x32x64xf32, #tpu.memory_space<vmem>> -> memref<32x64xf32, #tpu.memory_space<vmem>>
      %dma_wait3A_415 = arith.constant 0 : i32
      %dma_wait3A_416 = tpu.memref_slice %arg2[%add3A_294, %dma_wait3A_415] : memref<100000x64xf32, #tpu.memory_space<hbm>> -> memref<32x64xf32, #tpu.memory_space<hbm>>
      %dma_wait3A_417 = arith.constant 0 : i32
      %dma_wait3A_418 = arith.constant 0 : i32
      %dma_wait3A_419 = tpu.memref_slice %arg12[%dma_wait3A_410, %dma_wait3A_417, %dma_wait3A_418] : memref<4x128x64xf32, #tpu.memory_space<vmem>> -> memref<1x32x64xf32, #tpu.memory_space<vmem>>
      %dma_wait3A_420 = tpu.memref_squeeze %dma_wait3A_419 : memref<1x32x64xf32, #tpu.memory_space<vmem>> -> memref<32x64xf32, #tpu.memory_space<vmem>>
      %dma_wait3A_421 = arith.constant 0 : i32
      %dma_wait3A_422 = tpu.memref_slice %arg2[%add3A_294, %dma_wait3A_421] : memref<100000x64xf32, #tpu.memory_space<hbm>> -> memref<32x64xf32, #tpu.memory_space<hbm>>
      tpu.wait_dma2 semaphore(%arg21 : memref<!tpu.dma_semaphore, #tpu.memory_space<semaphore_mem>>) src(%dma_wait3A_422 : memref<32x64xf32, #tpu.memory_space<hbm>>) dst(%dma_wait3A_420 : memref<32x64xf32, #tpu.memory_space<vmem>>)
      %dma_start3A_423 = arith.constant 2 : i32
      %dma_start3A_424 = arith.constant 6 : i32
      %dma_start3A_425 = arith.constant 0 : i32
      %dma_start3A_426 = arith.constant 0 : i32
      %dma_start3A_427 = tpu.memref_slice %arg12[%dma_start3A_423, %dma_start3A_425, %dma_start3A_426] : memref<4x128x64xf32, #tpu.memory_space<vmem>> -> memref<1x128x64xf32, #tpu.memory_space<vmem>>
      %dma_start3A_428 = tpu.memref_squeeze %dma_start3A_427 : memref<1x128x64xf32, #tpu.memory_space<vmem>> -> memref<128x64xf32, #tpu.memory_space<vmem>>
      %dma_start3A_429 = arith.constant 0 : i32
      %dma_start3A_430 = tpu.memref_slice %arg13[%dma_start3A_424, %dma_start3A_429] : memref<25x128xi32, #tpu.memory_space<vmem>> -> memref<1x128xi32, #tpu.memory_space<vmem>>
      %dma_start3A_431 = tpu.memref_squeeze %dma_start3A_430 : memref<1x128xi32, #tpu.memory_space<vmem>> -> memref<128xi32, #tpu.memory_space<vmem>>
      %dma_start3A_432 = arith.constant 0 : i32
      %dma_start3A_433 = arith.constant 0 : i32
      %dma_start3A_434 = tpu.memref_slice %arg17[%dma_start3A_432, %dma_start3A_433] : memref<1008x64xf32, #tpu.memory_space<vmem_shared>> -> memref<1008x64xf32, #tpu.memory_space<vmem_shared>>
      tpu.enqueue_indirect_dma source(%dma_start3A_428 : memref<128x64xf32, #tpu.memory_space<vmem>>) target(%dma_start3A_434 : memref<1008x64xf32, #tpu.memory_space<vmem_shared>>) offsets(%dma_start3A_431 : memref<128xi32, #tpu.memory_space<vmem>>) semaphore(%arg25 : memref<!tpu.dma_semaphore, #tpu.memory_space<semaphore_mem>>) {add = true}
      %dma_start3A_435 = arith.constant 6 : i32
      %dma_start3A_436 = arith.constant 0 : i32
      %dma_start3A_437 = tpu.memref_slice %arg13[%dma_start3A_435, %dma_start3A_436] : memref<25x128xi32, #tpu.memory_space<vmem>> -> memref<1x128xi32, #tpu.memory_space<vmem>>
      %dma_start3A_438 = tpu.memref_squeeze %dma_start3A_437 : memref<1x128xi32, #tpu.memory_space<vmem>> -> memref<128xi32, #tpu.memory_space<vmem>>
      %dma_start3A_439 = arith.constant 0 : i32
      %dma_start3A_440 = arith.constant 0 : i32
      %dma_start3A_441 = tpu.memref_slice %arg18[%dma_start3A_439, %dma_start3A_440] : memref<1008x8xf32, #tpu.memory_space<vmem_shared>> -> memref<1008x8xf32, #tpu.memory_space<vmem_shared>>
      tpu.enqueue_indirect_dma source(%arg14 : memref<128x8xf32, #tpu.memory_space<vmem>>) target(%dma_start3A_441 : memref<1008x8xf32, #tpu.memory_space<vmem_shared>>) offsets(%dma_start3A_438 : memref<128xi32, #tpu.memory_space<vmem>>) semaphore(%arg25 : memref<!tpu.dma_semaphore, #tpu.memory_space<semaphore_mem>>) {add = true}
      %dma_wait3A_442 = arith.constant 1 : i32
      %dma_wait3A_443 = arith.constant 5 : i32
      %dma_wait3A_444 = arith.constant 0 : i32
      %dma_wait3A_445 = arith.constant 0 : i32
      %dma_wait3A_446 = tpu.memref_slice %arg12[%dma_wait3A_442, %dma_wait3A_444, %dma_wait3A_445] : memref<4x128x64xf32, #tpu.memory_space<vmem>> -> memref<1x128x64xf32, #tpu.memory_space<vmem>>
      %dma_wait3A_447 = tpu.memref_squeeze %dma_wait3A_446 : memref<1x128x64xf32, #tpu.memory_space<vmem>> -> memref<128x64xf32, #tpu.memory_space<vmem>>
      %dma_wait3A_448 = arith.constant 0 : i32
      %dma_wait3A_449 = tpu.memref_slice %arg13[%dma_wait3A_443, %dma_wait3A_448] : memref<25x128xi32, #tpu.memory_space<vmem>> -> memref<1x128xi32, #tpu.memory_space<vmem>>
      %dma_wait3A_450 = tpu.memref_squeeze %dma_wait3A_449 : memref<1x128xi32, #tpu.memory_space<vmem>> -> memref<128xi32, #tpu.memory_space<vmem>>
      %dma_wait3A_451 = arith.constant 0 : i32
      %dma_wait3A_452 = arith.constant 0 : i32
      %dma_wait3A_453 = tpu.memref_slice %arg17[%dma_wait3A_451, %dma_wait3A_452] : memref<1008x64xf32, #tpu.memory_space<vmem_shared>> -> memref<1008x64xf32, #tpu.memory_space<vmem_shared>>
      tpu.wait_indirect_dma semaphore(%arg24 : memref<!tpu.dma_semaphore, #tpu.memory_space<semaphore_mem>>) src(%dma_wait3A_447 : memref<128x64xf32, #tpu.memory_space<vmem>>) dst(%dma_wait3A_453 : memref<1008x64xf32, #tpu.memory_space<vmem_shared>>)
      %dma_wait3A_454 = arith.constant 5 : i32
      %dma_wait3A_455 = arith.constant 0 : i32
      %dma_wait3A_456 = tpu.memref_slice %arg13[%dma_wait3A_454, %dma_wait3A_455] : memref<25x128xi32, #tpu.memory_space<vmem>> -> memref<1x128xi32, #tpu.memory_space<vmem>>
      %dma_wait3A_457 = tpu.memref_squeeze %dma_wait3A_456 : memref<1x128xi32, #tpu.memory_space<vmem>> -> memref<128xi32, #tpu.memory_space<vmem>>
      %dma_wait3A_458 = arith.constant 0 : i32
      %dma_wait3A_459 = arith.constant 0 : i32
      %dma_wait3A_460 = tpu.memref_slice %arg18[%dma_wait3A_458, %dma_wait3A_459] : memref<1008x8xf32, #tpu.memory_space<vmem_shared>> -> memref<1008x8xf32, #tpu.memory_space<vmem_shared>>
      tpu.wait_indirect_dma semaphore(%arg24 : memref<!tpu.dma_semaphore, #tpu.memory_space<semaphore_mem>>) src(%arg14 : memref<128x8xf32, #tpu.memory_space<vmem>>) dst(%dma_wait3A_460 : memref<1008x8xf32, #tpu.memory_space<vmem_shared>>)
      %dma_wait3A_461 = arith.constant 2 : i32
      %dma_wait3A_462 = arith.constant 6 : i32
      %dma_wait3A_463 = arith.constant 0 : i32
      %dma_wait3A_464 = arith.constant 0 : i32
      %dma_wait3A_465 = tpu.memref_slice %arg12[%dma_wait3A_461, %dma_wait3A_463, %dma_wait3A_464] : memref<4x128x64xf32, #tpu.memory_space<vmem>> -> memref<1x128x64xf32, #tpu.memory_space<vmem>>
      %dma_wait3A_466 = tpu.memref_squeeze %dma_wait3A_465 : memref<1x128x64xf32, #tpu.memory_space<vmem>> -> memref<128x64xf32, #tpu.memory_space<vmem>>
      %dma_wait3A_467 = arith.constant 0 : i32
      %dma_wait3A_468 = tpu.memref_slice %arg13[%dma_wait3A_462, %dma_wait3A_467] : memref<25x128xi32, #tpu.memory_space<vmem>> -> memref<1x128xi32, #tpu.memory_space<vmem>>
      %dma_wait3A_469 = tpu.memref_squeeze %dma_wait3A_468 : memref<1x128xi32, #tpu.memory_space<vmem>> -> memref<128xi32, #tpu.memory_space<vmem>>
      %dma_wait3A_470 = arith.constant 0 : i32
      %dma_wait3A_471 = arith.constant 0 : i32
      %dma_wait3A_472 = tpu.memref_slice %arg17[%dma_wait3A_470, %dma_wait3A_471] : memref<1008x64xf32, #tpu.memory_space<vmem_shared>> -> memref<1008x64xf32, #tpu.memory_space<vmem_shared>>
      tpu.wait_indirect_dma semaphore(%arg25 : memref<!tpu.dma_semaphore, #tpu.memory_space<semaphore_mem>>) src(%dma_wait3A_466 : memref<128x64xf32, #tpu.memory_space<vmem>>) dst(%dma_wait3A_472 : memref<1008x64xf32, #tpu.memory_space<vmem_shared>>)
      %dma_wait3A_473 = arith.constant 6 : i32
      %dma_wait3A_474 = arith.constant 0 : i32
      %dma_wait3A_475 = tpu.memref_slice %arg13[%dma_wait3A_473, %dma_wait3A_474] : memref<25x128xi32, #tpu.memory_space<vmem>> -> memref<1x128xi32, #tpu.memory_space<vmem>>
      %dma_wait3A_476 = tpu.memref_squeeze %dma_wait3A_475 : memref<1x128xi32, #tpu.memory_space<vmem>> -> memref<128xi32, #tpu.memory_space<vmem>>
      %dma_wait3A_477 = arith.constant 0 : i32
      %dma_wait3A_478 = arith.constant 0 : i32
      %dma_wait3A_479 = tpu.memref_slice %arg18[%dma_wait3A_477, %dma_wait3A_478] : memref<1008x8xf32, #tpu.memory_space<vmem_shared>> -> memref<1008x8xf32, #tpu.memory_space<vmem_shared>>
      tpu.wait_indirect_dma semaphore(%arg25 : memref<!tpu.dma_semaphore, #tpu.memory_space<semaphore_mem>>) src(%arg14 : memref<128x8xf32, #tpu.memory_space<vmem>>) dst(%dma_wait3A_479 : memref<1008x8xf32, #tpu.memory_space<vmem_shared>>)
      "tpu.region"() ({
        %run_scoped3A = tpu.sem_alloc : memref<!tpu.dma_semaphore, #tpu.memory_space<semaphore_mem>>
        tpu.enqueue_dma source(%arg5 : memref<1024xi32, #tpu.memory_space<hbm>>) target(%arg15 : memref<1024xi32, #tpu.memory_space<vmem>>) target_semaphore(%run_scoped3A : memref<!tpu.dma_semaphore, #tpu.memory_space<semaphore_mem>>)
        tpu.wait_dma2 semaphore(%run_scoped3A : memref<!tpu.dma_semaphore, #tpu.memory_space<semaphore_mem>>) src(%arg5 : memref<1024xi32, #tpu.memory_space<hbm>>) dst(%arg15 : memref<1024xi32, #tpu.memory_space<vmem>>)
        tpu.yield
      }) : () -> ()
      "tpu.region"() ({
        %run_scoped3A = tpu.sem_alloc : memref<!tpu.dma_semaphore, #tpu.memory_space<semaphore_mem>>
        %dma_start3A_480 = arith.constant 0 : i32
        %dma_start3A_481 = tpu.memref_slice %arg16[%dma_start3A_480] : memref<1024xi32, #tpu.memory_space<vmem>> -> memref<128xi32, #tpu.memory_space<vmem>>
        %dma_start3A_482 = arith.constant 0 : i32
        %dma_start3A_483 = tpu.memref_slice %arg15[%dma_start3A_482] : memref<1024xi32, #tpu.memory_space<vmem>> -> memref<128xi32, #tpu.memory_space<vmem>>
        %dma_start3A_484 = arith.constant 0 : i32
        %dma_start3A_485 = tpu.memref_slice %arg3[%dma_start3A_484] : memref<100000xi32, #tpu.memory_space<hbm>> -> memref<100000xi32, #tpu.memory_space<hbm>>
        tpu.enqueue_indirect_dma source(%dma_start3A_485 : memref<100000xi32, #tpu.memory_space<hbm>>) target(%dma_start3A_481 : memref<128xi32, #tpu.memory_space<vmem>>) offsets(%dma_start3A_483 : memref<128xi32, #tpu.memory_space<vmem>>) semaphore(%run_scoped3A : memref<!tpu.dma_semaphore, #tpu.memory_space<semaphore_mem>>)
        %dma_wait3A_486 = arith.constant 0 : i32
        %dma_wait3A_487 = tpu.memref_slice %arg16[%dma_wait3A_486] : memref<1024xi32, #tpu.memory_space<vmem>> -> memref<128xi32, #tpu.memory_space<vmem>>
        %dma_wait3A_488 = arith.constant 0 : i32
        %dma_wait3A_489 = tpu.memref_slice %arg15[%dma_wait3A_488] : memref<1024xi32, #tpu.memory_space<vmem>> -> memref<128xi32, #tpu.memory_space<vmem>>
        %dma_wait3A_490 = arith.constant 0 : i32
        %dma_wait3A_491 = tpu.memref_slice %arg3[%dma_wait3A_490] : memref<100000xi32, #tpu.memory_space<hbm>> -> memref<100000xi32, #tpu.memory_space<hbm>>
        tpu.wait_indirect_dma semaphore(%run_scoped3A : memref<!tpu.dma_semaphore, #tpu.memory_space<semaphore_mem>>) src(%dma_wait3A_491 : memref<100000xi32, #tpu.memory_space<hbm>>) dst(%dma_wait3A_487 : memref<128xi32, #tpu.memory_space<vmem>>)
        tpu.yield
      }) : () -> ()
      "tpu.region"() ({
        %run_scoped3A = tpu.sem_alloc : memref<!tpu.dma_semaphore, #tpu.memory_space<semaphore_mem>>
        %dma_start3A_480 = arith.constant 128 : i32
        %dma_start3A_481 = tpu.memref_slice %arg16[%dma_start3A_480] : memref<1024xi32, #tpu.memory_space<vmem>> -> memref<128xi32, #tpu.memory_space<vmem>>
        %dma_start3A_482 = arith.constant 128 : i32
        %dma_start3A_483 = tpu.memref_slice %arg15[%dma_start3A_482] : memref<1024xi32, #tpu.memory_space<vmem>> -> memref<128xi32, #tpu.memory_space<vmem>>
        %dma_start3A_484 = arith.constant 0 : i32
        %dma_start3A_485 = tpu.memref_slice %arg3[%dma_start3A_484] : memref<100000xi32, #tpu.memory_space<hbm>> -> memref<100000xi32, #tpu.memory_space<hbm>>
        tpu.enqueue_indirect_dma source(%dma_start3A_485 : memref<100000xi32, #tpu.memory_space<hbm>>) target(%dma_start3A_481 : memref<128xi32, #tpu.memory_space<vmem>>) offsets(%dma_start3A_483 : memref<128xi32, #tpu.memory_space<vmem>>) semaphore(%run_scoped3A : memref<!tpu.dma_semaphore, #tpu.memory_space<semaphore_mem>>)
        %dma_wait3A_486 = arith.constant 128 : i32
        %dma_wait3A_487 = tpu.memref_slice %arg16[%dma_wait3A_486] : memref<1024xi32, #tpu.memory_space<vmem>> -> memref<128xi32, #tpu.memory_space<vmem>>
        %dma_wait3A_488 = arith.constant 128 : i32
        %dma_wait3A_489 = tpu.memref_slice %arg15[%dma_wait3A_488] : memref<1024xi32, #tpu.memory_space<vmem>> -> memref<128xi32, #tpu.memory_space<vmem>>
        %dma_wait3A_490 = arith.constant 0 : i32
        %dma_wait3A_491 = tpu.memref_slice %arg3[%dma_wait3A_490] : memref<100000xi32, #tpu.memory_space<hbm>> -> memref<100000xi32, #tpu.memory_space<hbm>>
        tpu.wait_indirect_dma semaphore(%run_scoped3A : memref<!tpu.dma_semaphore, #tpu.memory_space<semaphore_mem>>) src(%dma_wait3A_491 : memref<100000xi32, #tpu.memory_space<hbm>>) dst(%dma_wait3A_487 : memref<128xi32, #tpu.memory_space<vmem>>)
        tpu.yield
      }) : () -> ()
      "tpu.region"() ({
        %run_scoped3A = tpu.sem_alloc : memref<!tpu.dma_semaphore, #tpu.memory_space<semaphore_mem>>
        %dma_start3A_480 = arith.constant 256 : i32
        %dma_start3A_481 = tpu.memref_slice %arg16[%dma_start3A_480] : memref<1024xi32, #tpu.memory_space<vmem>> -> memref<128xi32, #tpu.memory_space<vmem>>
        %dma_start3A_482 = arith.constant 256 : i32
        %dma_start3A_483 = tpu.memref_slice %arg15[%dma_start3A_482] : memref<1024xi32, #tpu.memory_space<vmem>> -> memref<128xi32, #tpu.memory_space<vmem>>
        %dma_start3A_484 = arith.constant 0 : i32
        %dma_start3A_485 = tpu.memref_slice %arg3[%dma_start3A_484] : memref<100000xi32, #tpu.memory_space<hbm>> -> memref<100000xi32, #tpu.memory_space<hbm>>
        tpu.enqueue_indirect_dma source(%dma_start3A_485 : memref<100000xi32, #tpu.memory_space<hbm>>) target(%dma_start3A_481 : memref<128xi32, #tpu.memory_space<vmem>>) offsets(%dma_start3A_483 : memref<128xi32, #tpu.memory_space<vmem>>) semaphore(%run_scoped3A : memref<!tpu.dma_semaphore, #tpu.memory_space<semaphore_mem>>)
        %dma_wait3A_486 = arith.constant 256 : i32
        %dma_wait3A_487 = tpu.memref_slice %arg16[%dma_wait3A_486] : memref<1024xi32, #tpu.memory_space<vmem>> -> memref<128xi32, #tpu.memory_space<vmem>>
        %dma_wait3A_488 = arith.constant 256 : i32
        %dma_wait3A_489 = tpu.memref_slice %arg15[%dma_wait3A_488] : memref<1024xi32, #tpu.memory_space<vmem>> -> memref<128xi32, #tpu.memory_space<vmem>>
        %dma_wait3A_490 = arith.constant 0 : i32
        %dma_wait3A_491 = tpu.memref_slice %arg3[%dma_wait3A_490] : memref<100000xi32, #tpu.memory_space<hbm>> -> memref<100000xi32, #tpu.memory_space<hbm>>
        tpu.wait_indirect_dma semaphore(%run_scoped3A : memref<!tpu.dma_semaphore, #tpu.memory_space<semaphore_mem>>) src(%dma_wait3A_491 : memref<100000xi32, #tpu.memory_space<hbm>>) dst(%dma_wait3A_487 : memref<128xi32, #tpu.memory_space<vmem>>)
        tpu.yield
      }) : () -> ()
      "tpu.region"() ({
        %run_scoped3A = tpu.sem_alloc : memref<!tpu.dma_semaphore, #tpu.memory_space<semaphore_mem>>
        %dma_start3A_480 = arith.constant 384 : i32
        %dma_start3A_481 = tpu.memref_slice %arg16[%dma_start3A_480] : memref<1024xi32, #tpu.memory_space<vmem>> -> memref<128xi32, #tpu.memory_space<vmem>>
        %dma_start3A_482 = arith.constant 384 : i32
        %dma_start3A_483 = tpu.memref_slice %arg15[%dma_start3A_482] : memref<1024xi32, #tpu.memory_space<vmem>> -> memref<128xi32, #tpu.memory_space<vmem>>
        %dma_start3A_484 = arith.constant 0 : i32
        %dma_start3A_485 = tpu.memref_slice %arg3[%dma_start3A_484] : memref<100000xi32, #tpu.memory_space<hbm>> -> memref<100000xi32, #tpu.memory_space<hbm>>
        tpu.enqueue_indirect_dma source(%dma_start3A_485 : memref<100000xi32, #tpu.memory_space<hbm>>) target(%dma_start3A_481 : memref<128xi32, #tpu.memory_space<vmem>>) offsets(%dma_start3A_483 : memref<128xi32, #tpu.memory_space<vmem>>) semaphore(%run_scoped3A : memref<!tpu.dma_semaphore, #tpu.memory_space<semaphore_mem>>)
        %dma_wait3A_486 = arith.constant 384 : i32
        %dma_wait3A_487 = tpu.memref_slice %arg16[%dma_wait3A_486] : memref<1024xi32, #tpu.memory_space<vmem>> -> memref<128xi32, #tpu.memory_space<vmem>>
        %dma_wait3A_488 = arith.constant 384 : i32
        %dma_wait3A_489 = tpu.memref_slice %arg15[%dma_wait3A_488] : memref<1024xi32, #tpu.memory_space<vmem>> -> memref<128xi32, #tpu.memory_space<vmem>>
        %dma_wait3A_490 = arith.constant 0 : i32
        %dma_wait3A_491 = tpu.memref_slice %arg3[%dma_wait3A_490] : memref<100000xi32, #tpu.memory_space<hbm>> -> memref<100000xi32, #tpu.memory_space<hbm>>
        tpu.wait_indirect_dma semaphore(%run_scoped3A : memref<!tpu.dma_semaphore, #tpu.memory_space<semaphore_mem>>) src(%dma_wait3A_491 : memref<100000xi32, #tpu.memory_space<hbm>>) dst(%dma_wait3A_487 : memref<128xi32, #tpu.memory_space<vmem>>)
        tpu.yield
      }) : () -> ()
      "tpu.region"() ({
        %run_scoped3A = tpu.sem_alloc : memref<!tpu.dma_semaphore, #tpu.memory_space<semaphore_mem>>
        %dma_start3A_480 = arith.constant 512 : i32
        %dma_start3A_481 = tpu.memref_slice %arg16[%dma_start3A_480] : memref<1024xi32, #tpu.memory_space<vmem>> -> memref<128xi32, #tpu.memory_space<vmem>>
        %dma_start3A_482 = arith.constant 512 : i32
        %dma_start3A_483 = tpu.memref_slice %arg15[%dma_start3A_482] : memref<1024xi32, #tpu.memory_space<vmem>> -> memref<128xi32, #tpu.memory_space<vmem>>
        %dma_start3A_484 = arith.constant 0 : i32
        %dma_start3A_485 = tpu.memref_slice %arg3[%dma_start3A_484] : memref<100000xi32, #tpu.memory_space<hbm>> -> memref<100000xi32, #tpu.memory_space<hbm>>
        tpu.enqueue_indirect_dma source(%dma_start3A_485 : memref<100000xi32, #tpu.memory_space<hbm>>) target(%dma_start3A_481 : memref<128xi32, #tpu.memory_space<vmem>>) offsets(%dma_start3A_483 : memref<128xi32, #tpu.memory_space<vmem>>) semaphore(%run_scoped3A : memref<!tpu.dma_semaphore, #tpu.memory_space<semaphore_mem>>)
        %dma_wait3A_486 = arith.constant 512 : i32
        %dma_wait3A_487 = tpu.memref_slice %arg16[%dma_wait3A_486] : memref<1024xi32, #tpu.memory_space<vmem>> -> memref<128xi32, #tpu.memory_space<vmem>>
        %dma_wait3A_488 = arith.constant 512 : i32
        %dma_wait3A_489 = tpu.memref_slice %arg15[%dma_wait3A_488] : memref<1024xi32, #tpu.memory_space<vmem>> -> memref<128xi32, #tpu.memory_space<vmem>>
        %dma_wait3A_490 = arith.constant 0 : i32
        %dma_wait3A_491 = tpu.memref_slice %arg3[%dma_wait3A_490] : memref<100000xi32, #tpu.memory_space<hbm>> -> memref<100000xi32, #tpu.memory_space<hbm>>
        tpu.wait_indirect_dma semaphore(%run_scoped3A : memref<!tpu.dma_semaphore, #tpu.memory_space<semaphore_mem>>) src(%dma_wait3A_491 : memref<100000xi32, #tpu.memory_space<hbm>>) dst(%dma_wait3A_487 : memref<128xi32, #tpu.memory_space<vmem>>)
        tpu.yield
      }) : () -> ()
      "tpu.region"() ({
        %run_scoped3A = tpu.sem_alloc : memref<!tpu.dma_semaphore, #tpu.memory_space<semaphore_mem>>
        %dma_start3A_480 = arith.constant 640 : i32
        %dma_start3A_481 = tpu.memref_slice %arg16[%dma_start3A_480] : memref<1024xi32, #tpu.memory_space<vmem>> -> memref<128xi32, #tpu.memory_space<vmem>>
        %dma_start3A_482 = arith.constant 640 : i32
        %dma_start3A_483 = tpu.memref_slice %arg15[%dma_start3A_482] : memref<1024xi32, #tpu.memory_space<vmem>> -> memref<128xi32, #tpu.memory_space<vmem>>
        %dma_start3A_484 = arith.constant 0 : i32
        %dma_start3A_485 = tpu.memref_slice %arg3[%dma_start3A_484] : memref<100000xi32, #tpu.memory_space<hbm>> -> memref<100000xi32, #tpu.memory_space<hbm>>
        tpu.enqueue_indirect_dma source(%dma_start3A_485 : memref<100000xi32, #tpu.memory_space<hbm>>) target(%dma_start3A_481 : memref<128xi32, #tpu.memory_space<vmem>>) offsets(%dma_start3A_483 : memref<128xi32, #tpu.memory_space<vmem>>) semaphore(%run_scoped3A : memref<!tpu.dma_semaphore, #tpu.memory_space<semaphore_mem>>)
        %dma_wait3A_486 = arith.constant 640 : i32
        %dma_wait3A_487 = tpu.memref_slice %arg16[%dma_wait3A_486] : memref<1024xi32, #tpu.memory_space<vmem>> -> memref<128xi32, #tpu.memory_space<vmem>>
        %dma_wait3A_488 = arith.constant 640 : i32
        %dma_wait3A_489 = tpu.memref_slice %arg15[%dma_wait3A_488] : memref<1024xi32, #tpu.memory_space<vmem>> -> memref<128xi32, #tpu.memory_space<vmem>>
        %dma_wait3A_490 = arith.constant 0 : i32
        %dma_wait3A_491 = tpu.memref_slice %arg3[%dma_wait3A_490] : memref<100000xi32, #tpu.memory_space<hbm>> -> memref<100000xi32, #tpu.memory_space<hbm>>
        tpu.wait_indirect_dma semaphore(%run_scoped3A : memref<!tpu.dma_semaphore, #tpu.memory_space<semaphore_mem>>) src(%dma_wait3A_491 : memref<100000xi32, #tpu.memory_space<hbm>>) dst(%dma_wait3A_487 : memref<128xi32, #tpu.memory_space<vmem>>)
        tpu.yield
      }) : () -> ()
      "tpu.region"() ({
        %run_scoped3A = tpu.sem_alloc : memref<!tpu.dma_semaphore, #tpu.memory_space<semaphore_mem>>
        %dma_start3A_480 = arith.constant 768 : i32
        %dma_start3A_481 = tpu.memref_slice %arg16[%dma_start3A_480] : memref<1024xi32, #tpu.memory_space<vmem>> -> memref<128xi32, #tpu.memory_space<vmem>>
        %dma_start3A_482 = arith.constant 768 : i32
        %dma_start3A_483 = tpu.memref_slice %arg15[%dma_start3A_482] : memref<1024xi32, #tpu.memory_space<vmem>> -> memref<128xi32, #tpu.memory_space<vmem>>
        %dma_start3A_484 = arith.constant 0 : i32
        %dma_start3A_485 = tpu.memref_slice %arg3[%dma_start3A_484] : memref<100000xi32, #tpu.memory_space<hbm>> -> memref<100000xi32, #tpu.memory_space<hbm>>
        tpu.enqueue_indirect_dma source(%dma_start3A_485 : memref<100000xi32, #tpu.memory_space<hbm>>) target(%dma_start3A_481 : memref<128xi32, #tpu.memory_space<vmem>>) offsets(%dma_start3A_483 : memref<128xi32, #tpu.memory_space<vmem>>) semaphore(%run_scoped3A : memref<!tpu.dma_semaphore, #tpu.memory_space<semaphore_mem>>)
        %dma_wait3A_486 = arith.constant 768 : i32
        %dma_wait3A_487 = tpu.memref_slice %arg16[%dma_wait3A_486] : memref<1024xi32, #tpu.memory_space<vmem>> -> memref<128xi32, #tpu.memory_space<vmem>>
        %dma_wait3A_488 = arith.constant 768 : i32
        %dma_wait3A_489 = tpu.memref_slice %arg15[%dma_wait3A_488] : memref<1024xi32, #tpu.memory_space<vmem>> -> memref<128xi32, #tpu.memory_space<vmem>>
        %dma_wait3A_490 = arith.constant 0 : i32
        %dma_wait3A_491 = tpu.memref_slice %arg3[%dma_wait3A_490] : memref<100000xi32, #tpu.memory_space<hbm>> -> memref<100000xi32, #tpu.memory_space<hbm>>
        tpu.wait_indirect_dma semaphore(%run_scoped3A : memref<!tpu.dma_semaphore, #tpu.memory_space<semaphore_mem>>) src(%dma_wait3A_491 : memref<100000xi32, #tpu.memory_space<hbm>>) dst(%dma_wait3A_487 : memref<128xi32, #tpu.memory_space<vmem>>)
        tpu.yield
      }) : () -> ()
      "tpu.region"() ({
        %run_scoped3A = tpu.sem_alloc : memref<!tpu.dma_semaphore, #tpu.memory_space<semaphore_mem>>
        %dma_start3A_480 = arith.constant 896 : i32
        %dma_start3A_481 = tpu.memref_slice %arg16[%dma_start3A_480] : memref<1024xi32, #tpu.memory_space<vmem>> -> memref<128xi32, #tpu.memory_space<vmem>>
        %dma_start3A_482 = arith.constant 896 : i32
        %dma_start3A_483 = tpu.memref_slice %arg15[%dma_start3A_482] : memref<1024xi32, #tpu.memory_space<vmem>> -> memref<128xi32, #tpu.memory_space<vmem>>
        %dma_start3A_484 = arith.constant 0 : i32
        %dma_start3A_485 = tpu.memref_slice %arg3[%dma_start3A_484] : memref<100000xi32, #tpu.memory_space<hbm>> -> memref<100000xi32, #tpu.memory_space<hbm>>
        tpu.enqueue_indirect_dma source(%dma_start3A_485 : memref<100000xi32, #tpu.memory_space<hbm>>) target(%dma_start3A_481 : memref<128xi32, #tpu.memory_space<vmem>>) offsets(%dma_start3A_483 : memref<128xi32, #tpu.memory_space<vmem>>) semaphore(%run_scoped3A : memref<!tpu.dma_semaphore, #tpu.memory_space<semaphore_mem>>)
        %dma_wait3A_486 = arith.constant 896 : i32
        %dma_wait3A_487 = tpu.memref_slice %arg16[%dma_wait3A_486] : memref<1024xi32, #tpu.memory_space<vmem>> -> memref<128xi32, #tpu.memory_space<vmem>>
        %dma_wait3A_488 = arith.constant 896 : i32
        %dma_wait3A_489 = tpu.memref_slice %arg15[%dma_wait3A_488] : memref<1024xi32, #tpu.memory_space<vmem>> -> memref<128xi32, #tpu.memory_space<vmem>>
        %dma_wait3A_490 = arith.constant 0 : i32
        %dma_wait3A_491 = tpu.memref_slice %arg3[%dma_wait3A_490] : memref<100000xi32, #tpu.memory_space<hbm>> -> memref<100000xi32, #tpu.memory_space<hbm>>
        tpu.wait_indirect_dma semaphore(%run_scoped3A : memref<!tpu.dma_semaphore, #tpu.memory_space<semaphore_mem>>) src(%dma_wait3A_491 : memref<100000xi32, #tpu.memory_space<hbm>>) dst(%dma_wait3A_487 : memref<128xi32, #tpu.memory_space<vmem>>)
        tpu.yield
      }) : () -> ()
      "tpu.region"() ({
        %run_scoped3A = tpu.sem_alloc : memref<!tpu.dma_semaphore, #tpu.memory_space<semaphore_mem>>
        tpu.enqueue_dma source(%arg16 : memref<1024xi32, #tpu.memory_space<vmem>>) target(%arg11 : memref<1024xi32, #tpu.memory_space<hbm>>) target_semaphore(%run_scoped3A : memref<!tpu.dma_semaphore, #tpu.memory_space<semaphore_mem>>)
        tpu.wait_dma2 semaphore(%run_scoped3A : memref<!tpu.dma_semaphore, #tpu.memory_space<semaphore_mem>>) src(%arg16 : memref<1024xi32, #tpu.memory_space<vmem>>) dst(%arg11 : memref<1024xi32, #tpu.memory_space<hbm>>)
        tpu.yield
      }) : () -> ()
    } else {
    }
    %barrier3A_14 = arith.constant 0 : index
    tpu.barrier barrier_id(%barrier3A_14)
    %eq3A_15 = arith.constant 0 : i32
    %eq3A_16 = arith.cmpi eq, %arg1, %eq3A_15 : i32
    %convert_element_type3A_17 = arith.extui %eq3A_16 : i1 to i32
    %cond3A_18 = arith.constant 0 : i32
    %cond3A_19 = arith.cmpi ne, %convert_element_type3A_17, %cond3A_18 : i32
    scf.if %cond3A_19 {
      "tpu.region"() ({
        %run_scoped3A = tpu.sem_alloc : memref<!tpu.dma_semaphore, #tpu.memory_space<semaphore_mem>>
        %dma_start3A = arith.constant 0 : i32
        %dma_start3A_20 = arith.constant 0 : i32
        %dma_start3A_21 = tpu.memref_slice %arg9[%arg0, %dma_start3A, %dma_start3A_20] : memref<2x1008x64xf32, #tpu.memory_space<hbm>> -> memref<1x1008x64xf32, #tpu.memory_space<hbm>>
        %dma_start3A_22 = tpu.memref_squeeze %dma_start3A_21 : memref<1x1008x64xf32, #tpu.memory_space<hbm>> -> memref<1008x64xf32, #tpu.memory_space<hbm>>
        tpu.enqueue_dma source(%arg17 : memref<1008x64xf32, #tpu.memory_space<vmem_shared>>) target(%dma_start3A_22 : memref<1008x64xf32, #tpu.memory_space<hbm>>) target_semaphore(%run_scoped3A : memref<!tpu.dma_semaphore, #tpu.memory_space<semaphore_mem>>)
        %dma_wait3A = arith.constant 0 : i32
        %dma_wait3A_23 = arith.constant 0 : i32
        %dma_wait3A_24 = tpu.memref_slice %arg9[%arg0, %dma_wait3A, %dma_wait3A_23] : memref<2x1008x64xf32, #tpu.memory_space<hbm>> -> memref<1x1008x64xf32, #tpu.memory_space<hbm>>
        %dma_wait3A_25 = tpu.memref_squeeze %dma_wait3A_24 : memref<1x1008x64xf32, #tpu.memory_space<hbm>> -> memref<1008x64xf32, #tpu.memory_space<hbm>>
        tpu.wait_dma2 semaphore(%run_scoped3A : memref<!tpu.dma_semaphore, #tpu.memory_space<semaphore_mem>>) src(%arg17 : memref<1008x64xf32, #tpu.memory_space<vmem_shared>>) dst(%dma_wait3A_25 : memref<1008x64xf32, #tpu.memory_space<hbm>>)
        tpu.yield
      }) : () -> ()
      "tpu.region"() ({
        %run_scoped3A = tpu.sem_alloc : memref<!tpu.dma_semaphore, #tpu.memory_space<semaphore_mem>>
        %dma_start3A = arith.constant 0 : i32
        %dma_start3A_20 = arith.constant 0 : i32
        %dma_start3A_21 = tpu.memref_slice %arg10[%arg0, %dma_start3A, %dma_start3A_20] : memref<2x1008x8xf32, #tpu.memory_space<hbm>> -> memref<1x1008x8xf32, #tpu.memory_space<hbm>>
        %dma_start3A_22 = tpu.memref_squeeze %dma_start3A_21 : memref<1x1008x8xf32, #tpu.memory_space<hbm>> -> memref<1008x8xf32, #tpu.memory_space<hbm>>
        tpu.enqueue_dma source(%arg18 : memref<1008x8xf32, #tpu.memory_space<vmem_shared>>) target(%dma_start3A_22 : memref<1008x8xf32, #tpu.memory_space<hbm>>) target_semaphore(%run_scoped3A : memref<!tpu.dma_semaphore, #tpu.memory_space<semaphore_mem>>)
        %dma_wait3A = arith.constant 0 : i32
        %dma_wait3A_23 = arith.constant 0 : i32
        %dma_wait3A_24 = tpu.memref_slice %arg10[%arg0, %dma_wait3A, %dma_wait3A_23] : memref<2x1008x8xf32, #tpu.memory_space<hbm>> -> memref<1x1008x8xf32, #tpu.memory_space<hbm>>
        %dma_wait3A_25 = tpu.memref_squeeze %dma_wait3A_24 : memref<1x1008x8xf32, #tpu.memory_space<hbm>> -> memref<1008x8xf32, #tpu.memory_space<hbm>>
        tpu.wait_dma2 semaphore(%run_scoped3A : memref<!tpu.dma_semaphore, #tpu.memory_space<semaphore_mem>>) src(%arg18 : memref<1008x8xf32, #tpu.memory_space<vmem_shared>>) dst(%dma_wait3A_25 : memref<1008x8xf32, #tpu.memory_space<hbm>>)
        tpu.yield
      }) : () -> ()
    } else {
    }
    return
  }
}

module attributes {stable_mosaic.version = 14 : i64} {
  func.func @_tc_loss_body(%arg0: memref<1024x64xf32, #tpu.memory_space<vmem>>, %arg1: memref<2x1008x64xf32, #tpu.memory_space<vmem>>, %arg2: memref<2x1008x8xf32, #tpu.memory_space<vmem>>, %arg3: memref<1x1024xi32, #tpu.memory_space<vmem>>, %arg4: memref<1x1xf32, #tpu.memory_space<smem>>) attributes {dimension_semantics = [], scalar_prefetch = 0 : i64, scratch_operands = 0 : i64, tpu.core_type = #tpu.core_type<tc>} {
    %get3A = arith.constant 0 : index
    %get3A_0 = arith.constant 0 : index
    %get3A_1 = vector.load %arg0[%get3A, %get3A_0] : memref<1024x64xf32, #tpu.memory_space<vmem>>, vector<1024x64xf32>
    %mul3A = arith.mulf %get3A_1, %get3A_1 : vector<1024x64xf32>
    %reduce_sum3A = arith.constant dense<0.000000e+00> : vector<1024xf32>
    %reduce_sum3A_2 = vector.multi_reduction <add>, %mul3A, %reduce_sum3A [1] : vector<1024x64xf32> to vector<1024xf32>
    %broadcast_in_dim3A = vector.shape_cast %reduce_sum3A_2 : vector<1024xf32> to vector<1024x1xf32>
    %sqrt3A = math.sqrt %broadcast_in_dim3A : vector<1024x1xf32>
    %max3A = arith.constant 9.99999996E-13 : f32
    %max3A_3 = vector.broadcast %max3A : f32 to vector<1024x1xf32>
    %max3A_4 = arith.maximumf %sqrt3A, %max3A_3 : vector<1024x1xf32>
    %div3A = vector.broadcast %max3A_4 : vector<1024x1xf32> to vector<1024x64xf32>
    %div3A_5 = arith.divf %get3A_1, %div3A : vector<1024x64xf32>
    %get3A_6 = arith.constant 0 : index
    %get3A_7 = arith.constant 0 : index
    %get3A_8 = arith.constant 0 : index
    %get3A_9 = vector.load %arg1[%get3A_6, %get3A_7, %get3A_8] : memref<2x1008x64xf32, #tpu.memory_space<vmem>>, vector<1x1000x64xf32>
    %get3A_10 = vector.shape_cast %get3A_9 : vector<1x1000x64xf32> to vector<1000x64xf32>
    %get3A_11 = arith.constant 1 : index
    %get3A_12 = arith.constant 0 : index
    %get3A_13 = arith.constant 0 : index
    %get3A_14 = vector.load %arg1[%get3A_11, %get3A_12, %get3A_13] : memref<2x1008x64xf32, #tpu.memory_space<vmem>>, vector<1x1000x64xf32>
    %get3A_15 = vector.shape_cast %get3A_14 : vector<1x1000x64xf32> to vector<1000x64xf32>
    %add3A = arith.addf %get3A_10, %get3A_15 : vector<1000x64xf32>
    %get3A_16 = arith.constant 0 : index
    %get3A_17 = arith.constant 0 : index
    %get3A_18 = arith.constant 0 : index
    %get3A_19 = vector.load %arg2[%get3A_16, %get3A_17, %get3A_18] : memref<2x1008x8xf32, #tpu.memory_space<vmem>>, vector<1x1000x1xf32>
    %get3A_20 = vector.shape_cast %get3A_19 : vector<1x1000x1xf32> to vector<1000x1xf32>
    %get3A_21 = arith.constant 1 : index
    %get3A_22 = arith.constant 0 : index
    %get3A_23 = arith.constant 0 : index
    %get3A_24 = vector.load %arg2[%get3A_21, %get3A_22, %get3A_23] : memref<2x1008x8xf32, #tpu.memory_space<vmem>>, vector<1x1000x1xf32>
    %get3A_25 = vector.shape_cast %get3A_24 : vector<1x1000x1xf32> to vector<1000x1xf32>
    %add3A_26 = arith.addf %get3A_20, %get3A_25 : vector<1000x1xf32>
    %dot_general3A = arith.constant dense<0.000000e+00> : vector<1000x1024xf32>
    %dot_general3A_27 = tpu.matmul %add3A, %div3A_5, %dot_general3A {dimension_numbers = #tpu.dot_dimension_numbers<[1], [1], [0], [0], [0, 0, 1, 0], [], []>, transpose_lhs_hint = false} : vector<1000x64xf32>, vector<1024x64xf32>, vector<1000x1024xf32> -> vector<1000x1024xf32>
    %gt3A = arith.constant 0.000000e+00 : f32
    %gt3A_28 = vector.broadcast %gt3A : f32 to vector<1000x1xf32>
    %gt3A_29 = arith.cmpf ogt, %add3A_26, %gt3A_28 : vector<1000x1xf32>
    %jit3A = arith.constant 1.000000e+00 : f32
    %broadcast_in_dim3A_30 = vector.broadcast %jit3A : f32 to vector<1000x1xf32>
    %select_n3A = arith.select %gt3A_29, %add3A_26, %broadcast_in_dim3A_30 : vector<1000x1xi1>, vector<1000x1xf32>
    %mul3A_31 = arith.constant 5.000000e-02 : f32
    %mul3A_32 = vector.broadcast %mul3A_31 : f32 to vector<1000x1xf32>
    %mul3A_33 = arith.mulf %mul3A_32, %select_n3A : vector<1000x1xf32>
    %div3A_34 = vector.broadcast %mul3A_33 : vector<1000x1xf32> to vector<1000x1024xf32>
    %div3A_35 = arith.divf %dot_general3A_27, %div3A_34 : vector<1000x1024xf32>
    %gt3A_36 = arith.constant 0.000000e+00 : f32
    %gt3A_37 = vector.broadcast %gt3A_36 : f32 to vector<1000x1xf32>
    %gt3A_38 = arith.cmpf ogt, %add3A_26, %gt3A_37 : vector<1000x1xf32>
    %convert_element_type3A = arith.extui %gt3A_38 : vector<1000x1xi1> to vector<1000x1xi32>
    %convert_element_type3A_39 = arith.sitofp %convert_element_type3A : vector<1000x1xi32> to vector<1000x1xf32>
    %exp3A = math.exp %div3A_35 : vector<1000x1024xf32>
    %mul3A_40 = vector.broadcast %convert_element_type3A_39 : vector<1000x1xf32> to vector<1000x1024xf32>
    %mul3A_41 = arith.mulf %exp3A, %mul3A_40 : vector<1000x1024xf32>
    %reduce_sum3A_42 = arith.constant dense<0.000000e+00> : vector<1024xf32>
    %reduce_sum3A_43 = vector.multi_reduction <add>, %mul3A_41, %reduce_sum3A_42 [0] : vector<1000x1024xf32> to vector<1024xf32>
    %broadcast_in_dim3A_44 = vector.shape_cast %reduce_sum3A_43 : vector<1024xf32> to vector<1x1024xf32>
    %add3A_45 = arith.constant 9.99999997E-7 : f32
    %add3A_46 = vector.broadcast %add3A_45 : f32 to vector<1x1024xf32>
    %add3A_47 = arith.addf %broadcast_in_dim3A_44, %add3A_46 : vector<1x1024xf32>
    %iota3A = tpu.iota {dimensions = array<i32: 0>} : vector<1000x1024xi32>
    %get3A_48 = arith.constant 0 : index
    %get3A_49 = arith.constant 0 : index
    %get3A_50 = vector.load %arg3[%get3A_48, %get3A_49] : memref<1x1024xi32, #tpu.memory_space<vmem>>, vector<1x1024xi32>
    %eq3A = vector.broadcast %get3A_50 : vector<1x1024xi32> to vector<1000x1024xi32>
    %eq3A_51 = arith.cmpi eq, %iota3A, %eq3A : vector<1000x1024xi32>
    %jit3A_52 = arith.constant 0.000000e+00 : f32
    %broadcast_in_dim3A_53 = vector.broadcast %jit3A_52 : f32 to vector<1000x1024xf32>
    %select_n3A_54 = arith.select %eq3A_51, %div3A_35, %broadcast_in_dim3A_53 : vector<1000x1024xi1>, vector<1000x1024xf32>
    %reduce_sum3A_55 = arith.constant dense<0.000000e+00> : vector<1024xf32>
    %reduce_sum3A_56 = vector.multi_reduction <add>, %select_n3A_54, %reduce_sum3A_55 [0] : vector<1000x1024xf32> to vector<1024xf32>
    %broadcast_in_dim3A_57 = vector.shape_cast %reduce_sum3A_56 : vector<1024xf32> to vector<1x1024xf32>
    %exp3A_58 = math.exp %broadcast_in_dim3A_57 : vector<1x1024xf32>
    %div3A_59 = arith.divf %exp3A_58, %add3A_47 : vector<1x1024xf32>
    %add3A_60 = arith.constant 9.99999997E-7 : f32
    %add3A_61 = vector.broadcast %add3A_60 : f32 to vector<1x1024xf32>
    %add3A_62 = arith.addf %div3A_59, %add3A_61 : vector<1x1024xf32>
    %log3A = math.log %add3A_62 : vector<1x1024xf32>
    %reduce_sum3A_63 = vector.shape_cast %log3A : vector<1x1024xf32> to vector<1x1x1024xf32>
    %reduce_sum3A_64 = arith.constant dense<0.000000e+00> : vector<1xf32>
    %reduce_sum3A_65 = vector.multi_reduction <add>, %reduce_sum3A_63, %reduce_sum3A_64 [1, 2] : vector<1x1x1024xf32> to vector<1xf32>
    %reduce_sum3A_66 = vector.shape_cast %reduce_sum3A_65 : vector<1xf32> to vector<1x1x1xf32>
    %reduce_sum3A_67 = vector.extract %reduce_sum3A_66[0, 0, 0] : f32 from vector<1x1x1xf32>
    %neg3A = arith.constant 0.000000e+00 : f32
    %neg3A_68 = arith.subf %neg3A, %reduce_sum3A_67 : f32
    %div3A_69 = arith.constant 1.024000e+03 : f32
    %div3A_70 = arith.divf %neg3A_68, %div3A_69 : f32
    %swap3A = arith.constant 0 : index
    %swap3A_71 = arith.constant 0 : index
    %swap3A_72 = memref.load %arg4[%swap3A, %swap3A_71] : memref<1x1xf32, #tpu.memory_space<smem>>
    memref.store %div3A_70, %arg4[%swap3A, %swap3A_71] : memref<1x1xf32, #tpu.memory_space<smem>>
    return
  }
}

</mosaic_0001>

<sc_bundles>
// kernel: kernel.4.cloned.1.call-start
scs
__scs_entry_jumppad:
0x0: {  	(pc) =	sbr.rel $0x88, $3  }
0x1: {  	(tag) =	ssettag $0x0;
	lr =	simm.s32 $0x1  }
0x2: {  	[smem:$0x3F9D] =	sst lr;
	_ =	strace $0xD0000000  }
0x3: {  	_ = 	snop  }
0x4: {  	_ = 	snop  }
0x5: {  	_ = 	snop  }
0x6: {  	_ = 	snop  }
0x7: {  	_ = 	snop  }
__scs_overlays_trampoline_lowered:
0x8: {  	[smem:$0x3FAC] =	sst s0  }
0x9: {  	[smem:$0x3FAD] =	sst s1  }
0xa: {  	[smem:$0x3FAE] =	sst s2  }
0xb: {  	[smem:$0x3FAF] =	sst s3  }
0xc: {  	[smem:$0x3FB0] =	sst s4  }
0xd: {  	[smem:$0x3FB1] =	sst s5  }
0xe: {  	[smem:$0x3FB2] =	sst s6  }
0xf: {  	[smem:$0x3FB3] =	sst s7  }
0x10: {  	[smem:$0x3FB4] =	sst s8  }
0x11: {  	[smem:$0x3FB5] =	sst s9;
	s0 =	simm.s32 @!p0 $0x0  }
0x12: {  	s1 =	sld [smem:$0x3F9B];
	s0 =	simm.s32 @p0 $0x1  }
0x13: {  	[smem:$0x3FB6] =	sst s0;
	s0 =	simm.s32 @!p1 $0x0  }
0x14: {  	s2 =	sld [smem:$0x3F9A];
	s0 =	simm.s32 @p1 $0x1  }
0x15: {  	[smem:$0x3FB7] =	sst s0;
	s0 =	simm.s32 @!p2 $0x0  }
0x16: {  	s3 =	sld [smem:$0x3FDB];
	s0 =	simm.s32 @p2 $0x1  }
0x17: {  	s4 =	simm.s32 $0x1BF5;
	[smem:$0x3FB9] =	sst s0  }
0x18: {  	s0 =	sld [smem:$0x3F9C];
	_ =	swait.ge [sflag:s4], $0x0  }
0x19: {  	s7 =	sld [smem:$0x3F9D]  }
0x1a: {  	s8 =	sadd.s32 $0xFFFFE003, lr  }
0x1b: {  	s9 =	sadd.s32 $0xFFFFFEF7, lr;
	s5 =	simm.s32 $0xFFFFFFFF;
	p2 =	slt.u32 s8, $0xFFFFF086  }
0x1c: {  	p1 =	slt.u32 s9, $0xF7A;
	s5 =	simm.s32 @!p2 $0x0  }
0x1d: {  	s5 =	simm.s32 @p1 $0x1;
	p0 =	seq.s32 s7, s2  }
0x1e: {  	s7 =	smul.u32 @!p0 $0xF7A, s2;
	p2 =	seq.s32 @!p0 s5, $0x0  }
0x1f: {  	s9 =	smul.u32 $0xF7A, s1;
	s8 =	simm.s32 @!p0 $0x1BF5;
	p2 =	por !p2, p0  }
0x20: {  	[sflag:s8] =	ssyncset.s32 @!p0 $0xFFFFF086;
	s6 =	sadd.s32 @!p0 s3, s7;
	s7 =	simm.s32 @!p0 $0x108  }
0x21: {  	s3 =	sadd.s32 s3, s9;
	s6 =	sadd.s32 @!p0 $0x88, s6;
	s7 =	simm.s32 @p2 $0x1082  }
0x22: {  	[simem:s7], [sflag:s8] =	dma.local @!p0 [hbm:s6], $0xF7A  }
0x23: {  	s9 =	sor.u32 $0xD0000000, s2;
	s6 =	simm.s32 $0x108;
	_ =	swait.ge @!p0 [sflag:s8], $0x0  }
0x24: {  	s3 =	sadd.s32 $0x88, s3;
	s6 =	simm.s32 @!p1 $0x1082;
	[sflag:s4] =	ssyncset.s32 $0xFFFFF086  }
0x25: {  	[simem:s6], [sflag:s4] =	dma.local [hbm:s3], $0xF7A  }
0x26: {  	[smem:$0x3F9D] =	sst s1;
	(tag) =	ssettag s2;
	_ =	strace s9  }
0x27: {  	s1 =	sld [smem:$0x3FAD]  }
0x28: {  	s2 =	sld [smem:$0x3FAE]  }
0x29: {  	s4 =	sld [smem:$0x3FB0]  }
0x2a: {  	p0 =	seq.s32 s5, $0x0;
	s5 =	sld [smem:$0x3FB1]  }
0x2b: {  	s6 =	sld [smem:$0x3FB2]  }
0x2c: {  	s7 =	sld [smem:$0x3FB3]  }
0x2d: {  	s3 =	simm.s32 $0x108;
	s8 =	sld [smem:$0x3FB4]  }
0x2e: {  	s3 =	simm.s32 @!p0 $0x1082;
	s9 =	sld [smem:$0x3FB5]  }
0x2f: {  	lr =	sadd.s32 s0, s3;
	s0 =	sld [smem:$0x3FAC]  }
0x30: {  	s3 =	sld [smem:$0x3FAF]  }
0x31: {  	[smem:$0x3FB8] =	sst s10  }
0x32: {  	s10 =	sld [smem:$0x3FB6];
	_ =	sdelay $0x3  }
0x33: {  	p0 =	seq.s32 s10, $0x1;
	s10 =	sld [smem:$0x3FB8];
	_ =	sdelay $0x3  }
0x34: {  	[smem:$0x3FB8] =	sst s10  }
0x35: {  	s10 =	sld [smem:$0x3FB7];
	_ =	sdelay $0x3  }
0x36: {  	p1 =	seq.s32 s10, $0x1;
	s10 =	sld [smem:$0x3FB8];
	_ =	sdelay $0x3  }
0x37: {  	[smem:$0x3FB8] =	sst s10  }
0x38: {  	s10 =	sld [smem:$0x3FB9]  }
0x39: {  	_ = 	snop;
	(pc) =	sbr.ind lr, $3  }
0x3a: {  	_ = 	snop  }
0x3b: {  	_ = 	snop  }
0x3c: {  	p2 =	seq.s32 s10, $0x1;
	s10 =	sld [smem:$0x3FB8]  }
0x3d: {  	_ =	shalt  }
0x3e: {  	_ =	shalt  }
0x3f: {  	_ =	shalt  }
0x40: {  	_ =	shalt  }
0x41: {  	_ =	shalt  }
0x42: {  	_ =	shalt  }
0x43: {  	_ =	shalt  }
0x44: {  	_ =	shalt  }
0x45: {  	_ =	shalt  }
0x46: {  	_ =	shalt  }
0x47: {  	_ =	shalt  }
0x48: {  	_ =	shalt  }
0x49: {  	_ =	shalt  }
0x4a: {  	_ =	shalt  }
0x4b: {  	_ =	shalt  }
0x4c: {  	_ =	shalt  }
0x4d: {  	_ =	shalt  }
0x4e: {  	_ =	shalt  }
0x4f: {  	_ =	shalt  }
0x50: {  	_ =	shalt  }
0x51: {  	_ =	shalt  }
0x52: {  	_ =	shalt  }
0x53: {  	_ =	shalt  }
0x54: {  	_ =	shalt  }
0x55: {  	_ =	shalt  }
0x56: {  	_ =	shalt  }
0x57: {  	_ =	shalt  }
0x58: {  	_ =	shalt  }
0x59: {  	_ =	shalt  }
0x5a: {  	_ =	shalt  }
0x5b: {  	_ =	shalt  }
0x5c: {  	_ =	shalt  }
0x5d: {  	_ =	shalt  }
0x5e: {  	_ =	shalt  }
0x5f: {  	_ =	shalt  }
0x60: {  	_ =	shalt  }
0x61: {  	_ =	shalt  }
0x62: {  	_ =	shalt  }
0x63: {  	_ =	shalt  }
0x64: {  	_ =	shalt  }
0x65: {  	_ =	shalt  }
0x66: {  	_ =	shalt  }
0x67: {  	_ =	shalt  }
0x68: {  	_ =	shalt  }
0x69: {  	_ =	shalt  }
0x6a: {  	_ =	shalt  }
0x6b: {  	_ =	shalt  }
0x6c: {  	_ =	shalt  }
0x6d: {  	_ =	shalt  }
0x6e: {  	_ =	shalt  }
0x6f: {  	_ =	shalt  }
0x70: {  	_ =	shalt  }
0x71: {  	_ =	shalt  }
0x72: {  	_ =	shalt  }
0x73: {  	_ =	shalt  }
0x74: {  	_ =	shalt  }
0x75: {  	_ =	shalt  }
0x76: {  	_ =	shalt  }
0x77: {  	_ =	shalt  }
0x78: {  	_ =	shalt  }
0x79: {  	_ =	shalt  }
0x7a: {  	_ =	shalt  }
0x7b: {  	_ =	shalt  }
0x7c: {  	_ =	shalt  }
0x7d: {  	_ =	shalt  }
0x7e: {  	_ =	shalt  }
0x7f: {  	_ =	shalt  }
0x80: {  	_ =	shalt  }
0x81: {  	_ =	shalt  }
0x82: {  	_ =	shalt  }
0x83: {  	_ =	shalt  }
0x84: {  	_ =	shalt  }
0x85: {  	_ =	shalt  }
0x86: {  	_ =	shalt  }
0x87: {  	_ =	shalt  }
.Lfunc_end0:
.L_simem_size_0:
called_computation_lowered:
.L_overlay_start_0:
0x88: {  	s2 =	sld [smem:$0x3FD9]  }
0x89: {  	s3 =	sld [smem:$0x3FFE];
	_ =	sdelay $0x1  }
0x8a: {  	s1 =	srdreg.scid  }
0x8b: {  	s0 =	sand.u32 $0x1, s1  }
0x8c: {  	s17 =	sshll.u32 s0, $0xA;
	s2 =	sadd.s32 s3, s2  }
0x8d: {  	s2 =	sadd.s32 s2, s17  }
0x8e: {  	[smem:$0x3FC4] =	sst s2  }
0x8f: {  	_ = 	snop  }
0x90: {  	s2 =	sld [smem:$0x3FC8]  }
0x91: {  	s18 =	sld [smem:$0x3FC6];
	(tm) =	ssettm $0x1  }
0x92: {  	s4 =	sld [smem:$0x3FFB];
	_ =	sdelay $0x3  }
0x93: {  	_ =	strace s4  }
0x94: {  	s4 =	sld [smem:$0x3FFC];
	_ =	sdelay $0x3  }
0x95: {  	_ =	strace s4  }
0x96: {  	s4 =	sld [smem:$0x3FFD];
	_ =	sdelay $0x3  }
0x97: {  	_ =	strace s4  }
0x98: {  	_ =	strace $0x8FFFFFFF  }
0x99: {  	s19 =	sld [smem:$0x3FDB];
	_ =	sdelay $0x1  }
0x9a: {  	s5 =	simm.s32 $_scs_section_size  }
0x9b: {  	s6 =	simm.s32 $_size__tile_overlayer_lowered;
	s7 =	simm.s32 $_tile_overlayer_lowered  }
0x9c: {  	s22 =	simm.s32 $0x1BFF;
	s21 =	sshll.u32 s7, $0x1;
	s4 =	sadd.s32 s5, s19  }
0x9d: {  	s8 =	simm.s32 $0x0;
	s20 =	sshll.u32 s6, $0x1;
	s6 =	sadd.s32 s21, s4  }
0x9e: {  	[timem:s8], [sflag:s22] =	dma.local [hbm:s6], s20  }
0x9f: {  	_ =	swait.ge [sflag:s22], s20  }
0xa0: {  	s5 =	ssub.s32 $0x0, s20;
	[sflag:s22] =	ssyncset.done $0x0  }
0xa1: {  	[sflag:s22] =	ssyncadd.s32 s5;
	_ =	sdelay $0x1  }
0xa2: {  	s23 =	simm.s32 $0x1B8B  }
0xa3: {  	_ =	swait.ge [sflag:s23], $0x1  }
0xa4: {  	[sflag:s23] =	ssyncset.done $0x0  }
0xa5: {  	s25 =	simm.s32 $0x1B8E;
	s24 =	sld [smem:$0x3FFE];
	[sflag:s23] =	ssyncadd.s32 $0xFFFFFFFF  }
0xa6: {  	s26 =	simm.s32 $execute0_lowered;
	[smem:$0x3FD2] =	sst s25  }
0xa7: {  	s6 =	sshll.u32 s26, $0x1;
	_ =	strace $0x80000046;
	[dreg:$0x1] =	wrdreg $0xFFFFFFFF  }
0xa8: {  	s28 =	simm.s32 $_size_execute0_lowered;
	s4 =	sadd.s32 s4, s6;
	[dreg:$0x0] =	wrdreg $0x0  }
0xa9: {  	s6 =	sshll.u32 s28, $0x1;
	[dreg:$0x2] =	wrdreg s4  }
0xaa: {  	[dreg:$0x3] =	wrdreg s6  }
0xab: {  	[dreg:$0x4] =	wrdreg $0xC0  }
0xac: {  	_ =	task [dreg:s8], $0x5FFFF  }
0xad: {  	[dreg:$0x1] =	wrdreg $0xFFFFFFFF  }
0xae: {  	[dreg:$0x0] =	wrdreg $0x60  }
0xaf: {  	[dreg:$0x2] =	wrdreg s24  }
0xb0: {  	[dreg:$0x3] =	wrdreg s18  }
0xb1: {  	[dreg:$0x4] =	wrdreg s2  }
0xb2: {  	[dreg:$0x5] =	wrdreg $0x158000  }
0xb3: {  	[dreg:$0x6] =	wrdreg $0x167C00  }
0xb4: {  	[dreg:$0x7] =	wrdreg $0x9  }
0xb5: {  	_ =	task.clear_ibuf [dreg:s8], $0x8FFFF;
	_ =	strace $0x90000046  }
0xb6: {  	s29 =	simm.s32 $0x9;
	_ =	strace $0x80000048  }
0xb7: {  	_ =	swait.ge [sflag:s29], $0x1  }
0xb8: {  	[sflag:s29] =	ssyncadd.s32 $0xFFFFFFFF  }
0xb9: {  	_ =	strace $0x90000048  }
0xba: {  	_ =	sfence  }
0xbb: {  	s30 =	sld [smem:$0x0];
	_ =	sdelay $0x2  }
0xbc: {  	s31 =	sshll.u32 s1, $0xD;
	s1 =	sshrl.u32 s1, $0x2  }
0xbd: {  	s3 =	sand.u32 $0x4000, s31;
	s1 =	sadd.s32 s1, s30  }
0xbe: {  	s0 =	sor.u32 s3, s0;
	s1 =	sshll.u32 s1, $0x11  }
0xbf: {  	s0 =	sor.u32 s1, s0  }
0xc0: {  	s0 =	sadd.s32 $0x8F2B, s0  }
0xc1: {  	[sflag:s0] =	ssyncadd.remote.s32 $0x1  }
0xc2: {  	_ =	sfence.sel $0xFFFF  }
0xc3: {  	[dreg:$0x0] =	wrdreg $0xFFFFFFFF;
	(pc) =	sbr.abs _section_cstart, $3  }
0xc4: {  	[dreg:$0x1] =	wrdreg $0xFFFFFFFF  }
0xc5: {  	_ =	task.clear_ibuf [dreg:s8], $0x2FFFF;
	_ =	strace $0x9FFFFFFF  }
0xc6: {  	(tm) =	ssettm $0x7FFFFFFF  }
0xc7: {  	_ =	shalt  }
tec
execute0_lowered:
.L_overlay_start_1:
0x0: {  	(tag) =	ssettag $0x1  }
0x1: {  	s2 =	srdreg.scid;
	s6 =	stileid.u32  }
0x2: {  	s1 =	rddreg [dreg:$0x0];
	s2 =	sand.u32 $0x1, s2;
	s5 =	sshll.u32 s6, $0x1  }
0x3: {  	s0 =	rddreg [dreg:$0x1];
	s7 =	sor.u32 s2, s5  }
0x4: {  	s3 =	rddreg [dreg:$0x3];
	s8 =	smul.u32 $0x64000, s7  }
0x5: {  	s4 =	rddreg [dreg:$0x4];
	s10 =	sadd.s32 $0x1200, s1;
	s9 =	sshll.u32 s7, $0x9  }
0x6: {  	s5 =	simm.s32 $0x0;
	s9 =	sadd.s32 s9, s1;
	s8 =	sshrl.u32 s8, $0x3  }
0x7: {  	[smem:$0x7FF] =	sst s5;
	s9 =	sadd.s32 $0x187C00, s9;
	s8 =	sadd.s32 s10, s8  }
0x8: {  	_ =	strace $0x80000047;
	[dreg:$0x6] =	wrdreg s9;
	s11 =	sadd.s32 $0x800, s8  }
0x9: {  	s20 =	sadd.s32 $0x1000, s8;
	[dreg:$0x7] =	wrdreg s11  }
0xa: {  	s21 =	sadd.s32 $0x1800, s8;
	[dreg:$0x8] =	wrdreg s20  }
0xb: {  	s22 =	sadd.s32 $0x2000, s8;
	[dreg:$0x9] =	wrdreg s21  }
0xc: {  	s23 =	sadd.s32 $0x2800, s8;
	[dreg:$0xa] =	wrdreg s22  }
0xd: {  	s24 =	sadd.s32 $0x3000, s8;
	[dreg:$0xb] =	wrdreg s23  }
0xe: {  	s25 =	sadd.s32 $0x3800, s8;
	[dreg:$0xc] =	wrdreg s24  }
0xf: {  	s26 =	sadd.s32 $0x4000, s8;
	[dreg:$0xd] =	wrdreg s25  }
0x10: {  	s12 =	sadd.s32 $0x4800, s8;
	[dreg:$0xe] =	wrdreg s26  }
0x11: {  	s13 =	sadd.s32 $0x5000, s8;
	[dreg:$0xf] =	wrdreg s12  }
0x12: {  	s14 =	sadd.s32 $0x5800, s8;
	[dreg:$0x10] =	wrdreg s13  }
0x13: {  	s15 =	sadd.s32 $0x6000, s8;
	[dreg:$0x11] =	wrdreg s14  }
0x14: {  	s16 =	sadd.s32 $0x6800, s8;
	[dreg:$0x12] =	wrdreg s15  }
0x15: {  	s17 =	sadd.s32 $0x7000, s8;
	[dreg:$0x13] =	wrdreg s16  }
0x16: {  	s18 =	sadd.s32 $0x7800, s8;
	[dreg:$0x14] =	wrdreg s17  }
0x17: {  	s19 =	sadd.s32 $0x8000, s8;
	[dreg:$0x15] =	wrdreg s18  }
0x18: {  	[dreg:$0x16] =	wrdreg s19;
	s20 =	sadd.s32 $0x8800, s8  }
0x19: {  	s21 =	sadd.s32 $0x9000, s8;
	[dreg:$0x17] =	wrdreg s20  }
0x1a: {  	s22 =	sadd.s32 $0x9800, s8;
	[dreg:$0x18] =	wrdreg s21  }
0x1b: {  	s23 =	sadd.s32 $0xA000, s8;
	[dreg:$0x19] =	wrdreg s22  }
0x1c: {  	s24 =	sadd.s32 $0xA800, s8;
	[dreg:$0x1a] =	wrdreg s23  }
0x1d: {  	s28 =	simm.s32 $0xC000;
	s25 =	sadd.s32 $0xB000, s8;
	[dreg:$0x1b] =	wrdreg s24  }
0x1e: {  	s29 =	simm.s32 $0x2;
	s26 =	sadd.s32 $0xB800, s8;
	[dreg:$0x1c] =	wrdreg s25  }
0x1f: {  	s30 =	simm.s32 $0x10080;
	s11 =	sadd.s32 $0xC000, s8;
	[dreg:$0x1d] =	wrdreg s26  }
0x20: {  	s31 =	simm.s32 $0x5;
	s13 =	sadd.s32 $0x18FC00, s1;
	[dreg:$0x1e] =	wrdreg s11  }
0x21: {  	p1 =	sne.s32 s6, $0x0;
	s14 =	sadd.s32 $0x18BC00, s1;
	[dreg:$0x1f] =	wrdreg s13  }
0x22: {  	s6 =	simm.s32 $0x10300;
	s15 =	sadd.s32 $0x193C00, s1;
	[smem:$0x7F1] =	sst s14  }
0x23: {  	p0 =	seq.s32 s7, $0x1F;
	s16 =	sadd.s32 $0x1A4000, s1;
	[smem:$0x7F2] =	sst s15  }
0x24: {  	s9 =	smul.u32 $0xC800, s7;
	s18 =	sadd.s32 $0x184A00, s1;
	[smem:$0x7F3] =	sst s16  }
0x25: {  	s12 =	smul.u32 $0x3F00, s2;
	s19 =	sadd.s32 $0x185200, s1;
	[smem:$0x7F4] =	sst s18  }
0x26: {  	s2 =	ssub.s32 $0x2, s2;
	s8 =	simm.s32 $0x3;
	[smem:$0x7F5] =	sst s19  }
0x27: {  	s17 =	sshrl.u32 s2, $0x1;
	s21 =	sadd.s32 $0x185A00, s1;
	s22 =	sadd.s32 $0x186200, s1  }
0x28: {  	s20 =	sadd.s32 s10, s9;
	s23 =	sadd.s32 $0x186A00, s1;
	s24 =	sadd.s32 $0x187200, s1  }
0x29: {  	s9 =	simm.s32 $0x10100;
	s10 =	simm.s32 $0x6;
	[smem:$0x7F6] =	sst s20  }
0x2a: {  	s11 =	simm.s32 $0x4;
	s13 =	simm.s32 $0x7;
	[smem:$0x7F7] =	sst s21  }
0x2b: {  	s14 =	simm.s32 $0x10200;
	s15 =	simm.s32 $0x8;
	[smem:$0x7F8] =	sst s22  }
0x2c: {  	s16 =	simm.s32 $0x10280;
	s2 =	ssub.s32 s2, s17;
	[smem:$0x7F9] =	sst s23  }
0x2d: {  	s7 =	sadd.s32 s12, s1;
	[smem:$0x7FA] =	sst s24;
	s1 =	sadd.s32 $0x187A00, s1  }
.Ltmp0:
0x2e: {  	s20 =	simm.s32 $0x10000;
	s21 =	simm.s32 $0x9;
	(pc) =	sbr.rel .LBB2_1-.Ltmp0, $4  }
0x2f: {  	s22 =	simm.s32 $0x11000;
	s23 =	simm.s32 $0x4000;
	s24 =	simm.s32 $0x8000  }
0x30: {  	s12 =	simm.s32 $0x10180;
	[smem:$0x7FB] =	sst s1;
	s25 =	sadd.s32 $0x194400, s7  }
0x31: {  	s26 =	sadd.s32 $0x19C200, s7;
	s19 =	smax.u32 s2, $0x1;
	[smem:$0x7FC] =	sst s25  }
0x32: {  	[smem:$0x7FD] =	sst s26;
	s25 =	simm.s32 $0x1;
	s26 =	simm.s32 $0x80  }
.LBB2_3:
0x33: {  	s7 =	sld [smem:$0x7F4];
	_ =	sdelay $0x1  }
0x34: {  	s18 =	sld [smem:$0x7F5]  }
0x35: {  	[tilespmem:s5], [sflag:$0x1] =	stream.linear.gather [hbm4b:s7+s5], $0x4000, $0x38;
	[tilespmem:$0x169B8] =	vst v63  }
0x36: {  	s17 =	sld [smem:$0x7F7]  }
0x37: {  	[tilespmem:s23], [sflag:$0x2] =	stream.linear.gather [hbm4b:s18+s5], $0x4000, $0x38;
	[tilespmem:$0x169B8] =	vst v63  }
0x38: {  	_ = 	snop  }
0x39: {  	[tilespmem:s24], [sflag:$0x3] =	stream.linear.gather [hbm4b:s17+s5], $0x4000, $0x38;
	[tilespmem:$0x169B8] =	vst v63  }
0x3a: {  	_ =	swait.ge [sflag:s25], $0x4000  }
0x3b: {  	[sflag:s25] =	ssyncset.done $0x0  }
0x3c: {  	[sflag:s25] =	ssyncadd.s32 $0xFFFFC000  }
0x3d: {  	[spmem:s3] =	stream.indirect.scatter.add.f32 [tilespmem:s5], [sflag:$0x5], $0x40, s20, s26, $0xb8;
	[tilespmem:$0x169B8] =	vst v63  }
0x3e: {  	s18 =	sld [smem:$0x7F8]  }
0x3f: {  	[spmem:s4] =	stream.indirect.scatter.add.f32 [tilespmem:s22], [sflag:$0x5], $0x8, s20, s26, $0xb8;
	[tilespmem:$0x169B8] =	vst v63  }
0x40: {  	_ = 	snop  }
0x41: {  	[tilespmem:s28], [sflag:$0x4] =	stream.linear.gather [hbm4b:s18+s5], $0x4000, $0x38;
	[tilespmem:$0x169B8] =	vst v63  }
0x42: {  	_ =	swait.ge [sflag:s29], $0x4000  }
0x43: {  	[sflag:s29] =	ssyncset.done $0x0  }
0x44: {  	[sflag:s29] =	ssyncadd.s32 $0xFFFFC000  }
0x45: {  	[spmem:s3] =	stream.indirect.scatter.add.f32 [tilespmem:s23], [sflag:$0x6], $0x40, s30, s26, $0xb8;
	[tilespmem:$0x169B8] =	vst v63  }
0x46: {  	_ = 	snop  }
0x47: {  	[spmem:s4] =	stream.indirect.scatter.add.f32 [tilespmem:s22], [sflag:$0x6], $0x8, s30, s26, $0xb8;
	[tilespmem:$0x169B8] =	vst v63  }
0x48: {  	_ =	swait.ge [sflag:s31], $0x2000  }
0x49: {  	[sflag:s31] =	ssyncset.done $0x0  }
0x4a: {  	[sflag:s31] =	ssyncadd.s32 $0xFFFFE000  }
0x4b: {  	_ =	swait.ge [sflag:s31], $0x400  }
0x4c: {  	s20 =	sld [smem:$0x7F9]  }
0x4d: {  	[sflag:s31] =	ssyncset.done $0x0  }
0x4e: {  	[sflag:s31] =	ssyncadd.s32 $0xFFFFFC00  }
0x4f: {  	[tilespmem:s5], [sflag:$0x1] =	stream.linear.gather [hbm4b:s20+s5], $0x4000, $0x38;
	[tilespmem:$0x169B8] =	vst v63  }
0x50: {  	_ =	swait.ge [sflag:s8], $0x4000  }
0x51: {  	[sflag:s8] =	ssyncset.done $0x0  }
0x52: {  	[sflag:s8] =	ssyncadd.s32 $0xFFFFC000  }
0x53: {  	[spmem:s3] =	stream.indirect.scatter.add.f32 [tilespmem:s24], [sflag:$0x7], $0x40, s9, s26, $0xb8;
	[tilespmem:$0x169B8] =	vst v63  }
0x54: {  	_ = 	snop  }
0x55: {  	[spmem:s4] =	stream.indirect.scatter.add.f32 [tilespmem:s22], [sflag:$0x7], $0x8, s9, s26, $0xb8;
	[tilespmem:$0x169B8] =	vst v63  }
0x56: {  	_ =	swait.ge [sflag:s10], $0x2000  }
0x57: {  	[sflag:s10] =	ssyncset.done $0x0  }
0x58: {  	[sflag:s10] =	ssyncadd.s32 $0xFFFFE000  }
0x59: {  	_ =	swait.ge [sflag:s10], $0x400  }
0x5a: {  	s17 =	sld [smem:$0x7FA]  }
0x5b: {  	[sflag:s10] =	ssyncset.done $0x0  }
0x5c: {  	[sflag:s10] =	ssyncadd.s32 $0xFFFFFC00  }
0x5d: {  	[tilespmem:s23], [sflag:$0x2] =	stream.linear.gather [hbm4b:s17+s5], $0x4000, $0x38;
	[tilespmem:$0x169B8] =	vst v63  }
0x5e: {  	_ =	swait.ge [sflag:s11], $0x4000  }
0x5f: {  	[sflag:s11] =	ssyncset.done $0x0  }
0x60: {  	[sflag:s11] =	ssyncadd.s32 $0xFFFFC000  }
0x61: {  	[spmem:s3] =	stream.indirect.scatter.add.f32 [tilespmem:s28], [sflag:$0x8], $0x40, s12, s26, $0xb8;
	[tilespmem:$0x169B8] =	vst v63  }
0x62: {  	_ = 	snop  }
0x63: {  	[spmem:s4] =	stream.indirect.scatter.add.f32 [tilespmem:s22], [sflag:$0x8], $0x8, s12, s26, $0xb8;
	[tilespmem:$0x169B8] =	vst v63  }
0x64: {  	_ =	swait.ge [sflag:s13], $0x2000  }
0x65: {  	[sflag:s13] =	ssyncset.done $0x0  }
0x66: {  	[sflag:s13] =	ssyncadd.s32 $0xFFFFE000  }
0x67: {  	_ =	swait.ge [sflag:s13], $0x400  }
0x68: {  	s18 =	sld [smem:$0x7FB]  }
0x69: {  	[sflag:s13] =	ssyncset.done $0x0  }
0x6a: {  	[sflag:s13] =	ssyncadd.s32 $0xFFFFFC00  }
0x6b: {  	[tilespmem:s24], [sflag:$0x3] =	stream.linear.gather [hbm4b:s18+s5], $0x1000, $0x38;
	[tilespmem:$0x169B8] =	vst v63  }
0x6c: {  	_ =	swait.ge [sflag:s25], $0x4000  }
0x6d: {  	[sflag:s25] =	ssyncset.done $0x0  }
0x6e: {  	[sflag:s25] =	ssyncadd.s32 $0xFFFFC000  }
0x6f: {  	[spmem:s3] =	stream.indirect.scatter.add.f32 [tilespmem:s5], [sflag:$0x5], $0x40, s14, s26, $0xb8;
	[tilespmem:$0x169B8] =	vst v63  }
0x70: {  	_ = 	snop  }
0x71: {  	[spmem:s4] =	stream.indirect.scatter.add.f32 [tilespmem:s22], [sflag:$0x5], $0x8, s14, s26, $0xb8;
	[tilespmem:$0x169B8] =	vst v63  }
0x72: {  	_ =	swait.ge [sflag:s15], $0x2000  }
0x73: {  	[sflag:s15] =	ssyncset.done $0x0  }
0x74: {  	[sflag:s15] =	ssyncadd.s32 $0xFFFFE000  }
0x75: {  	_ =	swait.ge [sflag:s15], $0x400  }
0x76: {  	[sflag:s15] =	ssyncset.done $0x0  }
0x77: {  	[sflag:s15] =	ssyncadd.s32 $0xFFFFFC00  }
0x78: {  	_ =	swait.ge [sflag:s29], $0x4000  }
0x79: {  	[sflag:s29] =	ssyncset.done $0x0  }
0x7a: {  	[sflag:s29] =	ssyncadd.s32 $0xFFFFC000  }
0x7b: {  	[spmem:s3] =	stream.indirect.scatter.add.f32 [tilespmem:s23], [sflag:$0x6], $0x40, s16, s26, $0xb8;
	[tilespmem:$0x169B8] =	vst v63  }
0x7c: {  	_ = 	snop  }
0x7d: {  	[spmem:s4] =	stream.indirect.scatter.add.f32 [tilespmem:s22], [sflag:$0x6], $0x8, s16, s26, $0xb8;
	[tilespmem:$0x169B8] =	vst v63  }
0x7e: {  	_ =	swait.ge [sflag:s31], $0x2000  }
0x7f: {  	[sflag:s31] =	ssyncset.done $0x0  }
0x80: {  	[sflag:s31] =	ssyncadd.s32 $0xFFFFE000  }
0x81: {  	_ =	swait.ge [sflag:s31], $0x400  }
0x82: {  	[sflag:s31] =	ssyncset.done $0x0  }
0x83: {  	[sflag:s31] =	ssyncadd.s32 $0xFFFFFC00  }
0x84: {  	_ =	swait.ge [sflag:s8], $0x1000  }
0x85: {  	[sflag:s8] =	ssyncset.done $0x0  }
0x86: {  	[sflag:s8] =	ssyncadd.s32 $0xFFFFF000  }
0x87: {  	[spmem:s3] =	stream.indirect.scatter.add.f32 [tilespmem:s24], [sflag:$0x7], $0x40, s6, s26, $0xb8;
	[tilespmem:$0x169B8] =	vst v63  }
0x88: {  	_ = 	snop  }
0x89: {  	[spmem:s4] =	stream.indirect.scatter.add.f32 [tilespmem:s22], [sflag:$0x7], $0x8, s6, s26, $0xb8;
	[tilespmem:$0x169B8] =	vst v63  }
0x8a: {  	_ =	swait.ge [sflag:s10], $0x2000  }
0x8b: {  	[sflag:s10] =	ssyncset.done $0x0  }
0x8c: {  	[sflag:s10] =	ssyncadd.s32 $0xFFFFE000  }
0x8d: {  	_ =	swait.ge [sflag:s10], $0x400  }
0x8e: {  	[sflag:s10] =	ssyncset.done $0x0  }
0x8f: {  	[sflag:s10] =	ssyncadd.s32 $0xFFFFFC00  }
0x90: {  	_ =	swait.ge [sflag:s13], $0x2000  }
0x91: {  	[sflag:s13] =	ssyncset.done $0x0  }
0x92: {  	[sflag:s13] =	ssyncadd.s32 $0xFFFFE000  }
0x93: {  	_ =	swait.ge [sflag:s13], $0x400  }
0x94: {  	[sflag:s13] =	ssyncset.done $0x0  }
0x95: {  	[sflag:s13] =	ssyncadd.s32 $0xFFFFFC00  }
0x96: {  	s7 =	simm.s32 $0x9;
	s17 =	simm.s32 $0x15000;
	s20 =	rddreg [dreg:$0x2]  }
0x97: {  	[tilespmem:s17], [sflag:$0x9] =	stream.linear.gather [hbm4b:s20+s5], $0x400, $0x38;
	[tilespmem:$0x169B8] =	vst v63  }
0x98: {  	_ =	swait.ge [sflag:s7], $0x400  }
0x99: {  	[sflag:s7] =	ssyncset.done $0x0  }
0x9a: {  	s18 =	simm.s32 $0x15400;
	[sflag:s7] =	ssyncadd.s32 $0xFFFFFC00  }
0x9b: {  	[tilespmem:s18], [sflag:$0x9] =	stream.indirect.gather [hbm4b:s0+s26], $0x1, s17, s26, $0xb8;
	[tilespmem:$0x169B8] =	vst v63  }
0x9c: {  	_ =	swait.ge [sflag:s7], $0x80  }
0x9d: {  	[sflag:s7] =	ssyncset.done $0x0  }
0x9e: {  	s30 =	simm.s32 $0x15480;
	s6 =	simm.s32 $0x15080;
	[sflag:s7] =	ssyncadd.s32 $0xFFFFFF80  }
0x9f: {  	[tilespmem:s30], [sflag:$0x9] =	stream.indirect.gather [hbm4b:s0+s26], $0x1, s6, s26, $0xb8;
	[tilespmem:$0x169B8] =	vst v63  }
0xa0: {  	_ =	swait.ge [sflag:s7], $0x80  }
0xa1: {  	[sflag:s7] =	ssyncset.done $0x0  }
0xa2: {  	s9 =	simm.s32 $0x15100;
	s12 =	simm.s32 $0x15500;
	[sflag:s7] =	ssyncadd.s32 $0xFFFFFF80  }
0xa3: {  	[tilespmem:s12], [sflag:$0x9] =	stream.indirect.gather [hbm4b:s0+s26], $0x1, s9, s26, $0xb8;
	[tilespmem:$0x169B8] =	vst v63  }
0xa4: {  	_ =	swait.ge [sflag:s7], $0x80  }
0xa5: {  	[sflag:s7] =	ssyncset.done $0x0  }
0xa6: {  	s14 =	simm.s32 $0x15180;
	s16 =	simm.s32 $0x15580;
	[sflag:s7] =	ssyncadd.s32 $0xFFFFFF80  }
0xa7: {  	[tilespmem:s16], [sflag:$0x9] =	stream.indirect.gather [hbm4b:s0+s26], $0x1, s14, s26, $0xb8;
	[tilespmem:$0x169B8] =	vst v63  }
0xa8: {  	_ =	swait.ge [sflag:s7], $0x80  }
0xa9: {  	[sflag:s7] =	ssyncset.done $0x0  }
0xaa: {  	s20 =	simm.s32 $0x15200;
	s6 =	simm.s32 $0x15600;
	[sflag:s7] =	ssyncadd.s32 $0xFFFFFF80  }
0xab: {  	[tilespmem:s6], [sflag:$0x9] =	stream.indirect.gather [hbm4b:s0+s26], $0x1, s20, s26, $0xb8;
	[tilespmem:$0x169B8] =	vst v63  }
0xac: {  	_ =	swait.ge [sflag:s7], $0x80  }
0xad: {  	[sflag:s7] =	ssyncset.done $0x0  }
0xae: {  	s16 =	simm.s32 $0x15280;
	s20 =	simm.s32 $0x15680;
	[sflag:s7] =	ssyncadd.s32 $0xFFFFFF80  }
0xaf: {  	[tilespmem:s20], [sflag:$0x9] =	stream.indirect.gather [hbm4b:s0+s26], $0x1, s16, s26, $0xb8;
	[tilespmem:$0x169B8] =	vst v63  }
0xb0: {  	_ =	swait.ge [sflag:s7], $0x80  }
0xb1: {  	[sflag:s7] =	ssyncset.done $0x0  }
0xb2: {  	s6 =	simm.s32 $0x15300;
	s20 =	simm.s32 $0x15700;
	[sflag:s7] =	ssyncadd.s32 $0xFFFFFF80  }
0xb3: {  	[tilespmem:s20], [sflag:$0x9] =	stream.indirect.gather [hbm4b:s0+s26], $0x1, s6, s26, $0xb8;
	[tilespmem:$0x169B8] =	vst v63  }
0xb4: {  	_ =	swait.ge [sflag:s7], $0x80  }
0xb5: {  	[sflag:s7] =	ssyncset.done $0x0  }
0xb6: {  	s17 =	simm.s32 $0x15380;
	s20 =	simm.s32 $0x15780;
	[sflag:s7] =	ssyncadd.s32 $0xFFFFFF80  }
0xb7: {  	[tilespmem:s20], [sflag:$0x9] =	stream.indirect.gather [hbm4b:s0+s26], $0x1, s17, s26, $0xb8;
	[tilespmem:$0x169B8] =	vst v63  }
0xb8: {  	s30 =	simm.s32 $0x10080;
	_ =	swait.ge [sflag:s7], $0x80  }
0xb9: {  	s9 =	simm.s32 $0x10100;
	s12 =	simm.s32 $0x10180;
	s17 =	sld [smem:$0x7F3]  }
0xba: {  	s14 =	simm.s32 $0x10200;
	s16 =	simm.s32 $0x10280;
	[sflag:s7] =	ssyncset.done $0x0  }
0xbb: {  	s6 =	simm.s32 $0x10300;
	s20 =	simm.s32 $0x10000;
	[sflag:s7] =	ssyncadd.s32 $0xFFFFFF80  }
0xbc: {  	[hbm4b:s17+s5] =	stream.linear.scatter [tilespmem:s18], [sflag:$0x9], $0x400, $0x38;
	[tilespmem:$0x169B8] =	vst v63  }
.LBB2_4:
0xbd: {  	_ =	swait.ge [sflag:s7], $0x400  }
0xbe: {  	[sflag:s7] =	ssyncset.done $0x0  }
0xbf: {  	[sflag:s7] =	ssyncadd.s32 $0xFFFFFC00  }
0xc0: {  	[bflag:$0x0] =	sbarrier.arrive $0xFFFF  }
0xc1: {  	s17 =	sld [smem:$0x7FC];
	_ =	sdelay $0x1  }
0xc2: {  	s7 =	simm.s32 @!p1 $0x1C09  }
0xc3: {  	[hbm:s17], [sflag:s7] =	dma.local @!p1 [spmem:s2], $0x3F00  }
0xc4: {  	s2 =	simm.s32 @!p1 $0x9  }
0xc5: {  	_ =	swait.ge @!p1 [sflag:s2], $0x3F00  }
0xc6: {  	s19 =	sadd.s32 $0xFFFFFFFF, s19;
	s17 =	sld [smem:$0x7FD]  }
0xc7: {  	p2 =	sne.s32 s19, $0x0;
	[sflag:s2] =	ssyncset.done @!p1 $0x0  }
.Ltmp1:
0xc8: {  	[sflag:s2] =	ssyncadd.s32 @!p1 $0xFFFFC100;
	(pc) =	sbr.rel @!p2 .LBB2_5-.Ltmp1, $4  }
0xc9: {  	[hbm:s17], [sflag:s7] =	dma.local @!p1 [spmem:s1], $0x3F00  }
0xca: {  	_ =	swait.ge @!p1 [sflag:s2], $0x3F00  }
0xcb: {  	[sflag:s2] =	ssyncset.done @!p1 $0x0  }
0xcc: {  	[sflag:s2] =	ssyncadd.s32 @!p1 $0xFFFFC100  }
.LBB2_1:
0xcd: {  	s1 =	rddreg [dreg:$0x6]  }
0xce: {  	[tilespmem:s20], [sflag:$0x9] =	stream.linear.gather [hbm4b:s1+s5], $0xC80, $0x38;
	[tilespmem:$0x169B8] =	vst v63  }
0xcf: {  	_ =	swait.ge [sflag:s21], $0xC80  }
0xd0: {  	s18 =	sld [smem:$0x7F2]  }
0xd1: {  	[sflag:s21] =	ssyncset.done $0x0  }
0xd2: {  	[sflag:s21] =	ssyncadd.s32 $0xFFFFF380  }
0xd3: {  	[tilespmem:s22], [sflag:$0x9] =	stream.linear.gather [hbm4b:s18+s5], $0x4000, $0x38;
	[tilespmem:$0x169B8] =	vst v63  }
0xd4: {  	_ =	swait.ge [sflag:s21], $0x4000  }
0xd5: {  	s2 =	sshrl.u32 @!p1 s3, $0x3;
	s7 =	simm.s32 @!p1 $0x1C09;
	[sflag:s21] =	ssyncset.done $0x0  }
0xd6: {  	s17 =	simm.s32 @!p1 $0x9;
	s1 =	rddreg [dreg:$0x1f];
	[sflag:s21] =	ssyncadd.s32 $0xFFFFC000  }
0xd7: {  	[spmem:s2], [sflag:s7] =	dma.local @!p1 [hbm:s1], $0x3F00  }
0xd8: {  	_ =	swait.ge @!p1 [sflag:s17], $0x3F00  }
0xd9: {  	s18 =	sld [smem:$0x7F1]  }
0xda: {  	[sflag:s17] =	ssyncset.done @!p1 $0x0  }
0xdb: {  	s1 =	sshrl.u32 @!p1 s4, $0x3;
	[sflag:s17] =	ssyncadd.s32 @!p1 $0xFFFFC100  }
0xdc: {  	[spmem:s1], [sflag:s7] =	dma.local @!p1 [hbm:s18], $0x3F00  }
.Ltmp2:
0xdd: {  	_ =	swait.ge @!p1 [sflag:s17], $0x3F00;
	(pc) =	sbr.rel @p0 .LBB2_3-.Ltmp2, $3  }
0xde: {  	[sflag:s17] =	ssyncset.done @!p1 $0x0  }
0xdf: {  	[sflag:s17] =	ssyncadd.s32 @!p1 $0xFFFFC100  }
0xe0: {  	[bflag:$0x0] =	sbarrier.arrive $0xFFFF;
	_ =	sdelay $0x1  }
0xe1: {  	s7 =	sld [smem:$0x7F6];
	_ =	sdelay $0x2  }
0xe2: {  	[tilespmem:s5], [sflag:$0x1] =	stream.linear.gather [hbm4b:s7+s5], $0x4000, $0x38;
	[tilespmem:$0x169B8] =	vst v63  }
0xe3: {  	s17 =	rddreg [dreg:$0x7]  }
0xe4: {  	[tilespmem:s23], [sflag:$0x2] =	stream.linear.gather [hbm4b:s17+s5], $0x4000, $0x38;
	[tilespmem:$0x169B8] =	vst v63  }
0xe5: {  	s18 =	rddreg [dreg:$0x8]  }
0xe6: {  	[tilespmem:s24], [sflag:$0x3] =	stream.linear.gather [hbm4b:s18+s5], $0x4000, $0x38;
	[tilespmem:$0x169B8] =	vst v63  }
0xe7: {  	_ =	swait.ge [sflag:s25], $0x4000  }
0xe8: {  	[sflag:s25] =	ssyncset.done $0x0  }
0xe9: {  	[sflag:s25] =	ssyncadd.s32 $0xFFFFC000  }
0xea: {  	[spmem:s3] =	stream.indirect.scatter.add.f32 [tilespmem:s5], [sflag:$0x5], $0x40, s20, s26, $0xb8;
	[tilespmem:$0x169B8] =	vst v63  }
0xeb: {  	_ = 	snop  }
0xec: {  	[spmem:s4] =	stream.indirect.scatter.add.f32 [tilespmem:s22], [sflag:$0x5], $0x8, s20, s26, $0xb8;
	[tilespmem:$0x169B8] =	vst v63  }
0xed: {  	s17 =	rddreg [dreg:$0x9]  }
0xee: {  	[tilespmem:s28], [sflag:$0x4] =	stream.linear.gather [hbm4b:s17+s5], $0x4000, $0x38;
	[tilespmem:$0x169B8] =	vst v63  }
0xef: {  	_ =	swait.ge [sflag:s29], $0x4000  }
0xf0: {  	[sflag:s29] =	ssyncset.done $0x0  }
0xf1: {  	[sflag:s29] =	ssyncadd.s32 $0xFFFFC000  }
0xf2: {  	[spmem:s3] =	stream.indirect.scatter.add.f32 [tilespmem:s23], [sflag:$0x6], $0x40, s30, s26, $0xb8;
	[tilespmem:$0x169B8] =	vst v63  }
0xf3: {  	s7 =	simm.s32 $0x5  }
0xf4: {  	[spmem:s4] =	stream.indirect.scatter.add.f32 [tilespmem:s22], [sflag:$0x6], $0x8, s30, s26, $0xb8;
	[tilespmem:$0x169B8] =	vst v63  }
0xf5: {  	_ =	swait.ge [sflag:s7], $0x2000  }
0xf6: {  	[sflag:s7] =	ssyncset.done $0x0  }
0xf7: {  	[sflag:s7] =	ssyncadd.s32 $0xFFFFE000  }
0xf8: {  	_ =	swait.ge [sflag:s7], $0x400  }
0xf9: {  	[sflag:s7] =	ssyncset.done $0x0  }
0xfa: {  	s17 =	rddreg [dreg:$0xa];
	[sflag:s7] =	ssyncadd.s32 $0xFFFFFC00  }
0xfb: {  	[tilespmem:s5], [sflag:$0x1] =	stream.linear.gather [hbm4b:s17+s5], $0x4000, $0x38;
	[tilespmem:$0x169B8] =	vst v63  }
0xfc: {  	_ =	swait.ge [sflag:s8], $0x4000  }
0xfd: {  	[sflag:s8] =	ssyncset.done $0x0  }
0xfe: {  	[sflag:s8] =	ssyncadd.s32 $0xFFFFC000  }
0xff: {  	[spmem:s3] =	stream.indirect.scatter.add.f32 [tilespmem:s24], [sflag:$0x7], $0x40, s9, s26, $0xb8;
	[tilespmem:$0x169B8] =	vst v63  }
0x100: {  	_ = 	snop  }
0x101: {  	[spmem:s4] =	stream.indirect.scatter.add.f32 [tilespmem:s22], [sflag:$0x7], $0x8, s9, s26, $0xb8;
	[tilespmem:$0x169B8] =	vst v63  }
0x102: {  	_ =	swait.ge [sflag:s10], $0x2000  }
0x103: {  	[sflag:s10] =	ssyncset.done $0x0  }
0x104: {  	[sflag:s10] =	ssyncadd.s32 $0xFFFFE000  }
0x105: {  	_ =	swait.ge [sflag:s10], $0x400  }
0x106: {  	[sflag:s10] =	ssyncset.done $0x0  }
0x107: {  	s18 =	rddreg [dreg:$0xb];
	[sflag:s10] =	ssyncadd.s32 $0xFFFFFC00  }
0x108: {  	[tilespmem:s23], [sflag:$0x2] =	stream.linear.gather [hbm4b:s18+s5], $0x4000, $0x38;
	[tilespmem:$0x169B8] =	vst v63  }
0x109: {  	_ =	swait.ge [sflag:s11], $0x4000  }
0x10a: {  	[sflag:s11] =	ssyncset.done $0x0  }
0x10b: {  	[sflag:s11] =	ssyncadd.s32 $0xFFFFC000  }
0x10c: {  	[spmem:s3] =	stream.indirect.scatter.add.f32 [tilespmem:s28], [sflag:$0x8], $0x40, s12, s26, $0xb8;
	[tilespmem:$0x169B8] =	vst v63  }
0x10d: {  	_ = 	snop  }
0x10e: {  	[spmem:s4] =	stream.indirect.scatter.add.f32 [tilespmem:s22], [sflag:$0x8], $0x8, s12, s26, $0xb8;
	[tilespmem:$0x169B8] =	vst v63  }
0x10f: {  	_ =	swait.ge [sflag:s13], $0x2000  }
0x110: {  	[sflag:s13] =	ssyncset.done $0x0  }
0x111: {  	[sflag:s13] =	ssyncadd.s32 $0xFFFFE000  }
0x112: {  	_ =	swait.ge [sflag:s13], $0x400  }
0x113: {  	[sflag:s13] =	ssyncset.done $0x0  }
0x114: {  	s18 =	rddreg [dreg:$0xc];
	[sflag:s13] =	ssyncadd.s32 $0xFFFFFC00  }
0x115: {  	[tilespmem:s24], [sflag:$0x3] =	stream.linear.gather [hbm4b:s18+s5], $0x4000, $0x38;
	[tilespmem:$0x169B8] =	vst v63  }
0x116: {  	_ =	swait.ge [sflag:s25], $0x4000  }
0x117: {  	[sflag:s25] =	ssyncset.done $0x0  }
0x118: {  	[sflag:s25] =	ssyncadd.s32 $0xFFFFC000  }
0x119: {  	[spmem:s3] =	stream.indirect.scatter.add.f32 [tilespmem:s5], [sflag:$0x5], $0x40, s14, s26, $0xb8;
	[tilespmem:$0x169B8] =	vst v63  }
0x11a: {  	_ = 	snop  }
0x11b: {  	[spmem:s4] =	stream.indirect.scatter.add.f32 [tilespmem:s22], [sflag:$0x5], $0x8, s14, s26, $0xb8;
	[tilespmem:$0x169B8] =	vst v63  }
0x11c: {  	_ =	swait.ge [sflag:s15], $0x2000  }
0x11d: {  	[sflag:s15] =	ssyncset.done $0x0  }
0x11e: {  	[sflag:s15] =	ssyncadd.s32 $0xFFFFE000  }
0x11f: {  	_ =	swait.ge [sflag:s15], $0x400  }
0x120: {  	[sflag:s15] =	ssyncset.done $0x0  }
0x121: {  	s18 =	rddreg [dreg:$0xd];
	[sflag:s15] =	ssyncadd.s32 $0xFFFFFC00  }
0x122: {  	[tilespmem:s28], [sflag:$0x4] =	stream.linear.gather [hbm4b:s18+s5], $0x4000, $0x38;
	[tilespmem:$0x169B8] =	vst v63  }
0x123: {  	_ =	swait.ge [sflag:s29], $0x4000  }
0x124: {  	[sflag:s29] =	ssyncset.done $0x0  }
0x125: {  	[sflag:s29] =	ssyncadd.s32 $0xFFFFC000  }
0x126: {  	[spmem:s3] =	stream.indirect.scatter.add.f32 [tilespmem:s23], [sflag:$0x6], $0x40, s16, s26, $0xb8;
	[tilespmem:$0x169B8] =	vst v63  }
0x127: {  	_ = 	snop  }
0x128: {  	[spmem:s4] =	stream.indirect.scatter.add.f32 [tilespmem:s22], [sflag:$0x6], $0x8, s16, s26, $0xb8;
	[tilespmem:$0x169B8] =	vst v63  }
0x129: {  	_ =	swait.ge [sflag:s7], $0x2000  }
0x12a: {  	[sflag:s7] =	ssyncset.done $0x0  }
0x12b: {  	[sflag:s7] =	ssyncadd.s32 $0xFFFFE000  }
0x12c: {  	_ =	swait.ge [sflag:s7], $0x400  }
0x12d: {  	[sflag:s7] =	ssyncset.done $0x0  }
0x12e: {  	s18 =	rddreg [dreg:$0xe];
	[sflag:s7] =	ssyncadd.s32 $0xFFFFFC00  }
0x12f: {  	[tilespmem:s5], [sflag:$0x1] =	stream.linear.gather [hbm4b:s18+s5], $0x4000, $0x38;
	[tilespmem:$0x169B8] =	vst v63  }
0x130: {  	_ =	swait.ge [sflag:s8], $0x4000  }
0x131: {  	[sflag:s8] =	ssyncset.done $0x0  }
0x132: {  	[sflag:s8] =	ssyncadd.s32 $0xFFFFC000  }
0x133: {  	[spmem:s3] =	stream.indirect.scatter.add.f32 [tilespmem:s24], [sflag:$0x7], $0x40, s6, s26, $0xb8;
	[tilespmem:$0x169B8] =	vst v63  }
0x134: {  	_ = 	snop  }
0x135: {  	[spmem:s4] =	stream.indirect.scatter.add.f32 [tilespmem:s22], [sflag:$0x7], $0x8, s6, s26, $0xb8;
	[tilespmem:$0x169B8] =	vst v63  }
0x136: {  	_ =	swait.ge [sflag:s10], $0x2000  }
0x137: {  	[sflag:s10] =	ssyncset.done $0x0  }
0x138: {  	[sflag:s10] =	ssyncadd.s32 $0xFFFFE000  }
0x139: {  	_ =	swait.ge [sflag:s10], $0x400  }
0x13a: {  	[sflag:s10] =	ssyncset.done $0x0  }
0x13b: {  	s18 =	rddreg [dreg:$0xf];
	[sflag:s10] =	ssyncadd.s32 $0xFFFFFC00  }
0x13c: {  	[tilespmem:s23], [sflag:$0x2] =	stream.linear.gather [hbm4b:s18+s5], $0x4000, $0x38;
	[tilespmem:$0x169B8] =	vst v63  }
0x13d: {  	_ =	swait.ge [sflag:s11], $0x4000  }
0x13e: {  	[sflag:s11] =	ssyncset.done $0x0  }
0x13f: {  	s18 =	simm.s32 $0x10380;
	[sflag:s11] =	ssyncadd.s32 $0xFFFFC000  }
0x140: {  	[spmem:s3] =	stream.indirect.scatter.add.f32 [tilespmem:s28], [sflag:$0x8], $0x40, s18, s26, $0xb8;
	[tilespmem:$0x169B8] =	vst v63  }
0x141: {  	_ = 	snop  }
0x142: {  	[spmem:s4] =	stream.indirect.scatter.add.f32 [tilespmem:s22], [sflag:$0x8], $0x8, s18, s26, $0xb8;
	[tilespmem:$0x169B8] =	vst v63  }
0x143: {  	_ =	swait.ge [sflag:s13], $0x2000  }
0x144: {  	[sflag:s13] =	ssyncset.done $0x0  }
0x145: {  	[sflag:s13] =	ssyncadd.s32 $0xFFFFE000  }
0x146: {  	_ =	swait.ge [sflag:s13], $0x400  }
0x147: {  	[sflag:s13] =	ssyncset.done $0x0  }
0x148: {  	s18 =	rddreg [dreg:$0x10];
	[sflag:s13] =	ssyncadd.s32 $0xFFFFFC00  }
0x149: {  	[tilespmem:s24], [sflag:$0x3] =	stream.linear.gather [hbm4b:s18+s5], $0x4000, $0x38;
	[tilespmem:$0x169B8] =	vst v63  }
0x14a: {  	_ =	swait.ge [sflag:s25], $0x4000  }
0x14b: {  	[sflag:s25] =	ssyncset.done $0x0  }
0x14c: {  	s18 =	simm.s32 $0x10400;
	[sflag:s25] =	ssyncadd.s32 $0xFFFFC000  }
0x14d: {  	[spmem:s3] =	stream.indirect.scatter.add.f32 [tilespmem:s5], [sflag:$0x5], $0x40, s18, s26, $0xb8;
	[tilespmem:$0x169B8] =	vst v63  }
0x14e: {  	_ = 	snop  }
0x14f: {  	[spmem:s4] =	stream.indirect.scatter.add.f32 [tilespmem:s22], [sflag:$0x5], $0x8, s18, s26, $0xb8;
	[tilespmem:$0x169B8] =	vst v63  }
0x150: {  	_ =	swait.ge [sflag:s15], $0x2000  }
0x151: {  	[sflag:s15] =	ssyncset.done $0x0  }
0x152: {  	[sflag:s15] =	ssyncadd.s32 $0xFFFFE000  }
0x153: {  	_ =	swait.ge [sflag:s15], $0x400  }
0x154: {  	[sflag:s15] =	ssyncset.done $0x0  }
0x155: {  	s18 =	rddreg [dreg:$0x11];
	[sflag:s15] =	ssyncadd.s32 $0xFFFFFC00  }
0x156: {  	[tilespmem:s28], [sflag:$0x4] =	stream.linear.gather [hbm4b:s18+s5], $0x4000, $0x38;
	[tilespmem:$0x169B8] =	vst v63  }
0x157: {  	_ =	swait.ge [sflag:s29], $0x4000  }
0x158: {  	[sflag:s29] =	ssyncset.done $0x0  }
0x159: {  	s18 =	simm.s32 $0x10480;
	[sflag:s29] =	ssyncadd.s32 $0xFFFFC000  }
0x15a: {  	[spmem:s3] =	stream.indirect.scatter.add.f32 [tilespmem:s23], [sflag:$0x6], $0x40, s18, s26, $0xb8;
	[tilespmem:$0x169B8] =	vst v63  }
0x15b: {  	_ = 	snop  }
0x15c: {  	[spmem:s4] =	stream.indirect.scatter.add.f32 [tilespmem:s22], [sflag:$0x6], $0x8, s18, s26, $0xb8;
	[tilespmem:$0x169B8] =	vst v63  }
0x15d: {  	_ =	swait.ge [sflag:s7], $0x2000  }
0x15e: {  	[sflag:s7] =	ssyncset.done $0x0  }
0x15f: {  	[sflag:s7] =	ssyncadd.s32 $0xFFFFE000  }
0x160: {  	_ =	swait.ge [sflag:s7], $0x400  }
0x161: {  	[sflag:s7] =	ssyncset.done $0x0  }
0x162: {  	s18 =	rddreg [dreg:$0x12];
	[sflag:s7] =	ssyncadd.s32 $0xFFFFFC00  }
0x163: {  	[tilespmem:s5], [sflag:$0x1] =	stream.linear.gather [hbm4b:s18+s5], $0x4000, $0x38;
	[tilespmem:$0x169B8] =	vst v63  }
0x164: {  	_ =	swait.ge [sflag:s8], $0x4000  }
0x165: {  	[sflag:s8] =	ssyncset.done $0x0  }
0x166: {  	s18 =	simm.s32 $0x10500;
	[sflag:s8] =	ssyncadd.s32 $0xFFFFC000  }
0x167: {  	[spmem:s3] =	stream.indirect.scatter.add.f32 [tilespmem:s24], [sflag:$0x7], $0x40, s18, s26, $0xb8;
	[tilespmem:$0x169B8] =	vst v63  }
0x168: {  	_ = 	snop  }
0x169: {  	[spmem:s4] =	stream.indirect.scatter.add.f32 [tilespmem:s22], [sflag:$0x7], $0x8, s18, s26, $0xb8;
	[tilespmem:$0x169B8] =	vst v63  }
0x16a: {  	_ =	swait.ge [sflag:s10], $0x2000  }
0x16b: {  	[sflag:s10] =	ssyncset.done $0x0  }
0x16c: {  	[sflag:s10] =	ssyncadd.s32 $0xFFFFE000  }
0x16d: {  	_ =	swait.ge [sflag:s10], $0x400  }
0x16e: {  	[sflag:s10] =	ssyncset.done $0x0  }
0x16f: {  	s18 =	rddreg [dreg:$0x13];
	[sflag:s10] =	ssyncadd.s32 $0xFFFFFC00  }
0x170: {  	[tilespmem:s23], [sflag:$0x2] =	stream.linear.gather [hbm4b:s18+s5], $0x4000, $0x38;
	[tilespmem:$0x169B8] =	vst v63  }
0x171: {  	_ =	swait.ge [sflag:s11], $0x4000  }
0x172: {  	[sflag:s11] =	ssyncset.done $0x0  }
0x173: {  	s18 =	simm.s32 $0x10580;
	[sflag:s11] =	ssyncadd.s32 $0xFFFFC000  }
0x174: {  	[spmem:s3] =	stream.indirect.scatter.add.f32 [tilespmem:s28], [sflag:$0x8], $0x40, s18, s26, $0xb8;
	[tilespmem:$0x169B8] =	vst v63  }
0x175: {  	_ = 	snop  }
0x176: {  	[spmem:s4] =	stream.indirect.scatter.add.f32 [tilespmem:s22], [sflag:$0x8], $0x8, s18, s26, $0xb8;
	[tilespmem:$0x169B8] =	vst v63  }
0x177: {  	_ =	swait.ge [sflag:s13], $0x2000  }
0x178: {  	[sflag:s13] =	ssyncset.done $0x0  }
0x179: {  	[sflag:s13] =	ssyncadd.s32 $0xFFFFE000  }
0x17a: {  	_ =	swait.ge [sflag:s13], $0x400  }
0x17b: {  	[sflag:s13] =	ssyncset.done $0x0  }
0x17c: {  	s18 =	rddreg [dreg:$0x14];
	[sflag:s13] =	ssyncadd.s32 $0xFFFFFC00  }
0x17d: {  	[tilespmem:s24], [sflag:$0x3] =	stream.linear.gather [hbm4b:s18+s5], $0x4000, $0x38;
	[tilespmem:$0x169B8] =	vst v63  }
0x17e: {  	_ =	swait.ge [sflag:s25], $0x4000  }
0x17f: {  	[sflag:s25] =	ssyncset.done $0x0  }
0x180: {  	s18 =	simm.s32 $0x10600;
	[sflag:s25] =	ssyncadd.s32 $0xFFFFC000  }
0x181: {  	[spmem:s3] =	stream.indirect.scatter.add.f32 [tilespmem:s5], [sflag:$0x5], $0x40, s18, s26, $0xb8;
	[tilespmem:$0x169B8] =	vst v63  }
0x182: {  	_ = 	snop  }
0x183: {  	[spmem:s4] =	stream.indirect.scatter.add.f32 [tilespmem:s22], [sflag:$0x5], $0x8, s18, s26, $0xb8;
	[tilespmem:$0x169B8] =	vst v63  }
0x184: {  	_ =	swait.ge [sflag:s15], $0x2000  }
0x185: {  	[sflag:s15] =	ssyncset.done $0x0  }
0x186: {  	[sflag:s15] =	ssyncadd.s32 $0xFFFFE000  }
0x187: {  	_ =	swait.ge [sflag:s15], $0x400  }
0x188: {  	[sflag:s15] =	ssyncset.done $0x0  }
0x189: {  	s18 =	rddreg [dreg:$0x15];
	[sflag:s15] =	ssyncadd.s32 $0xFFFFFC00  }
0x18a: {  	[tilespmem:s28], [sflag:$0x4] =	stream.linear.gather [hbm4b:s18+s5], $0x4000, $0x38;
	[tilespmem:$0x169B8] =	vst v63  }
0x18b: {  	_ =	swait.ge [sflag:s29], $0x4000  }
0x18c: {  	[sflag:s29] =	ssyncset.done $0x0  }
0x18d: {  	s18 =	simm.s32 $0x10680;
	[sflag:s29] =	ssyncadd.s32 $0xFFFFC000  }
0x18e: {  	[spmem:s3] =	stream.indirect.scatter.add.f32 [tilespmem:s23], [sflag:$0x6], $0x40, s18, s26, $0xb8;
	[tilespmem:$0x169B8] =	vst v63  }
0x18f: {  	_ = 	snop  }
0x190: {  	[spmem:s4] =	stream.indirect.scatter.add.f32 [tilespmem:s22], [sflag:$0x6], $0x8, s18, s26, $0xb8;
	[tilespmem:$0x169B8] =	vst v63  }
0x191: {  	_ =	swait.ge [sflag:s7], $0x2000  }
0x192: {  	[sflag:s7] =	ssyncset.done $0x0  }
0x193: {  	[sflag:s7] =	ssyncadd.s32 $0xFFFFE000  }
0x194: {  	_ =	swait.ge [sflag:s7], $0x400  }
0x195: {  	[sflag:s7] =	ssyncset.done $0x0  }
0x196: {  	s18 =	rddreg [dreg:$0x16];
	[sflag:s7] =	ssyncadd.s32 $0xFFFFFC00  }
0x197: {  	[tilespmem:s5], [sflag:$0x1] =	stream.linear.gather [hbm4b:s18+s5], $0x4000, $0x38;
	[tilespmem:$0x169B8] =	vst v63  }
0x198: {  	_ =	swait.ge [sflag:s8], $0x4000  }
0x199: {  	[sflag:s8] =	ssyncset.done $0x0  }
0x19a: {  	s18 =	simm.s32 $0x10700;
	[sflag:s8] =	ssyncadd.s32 $0xFFFFC000  }
0x19b: {  	[spmem:s3] =	stream.indirect.scatter.add.f32 [tilespmem:s24], [sflag:$0x7], $0x40, s18, s26, $0xb8;
	[tilespmem:$0x169B8] =	vst v63  }
0x19c: {  	_ = 	snop  }
0x19d: {  	[spmem:s4] =	stream.indirect.scatter.add.f32 [tilespmem:s22], [sflag:$0x7], $0x8, s18, s26, $0xb8;
	[tilespmem:$0x169B8] =	vst v63  }
0x19e: {  	_ =	swait.ge [sflag:s10], $0x2000  }
0x19f: {  	[sflag:s10] =	ssyncset.done $0x0  }
0x1a0: {  	[sflag:s10] =	ssyncadd.s32 $0xFFFFE000  }
0x1a1: {  	_ =	swait.ge [sflag:s10], $0x400  }
0x1a2: {  	[sflag:s10] =	ssyncset.done $0x0  }
0x1a3: {  	s18 =	rddreg [dreg:$0x17];
	[sflag:s10] =	ssyncadd.s32 $0xFFFFFC00  }
0x1a4: {  	[tilespmem:s23], [sflag:$0x2] =	stream.linear.gather [hbm4b:s18+s5], $0x4000, $0x38;
	[tilespmem:$0x169B8] =	vst v63  }
0x1a5: {  	_ =	swait.ge [sflag:s11], $0x4000  }
0x1a6: {  	[sflag:s11] =	ssyncset.done $0x0  }
0x1a7: {  	s18 =	simm.s32 $0x10780;
	[sflag:s11] =	ssyncadd.s32 $0xFFFFC000  }
0x1a8: {  	[spmem:s3] =	stream.indirect.scatter.add.f32 [tilespmem:s28], [sflag:$0x8], $0x40, s18, s26, $0xb8;
	[tilespmem:$0x169B8] =	vst v63  }
0x1a9: {  	_ = 	snop  }
0x1aa: {  	[spmem:s4] =	stream.indirect.scatter.add.f32 [tilespmem:s22], [sflag:$0x8], $0x8, s18, s26, $0xb8;
	[tilespmem:$0x169B8] =	vst v63  }
0x1ab: {  	_ =	swait.ge [sflag:s13], $0x2000  }
0x1ac: {  	[sflag:s13] =	ssyncset.done $0x0  }
0x1ad: {  	[sflag:s13] =	ssyncadd.s32 $0xFFFFE000  }
0x1ae: {  	_ =	swait.ge [sflag:s13], $0x400  }
0x1af: {  	[sflag:s13] =	ssyncset.done $0x0  }
0x1b0: {  	s18 =	rddreg [dreg:$0x18];
	[sflag:s13] =	ssyncadd.s32 $0xFFFFFC00  }
0x1b1: {  	[tilespmem:s24], [sflag:$0x3] =	stream.linear.gather [hbm4b:s18+s5], $0x4000, $0x38;
	[tilespmem:$0x169B8] =	vst v63  }
0x1b2: {  	_ =	swait.ge [sflag:s25], $0x4000  }
0x1b3: {  	[sflag:s25] =	ssyncset.done $0x0  }
0x1b4: {  	s18 =	simm.s32 $0x10800;
	[sflag:s25] =	ssyncadd.s32 $0xFFFFC000  }
0x1b5: {  	[spmem:s3] =	stream.indirect.scatter.add.f32 [tilespmem:s5], [sflag:$0x5], $0x40, s18, s26, $0xb8;
	[tilespmem:$0x169B8] =	vst v63  }
0x1b6: {  	_ = 	snop  }
0x1b7: {  	[spmem:s4] =	stream.indirect.scatter.add.f32 [tilespmem:s22], [sflag:$0x5], $0x8, s18, s26, $0xb8;
	[tilespmem:$0x169B8] =	vst v63  }
0x1b8: {  	_ =	swait.ge [sflag:s15], $0x2000  }
0x1b9: {  	[sflag:s15] =	ssyncset.done $0x0  }
0x1ba: {  	[sflag:s15] =	ssyncadd.s32 $0xFFFFE000  }
0x1bb: {  	_ =	swait.ge [sflag:s15], $0x400  }
0x1bc: {  	[sflag:s15] =	ssyncset.done $0x0  }
0x1bd: {  	s18 =	rddreg [dreg:$0x19];
	[sflag:s15] =	ssyncadd.s32 $0xFFFFFC00  }
0x1be: {  	[tilespmem:s28], [sflag:$0x4] =	stream.linear.gather [hbm4b:s18+s5], $0x4000, $0x38;
	[tilespmem:$0x169B8] =	vst v63  }
0x1bf: {  	_ =	swait.ge [sflag:s29], $0x4000  }
0x1c0: {  	[sflag:s29] =	ssyncset.done $0x0  }
0x1c1: {  	s18 =	simm.s32 $0x10880;
	[sflag:s29] =	ssyncadd.s32 $0xFFFFC000  }
0x1c2: {  	[spmem:s3] =	stream.indirect.scatter.add.f32 [tilespmem:s23], [sflag:$0x6], $0x40, s18, s26, $0xb8;
	[tilespmem:$0x169B8] =	vst v63  }
0x1c3: {  	_ = 	snop  }
0x1c4: {  	[spmem:s4] =	stream.indirect.scatter.add.f32 [tilespmem:s22], [sflag:$0x6], $0x8, s18, s26, $0xb8;
	[tilespmem:$0x169B8] =	vst v63  }
0x1c5: {  	_ =	swait.ge [sflag:s7], $0x2000  }
0x1c6: {  	[sflag:s7] =	ssyncset.done $0x0  }
0x1c7: {  	[sflag:s7] =	ssyncadd.s32 $0xFFFFE000  }
0x1c8: {  	_ =	swait.ge [sflag:s7], $0x400  }
0x1c9: {  	[sflag:s7] =	ssyncset.done $0x0  }
0x1ca: {  	s18 =	rddreg [dreg:$0x1a];
	[sflag:s7] =	ssyncadd.s32 $0xFFFFFC00  }
0x1cb: {  	[tilespmem:s5], [sflag:$0x1] =	stream.linear.gather [hbm4b:s18+s5], $0x4000, $0x38;
	[tilespmem:$0x169B8] =	vst v63  }
0x1cc: {  	_ =	swait.ge [sflag:s8], $0x4000  }
0x1cd: {  	[sflag:s8] =	ssyncset.done $0x0  }
0x1ce: {  	s18 =	simm.s32 $0x10900;
	[sflag:s8] =	ssyncadd.s32 $0xFFFFC000  }
0x1cf: {  	[spmem:s3] =	stream.indirect.scatter.add.f32 [tilespmem:s24], [sflag:$0x7], $0x40, s18, s26, $0xb8;
	[tilespmem:$0x169B8] =	vst v63  }
0x1d0: {  	_ = 	snop  }
0x1d1: {  	[spmem:s4] =	stream.indirect.scatter.add.f32 [tilespmem:s22], [sflag:$0x7], $0x8, s18, s26, $0xb8;
	[tilespmem:$0x169B8] =	vst v63  }
0x1d2: {  	_ =	swait.ge [sflag:s10], $0x2000  }
0x1d3: {  	[sflag:s10] =	ssyncset.done $0x0  }
0x1d4: {  	[sflag:s10] =	ssyncadd.s32 $0xFFFFE000  }
0x1d5: {  	_ =	swait.ge [sflag:s10], $0x400  }
0x1d6: {  	[sflag:s10] =	ssyncset.done $0x0  }
0x1d7: {  	s18 =	rddreg [dreg:$0x1b];
	[sflag:s10] =	ssyncadd.s32 $0xFFFFFC00  }
0x1d8: {  	[tilespmem:s23], [sflag:$0x2] =	stream.linear.gather [hbm4b:s18+s5], $0x4000, $0x38;
	[tilespmem:$0x169B8] =	vst v63  }
0x1d9: {  	_ =	swait.ge [sflag:s11], $0x4000  }
0x1da: {  	[sflag:s11] =	ssyncset.done $0x0  }
0x1db: {  	s18 =	simm.s32 $0x10980;
	[sflag:s11] =	ssyncadd.s32 $0xFFFFC000  }
0x1dc: {  	[spmem:s3] =	stream.indirect.scatter.add.f32 [tilespmem:s28], [sflag:$0x8], $0x40, s18, s26, $0xb8;
	[tilespmem:$0x169B8] =	vst v63  }
0x1dd: {  	_ = 	snop  }
0x1de: {  	[spmem:s4] =	stream.indirect.scatter.add.f32 [tilespmem:s22], [sflag:$0x8], $0x8, s18, s26, $0xb8;
	[tilespmem:$0x169B8] =	vst v63  }
0x1df: {  	_ =	swait.ge [sflag:s13], $0x2000  }
0x1e0: {  	[sflag:s13] =	ssyncset.done $0x0  }
0x1e1: {  	[sflag:s13] =	ssyncadd.s32 $0xFFFFE000  }
0x1e2: {  	_ =	swait.ge [sflag:s13], $0x400  }
0x1e3: {  	[sflag:s13] =	ssyncset.done $0x0  }
0x1e4: {  	s18 =	rddreg [dreg:$0x1c];
	[sflag:s13] =	ssyncadd.s32 $0xFFFFFC00  }
0x1e5: {  	[tilespmem:s24], [sflag:$0x3] =	stream.linear.gather [hbm4b:s18+s5], $0x4000, $0x38;
	[tilespmem:$0x169B8] =	vst v63  }
0x1e6: {  	_ =	swait.ge [sflag:s25], $0x4000  }
0x1e7: {  	[sflag:s25] =	ssyncset.done $0x0  }
0x1e8: {  	s18 =	simm.s32 $0x10A00;
	[sflag:s25] =	ssyncadd.s32 $0xFFFFC000  }
0x1e9: {  	[spmem:s3] =	stream.indirect.scatter.add.f32 [tilespmem:s5], [sflag:$0x5], $0x40, s18, s26, $0xb8;
	[tilespmem:$0x169B8] =	vst v63  }
0x1ea: {  	_ = 	snop  }
0x1eb: {  	[spmem:s4] =	stream.indirect.scatter.add.f32 [tilespmem:s22], [sflag:$0x5], $0x8, s18, s26, $0xb8;
	[tilespmem:$0x169B8] =	vst v63  }
0x1ec: {  	_ =	swait.ge [sflag:s15], $0x2000  }
0x1ed: {  	[sflag:s15] =	ssyncset.done $0x0  }
0x1ee: {  	[sflag:s15] =	ssyncadd.s32 $0xFFFFE000  }
0x1ef: {  	_ =	swait.ge [sflag:s15], $0x400  }
0x1f0: {  	[sflag:s15] =	ssyncset.done $0x0  }
0x1f1: {  	s18 =	rddreg [dreg:$0x1d];
	[sflag:s15] =	ssyncadd.s32 $0xFFFFFC00  }
0x1f2: {  	[tilespmem:s28], [sflag:$0x4] =	stream.linear.gather [hbm4b:s18+s5], $0x4000, $0x38;
	[tilespmem:$0x169B8] =	vst v63  }
0x1f3: {  	_ =	swait.ge [sflag:s29], $0x4000  }
0x1f4: {  	[sflag:s29] =	ssyncset.done $0x0  }
0x1f5: {  	s18 =	simm.s32 $0x10A80;
	[sflag:s29] =	ssyncadd.s32 $0xFFFFC000  }
0x1f6: {  	[spmem:s3] =	stream.indirect.scatter.add.f32 [tilespmem:s23], [sflag:$0x6], $0x40, s18, s26, $0xb8;
	[tilespmem:$0x169B8] =	vst v63  }
0x1f7: {  	_ = 	snop  }
0x1f8: {  	[spmem:s4] =	stream.indirect.scatter.add.f32 [tilespmem:s22], [sflag:$0x6], $0x8, s18, s26, $0xb8;
	[tilespmem:$0x169B8] =	vst v63  }
0x1f9: {  	_ =	swait.ge [sflag:s7], $0x2000  }
0x1fa: {  	[sflag:s7] =	ssyncset.done $0x0  }
0x1fb: {  	[sflag:s7] =	ssyncadd.s32 $0xFFFFE000  }
0x1fc: {  	_ =	swait.ge [sflag:s7], $0x400  }
0x1fd: {  	[sflag:s7] =	ssyncset.done $0x0  }
0x1fe: {  	s18 =	rddreg [dreg:$0x1e];
	[sflag:s7] =	ssyncadd.s32 $0xFFFFFC00  }
0x1ff: {  	[tilespmem:s5], [sflag:$0x1] =	stream.linear.gather [hbm4b:s18+s5], $0x4000, $0x38;
	[tilespmem:$0x169B8] =	vst v63  }
0x200: {  	_ =	swait.ge [sflag:s8], $0x4000  }
0x201: {  	[sflag:s8] =	ssyncset.done $0x0  }
0x202: {  	s18 =	simm.s32 $0x10B00;
	[sflag:s8] =	ssyncadd.s32 $0xFFFFC000  }
0x203: {  	[spmem:s3] =	stream.indirect.scatter.add.f32 [tilespmem:s24], [sflag:$0x7], $0x40, s18, s26, $0xb8;
	[tilespmem:$0x169B8] =	vst v63  }
0x204: {  	_ = 	snop  }
0x205: {  	[spmem:s4] =	stream.indirect.scatter.add.f32 [tilespmem:s22], [sflag:$0x7], $0x8, s18, s26, $0xb8;
	[tilespmem:$0x169B8] =	vst v63  }
0x206: {  	_ =	swait.ge [sflag:s10], $0x2000  }
0x207: {  	[sflag:s10] =	ssyncset.done $0x0  }
0x208: {  	[sflag:s10] =	ssyncadd.s32 $0xFFFFE000  }
0x209: {  	_ =	swait.ge [sflag:s10], $0x400  }
0x20a: {  	[sflag:s10] =	ssyncset.done $0x0  }
0x20b: {  	[sflag:s10] =	ssyncadd.s32 $0xFFFFFC00  }
0x20c: {  	_ =	swait.ge [sflag:s11], $0x4000  }
0x20d: {  	[sflag:s11] =	ssyncset.done $0x0  }
0x20e: {  	s18 =	simm.s32 $0x10B80;
	[sflag:s11] =	ssyncadd.s32 $0xFFFFC000  }
0x20f: {  	[spmem:s3] =	stream.indirect.scatter.add.f32 [tilespmem:s28], [sflag:$0x8], $0x40, s18, s26, $0xb8;
	[tilespmem:$0x169B8] =	vst v63  }
0x210: {  	_ = 	snop  }
0x211: {  	[spmem:s4] =	stream.indirect.scatter.add.f32 [tilespmem:s22], [sflag:$0x8], $0x8, s18, s26, $0xb8;
	[tilespmem:$0x169B8] =	vst v63  }
0x212: {  	_ =	swait.ge [sflag:s13], $0x2000  }
0x213: {  	[sflag:s13] =	ssyncset.done $0x0  }
0x214: {  	[sflag:s13] =	ssyncadd.s32 $0xFFFFE000  }
0x215: {  	_ =	swait.ge [sflag:s13], $0x400  }
0x216: {  	[sflag:s13] =	ssyncset.done $0x0  }
0x217: {  	[sflag:s13] =	ssyncadd.s32 $0xFFFFFC00  }
0x218: {  	_ =	swait.ge [sflag:s25], $0x4000  }
0x219: {  	[sflag:s25] =	ssyncset.done $0x0  }
0x21a: {  	s18 =	simm.s32 $0x10C00;
	[sflag:s25] =	ssyncadd.s32 $0xFFFFC000  }
0x21b: {  	[spmem:s3] =	stream.indirect.scatter.add.f32 [tilespmem:s5], [sflag:$0x5], $0x40, s18, s26, $0xb8;
	[tilespmem:$0x169B8] =	vst v63  }
0x21c: {  	_ = 	snop  }
0x21d: {  	[spmem:s4] =	stream.indirect.scatter.add.f32 [tilespmem:s22], [sflag:$0x5], $0x8, s18, s26, $0xb8;
	[tilespmem:$0x169B8] =	vst v63  }
0x21e: {  	_ =	swait.ge [sflag:s15], $0x2000  }
0x21f: {  	[sflag:s15] =	ssyncset.done $0x0  }
0x220: {  	[sflag:s15] =	ssyncadd.s32 $0xFFFFE000  }
0x221: {  	_ =	swait.ge [sflag:s15], $0x400  }
.Ltmp3:
0x222: {  	[sflag:s15] =	ssyncset.done $0x0;
	(pc) =	sbr.rel .LBB2_4-.Ltmp3, $4  }
0x223: {  	[sflag:s15] =	ssyncadd.s32 $0xFFFFFC00  }
0x224: {  	_ =	swait.ge [sflag:s7], $0x2000  }
0x225: {  	[sflag:s7] =	ssyncset.done $0x0  }
0x226: {  	[sflag:s7] =	ssyncadd.s32 $0xFFFFE000  }
.LBB2_5:
0x227: {  	_ =	sfence.sel $0x180000  }
0x228: {  	[bflag:$0x0] =	sbarrier.arrive $0xFFFF  }
0x229: {  	_ =	strace $0x90000047  }
0x22a: {  	[bflag:$0x2] =	sbarrier.arrive $0xFFFF  }
0x22b: {  	s0 =	rddreg [dreg:$0x5]  }
0x22c: {  	s0 =	sadd.s32 @!p1 $0x100000, s0  }
0x22d: {  	[sflag:s0] =	ssyncadd.tile.s32 @!p1 $0x1;
	_ =	shalt  }
.Lfunc_end2:
_tile_overlayer_lowered:
.L_overlay_start_2:
0x22e: {  	(tag) =	ssettag $0x2  }
0x22f: {  	s0 =	rddreg [dreg:$0x0];
	s2 =	stileid.u32  }
0x230: {  	s1 =	rddreg [dreg:$0x1];
	p0 =	sne.s32 s2, $0x0  }
0x231: {  	s3 =	rddreg [dreg:$0x2];
	[bflag:$0x3] =	sbarrier.arrive $0xFFFF;
	s2 =	simm.s32 @!p0 $0x1C09  }
0x232: {  	[timem:s3], [sflag:s2] =	dma.local @!p0 [hbm:s0], s1  }
0x233: {  	s0 =	simm.s32 @!p0 $0x9  }
0x234: {  	_ =	swait.ge @!p0 [sflag:s0], s1  }
0x235: {  	s1 =	ssub.s32 @!p0 $0x0, s1;
	[sflag:s0] =	ssyncset.done @!p0 $0x0  }
0x236: {  	[sflag:s0] =	ssyncadd.s32 @!p0 s1  }
0x237: {  	[bflag:$0x3] =	sbarrier.arrive $0xFFFF  }
0x238: {  	_ =	shalt  }

</sc_bundles>
